<compile_context>
chip_gen: v7x
topology: tpu7x:2x2x1
jax: 0.10.2.dev20260603
libtpu: 0.0.44.dev20260713+nightly
codegen_flags: <defaults>
</compile_context>

<pallas_src>
import jax
import jax.numpy as jnp
from jax import lax
from jax.experimental import pallas as pl
from jax.experimental.pallas import tpu as pltpu
from jax.experimental.pallas import tpu_sc as plsc

N_NODES = 10000
D_FEAT = 128
N_EDGES = 320000

NC = 2
NS = 16
L = 16
NW = NC * NS
EW = N_EDGES // NW
EB = 80
NB = EW // EB
DEG_N = 10240


def _newton_rsqrt(x):
  xi = plsc.bitcast(x, jnp.int32)
  yi = jnp.int32(0x5F3759DF) - (xi >> 1)
  y = plsc.bitcast(yi, jnp.float32)
  xh = x * jnp.float32(-0.5)
  for _ in range(4):
    y = y * (jnp.float32(1.5) + xh * y * y)
  return y


def _edge_body(y_hbm, src_hbm, dst_hbm, w_hbm, degp_hbm,
               src_idx, dst_idx, rows_s0, rows_d0, rows_s1, rows_d1,
               w_all, deg_priv, acc_t, sem_s0, sem_d0, sem_s1, sem_d1):
  cid = lax.axis_index("c")
  sid = lax.axis_index("s")
  wid = sid * NC + cid
  base = wid * EW

  iota = lax.iota(jnp.int32, L)
  zero16 = jnp.zeros((L,), jnp.float32)

  pltpu.sync_copy(src_hbm.at[pl.ds(base, EW)], src_idx)
  pltpu.sync_copy(dst_hbm.at[pl.ds(base, EW)], dst_idx)

  @pl.loop(0, DEG_N // L)
  def _zero(i):
    deg_priv[pl.ds(i * L, L)] = zero16

  def _issue(b, rs, rd, ss, sd):
    e0 = jnp.minimum(b, NB - 1) * EB
    pltpu.async_copy(y_hbm.at[src_idx.at[pl.ds(e0, EB)]], rs, ss)
    pltpu.async_copy(y_hbm.at[dst_idx.at[pl.ds(e0, EB)]], rd, sd)

  def _wait(b, rs, rd, ss, sd):
    e0 = jnp.minimum(b, NB - 1) * EB
    pltpu.make_async_copy(y_hbm.at[src_idx.at[pl.ds(e0, EB)]], rs, ss).wait()
    pltpu.make_async_copy(y_hbm.at[dst_idx.at[pl.ds(e0, EB)]], rd, sd).wait()

  iota17 = iota * jnp.int32(17)

  def _compute(b, rs, rd):
    e0 = b * EB
    @pl.loop(0, EB // L)
    def _group(g):
      gbase = g * L
      for e in range(L):
        erow = gbase + e
        acc = zero16
        for k in range(D_FEAT // L):
          dv = rs[erow, pl.ds(k * L, L)] - rd[erow, pl.ds(k * L, L)]
          acc = acc + dv * dv
        plsc.store_scatter(acc_t, [iota17 + jnp.int32(e)], acc)
      rows = [acc_t[pl.ds(r * 17, L)] for r in range(L)]
      while len(rows) > 1:
        rows = [rows[i] + rows[i + 1] for i in range(0, len(rows), 2)]
      w_all[pl.ds(e0 + gbase, L)] = rows[0]

  buf0 = (rows_s0, rows_d0, sem_s0, sem_d0)
  buf1 = (rows_s1, rows_d1, sem_s1, sem_d1)
  _issue(0, *buf0)
  _issue(1, *buf1)

  @pl.loop(0, NB // 2)
  def _block(i):
    b0 = 2 * i
    _wait(b0, *buf0)
    _compute(b0, buf0[0], buf0[1])
    _issue(b0 + 2, *buf0)
    b1 = 2 * i + 1
    _wait(b1, *buf1)
    _compute(b1, buf1[0], buf1[1])
    _issue(b1 + 2, *buf1)

  _wait(NB - 1, *buf0)
  _compute(NB - 1, buf0[0], buf0[1])
  _wait(NB, *buf1)

  @pl.loop(0, EW // L)
  def _xform(g):
    off = g * L
    x = w_all[pl.ds(off, L)] + jnp.float32(1e-7)
    y = _newton_rsqrt(x)
    w = jnp.minimum(y, jnp.float32(10.0)) + jnp.float32(1e-9)
    w = jnp.where(x > jnp.float32(400.0), jnp.float32(1e-9), w)
    w_all[pl.ds(off, L)] = w

    d16 = dst_idx[pl.ds(off, L)]
    plsc.addupdate_scatter(deg_priv, [d16], w)

  pltpu.sync_copy(w_all, w_hbm.at[pl.ds(base, EW)])
  pltpu.sync_copy(deg_priv, degp_hbm.at[wid])


def _sc_attention(y, src, dst):
  mesh = plsc.VectorSubcoreMesh(core_axis_name="c", subcore_axis_name="s")
  kern = pl.kernel(
      _edge_body,
      out_type=(
          jax.ShapeDtypeStruct((N_EDGES,), jnp.float32),
          jax.ShapeDtypeStruct((NW, DEG_N), jnp.float32),
      ),
      mesh=mesh,
      scratch_types=[
          pltpu.VMEM((EW,), jnp.int32),
          pltpu.VMEM((EW,), jnp.int32),
          pltpu.VMEM((EB, D_FEAT), jnp.float32),
          pltpu.VMEM((EB, D_FEAT), jnp.float32),
          pltpu.VMEM((EB, D_FEAT), jnp.float32),
          pltpu.VMEM((EB, D_FEAT), jnp.float32),
          pltpu.VMEM((EW,), jnp.float32),
          pltpu.VMEM((DEG_N,), jnp.float32),
          pltpu.VMEM((L * 17,), jnp.float32),
          pltpu.SemaphoreType.DMA,
          pltpu.SemaphoreType.DMA,
          pltpu.SemaphoreType.DMA,
          pltpu.SemaphoreType.DMA,
      ],
      compiler_params=pltpu.CompilerParams(needs_layout_passes=False, use_tc_tiling_on_sc=False),
  )
  return kern(y, src, dst)


def _combine_body(p_ref, o_ref):
  o_ref[...] = jnp.sum(p_ref[...], axis=0)


def _combine(degp):
  return pl.pallas_call(
      _combine_body,
      out_shape=jax.ShapeDtypeStruct((DEG_N // 128, 128), jnp.float32),
  )(degp)


def kernel(Y, edge_index):
  src = edge_index[0]
  dst = edge_index[1]
  w, degp = _sc_attention(Y, src, dst)
  deg = _combine(degp.reshape(NW, DEG_N // 128, 128)).reshape(DEG_N)[:N_NODES]
  return w, deg

# --- scband reference (transcript-rebuilt; emitter-appended) ---
"""Pipeline reference for scband-attention-6399501271287 (READ-ONLY COPY).

The authoritative reference and input builder live on the scoring server;
editing this copy changes nothing except your own understanding.
"""

import jax, jax.numpy as jnp
import numpy as np

TAU = 0.1
T = 20.0
P = 1.0
N_NODES = 10000
D_FEAT = 128
N_EDGES = 320000


def setup_inputs(seed: int = 0) -> dict:
    key = jax.random.key(seed)
    k1, k2 = jax.random.split(key)
    Y = jax.random.normal(k1, (N_NODES, D_FEAT), dtype=jnp.float32)
    edge_index = jax.random.randint(k2, (2, N_EDGES), 0, N_NODES, dtype=jnp.int32)
    return {"Y": Y, "edge_index": edge_index}


def reference(Y, edge_index):
    src = edge_index[0]
    dst = edge_index[1]
    # per-node squared norm (h_norm)
    h_norm = jnp.sum(Y * Y, axis=-1)
    # u_dot_v: per-edge dot product between src and dst features
    dot_ = jnp.sum(Y[src] * Y[dst], axis=-1)
    # u_add_v on h_norm
    norm_ = h_norm[src] + h_norm[dst]
    # squared euclidean distance per edge
    w = norm_ - 2.0 * dot_
    # reweighting (eq. 27): relu + eps, power, lower/upper thresholding, reciprocal
    w = jax.nn.relu(w) + 1e-07
    w = jnp.power(w, 1.0 - 0.5 * P)
    w = jnp.where(w < TAU, TAU, w)
    if T > 0:
        w = jnp.where(w > T, jnp.inf, w)
    w = 1.0 / w + 1e-09
    # update_all(copy_e('w'), sum -> 'deg'): scatter-add edge weights to dst nodes
    deg = jax.ops.segment_sum(w, dst, num_segments=N_NODES)
    # attn_dropout = 0.0 -> no dropout applied
    return w, deg

if __name__ == "__main__":
    import jax
    _d = setup_inputs()
    print(jax.jit(kernel)(*tuple(_d.values())))

</pallas_src>

<mosaic_0001>
#map = affine_map<(d0, d1) -> (0, 0)>
#map1 = affine_map<(d0, d1) -> (0)>
module attributes {stable_mosaic.version = 14 : i64} {
  func.func @_edge_body(%arg0: i32, %arg1: i32, %arg2: memref<10000x128xf32, #tpu.memory_space<hbm>>, %arg3: memref<320000xi32, #tpu.memory_space<hbm>>, %arg4: memref<320000xi32, #tpu.memory_space<hbm>>, %arg5: memref<320000xf32, #tpu.memory_space<hbm>>, %arg6: memref<32x10240xf32, #tpu.memory_space<hbm>>, %arg7: memref<10000xi32, #tpu.memory_space<vmem>>, %arg8: memref<10000xi32, #tpu.memory_space<vmem>>, %arg9: memref<80x128xf32, #tpu.memory_space<vmem>>, %arg10: memref<80x128xf32, #tpu.memory_space<vmem>>, %arg11: memref<80x128xf32, #tpu.memory_space<vmem>>, %arg12: memref<80x128xf32, #tpu.memory_space<vmem>>, %arg13: memref<10000xf32, #tpu.memory_space<vmem>>, %arg14: memref<10240xf32, #tpu.memory_space<vmem>>, %arg15: memref<272xf32, #tpu.memory_space<vmem>>, %arg16: memref<!tpu.dma_semaphore, #tpu.memory_space<semaphore_mem>>, %arg17: memref<!tpu.dma_semaphore, #tpu.memory_space<semaphore_mem>>, %arg18: memref<!tpu.dma_semaphore, #tpu.memory_space<semaphore_mem>>, %arg19: memref<!tpu.dma_semaphore, #tpu.memory_space<semaphore_mem>>) attributes {dimension_semantics = [#tpu.dimension_semantics<core_parallel>, #tpu.dimension_semantics<subcore_parallel>], iteration_bounds = array<i64: 2, 16>, scalar_prefetch = 0 : i64, scratch_operands = 13 : i64, tpu.core_type = #tpu.core_type<sc_vector_subcore>, window_params = [{transform_indices = #map}, {transform_indices = #map1}, {transform_indices = #map1}, {transform_indices = #map1}, {transform_indices = #map}]} {
    %mul3A = arith.constant 2 : i32
    %mul3A_0 = arith.muli %arg1, %mul3A : i32
    %add3A = arith.addi %mul3A_0, %arg0 : i32
    %mul3A_1 = arith.constant 10000 : i32
    %mul3A_2 = arith.muli %add3A, %mul3A_1 : i32
    %iota3A = tpu.iota {dimensions = array<i32: 0>} : vector<16xi32>
    %broadcast_in_dim3A = arith.constant 0.000000e+00 : f32
    %broadcast_in_dim3A_3 = vector.broadcast %broadcast_in_dim3A : f32 to vector<16xf32>
    "tpu.region"() ({
      %run_scoped3A = tpu.sem_alloc : memref<!tpu.dma_semaphore, #tpu.memory_space<semaphore_mem>>
      %dma_start3A_75 = tpu.memref_slice %arg3[%mul3A_2] : memref<320000xi32, #tpu.memory_space<hbm>> -> memref<10000xi32, #tpu.memory_space<hbm>>
      %dma_start3A_76 = tpu.memref_slice %arg3[%mul3A_2] : memref<320000xi32, #tpu.memory_space<hbm>> -> memref<10000xi32, #tpu.memory_space<hbm>>
      tpu.enqueue_dma source(%dma_start3A_76 : memref<10000xi32, #tpu.memory_space<hbm>>) target(%arg7 : memref<10000xi32, #tpu.memory_space<vmem>>) target_semaphore(%run_scoped3A : memref<!tpu.dma_semaphore, #tpu.memory_space<semaphore_mem>>)
      %dma_wait3A_77 = tpu.memref_slice %arg3[%mul3A_2] : memref<320000xi32, #tpu.memory_space<hbm>> -> memref<10000xi32, #tpu.memory_space<hbm>>
      %dma_wait3A_78 = tpu.memref_slice %arg3[%mul3A_2] : memref<320000xi32, #tpu.memory_space<hbm>> -> memref<10000xi32, #tpu.memory_space<hbm>>
      tpu.wait_dma2 semaphore(%run_scoped3A : memref<!tpu.dma_semaphore, #tpu.memory_space<semaphore_mem>>) src(%dma_wait3A_78 : memref<10000xi32, #tpu.memory_space<hbm>>) dst(%arg7 : memref<10000xi32, #tpu.memory_space<vmem>>)
      tpu.yield
    }) : () -> ()
    "tpu.region"() ({
      %run_scoped3A = tpu.sem_alloc : memref<!tpu.dma_semaphore, #tpu.memory_space<semaphore_mem>>
      %dma_start3A_75 = tpu.memref_slice %arg4[%mul3A_2] : memref<320000xi32, #tpu.memory_space<hbm>> -> memref<10000xi32, #tpu.memory_space<hbm>>
      %dma_start3A_76 = tpu.memref_slice %arg4[%mul3A_2] : memref<320000xi32, #tpu.memory_space<hbm>> -> memref<10000xi32, #tpu.memory_space<hbm>>
      tpu.enqueue_dma source(%dma_start3A_76 : memref<10000xi32, #tpu.memory_space<hbm>>) target(%arg8 : memref<10000xi32, #tpu.memory_space<vmem>>) target_semaphore(%run_scoped3A : memref<!tpu.dma_semaphore, #tpu.memory_space<semaphore_mem>>)
      %dma_wait3A_77 = tpu.memref_slice %arg4[%mul3A_2] : memref<320000xi32, #tpu.memory_space<hbm>> -> memref<10000xi32, #tpu.memory_space<hbm>>
      %dma_wait3A_78 = tpu.memref_slice %arg4[%mul3A_2] : memref<320000xi32, #tpu.memory_space<hbm>> -> memref<10000xi32, #tpu.memory_space<hbm>>
      tpu.wait_dma2 semaphore(%run_scoped3A : memref<!tpu.dma_semaphore, #tpu.memory_space<semaphore_mem>>) src(%dma_wait3A_78 : memref<10000xi32, #tpu.memory_space<hbm>>) dst(%arg8 : memref<10000xi32, #tpu.memory_space<vmem>>)
      tpu.yield
    }) : () -> ()
    %scan3A = arith.constant 0 : i32
    %scan3A_4 = arith.constant 640 : i32
    %scan3A_5 = arith.addi %scan3A, %scan3A_4 : i32
    %scan3A_6 = arith.constant 1 : i32
    scf.for %scan3A_75 = %scan3A to %scan3A_5 step %scan3A_6  : i32 {
      %mul3A_76 = arith.constant 1 : i32
      %mul3A_77 = arith.muli %scan3A_75, %mul3A_76 : i32
      %add3A_78 = arith.constant 0 : i32
      %add3A_79 = arith.addi %add3A_78, %mul3A_77 : i32
      %mul3A_80 = arith.constant 16 : i32
      %mul3A_81 = arith.muli %add3A_79, %mul3A_80 : i32
      %swap3A = arith.index_cast %mul3A_81 : i32 to index
      %swap3A_82 = tpu.vector_load %arg14[%swap3A] {strides = array<i32>} : memref<10240xf32, #tpu.memory_space<vmem>>, vector<16xf32>,
      tpu.vector_store %arg14[%swap3A], %broadcast_in_dim3A_3 {strides = array<i32>} : memref<10240xf32, #tpu.memory_space<vmem>>, vector<16xf32>,
    }
    %scan3A_7 = arith.constant 640 : i32
    %mul3A_8 = arith.constant 17 : i32
    %mul3A_9 = vector.broadcast %mul3A_8 : i32 to vector<16xi32>
    %mul3A_10 = arith.muli %iota3A, %mul3A_9 : vector<16xi32>
    %min3A = arith.constant 0 : i32
    %min3A_11 = arith.constant 124 : i32
    %min3A_12 = arith.minsi %min3A, %min3A_11 : i32
    %mul3A_13 = arith.constant 80 : i32
    %mul3A_14 = arith.muli %min3A_12, %mul3A_13 : i32
    %dma_start3A = tpu.memref_slice %arg7[%mul3A_14] : memref<10000xi32, #tpu.memory_space<vmem>> -> memref<80xi32, #tpu.memory_space<vmem>>
    %dma_start3A_15 = arith.constant 0 : i32
    %dma_start3A_16 = arith.constant 0 : i32
    %dma_start3A_17 = tpu.memref_slice %arg2[%dma_start3A_15, %dma_start3A_16] : memref<10000x128xf32, #tpu.memory_space<hbm>> -> memref<10000x128xf32, #tpu.memory_space<hbm>>
    tpu.enqueue_indirect_dma source(%dma_start3A_17 : memref<10000x128xf32, #tpu.memory_space<hbm>>) target(%arg9 : memref<80x128xf32, #tpu.memory_space<vmem>>) offsets(%dma_start3A : memref<80xi32, #tpu.memory_space<vmem>>) semaphore(%arg16 : memref<!tpu.dma_semaphore, #tpu.memory_space<semaphore_mem>>)
    %dma_start3A_18 = tpu.memref_slice %arg8[%mul3A_14] : memref<10000xi32, #tpu.memory_space<vmem>> -> memref<80xi32, #tpu.memory_space<vmem>>
    %dma_start3A_19 = arith.constant 0 : i32
    %dma_start3A_20 = arith.constant 0 : i32
    %dma_start3A_21 = tpu.memref_slice %arg2[%dma_start3A_19, %dma_start3A_20] : memref<10000x128xf32, #tpu.memory_space<hbm>> -> memref<10000x128xf32, #tpu.memory_space<hbm>>
    tpu.enqueue_indirect_dma source(%dma_start3A_21 : memref<10000x128xf32, #tpu.memory_space<hbm>>) target(%arg10 : memref<80x128xf32, #tpu.memory_space<vmem>>) offsets(%dma_start3A_18 : memref<80xi32, #tpu.memory_space<vmem>>) semaphore(%arg17 : memref<!tpu.dma_semaphore, #tpu.memory_space<semaphore_mem>>)
    %min3A_22 = arith.constant 1 : i32
    %min3A_23 = arith.constant 124 : i32
    %min3A_24 = arith.minsi %min3A_22, %min3A_23 : i32
    %mul3A_25 = arith.constant 80 : i32
    %mul3A_26 = arith.muli %min3A_24, %mul3A_25 : i32
    %dma_start3A_27 = tpu.memref_slice %arg7[%mul3A_26] : memref<10000xi32, #tpu.memory_space<vmem>> -> memref<80xi32, #tpu.memory_space<vmem>>
    %dma_start3A_28 = arith.constant 0 : i32
    %dma_start3A_29 = arith.constant 0 : i32
    %dma_start3A_30 = tpu.memref_slice %arg2[%dma_start3A_28, %dma_start3A_29] : memref<10000x128xf32, #tpu.memory_space<hbm>> -> memref<10000x128xf32, #tpu.memory_space<hbm>>
    tpu.enqueue_indirect_dma source(%dma_start3A_30 : memref<10000x128xf32, #tpu.memory_space<hbm>>) target(%arg11 : memref<80x128xf32, #tpu.memory_space<vmem>>) offsets(%dma_start3A_27 : memref<80xi32, #tpu.memory_space<vmem>>) semaphore(%arg18 : memref<!tpu.dma_semaphore, #tpu.memory_space<semaphore_mem>>)
    %dma_start3A_31 = tpu.memref_slice %arg8[%mul3A_26] : memref<10000xi32, #tpu.memory_space<vmem>> -> memref<80xi32, #tpu.memory_space<vmem>>
    %dma_start3A_32 = arith.constant 0 : i32
    %dma_start3A_33 = arith.constant 0 : i32
    %dma_start3A_34 = tpu.memref_slice %arg2[%dma_start3A_32, %dma_start3A_33] : memref<10000x128xf32, #tpu.memory_space<hbm>> -> memref<10000x128xf32, #tpu.memory_space<hbm>>
    tpu.enqueue_indirect_dma source(%dma_start3A_34 : memref<10000x128xf32, #tpu.memory_space<hbm>>) target(%arg12 : memref<80x128xf32, #tpu.memory_space<vmem>>) offsets(%dma_start3A_31 : memref<80xi32, #tpu.memory_space<vmem>>) semaphore(%arg19 : memref<!tpu.dma_semaphore, #tpu.memory_space<semaphore_mem>>)
    %scan3A_35 = arith.constant 0 : i32
    %scan3A_36 = arith.constant 62 : i32
    %scan3A_37 = arith.addi %scan3A_35, %scan3A_36 : i32
    %scan3A_38 = arith.constant 1 : i32
    scf.for %scan3A_75 = %scan3A_35 to %scan3A_37 step %scan3A_38  : i32 {
      %mul3A_76 = arith.constant 1 : i32
      %mul3A_77 = arith.muli %scan3A_75, %mul3A_76 : i32
      %add3A_78 = arith.constant 0 : i32
      %add3A_79 = arith.addi %add3A_78, %mul3A_77 : i32
      %mul3A_80 = arith.constant 2 : i32
      %mul3A_81 = arith.muli %mul3A_80, %add3A_79 : i32
      %min3A_82 = arith.constant 124 : i32
      %min3A_83 = arith.minsi %mul3A_81, %min3A_82 : i32
      %mul3A_84 = arith.constant 80 : i32
      %mul3A_85 = arith.muli %min3A_83, %mul3A_84 : i32
      %dma_wait3A_86 = tpu.memref_slice %arg7[%mul3A_85] : memref<10000xi32, #tpu.memory_space<vmem>> -> memref<80xi32, #tpu.memory_space<vmem>>
      %dma_wait3A_87 = arith.constant 0 : i32
      %dma_wait3A_88 = arith.constant 0 : i32
      %dma_wait3A_89 = tpu.memref_slice %arg2[%dma_wait3A_87, %dma_wait3A_88] : memref<10000x128xf32, #tpu.memory_space<hbm>> -> memref<10000x128xf32, #tpu.memory_space<hbm>>
      tpu.wait_indirect_dma semaphore(%arg16 : memref<!tpu.dma_semaphore, #tpu.memory_space<semaphore_mem>>) src(%dma_wait3A_89 : memref<10000x128xf32, #tpu.memory_space<hbm>>) dst(%arg9 : memref<80x128xf32, #tpu.memory_space<vmem>>)
      %dma_wait3A_90 = tpu.memref_slice %arg8[%mul3A_85] : memref<10000xi32, #tpu.memory_space<vmem>> -> memref<80xi32, #tpu.memory_space<vmem>>
      %dma_wait3A_91 = arith.constant 0 : i32
      %dma_wait3A_92 = arith.constant 0 : i32
      %dma_wait3A_93 = tpu.memref_slice %arg2[%dma_wait3A_91, %dma_wait3A_92] : memref<10000x128xf32, #tpu.memory_space<hbm>> -> memref<10000x128xf32, #tpu.memory_space<hbm>>
      tpu.wait_indirect_dma semaphore(%arg17 : memref<!tpu.dma_semaphore, #tpu.memory_space<semaphore_mem>>) src(%dma_wait3A_93 : memref<10000x128xf32, #tpu.memory_space<hbm>>) dst(%arg10 : memref<80x128xf32, #tpu.memory_space<vmem>>)
      %mul3A_94 = arith.constant 80 : i32
      %mul3A_95 = arith.muli %mul3A_81, %mul3A_94 : i32
      %scan3A_96 = arith.constant 0 : i32
      %scan3A_97 = arith.constant 5 : i32
      %scan3A_98 = arith.addi %scan3A_96, %scan3A_97 : i32
      %scan3A_99 = arith.constant 1 : i32
      scf.for %scan3A_152 = %scan3A_96 to %scan3A_98 step %scan3A_99  : i32 {
        %mul3A_153 = arith.constant 1 : i32
        %mul3A_154 = arith.muli %scan3A_152, %mul3A_153 : i32
        %add3A_155 = arith.constant 0 : i32
        %add3A_156 = arith.addi %add3A_155, %mul3A_154 : i32
        %mul3A_157 = arith.constant 16 : i32
        %mul3A_158 = arith.muli %add3A_156, %mul3A_157 : i32
        %add3A_159 = arith.constant 0 : i32
        %add3A_160 = arith.addi %mul3A_158, %add3A_159 : i32
        %get3A = arith.index_cast %add3A_160 : i32 to index
        %get3A_161 = arith.constant 0 : index
        %get3A_162 = tpu.vector_load %arg9[%get3A, %get3A_161] {strides = array<i32>} : memref<80x128xf32, #tpu.memory_space<vmem>>, vector<16xf32>,
        %get3A_163 = arith.index_cast %add3A_160 : i32 to index
        %get3A_164 = arith.constant 0 : index
        %get3A_165 = tpu.vector_load %arg10[%get3A_163, %get3A_164] {strides = array<i32>} : memref<80x128xf32, #tpu.memory_space<vmem>>, vector<16xf32>,
        %sub3A = arith.subf %get3A_162, %get3A_165 : vector<16xf32>
        %mul3A_166 = arith.mulf %sub3A, %sub3A : vector<16xf32>
        %add3A_167 = arith.addf %broadcast_in_dim3A_3, %mul3A_166 : vector<16xf32>
        %get3A_168 = arith.index_cast %add3A_160 : i32 to index
        %get3A_169 = arith.constant 16 : index
        %get3A_170 = tpu.vector_load %arg9[%get3A_168, %get3A_169] {strides = array<i32>} : memref<80x128xf32, #tpu.memory_space<vmem>>, vector<16xf32>,
        %get3A_171 = arith.index_cast %add3A_160 : i32 to index
        %get3A_172 = arith.constant 16 : index
        %get3A_173 = tpu.vector_load %arg10[%get3A_171, %get3A_172] {strides = array<i32>} : memref<80x128xf32, #tpu.memory_space<vmem>>, vector<16xf32>,
        %sub3A_174 = arith.subf %get3A_170, %get3A_173 : vector<16xf32>
        %mul3A_175 = arith.mulf %sub3A_174, %sub3A_174 : vector<16xf32>
        %add3A_176 = arith.addf %add3A_167, %mul3A_175 : vector<16xf32>
        %get3A_177 = arith.index_cast %add3A_160 : i32 to index
        %get3A_178 = arith.constant 32 : index
        %get3A_179 = tpu.vector_load %arg9[%get3A_177, %get3A_178] {strides = array<i32>} : memref<80x128xf32, #tpu.memory_space<vmem>>, vector<16xf32>,
        %get3A_180 = arith.index_cast %add3A_160 : i32 to index
        %get3A_181 = arith.constant 32 : index
        %get3A_182 = tpu.vector_load %arg10[%get3A_180, %get3A_181] {strides = array<i32>} : memref<80x128xf32, #tpu.memory_space<vmem>>, vector<16xf32>,
        %sub3A_183 = arith.subf %get3A_179, %get3A_182 : vector<16xf32>
        %mul3A_184 = arith.mulf %sub3A_183, %sub3A_183 : vector<16xf32>
        %add3A_185 = arith.addf %add3A_176, %mul3A_184 : vector<16xf32>
        %get3A_186 = arith.index_cast %add3A_160 : i32 to index
        %get3A_187 = arith.constant 48 : index
        %get3A_188 = tpu.vector_load %arg9[%get3A_186, %get3A_187] {strides = array<i32>} : memref<80x128xf32, #tpu.memory_space<vmem>>, vector<16xf32>,
        %get3A_189 = arith.index_cast %add3A_160 : i32 to index
        %get3A_190 = arith.constant 48 : index
        %get3A_191 = tpu.vector_load %arg10[%get3A_189, %get3A_190] {strides = array<i32>} : memref<80x128xf32, #tpu.memory_space<vmem>>, vector<16xf32>,
        %sub3A_192 = arith.subf %get3A_188, %get3A_191 : vector<16xf32>
        %mul3A_193 = arith.mulf %sub3A_192, %sub3A_192 : vector<16xf32>
        %add3A_194 = arith.addf %add3A_185, %mul3A_193 : vector<16xf32>
        %get3A_195 = arith.index_cast %add3A_160 : i32 to index
        %get3A_196 = arith.constant 64 : index
        %get3A_197 = tpu.vector_load %arg9[%get3A_195, %get3A_196] {strides = array<i32>} : memref<80x128xf32, #tpu.memory_space<vmem>>, vector<16xf32>,
        %get3A_198 = arith.index_cast %add3A_160 : i32 to index
        %get3A_199 = arith.constant 64 : index
        %get3A_200 = tpu.vector_load %arg10[%get3A_198, %get3A_199] {strides = array<i32>} : memref<80x128xf32, #tpu.memory_space<vmem>>, vector<16xf32>,
        %sub3A_201 = arith.subf %get3A_197, %get3A_200 : vector<16xf32>
        %mul3A_202 = arith.mulf %sub3A_201, %sub3A_201 : vector<16xf32>
        %add3A_203 = arith.addf %add3A_194, %mul3A_202 : vector<16xf32>
        %get3A_204 = arith.index_cast %add3A_160 : i32 to index
        %get3A_205 = arith.constant 80 : index
        %get3A_206 = tpu.vector_load %arg9[%get3A_204, %get3A_205] {strides = array<i32>} : memref<80x128xf32, #tpu.memory_space<vmem>>, vector<16xf32>,
        %get3A_207 = arith.index_cast %add3A_160 : i32 to index
        %get3A_208 = arith.constant 80 : index
        %get3A_209 = tpu.vector_load %arg10[%get3A_207, %get3A_208] {strides = array<i32>} : memref<80x128xf32, #tpu.memory_space<vmem>>, vector<16xf32>,
        %sub3A_210 = arith.subf %get3A_206, %get3A_209 : vector<16xf32>
        %mul3A_211 = arith.mulf %sub3A_210, %sub3A_210 : vector<16xf32>
        %add3A_212 = arith.addf %add3A_203, %mul3A_211 : vector<16xf32>
        %get3A_213 = arith.index_cast %add3A_160 : i32 to index
        %get3A_214 = arith.constant 96 : index
        %get3A_215 = tpu.vector_load %arg9[%get3A_213, %get3A_214] {strides = array<i32>} : memref<80x128xf32, #tpu.memory_space<vmem>>, vector<16xf32>,
        %get3A_216 = arith.index_cast %add3A_160 : i32 to index
        %get3A_217 = arith.constant 96 : index
        %get3A_218 = tpu.vector_load %arg10[%get3A_216, %get3A_217] {strides = array<i32>} : memref<80x128xf32, #tpu.memory_space<vmem>>, vector<16xf32>,
        %sub3A_219 = arith.subf %get3A_215, %get3A_218 : vector<16xf32>
        %mul3A_220 = arith.mulf %sub3A_219, %sub3A_219 : vector<16xf32>
        %add3A_221 = arith.addf %add3A_212, %mul3A_220 : vector<16xf32>
        %get3A_222 = arith.index_cast %add3A_160 : i32 to index
        %get3A_223 = arith.constant 112 : index
        %get3A_224 = tpu.vector_load %arg9[%get3A_222, %get3A_223] {strides = array<i32>} : memref<80x128xf32, #tpu.memory_space<vmem>>, vector<16xf32>,
        %get3A_225 = arith.index_cast %add3A_160 : i32 to index
        %get3A_226 = arith.constant 112 : index
        %get3A_227 = tpu.vector_load %arg10[%get3A_225, %get3A_226] {strides = array<i32>} : memref<80x128xf32, #tpu.memory_space<vmem>>, vector<16xf32>,
        %sub3A_228 = arith.subf %get3A_224, %get3A_227 : vector<16xf32>
        %mul3A_229 = arith.mulf %sub3A_228, %sub3A_228 : vector<16xf32>
        %add3A_230 = arith.addf %add3A_221, %mul3A_229 : vector<16xf32>
        %add3A_231 = arith.constant 0 : i32
        %add3A_232 = vector.broadcast %add3A_231 : i32 to vector<16xi32>
        %add3A_233 = arith.addi %mul3A_10, %add3A_232 : vector<16xi32>
        tpu.vector_store_idx %arg15[%add3A_233], %add3A_230 : memref<272xf32, #tpu.memory_space<vmem>>[vector<16xi32>], vector<16xf32>,
        %add3A_234 = arith.constant 1 : i32
        %add3A_235 = arith.addi %mul3A_158, %add3A_234 : i32
        %get3A_236 = arith.index_cast %add3A_235 : i32 to index
        %get3A_237 = arith.constant 0 : index
        %get3A_238 = tpu.vector_load %arg9[%get3A_236, %get3A_237] {strides = array<i32>} : memref<80x128xf32, #tpu.memory_space<vmem>>, vector<16xf32>,
        %get3A_239 = arith.index_cast %add3A_235 : i32 to index
        %get3A_240 = arith.constant 0 : index
        %get3A_241 = tpu.vector_load %arg10[%get3A_239, %get3A_240] {strides = array<i32>} : memref<80x128xf32, #tpu.memory_space<vmem>>, vector<16xf32>,
        %sub3A_242 = arith.subf %get3A_238, %get3A_241 : vector<16xf32>
        %mul3A_243 = arith.mulf %sub3A_242, %sub3A_242 : vector<16xf32>
        %add3A_244 = arith.addf %broadcast_in_dim3A_3, %mul3A_243 : vector<16xf32>
        %get3A_245 = arith.index_cast %add3A_235 : i32 to index
        %get3A_246 = arith.constant 16 : index
        %get3A_247 = tpu.vector_load %arg9[%get3A_245, %get3A_246] {strides = array<i32>} : memref<80x128xf32, #tpu.memory_space<vmem>>, vector<16xf32>,
        %get3A_248 = arith.index_cast %add3A_235 : i32 to index
        %get3A_249 = arith.constant 16 : index
        %get3A_250 = tpu.vector_load %arg10[%get3A_248, %get3A_249] {strides = array<i32>} : memref<80x128xf32, #tpu.memory_space<vmem>>, vector<16xf32>,
        %sub3A_251 = arith.subf %get3A_247, %get3A_250 : vector<16xf32>
        %mul3A_252 = arith.mulf %sub3A_251, %sub3A_251 : vector<16xf32>
        %add3A_253 = arith.addf %add3A_244, %mul3A_252 : vector<16xf32>
        %get3A_254 = arith.index_cast %add3A_235 : i32 to index
        %get3A_255 = arith.constant 32 : index
        %get3A_256 = tpu.vector_load %arg9[%get3A_254, %get3A_255] {strides = array<i32>} : memref<80x128xf32, #tpu.memory_space<vmem>>, vector<16xf32>,
        %get3A_257 = arith.index_cast %add3A_235 : i32 to index
        %get3A_258 = arith.constant 32 : index
        %get3A_259 = tpu.vector_load %arg10[%get3A_257, %get3A_258] {strides = array<i32>} : memref<80x128xf32, #tpu.memory_space<vmem>>, vector<16xf32>,
        %sub3A_260 = arith.subf %get3A_256, %get3A_259 : vector<16xf32>
        %mul3A_261 = arith.mulf %sub3A_260, %sub3A_260 : vector<16xf32>
        %add3A_262 = arith.addf %add3A_253, %mul3A_261 : vector<16xf32>
        %get3A_263 = arith.index_cast %add3A_235 : i32 to index
        %get3A_264 = arith.constant 48 : index
        %get3A_265 = tpu.vector_load %arg9[%get3A_263, %get3A_264] {strides = array<i32>} : memref<80x128xf32, #tpu.memory_space<vmem>>, vector<16xf32>,
        %get3A_266 = arith.index_cast %add3A_235 : i32 to index
        %get3A_267 = arith.constant 48 : index
        %get3A_268 = tpu.vector_load %arg10[%get3A_266, %get3A_267] {strides = array<i32>} : memref<80x128xf32, #tpu.memory_space<vmem>>, vector<16xf32>,
        %sub3A_269 = arith.subf %get3A_265, %get3A_268 : vector<16xf32>
        %mul3A_270 = arith.mulf %sub3A_269, %sub3A_269 : vector<16xf32>
        %add3A_271 = arith.addf %add3A_262, %mul3A_270 : vector<16xf32>
        %get3A_272 = arith.index_cast %add3A_235 : i32 to index
        %get3A_273 = arith.constant 64 : index
        %get3A_274 = tpu.vector_load %arg9[%get3A_272, %get3A_273] {strides = array<i32>} : memref<80x128xf32, #tpu.memory_space<vmem>>, vector<16xf32>,
        %get3A_275 = arith.index_cast %add3A_235 : i32 to index
        %get3A_276 = arith.constant 64 : index
        %get3A_277 = tpu.vector_load %arg10[%get3A_275, %get3A_276] {strides = array<i32>} : memref<80x128xf32, #tpu.memory_space<vmem>>, vector<16xf32>,
        %sub3A_278 = arith.subf %get3A_274, %get3A_277 : vector<16xf32>
        %mul3A_279 = arith.mulf %sub3A_278, %sub3A_278 : vector<16xf32>
        %add3A_280 = arith.addf %add3A_271, %mul3A_279 : vector<16xf32>
        %get3A_281 = arith.index_cast %add3A_235 : i32 to index
        %get3A_282 = arith.constant 80 : index
        %get3A_283 = tpu.vector_load %arg9[%get3A_281, %get3A_282] {strides = array<i32>} : memref<80x128xf32, #tpu.memory_space<vmem>>, vector<16xf32>,
        %get3A_284 = arith.index_cast %add3A_235 : i32 to index
        %get3A_285 = arith.constant 80 : index
        %get3A_286 = tpu.vector_load %arg10[%get3A_284, %get3A_285] {strides = array<i32>} : memref<80x128xf32, #tpu.memory_space<vmem>>, vector<16xf32>,
        %sub3A_287 = arith.subf %get3A_283, %get3A_286 : vector<16xf32>
        %mul3A_288 = arith.mulf %sub3A_287, %sub3A_287 : vector<16xf32>
        %add3A_289 = arith.addf %add3A_280, %mul3A_288 : vector<16xf32>
        %get3A_290 = arith.index_cast %add3A_235 : i32 to index
        %get3A_291 = arith.constant 96 : index
        %get3A_292 = tpu.vector_load %arg9[%get3A_290, %get3A_291] {strides = array<i32>} : memref<80x128xf32, #tpu.memory_space<vmem>>, vector<16xf32>,
        %get3A_293 = arith.index_cast %add3A_235 : i32 to index
        %get3A_294 = arith.constant 96 : index
        %get3A_295 = tpu.vector_load %arg10[%get3A_293, %get3A_294] {strides = array<i32>} : memref<80x128xf32, #tpu.memory_space<vmem>>, vector<16xf32>,
        %sub3A_296 = arith.subf %get3A_292, %get3A_295 : vector<16xf32>
        %mul3A_297 = arith.mulf %sub3A_296, %sub3A_296 : vector<16xf32>
        %add3A_298 = arith.addf %add3A_289, %mul3A_297 : vector<16xf32>
        %get3A_299 = arith.index_cast %add3A_235 : i32 to index
        %get3A_300 = arith.constant 112 : index
        %get3A_301 = tpu.vector_load %arg9[%get3A_299, %get3A_300] {strides = array<i32>} : memref<80x128xf32, #tpu.memory_space<vmem>>, vector<16xf32>,
        %get3A_302 = arith.index_cast %add3A_235 : i32 to index
        %get3A_303 = arith.constant 112 : index
        %get3A_304 = tpu.vector_load %arg10[%get3A_302, %get3A_303] {strides = array<i32>} : memref<80x128xf32, #tpu.memory_space<vmem>>, vector<16xf32>,
        %sub3A_305 = arith.subf %get3A_301, %get3A_304 : vector<16xf32>
        %mul3A_306 = arith.mulf %sub3A_305, %sub3A_305 : vector<16xf32>
        %add3A_307 = arith.addf %add3A_298, %mul3A_306 : vector<16xf32>
        %add3A_308 = arith.constant 1 : i32
        %add3A_309 = vector.broadcast %add3A_308 : i32 to vector<16xi32>
        %add3A_310 = arith.addi %mul3A_10, %add3A_309 : vector<16xi32>
        tpu.vector_store_idx %arg15[%add3A_310], %add3A_307 : memref<272xf32, #tpu.memory_space<vmem>>[vector<16xi32>], vector<16xf32>,
        %add3A_311 = arith.constant 2 : i32
        %add3A_312 = arith.addi %mul3A_158, %add3A_311 : i32
        %get3A_313 = arith.index_cast %add3A_312 : i32 to index
        %get3A_314 = arith.constant 0 : index
        %get3A_315 = tpu.vector_load %arg9[%get3A_313, %get3A_314] {strides = array<i32>} : memref<80x128xf32, #tpu.memory_space<vmem>>, vector<16xf32>,
        %get3A_316 = arith.index_cast %add3A_312 : i32 to index
        %get3A_317 = arith.constant 0 : index
        %get3A_318 = tpu.vector_load %arg10[%get3A_316, %get3A_317] {strides = array<i32>} : memref<80x128xf32, #tpu.memory_space<vmem>>, vector<16xf32>,
        %sub3A_319 = arith.subf %get3A_315, %get3A_318 : vector<16xf32>
        %mul3A_320 = arith.mulf %sub3A_319, %sub3A_319 : vector<16xf32>
        %add3A_321 = arith.addf %broadcast_in_dim3A_3, %mul3A_320 : vector<16xf32>
        %get3A_322 = arith.index_cast %add3A_312 : i32 to index
        %get3A_323 = arith.constant 16 : index
        %get3A_324 = tpu.vector_load %arg9[%get3A_322, %get3A_323] {strides = array<i32>} : memref<80x128xf32, #tpu.memory_space<vmem>>, vector<16xf32>,
        %get3A_325 = arith.index_cast %add3A_312 : i32 to index
        %get3A_326 = arith.constant 16 : index
        %get3A_327 = tpu.vector_load %arg10[%get3A_325, %get3A_326] {strides = array<i32>} : memref<80x128xf32, #tpu.memory_space<vmem>>, vector<16xf32>,
        %sub3A_328 = arith.subf %get3A_324, %get3A_327 : vector<16xf32>
        %mul3A_329 = arith.mulf %sub3A_328, %sub3A_328 : vector<16xf32>
        %add3A_330 = arith.addf %add3A_321, %mul3A_329 : vector<16xf32>
        %get3A_331 = arith.index_cast %add3A_312 : i32 to index
        %get3A_332 = arith.constant 32 : index
        %get3A_333 = tpu.vector_load %arg9[%get3A_331, %get3A_332] {strides = array<i32>} : memref<80x128xf32, #tpu.memory_space<vmem>>, vector<16xf32>,
        %get3A_334 = arith.index_cast %add3A_312 : i32 to index
        %get3A_335 = arith.constant 32 : index
        %get3A_336 = tpu.vector_load %arg10[%get3A_334, %get3A_335] {strides = array<i32>} : memref<80x128xf32, #tpu.memory_space<vmem>>, vector<16xf32>,
        %sub3A_337 = arith.subf %get3A_333, %get3A_336 : vector<16xf32>
        %mul3A_338 = arith.mulf %sub3A_337, %sub3A_337 : vector<16xf32>
        %add3A_339 = arith.addf %add3A_330, %mul3A_338 : vector<16xf32>
        %get3A_340 = arith.index_cast %add3A_312 : i32 to index
        %get3A_341 = arith.constant 48 : index
        %get3A_342 = tpu.vector_load %arg9[%get3A_340, %get3A_341] {strides = array<i32>} : memref<80x128xf32, #tpu.memory_space<vmem>>, vector<16xf32>,
        %get3A_343 = arith.index_cast %add3A_312 : i32 to index
        %get3A_344 = arith.constant 48 : index
        %get3A_345 = tpu.vector_load %arg10[%get3A_343, %get3A_344] {strides = array<i32>} : memref<80x128xf32, #tpu.memory_space<vmem>>, vector<16xf32>,
        %sub3A_346 = arith.subf %get3A_342, %get3A_345 : vector<16xf32>
        %mul3A_347 = arith.mulf %sub3A_346, %sub3A_346 : vector<16xf32>
        %add3A_348 = arith.addf %add3A_339, %mul3A_347 : vector<16xf32>
        %get3A_349 = arith.index_cast %add3A_312 : i32 to index
        %get3A_350 = arith.constant 64 : index
        %get3A_351 = tpu.vector_load %arg9[%get3A_349, %get3A_350] {strides = array<i32>} : memref<80x128xf32, #tpu.memory_space<vmem>>, vector<16xf32>,
        %get3A_352 = arith.index_cast %add3A_312 : i32 to index
        %get3A_353 = arith.constant 64 : index
        %get3A_354 = tpu.vector_load %arg10[%get3A_352, %get3A_353] {strides = array<i32>} : memref<80x128xf32, #tpu.memory_space<vmem>>, vector<16xf32>,
        %sub3A_355 = arith.subf %get3A_351, %get3A_354 : vector<16xf32>
        %mul3A_356 = arith.mulf %sub3A_355, %sub3A_355 : vector<16xf32>
        %add3A_357 = arith.addf %add3A_348, %mul3A_356 : vector<16xf32>
        %get3A_358 = arith.index_cast %add3A_312 : i32 to index
        %get3A_359 = arith.constant 80 : index
        %get3A_360 = tpu.vector_load %arg9[%get3A_358, %get3A_359] {strides = array<i32>} : memref<80x128xf32, #tpu.memory_space<vmem>>, vector<16xf32>,
        %get3A_361 = arith.index_cast %add3A_312 : i32 to index
        %get3A_362 = arith.constant 80 : index
        %get3A_363 = tpu.vector_load %arg10[%get3A_361, %get3A_362] {strides = array<i32>} : memref<80x128xf32, #tpu.memory_space<vmem>>, vector<16xf32>,
        %sub3A_364 = arith.subf %get3A_360, %get3A_363 : vector<16xf32>
        %mul3A_365 = arith.mulf %sub3A_364, %sub3A_364 : vector<16xf32>
        %add3A_366 = arith.addf %add3A_357, %mul3A_365 : vector<16xf32>
        %get3A_367 = arith.index_cast %add3A_312 : i32 to index
        %get3A_368 = arith.constant 96 : index
        %get3A_369 = tpu.vector_load %arg9[%get3A_367, %get3A_368] {strides = array<i32>} : memref<80x128xf32, #tpu.memory_space<vmem>>, vector<16xf32>,
        %get3A_370 = arith.index_cast %add3A_312 : i32 to index
        %get3A_371 = arith.constant 96 : index
        %get3A_372 = tpu.vector_load %arg10[%get3A_370, %get3A_371] {strides = array<i32>} : memref<80x128xf32, #tpu.memory_space<vmem>>, vector<16xf32>,
        %sub3A_373 = arith.subf %get3A_369, %get3A_372 : vector<16xf32>
        %mul3A_374 = arith.mulf %sub3A_373, %sub3A_373 : vector<16xf32>
        %add3A_375 = arith.addf %add3A_366, %mul3A_374 : vector<16xf32>
        %get3A_376 = arith.index_cast %add3A_312 : i32 to index
        %get3A_377 = arith.constant 112 : index
        %get3A_378 = tpu.vector_load %arg9[%get3A_376, %get3A_377] {strides = array<i32>} : memref<80x128xf32, #tpu.memory_space<vmem>>, vector<16xf32>,
        %get3A_379 = arith.index_cast %add3A_312 : i32 to index
        %get3A_380 = arith.constant 112 : index
        %get3A_381 = tpu.vector_load %arg10[%get3A_379, %get3A_380] {strides = array<i32>} : memref<80x128xf32, #tpu.memory_space<vmem>>, vector<16xf32>,
        %sub3A_382 = arith.subf %get3A_378, %get3A_381 : vector<16xf32>
        %mul3A_383 = arith.mulf %sub3A_382, %sub3A_382 : vector<16xf32>
        %add3A_384 = arith.addf %add3A_375, %mul3A_383 : vector<16xf32>
        %add3A_385 = arith.constant 2 : i32
        %add3A_386 = vector.broadcast %add3A_385 : i32 to vector<16xi32>
        %add3A_387 = arith.addi %mul3A_10, %add3A_386 : vector<16xi32>
        tpu.vector_store_idx %arg15[%add3A_387], %add3A_384 : memref<272xf32, #tpu.memory_space<vmem>>[vector<16xi32>], vector<16xf32>,
        %add3A_388 = arith.constant 3 : i32
        %add3A_389 = arith.addi %mul3A_158, %add3A_388 : i32
        %get3A_390 = arith.index_cast %add3A_389 : i32 to index
        %get3A_391 = arith.constant 0 : index
        %get3A_392 = tpu.vector_load %arg9[%get3A_390, %get3A_391] {strides = array<i32>} : memref<80x128xf32, #tpu.memory_space<vmem>>, vector<16xf32>,
        %get3A_393 = arith.index_cast %add3A_389 : i32 to index
        %get3A_394 = arith.constant 0 : index
        %get3A_395 = tpu.vector_load %arg10[%get3A_393, %get3A_394] {strides = array<i32>} : memref<80x128xf32, #tpu.memory_space<vmem>>, vector<16xf32>,
        %sub3A_396 = arith.subf %get3A_392, %get3A_395 : vector<16xf32>
        %mul3A_397 = arith.mulf %sub3A_396, %sub3A_396 : vector<16xf32>
        %add3A_398 = arith.addf %broadcast_in_dim3A_3, %mul3A_397 : vector<16xf32>
        %get3A_399 = arith.index_cast %add3A_389 : i32 to index
        %get3A_400 = arith.constant 16 : index
        %get3A_401 = tpu.vector_load %arg9[%get3A_399, %get3A_400] {strides = array<i32>} : memref<80x128xf32, #tpu.memory_space<vmem>>, vector<16xf32>,
        %get3A_402 = arith.index_cast %add3A_389 : i32 to index
        %get3A_403 = arith.constant 16 : index
        %get3A_404 = tpu.vector_load %arg10[%get3A_402, %get3A_403] {strides = array<i32>} : memref<80x128xf32, #tpu.memory_space<vmem>>, vector<16xf32>,
        %sub3A_405 = arith.subf %get3A_401, %get3A_404 : vector<16xf32>
        %mul3A_406 = arith.mulf %sub3A_405, %sub3A_405 : vector<16xf32>
        %add3A_407 = arith.addf %add3A_398, %mul3A_406 : vector<16xf32>
        %get3A_408 = arith.index_cast %add3A_389 : i32 to index
        %get3A_409 = arith.constant 32 : index
        %get3A_410 = tpu.vector_load %arg9[%get3A_408, %get3A_409] {strides = array<i32>} : memref<80x128xf32, #tpu.memory_space<vmem>>, vector<16xf32>,
        %get3A_411 = arith.index_cast %add3A_389 : i32 to index
        %get3A_412 = arith.constant 32 : index
        %get3A_413 = tpu.vector_load %arg10[%get3A_411, %get3A_412] {strides = array<i32>} : memref<80x128xf32, #tpu.memory_space<vmem>>, vector<16xf32>,
        %sub3A_414 = arith.subf %get3A_410, %get3A_413 : vector<16xf32>
        %mul3A_415 = arith.mulf %sub3A_414, %sub3A_414 : vector<16xf32>
        %add3A_416 = arith.addf %add3A_407, %mul3A_415 : vector<16xf32>
        %get3A_417 = arith.index_cast %add3A_389 : i32 to index
        %get3A_418 = arith.constant 48 : index
        %get3A_419 = tpu.vector_load %arg9[%get3A_417, %get3A_418] {strides = array<i32>} : memref<80x128xf32, #tpu.memory_space<vmem>>, vector<16xf32>,
        %get3A_420 = arith.index_cast %add3A_389 : i32 to index
        %get3A_421 = arith.constant 48 : index
        %get3A_422 = tpu.vector_load %arg10[%get3A_420, %get3A_421] {strides = array<i32>} : memref<80x128xf32, #tpu.memory_space<vmem>>, vector<16xf32>,
        %sub3A_423 = arith.subf %get3A_419, %get3A_422 : vector<16xf32>
        %mul3A_424 = arith.mulf %sub3A_423, %sub3A_423 : vector<16xf32>
        %add3A_425 = arith.addf %add3A_416, %mul3A_424 : vector<16xf32>
        %get3A_426 = arith.index_cast %add3A_389 : i32 to index
        %get3A_427 = arith.constant 64 : index
        %get3A_428 = tpu.vector_load %arg9[%get3A_426, %get3A_427] {strides = array<i32>} : memref<80x128xf32, #tpu.memory_space<vmem>>, vector<16xf32>,
        %get3A_429 = arith.index_cast %add3A_389 : i32 to index
        %get3A_430 = arith.constant 64 : index
        %get3A_431 = tpu.vector_load %arg10[%get3A_429, %get3A_430] {strides = array<i32>} : memref<80x128xf32, #tpu.memory_space<vmem>>, vector<16xf32>,
        %sub3A_432 = arith.subf %get3A_428, %get3A_431 : vector<16xf32>
        %mul3A_433 = arith.mulf %sub3A_432, %sub3A_432 : vector<16xf32>
        %add3A_434 = arith.addf %add3A_425, %mul3A_433 : vector<16xf32>
        %get3A_435 = arith.index_cast %add3A_389 : i32 to index
        %get3A_436 = arith.constant 80 : index
        %get3A_437 = tpu.vector_load %arg9[%get3A_435, %get3A_436] {strides = array<i32>} : memref<80x128xf32, #tpu.memory_space<vmem>>, vector<16xf32>,
        %get3A_438 = arith.index_cast %add3A_389 : i32 to index
        %get3A_439 = arith.constant 80 : index
        %get3A_440 = tpu.vector_load %arg10[%get3A_438, %get3A_439] {strides = array<i32>} : memref<80x128xf32, #tpu.memory_space<vmem>>, vector<16xf32>,
        %sub3A_441 = arith.subf %get3A_437, %get3A_440 : vector<16xf32>
        %mul3A_442 = arith.mulf %sub3A_441, %sub3A_441 : vector<16xf32>
        %add3A_443 = arith.addf %add3A_434, %mul3A_442 : vector<16xf32>
        %get3A_444 = arith.index_cast %add3A_389 : i32 to index
        %get3A_445 = arith.constant 96 : index
        %get3A_446 = tpu.vector_load %arg9[%get3A_444, %get3A_445] {strides = array<i32>} : memref<80x128xf32, #tpu.memory_space<vmem>>, vector<16xf32>,
        %get3A_447 = arith.index_cast %add3A_389 : i32 to index
        %get3A_448 = arith.constant 96 : index
        %get3A_449 = tpu.vector_load %arg10[%get3A_447, %get3A_448] {strides = array<i32>} : memref<80x128xf32, #tpu.memory_space<vmem>>, vector<16xf32>,
        %sub3A_450 = arith.subf %get3A_446, %get3A_449 : vector<16xf32>
        %mul3A_451 = arith.mulf %sub3A_450, %sub3A_450 : vector<16xf32>
        %add3A_452 = arith.addf %add3A_443, %mul3A_451 : vector<16xf32>
        %get3A_453 = arith.index_cast %add3A_389 : i32 to index
        %get3A_454 = arith.constant 112 : index
        %get3A_455 = tpu.vector_load %arg9[%get3A_453, %get3A_454] {strides = array<i32>} : memref<80x128xf32, #tpu.memory_space<vmem>>, vector<16xf32>,
        %get3A_456 = arith.index_cast %add3A_389 : i32 to index
        %get3A_457 = arith.constant 112 : index
        %get3A_458 = tpu.vector_load %arg10[%get3A_456, %get3A_457] {strides = array<i32>} : memref<80x128xf32, #tpu.memory_space<vmem>>, vector<16xf32>,
        %sub3A_459 = arith.subf %get3A_455, %get3A_458 : vector<16xf32>
        %mul3A_460 = arith.mulf %sub3A_459, %sub3A_459 : vector<16xf32>
        %add3A_461 = arith.addf %add3A_452, %mul3A_460 : vector<16xf32>
        %add3A_462 = arith.constant 3 : i32
        %add3A_463 = vector.broadcast %add3A_462 : i32 to vector<16xi32>
        %add3A_464 = arith.addi %mul3A_10, %add3A_463 : vector<16xi32>
        tpu.vector_store_idx %arg15[%add3A_464], %add3A_461 : memref<272xf32, #tpu.memory_space<vmem>>[vector<16xi32>], vector<16xf32>,
        %add3A_465 = arith.constant 4 : i32
        %add3A_466 = arith.addi %mul3A_158, %add3A_465 : i32
        %get3A_467 = arith.index_cast %add3A_466 : i32 to index
        %get3A_468 = arith.constant 0 : index
        %get3A_469 = tpu.vector_load %arg9[%get3A_467, %get3A_468] {strides = array<i32>} : memref<80x128xf32, #tpu.memory_space<vmem>>, vector<16xf32>,
        %get3A_470 = arith.index_cast %add3A_466 : i32 to index
        %get3A_471 = arith.constant 0 : index
        %get3A_472 = tpu.vector_load %arg10[%get3A_470, %get3A_471] {strides = array<i32>} : memref<80x128xf32, #tpu.memory_space<vmem>>, vector<16xf32>,
        %sub3A_473 = arith.subf %get3A_469, %get3A_472 : vector<16xf32>
        %mul3A_474 = arith.mulf %sub3A_473, %sub3A_473 : vector<16xf32>
        %add3A_475 = arith.addf %broadcast_in_dim3A_3, %mul3A_474 : vector<16xf32>
        %get3A_476 = arith.index_cast %add3A_466 : i32 to index
        %get3A_477 = arith.constant 16 : index
        %get3A_478 = tpu.vector_load %arg9[%get3A_476, %get3A_477] {strides = array<i32>} : memref<80x128xf32, #tpu.memory_space<vmem>>, vector<16xf32>,
        %get3A_479 = arith.index_cast %add3A_466 : i32 to index
        %get3A_480 = arith.constant 16 : index
        %get3A_481 = tpu.vector_load %arg10[%get3A_479, %get3A_480] {strides = array<i32>} : memref<80x128xf32, #tpu.memory_space<vmem>>, vector<16xf32>,
        %sub3A_482 = arith.subf %get3A_478, %get3A_481 : vector<16xf32>
        %mul3A_483 = arith.mulf %sub3A_482, %sub3A_482 : vector<16xf32>
        %add3A_484 = arith.addf %add3A_475, %mul3A_483 : vector<16xf32>
        %get3A_485 = arith.index_cast %add3A_466 : i32 to index
        %get3A_486 = arith.constant 32 : index
        %get3A_487 = tpu.vector_load %arg9[%get3A_485, %get3A_486] {strides = array<i32>} : memref<80x128xf32, #tpu.memory_space<vmem>>, vector<16xf32>,
        %get3A_488 = arith.index_cast %add3A_466 : i32 to index
        %get3A_489 = arith.constant 32 : index
        %get3A_490 = tpu.vector_load %arg10[%get3A_488, %get3A_489] {strides = array<i32>} : memref<80x128xf32, #tpu.memory_space<vmem>>, vector<16xf32>,
        %sub3A_491 = arith.subf %get3A_487, %get3A_490 : vector<16xf32>
        %mul3A_492 = arith.mulf %sub3A_491, %sub3A_491 : vector<16xf32>
        %add3A_493 = arith.addf %add3A_484, %mul3A_492 : vector<16xf32>
        %get3A_494 = arith.index_cast %add3A_466 : i32 to index
        %get3A_495 = arith.constant 48 : index
        %get3A_496 = tpu.vector_load %arg9[%get3A_494, %get3A_495] {strides = array<i32>} : memref<80x128xf32, #tpu.memory_space<vmem>>, vector<16xf32>,
        %get3A_497 = arith.index_cast %add3A_466 : i32 to index
        %get3A_498 = arith.constant 48 : index
        %get3A_499 = tpu.vector_load %arg10[%get3A_497, %get3A_498] {strides = array<i32>} : memref<80x128xf32, #tpu.memory_space<vmem>>, vector<16xf32>,
        %sub3A_500 = arith.subf %get3A_496, %get3A_499 : vector<16xf32>
        %mul3A_501 = arith.mulf %sub3A_500, %sub3A_500 : vector<16xf32>
        %add3A_502 = arith.addf %add3A_493, %mul3A_501 : vector<16xf32>
        %get3A_503 = arith.index_cast %add3A_466 : i32 to index
        %get3A_504 = arith.constant 64 : index
        %get3A_505 = tpu.vector_load %arg9[%get3A_503, %get3A_504] {strides = array<i32>} : memref<80x128xf32, #tpu.memory_space<vmem>>, vector<16xf32>,
        %get3A_506 = arith.index_cast %add3A_466 : i32 to index
        %get3A_507 = arith.constant 64 : index
        %get3A_508 = tpu.vector_load %arg10[%get3A_506, %get3A_507] {strides = array<i32>} : memref<80x128xf32, #tpu.memory_space<vmem>>, vector<16xf32>,
        %sub3A_509 = arith.subf %get3A_505, %get3A_508 : vector<16xf32>
        %mul3A_510 = arith.mulf %sub3A_509, %sub3A_509 : vector<16xf32>
        %add3A_511 = arith.addf %add3A_502, %mul3A_510 : vector<16xf32>
        %get3A_512 = arith.index_cast %add3A_466 : i32 to index
        %get3A_513 = arith.constant 80 : index
        %get3A_514 = tpu.vector_load %arg9[%get3A_512, %get3A_513] {strides = array<i32>} : memref<80x128xf32, #tpu.memory_space<vmem>>, vector<16xf32>,
        %get3A_515 = arith.index_cast %add3A_466 : i32 to index
        %get3A_516 = arith.constant 80 : index
        %get3A_517 = tpu.vector_load %arg10[%get3A_515, %get3A_516] {strides = array<i32>} : memref<80x128xf32, #tpu.memory_space<vmem>>, vector<16xf32>,
        %sub3A_518 = arith.subf %get3A_514, %get3A_517 : vector<16xf32>
        %mul3A_519 = arith.mulf %sub3A_518, %sub3A_518 : vector<16xf32>
        %add3A_520 = arith.addf %add3A_511, %mul3A_519 : vector<16xf32>
        %get3A_521 = arith.index_cast %add3A_466 : i32 to index
        %get3A_522 = arith.constant 96 : index
        %get3A_523 = tpu.vector_load %arg9[%get3A_521, %get3A_522] {strides = array<i32>} : memref<80x128xf32, #tpu.memory_space<vmem>>, vector<16xf32>,
        %get3A_524 = arith.index_cast %add3A_466 : i32 to index
        %get3A_525 = arith.constant 96 : index
        %get3A_526 = tpu.vector_load %arg10[%get3A_524, %get3A_525] {strides = array<i32>} : memref<80x128xf32, #tpu.memory_space<vmem>>, vector<16xf32>,
        %sub3A_527 = arith.subf %get3A_523, %get3A_526 : vector<16xf32>
        %mul3A_528 = arith.mulf %sub3A_527, %sub3A_527 : vector<16xf32>
        %add3A_529 = arith.addf %add3A_520, %mul3A_528 : vector<16xf32>
        %get3A_530 = arith.index_cast %add3A_466 : i32 to index
        %get3A_531 = arith.constant 112 : index
        %get3A_532 = tpu.vector_load %arg9[%get3A_530, %get3A_531] {strides = array<i32>} : memref<80x128xf32, #tpu.memory_space<vmem>>, vector<16xf32>,
        %get3A_533 = arith.index_cast %add3A_466 : i32 to index
        %get3A_534 = arith.constant 112 : index
        %get3A_535 = tpu.vector_load %arg10[%get3A_533, %get3A_534] {strides = array<i32>} : memref<80x128xf32, #tpu.memory_space<vmem>>, vector<16xf32>,
        %sub3A_536 = arith.subf %get3A_532, %get3A_535 : vector<16xf32>
        %mul3A_537 = arith.mulf %sub3A_536, %sub3A_536 : vector<16xf32>
        %add3A_538 = arith.addf %add3A_529, %mul3A_537 : vector<16xf32>
        %add3A_539 = arith.constant 4 : i32
        %add3A_540 = vector.broadcast %add3A_539 : i32 to vector<16xi32>
        %add3A_541 = arith.addi %mul3A_10, %add3A_540 : vector<16xi32>
        tpu.vector_store_idx %arg15[%add3A_541], %add3A_538 : memref<272xf32, #tpu.memory_space<vmem>>[vector<16xi32>], vector<16xf32>,
        %add3A_542 = arith.constant 5 : i32
        %add3A_543 = arith.addi %mul3A_158, %add3A_542 : i32
        %get3A_544 = arith.index_cast %add3A_543 : i32 to index
        %get3A_545 = arith.constant 0 : index
        %get3A_546 = tpu.vector_load %arg9[%get3A_544, %get3A_545] {strides = array<i32>} : memref<80x128xf32, #tpu.memory_space<vmem>>, vector<16xf32>,
        %get3A_547 = arith.index_cast %add3A_543 : i32 to index
        %get3A_548 = arith.constant 0 : index
        %get3A_549 = tpu.vector_load %arg10[%get3A_547, %get3A_548] {strides = array<i32>} : memref<80x128xf32, #tpu.memory_space<vmem>>, vector<16xf32>,
        %sub3A_550 = arith.subf %get3A_546, %get3A_549 : vector<16xf32>
        %mul3A_551 = arith.mulf %sub3A_550, %sub3A_550 : vector<16xf32>
        %add3A_552 = arith.addf %broadcast_in_dim3A_3, %mul3A_551 : vector<16xf32>
        %get3A_553 = arith.index_cast %add3A_543 : i32 to index
        %get3A_554 = arith.constant 16 : index
        %get3A_555 = tpu.vector_load %arg9[%get3A_553, %get3A_554] {strides = array<i32>} : memref<80x128xf32, #tpu.memory_space<vmem>>, vector<16xf32>,
        %get3A_556 = arith.index_cast %add3A_543 : i32 to index
        %get3A_557 = arith.constant 16 : index
        %get3A_558 = tpu.vector_load %arg10[%get3A_556, %get3A_557] {strides = array<i32>} : memref<80x128xf32, #tpu.memory_space<vmem>>, vector<16xf32>,
        %sub3A_559 = arith.subf %get3A_555, %get3A_558 : vector<16xf32>
        %mul3A_560 = arith.mulf %sub3A_559, %sub3A_559 : vector<16xf32>
        %add3A_561 = arith.addf %add3A_552, %mul3A_560 : vector<16xf32>
        %get3A_562 = arith.index_cast %add3A_543 : i32 to index
        %get3A_563 = arith.constant 32 : index
        %get3A_564 = tpu.vector_load %arg9[%get3A_562, %get3A_563] {strides = array<i32>} : memref<80x128xf32, #tpu.memory_space<vmem>>, vector<16xf32>,
        %get3A_565 = arith.index_cast %add3A_543 : i32 to index
        %get3A_566 = arith.constant 32 : index
        %get3A_567 = tpu.vector_load %arg10[%get3A_565, %get3A_566] {strides = array<i32>} : memref<80x128xf32, #tpu.memory_space<vmem>>, vector<16xf32>,
        %sub3A_568 = arith.subf %get3A_564, %get3A_567 : vector<16xf32>
        %mul3A_569 = arith.mulf %sub3A_568, %sub3A_568 : vector<16xf32>
        %add3A_570 = arith.addf %add3A_561, %mul3A_569 : vector<16xf32>
        %get3A_571 = arith.index_cast %add3A_543 : i32 to index
        %get3A_572 = arith.constant 48 : index
        %get3A_573 = tpu.vector_load %arg9[%get3A_571, %get3A_572] {strides = array<i32>} : memref<80x128xf32, #tpu.memory_space<vmem>>, vector<16xf32>,
        %get3A_574 = arith.index_cast %add3A_543 : i32 to index
        %get3A_575 = arith.constant 48 : index
        %get3A_576 = tpu.vector_load %arg10[%get3A_574, %get3A_575] {strides = array<i32>} : memref<80x128xf32, #tpu.memory_space<vmem>>, vector<16xf32>,
        %sub3A_577 = arith.subf %get3A_573, %get3A_576 : vector<16xf32>
        %mul3A_578 = arith.mulf %sub3A_577, %sub3A_577 : vector<16xf32>
        %add3A_579 = arith.addf %add3A_570, %mul3A_578 : vector<16xf32>
        %get3A_580 = arith.index_cast %add3A_543 : i32 to index
        %get3A_581 = arith.constant 64 : index
        %get3A_582 = tpu.vector_load %arg9[%get3A_580, %get3A_581] {strides = array<i32>} : memref<80x128xf32, #tpu.memory_space<vmem>>, vector<16xf32>,
        %get3A_583 = arith.index_cast %add3A_543 : i32 to index
        %get3A_584 = arith.constant 64 : index
        %get3A_585 = tpu.vector_load %arg10[%get3A_583, %get3A_584] {strides = array<i32>} : memref<80x128xf32, #tpu.memory_space<vmem>>, vector<16xf32>,
        %sub3A_586 = arith.subf %get3A_582, %get3A_585 : vector<16xf32>
        %mul3A_587 = arith.mulf %sub3A_586, %sub3A_586 : vector<16xf32>
        %add3A_588 = arith.addf %add3A_579, %mul3A_587 : vector<16xf32>
        %get3A_589 = arith.index_cast %add3A_543 : i32 to index
        %get3A_590 = arith.constant 80 : index
        %get3A_591 = tpu.vector_load %arg9[%get3A_589, %get3A_590] {strides = array<i32>} : memref<80x128xf32, #tpu.memory_space<vmem>>, vector<16xf32>,
        %get3A_592 = arith.index_cast %add3A_543 : i32 to index
        %get3A_593 = arith.constant 80 : index
        %get3A_594 = tpu.vector_load %arg10[%get3A_592, %get3A_593] {strides = array<i32>} : memref<80x128xf32, #tpu.memory_space<vmem>>, vector<16xf32>,
        %sub3A_595 = arith.subf %get3A_591, %get3A_594 : vector<16xf32>
        %mul3A_596 = arith.mulf %sub3A_595, %sub3A_595 : vector<16xf32>
        %add3A_597 = arith.addf %add3A_588, %mul3A_596 : vector<16xf32>
        %get3A_598 = arith.index_cast %add3A_543 : i32 to index
        %get3A_599 = arith.constant 96 : index
        %get3A_600 = tpu.vector_load %arg9[%get3A_598, %get3A_599] {strides = array<i32>} : memref<80x128xf32, #tpu.memory_space<vmem>>, vector<16xf32>,
        %get3A_601 = arith.index_cast %add3A_543 : i32 to index
        %get3A_602 = arith.constant 96 : index
        %get3A_603 = tpu.vector_load %arg10[%get3A_601, %get3A_602] {strides = array<i32>} : memref<80x128xf32, #tpu.memory_space<vmem>>, vector<16xf32>,
        %sub3A_604 = arith.subf %get3A_600, %get3A_603 : vector<16xf32>
        %mul3A_605 = arith.mulf %sub3A_604, %sub3A_604 : vector<16xf32>
        %add3A_606 = arith.addf %add3A_597, %mul3A_605 : vector<16xf32>
        %get3A_607 = arith.index_cast %add3A_543 : i32 to index
        %get3A_608 = arith.constant 112 : index
        %get3A_609 = tpu.vector_load %arg9[%get3A_607, %get3A_608] {strides = array<i32>} : memref<80x128xf32, #tpu.memory_space<vmem>>, vector<16xf32>,
        %get3A_610 = arith.index_cast %add3A_543 : i32 to index
        %get3A_611 = arith.constant 112 : index
        %get3A_612 = tpu.vector_load %arg10[%get3A_610, %get3A_611] {strides = array<i32>} : memref<80x128xf32, #tpu.memory_space<vmem>>, vector<16xf32>,
        %sub3A_613 = arith.subf %get3A_609, %get3A_612 : vector<16xf32>
        %mul3A_614 = arith.mulf %sub3A_613, %sub3A_613 : vector<16xf32>
        %add3A_615 = arith.addf %add3A_606, %mul3A_614 : vector<16xf32>
        %add3A_616 = arith.constant 5 : i32
        %add3A_617 = vector.broadcast %add3A_616 : i32 to vector<16xi32>
        %add3A_618 = arith.addi %mul3A_10, %add3A_617 : vector<16xi32>
        tpu.vector_store_idx %arg15[%add3A_618], %add3A_615 : memref<272xf32, #tpu.memory_space<vmem>>[vector<16xi32>], vector<16xf32>,
        %add3A_619 = arith.constant 6 : i32
        %add3A_620 = arith.addi %mul3A_158, %add3A_619 : i32
        %get3A_621 = arith.index_cast %add3A_620 : i32 to index
        %get3A_622 = arith.constant 0 : index
        %get3A_623 = tpu.vector_load %arg9[%get3A_621, %get3A_622] {strides = array<i32>} : memref<80x128xf32, #tpu.memory_space<vmem>>, vector<16xf32>,
        %get3A_624 = arith.index_cast %add3A_620 : i32 to index
        %get3A_625 = arith.constant 0 : index
        %get3A_626 = tpu.vector_load %arg10[%get3A_624, %get3A_625] {strides = array<i32>} : memref<80x128xf32, #tpu.memory_space<vmem>>, vector<16xf32>,
        %sub3A_627 = arith.subf %get3A_623, %get3A_626 : vector<16xf32>
        %mul3A_628 = arith.mulf %sub3A_627, %sub3A_627 : vector<16xf32>
        %add3A_629 = arith.addf %broadcast_in_dim3A_3, %mul3A_628 : vector<16xf32>
        %get3A_630 = arith.index_cast %add3A_620 : i32 to index
        %get3A_631 = arith.constant 16 : index
        %get3A_632 = tpu.vector_load %arg9[%get3A_630, %get3A_631] {strides = array<i32>} : memref<80x128xf32, #tpu.memory_space<vmem>>, vector<16xf32>,
        %get3A_633 = arith.index_cast %add3A_620 : i32 to index
        %get3A_634 = arith.constant 16 : index
        %get3A_635 = tpu.vector_load %arg10[%get3A_633, %get3A_634] {strides = array<i32>} : memref<80x128xf32, #tpu.memory_space<vmem>>, vector<16xf32>,
        %sub3A_636 = arith.subf %get3A_632, %get3A_635 : vector<16xf32>
        %mul3A_637 = arith.mulf %sub3A_636, %sub3A_636 : vector<16xf32>
        %add3A_638 = arith.addf %add3A_629, %mul3A_637 : vector<16xf32>
        %get3A_639 = arith.index_cast %add3A_620 : i32 to index
        %get3A_640 = arith.constant 32 : index
        %get3A_641 = tpu.vector_load %arg9[%get3A_639, %get3A_640] {strides = array<i32>} : memref<80x128xf32, #tpu.memory_space<vmem>>, vector<16xf32>,
        %get3A_642 = arith.index_cast %add3A_620 : i32 to index
        %get3A_643 = arith.constant 32 : index
        %get3A_644 = tpu.vector_load %arg10[%get3A_642, %get3A_643] {strides = array<i32>} : memref<80x128xf32, #tpu.memory_space<vmem>>, vector<16xf32>,
        %sub3A_645 = arith.subf %get3A_641, %get3A_644 : vector<16xf32>
        %mul3A_646 = arith.mulf %sub3A_645, %sub3A_645 : vector<16xf32>
        %add3A_647 = arith.addf %add3A_638, %mul3A_646 : vector<16xf32>
        %get3A_648 = arith.index_cast %add3A_620 : i32 to index
        %get3A_649 = arith.constant 48 : index
        %get3A_650 = tpu.vector_load %arg9[%get3A_648, %get3A_649] {strides = array<i32>} : memref<80x128xf32, #tpu.memory_space<vmem>>, vector<16xf32>,
        %get3A_651 = arith.index_cast %add3A_620 : i32 to index
        %get3A_652 = arith.constant 48 : index
        %get3A_653 = tpu.vector_load %arg10[%get3A_651, %get3A_652] {strides = array<i32>} : memref<80x128xf32, #tpu.memory_space<vmem>>, vector<16xf32>,
        %sub3A_654 = arith.subf %get3A_650, %get3A_653 : vector<16xf32>
        %mul3A_655 = arith.mulf %sub3A_654, %sub3A_654 : vector<16xf32>
        %add3A_656 = arith.addf %add3A_647, %mul3A_655 : vector<16xf32>
        %get3A_657 = arith.index_cast %add3A_620 : i32 to index
        %get3A_658 = arith.constant 64 : index
        %get3A_659 = tpu.vector_load %arg9[%get3A_657, %get3A_658] {strides = array<i32>} : memref<80x128xf32, #tpu.memory_space<vmem>>, vector<16xf32>,
        %get3A_660 = arith.index_cast %add3A_620 : i32 to index
        %get3A_661 = arith.constant 64 : index
        %get3A_662 = tpu.vector_load %arg10[%get3A_660, %get3A_661] {strides = array<i32>} : memref<80x128xf32, #tpu.memory_space<vmem>>, vector<16xf32>,
        %sub3A_663 = arith.subf %get3A_659, %get3A_662 : vector<16xf32>
        %mul3A_664 = arith.mulf %sub3A_663, %sub3A_663 : vector<16xf32>
        %add3A_665 = arith.addf %add3A_656, %mul3A_664 : vector<16xf32>
        %get3A_666 = arith.index_cast %add3A_620 : i32 to index
        %get3A_667 = arith.constant 80 : index
        %get3A_668 = tpu.vector_load %arg9[%get3A_666, %get3A_667] {strides = array<i32>} : memref<80x128xf32, #tpu.memory_space<vmem>>, vector<16xf32>,
        %get3A_669 = arith.index_cast %add3A_620 : i32 to index
        %get3A_670 = arith.constant 80 : index
        %get3A_671 = tpu.vector_load %arg10[%get3A_669, %get3A_670] {strides = array<i32>} : memref<80x128xf32, #tpu.memory_space<vmem>>, vector<16xf32>,
        %sub3A_672 = arith.subf %get3A_668, %get3A_671 : vector<16xf32>
        %mul3A_673 = arith.mulf %sub3A_672, %sub3A_672 : vector<16xf32>
        %add3A_674 = arith.addf %add3A_665, %mul3A_673 : vector<16xf32>
        %get3A_675 = arith.index_cast %add3A_620 : i32 to index
        %get3A_676 = arith.constant 96 : index
        %get3A_677 = tpu.vector_load %arg9[%get3A_675, %get3A_676] {strides = array<i32>} : memref<80x128xf32, #tpu.memory_space<vmem>>, vector<16xf32>,
        %get3A_678 = arith.index_cast %add3A_620 : i32 to index
        %get3A_679 = arith.constant 96 : index
        %get3A_680 = tpu.vector_load %arg10[%get3A_678, %get3A_679] {strides = array<i32>} : memref<80x128xf32, #tpu.memory_space<vmem>>, vector<16xf32>,
        %sub3A_681 = arith.subf %get3A_677, %get3A_680 : vector<16xf32>
        %mul3A_682 = arith.mulf %sub3A_681, %sub3A_681 : vector<16xf32>
        %add3A_683 = arith.addf %add3A_674, %mul3A_682 : vector<16xf32>
        %get3A_684 = arith.index_cast %add3A_620 : i32 to index
        %get3A_685 = arith.constant 112 : index
        %get3A_686 = tpu.vector_load %arg9[%get3A_684, %get3A_685] {strides = array<i32>} : memref<80x128xf32, #tpu.memory_space<vmem>>, vector<16xf32>,
        %get3A_687 = arith.index_cast %add3A_620 : i32 to index
        %get3A_688 = arith.constant 112 : index
        %get3A_689 = tpu.vector_load %arg10[%get3A_687, %get3A_688] {strides = array<i32>} : memref<80x128xf32, #tpu.memory_space<vmem>>, vector<16xf32>,
        %sub3A_690 = arith.subf %get3A_686, %get3A_689 : vector<16xf32>
        %mul3A_691 = arith.mulf %sub3A_690, %sub3A_690 : vector<16xf32>
        %add3A_692 = arith.addf %add3A_683, %mul3A_691 : vector<16xf32>
        %add3A_693 = arith.constant 6 : i32
        %add3A_694 = vector.broadcast %add3A_693 : i32 to vector<16xi32>
        %add3A_695 = arith.addi %mul3A_10, %add3A_694 : vector<16xi32>
        tpu.vector_store_idx %arg15[%add3A_695], %add3A_692 : memref<272xf32, #tpu.memory_space<vmem>>[vector<16xi32>], vector<16xf32>,
        %add3A_696 = arith.constant 7 : i32
        %add3A_697 = arith.addi %mul3A_158, %add3A_696 : i32
        %get3A_698 = arith.index_cast %add3A_697 : i32 to index
        %get3A_699 = arith.constant 0 : index
        %get3A_700 = tpu.vector_load %arg9[%get3A_698, %get3A_699] {strides = array<i32>} : memref<80x128xf32, #tpu.memory_space<vmem>>, vector<16xf32>,
        %get3A_701 = arith.index_cast %add3A_697 : i32 to index
        %get3A_702 = arith.constant 0 : index
        %get3A_703 = tpu.vector_load %arg10[%get3A_701, %get3A_702] {strides = array<i32>} : memref<80x128xf32, #tpu.memory_space<vmem>>, vector<16xf32>,
        %sub3A_704 = arith.subf %get3A_700, %get3A_703 : vector<16xf32>
        %mul3A_705 = arith.mulf %sub3A_704, %sub3A_704 : vector<16xf32>
        %add3A_706 = arith.addf %broadcast_in_dim3A_3, %mul3A_705 : vector<16xf32>
        %get3A_707 = arith.index_cast %add3A_697 : i32 to index
        %get3A_708 = arith.constant 16 : index
        %get3A_709 = tpu.vector_load %arg9[%get3A_707, %get3A_708] {strides = array<i32>} : memref<80x128xf32, #tpu.memory_space<vmem>>, vector<16xf32>,
        %get3A_710 = arith.index_cast %add3A_697 : i32 to index
        %get3A_711 = arith.constant 16 : index
        %get3A_712 = tpu.vector_load %arg10[%get3A_710, %get3A_711] {strides = array<i32>} : memref<80x128xf32, #tpu.memory_space<vmem>>, vector<16xf32>,
        %sub3A_713 = arith.subf %get3A_709, %get3A_712 : vector<16xf32>
        %mul3A_714 = arith.mulf %sub3A_713, %sub3A_713 : vector<16xf32>
        %add3A_715 = arith.addf %add3A_706, %mul3A_714 : vector<16xf32>
        %get3A_716 = arith.index_cast %add3A_697 : i32 to index
        %get3A_717 = arith.constant 32 : index
        %get3A_718 = tpu.vector_load %arg9[%get3A_716, %get3A_717] {strides = array<i32>} : memref<80x128xf32, #tpu.memory_space<vmem>>, vector<16xf32>,
        %get3A_719 = arith.index_cast %add3A_697 : i32 to index
        %get3A_720 = arith.constant 32 : index
        %get3A_721 = tpu.vector_load %arg10[%get3A_719, %get3A_720] {strides = array<i32>} : memref<80x128xf32, #tpu.memory_space<vmem>>, vector<16xf32>,
        %sub3A_722 = arith.subf %get3A_718, %get3A_721 : vector<16xf32>
        %mul3A_723 = arith.mulf %sub3A_722, %sub3A_722 : vector<16xf32>
        %add3A_724 = arith.addf %add3A_715, %mul3A_723 : vector<16xf32>
        %get3A_725 = arith.index_cast %add3A_697 : i32 to index
        %get3A_726 = arith.constant 48 : index
        %get3A_727 = tpu.vector_load %arg9[%get3A_725, %get3A_726] {strides = array<i32>} : memref<80x128xf32, #tpu.memory_space<vmem>>, vector<16xf32>,
        %get3A_728 = arith.index_cast %add3A_697 : i32 to index
        %get3A_729 = arith.constant 48 : index
        %get3A_730 = tpu.vector_load %arg10[%get3A_728, %get3A_729] {strides = array<i32>} : memref<80x128xf32, #tpu.memory_space<vmem>>, vector<16xf32>,
        %sub3A_731 = arith.subf %get3A_727, %get3A_730 : vector<16xf32>
        %mul3A_732 = arith.mulf %sub3A_731, %sub3A_731 : vector<16xf32>
        %add3A_733 = arith.addf %add3A_724, %mul3A_732 : vector<16xf32>
        %get3A_734 = arith.index_cast %add3A_697 : i32 to index
        %get3A_735 = arith.constant 64 : index
        %get3A_736 = tpu.vector_load %arg9[%get3A_734, %get3A_735] {strides = array<i32>} : memref<80x128xf32, #tpu.memory_space<vmem>>, vector<16xf32>,
        %get3A_737 = arith.index_cast %add3A_697 : i32 to index
        %get3A_738 = arith.constant 64 : index
        %get3A_739 = tpu.vector_load %arg10[%get3A_737, %get3A_738] {strides = array<i32>} : memref<80x128xf32, #tpu.memory_space<vmem>>, vector<16xf32>,
        %sub3A_740 = arith.subf %get3A_736, %get3A_739 : vector<16xf32>
        %mul3A_741 = arith.mulf %sub3A_740, %sub3A_740 : vector<16xf32>
        %add3A_742 = arith.addf %add3A_733, %mul3A_741 : vector<16xf32>
        %get3A_743 = arith.index_cast %add3A_697 : i32 to index
        %get3A_744 = arith.constant 80 : index
        %get3A_745 = tpu.vector_load %arg9[%get3A_743, %get3A_744] {strides = array<i32>} : memref<80x128xf32, #tpu.memory_space<vmem>>, vector<16xf32>,
        %get3A_746 = arith.index_cast %add3A_697 : i32 to index
        %get3A_747 = arith.constant 80 : index
        %get3A_748 = tpu.vector_load %arg10[%get3A_746, %get3A_747] {strides = array<i32>} : memref<80x128xf32, #tpu.memory_space<vmem>>, vector<16xf32>,
        %sub3A_749 = arith.subf %get3A_745, %get3A_748 : vector<16xf32>
        %mul3A_750 = arith.mulf %sub3A_749, %sub3A_749 : vector<16xf32>
        %add3A_751 = arith.addf %add3A_742, %mul3A_750 : vector<16xf32>
        %get3A_752 = arith.index_cast %add3A_697 : i32 to index
        %get3A_753 = arith.constant 96 : index
        %get3A_754 = tpu.vector_load %arg9[%get3A_752, %get3A_753] {strides = array<i32>} : memref<80x128xf32, #tpu.memory_space<vmem>>, vector<16xf32>,
        %get3A_755 = arith.index_cast %add3A_697 : i32 to index
        %get3A_756 = arith.constant 96 : index
        %get3A_757 = tpu.vector_load %arg10[%get3A_755, %get3A_756] {strides = array<i32>} : memref<80x128xf32, #tpu.memory_space<vmem>>, vector<16xf32>,
        %sub3A_758 = arith.subf %get3A_754, %get3A_757 : vector<16xf32>
        %mul3A_759 = arith.mulf %sub3A_758, %sub3A_758 : vector<16xf32>
        %add3A_760 = arith.addf %add3A_751, %mul3A_759 : vector<16xf32>
        %get3A_761 = arith.index_cast %add3A_697 : i32 to index
        %get3A_762 = arith.constant 112 : index
        %get3A_763 = tpu.vector_load %arg9[%get3A_761, %get3A_762] {strides = array<i32>} : memref<80x128xf32, #tpu.memory_space<vmem>>, vector<16xf32>,
        %get3A_764 = arith.index_cast %add3A_697 : i32 to index
        %get3A_765 = arith.constant 112 : index
        %get3A_766 = tpu.vector_load %arg10[%get3A_764, %get3A_765] {strides = array<i32>} : memref<80x128xf32, #tpu.memory_space<vmem>>, vector<16xf32>,
        %sub3A_767 = arith.subf %get3A_763, %get3A_766 : vector<16xf32>
        %mul3A_768 = arith.mulf %sub3A_767, %sub3A_767 : vector<16xf32>
        %add3A_769 = arith.addf %add3A_760, %mul3A_768 : vector<16xf32>
        %add3A_770 = arith.constant 7 : i32
        %add3A_771 = vector.broadcast %add3A_770 : i32 to vector<16xi32>
        %add3A_772 = arith.addi %mul3A_10, %add3A_771 : vector<16xi32>
        tpu.vector_store_idx %arg15[%add3A_772], %add3A_769 : memref<272xf32, #tpu.memory_space<vmem>>[vector<16xi32>], vector<16xf32>,
        %add3A_773 = arith.constant 8 : i32
        %add3A_774 = arith.addi %mul3A_158, %add3A_773 : i32
        %get3A_775 = arith.index_cast %add3A_774 : i32 to index
        %get3A_776 = arith.constant 0 : index
        %get3A_777 = tpu.vector_load %arg9[%get3A_775, %get3A_776] {strides = array<i32>} : memref<80x128xf32, #tpu.memory_space<vmem>>, vector<16xf32>,
        %get3A_778 = arith.index_cast %add3A_774 : i32 to index
        %get3A_779 = arith.constant 0 : index
        %get3A_780 = tpu.vector_load %arg10[%get3A_778, %get3A_779] {strides = array<i32>} : memref<80x128xf32, #tpu.memory_space<vmem>>, vector<16xf32>,
        %sub3A_781 = arith.subf %get3A_777, %get3A_780 : vector<16xf32>
        %mul3A_782 = arith.mulf %sub3A_781, %sub3A_781 : vector<16xf32>
        %add3A_783 = arith.addf %broadcast_in_dim3A_3, %mul3A_782 : vector<16xf32>
        %get3A_784 = arith.index_cast %add3A_774 : i32 to index
        %get3A_785 = arith.constant 16 : index
        %get3A_786 = tpu.vector_load %arg9[%get3A_784, %get3A_785] {strides = array<i32>} : memref<80x128xf32, #tpu.memory_space<vmem>>, vector<16xf32>,
        %get3A_787 = arith.index_cast %add3A_774 : i32 to index
        %get3A_788 = arith.constant 16 : index
        %get3A_789 = tpu.vector_load %arg10[%get3A_787, %get3A_788] {strides = array<i32>} : memref<80x128xf32, #tpu.memory_space<vmem>>, vector<16xf32>,
        %sub3A_790 = arith.subf %get3A_786, %get3A_789 : vector<16xf32>
        %mul3A_791 = arith.mulf %sub3A_790, %sub3A_790 : vector<16xf32>
        %add3A_792 = arith.addf %add3A_783, %mul3A_791 : vector<16xf32>
        %get3A_793 = arith.index_cast %add3A_774 : i32 to index
        %get3A_794 = arith.constant 32 : index
        %get3A_795 = tpu.vector_load %arg9[%get3A_793, %get3A_794] {strides = array<i32>} : memref<80x128xf32, #tpu.memory_space<vmem>>, vector<16xf32>,
        %get3A_796 = arith.index_cast %add3A_774 : i32 to index
        %get3A_797 = arith.constant 32 : index
        %get3A_798 = tpu.vector_load %arg10[%get3A_796, %get3A_797] {strides = array<i32>} : memref<80x128xf32, #tpu.memory_space<vmem>>, vector<16xf32>,
        %sub3A_799 = arith.subf %get3A_795, %get3A_798 : vector<16xf32>
        %mul3A_800 = arith.mulf %sub3A_799, %sub3A_799 : vector<16xf32>
        %add3A_801 = arith.addf %add3A_792, %mul3A_800 : vector<16xf32>
        %get3A_802 = arith.index_cast %add3A_774 : i32 to index
        %get3A_803 = arith.constant 48 : index
        %get3A_804 = tpu.vector_load %arg9[%get3A_802, %get3A_803] {strides = array<i32>} : memref<80x128xf32, #tpu.memory_space<vmem>>, vector<16xf32>,
        %get3A_805 = arith.index_cast %add3A_774 : i32 to index
        %get3A_806 = arith.constant 48 : index
        %get3A_807 = tpu.vector_load %arg10[%get3A_805, %get3A_806] {strides = array<i32>} : memref<80x128xf32, #tpu.memory_space<vmem>>, vector<16xf32>,
        %sub3A_808 = arith.subf %get3A_804, %get3A_807 : vector<16xf32>
        %mul3A_809 = arith.mulf %sub3A_808, %sub3A_808 : vector<16xf32>
        %add3A_810 = arith.addf %add3A_801, %mul3A_809 : vector<16xf32>
        %get3A_811 = arith.index_cast %add3A_774 : i32 to index
        %get3A_812 = arith.constant 64 : index
        %get3A_813 = tpu.vector_load %arg9[%get3A_811, %get3A_812] {strides = array<i32>} : memref<80x128xf32, #tpu.memory_space<vmem>>, vector<16xf32>,
        %get3A_814 = arith.index_cast %add3A_774 : i32 to index
        %get3A_815 = arith.constant 64 : index
        %get3A_816 = tpu.vector_load %arg10[%get3A_814, %get3A_815] {strides = array<i32>} : memref<80x128xf32, #tpu.memory_space<vmem>>, vector<16xf32>,
        %sub3A_817 = arith.subf %get3A_813, %get3A_816 : vector<16xf32>
        %mul3A_818 = arith.mulf %sub3A_817, %sub3A_817 : vector<16xf32>
        %add3A_819 = arith.addf %add3A_810, %mul3A_818 : vector<16xf32>
        %get3A_820 = arith.index_cast %add3A_774 : i32 to index
        %get3A_821 = arith.constant 80 : index
        %get3A_822 = tpu.vector_load %arg9[%get3A_820, %get3A_821] {strides = array<i32>} : memref<80x128xf32, #tpu.memory_space<vmem>>, vector<16xf32>,
        %get3A_823 = arith.index_cast %add3A_774 : i32 to index
        %get3A_824 = arith.constant 80 : index
        %get3A_825 = tpu.vector_load %arg10[%get3A_823, %get3A_824] {strides = array<i32>} : memref<80x128xf32, #tpu.memory_space<vmem>>, vector<16xf32>,
        %sub3A_826 = arith.subf %get3A_822, %get3A_825 : vector<16xf32>
        %mul3A_827 = arith.mulf %sub3A_826, %sub3A_826 : vector<16xf32>
        %add3A_828 = arith.addf %add3A_819, %mul3A_827 : vector<16xf32>
        %get3A_829 = arith.index_cast %add3A_774 : i32 to index
        %get3A_830 = arith.constant 96 : index
        %get3A_831 = tpu.vector_load %arg9[%get3A_829, %get3A_830] {strides = array<i32>} : memref<80x128xf32, #tpu.memory_space<vmem>>, vector<16xf32>,
        %get3A_832 = arith.index_cast %add3A_774 : i32 to index
        %get3A_833 = arith.constant 96 : index
        %get3A_834 = tpu.vector_load %arg10[%get3A_832, %get3A_833] {strides = array<i32>} : memref<80x128xf32, #tpu.memory_space<vmem>>, vector<16xf32>,
        %sub3A_835 = arith.subf %get3A_831, %get3A_834 : vector<16xf32>
        %mul3A_836 = arith.mulf %sub3A_835, %sub3A_835 : vector<16xf32>
        %add3A_837 = arith.addf %add3A_828, %mul3A_836 : vector<16xf32>
        %get3A_838 = arith.index_cast %add3A_774 : i32 to index
        %get3A_839 = arith.constant 112 : index
        %get3A_840 = tpu.vector_load %arg9[%get3A_838, %get3A_839] {strides = array<i32>} : memref<80x128xf32, #tpu.memory_space<vmem>>, vector<16xf32>,
        %get3A_841 = arith.index_cast %add3A_774 : i32 to index
        %get3A_842 = arith.constant 112 : index
        %get3A_843 = tpu.vector_load %arg10[%get3A_841, %get3A_842] {strides = array<i32>} : memref<80x128xf32, #tpu.memory_space<vmem>>, vector<16xf32>,
        %sub3A_844 = arith.subf %get3A_840, %get3A_843 : vector<16xf32>
        %mul3A_845 = arith.mulf %sub3A_844, %sub3A_844 : vector<16xf32>
        %add3A_846 = arith.addf %add3A_837, %mul3A_845 : vector<16xf32>
        %add3A_847 = arith.constant 8 : i32
        %add3A_848 = vector.broadcast %add3A_847 : i32 to vector<16xi32>
        %add3A_849 = arith.addi %mul3A_10, %add3A_848 : vector<16xi32>
        tpu.vector_store_idx %arg15[%add3A_849], %add3A_846 : memref<272xf32, #tpu.memory_space<vmem>>[vector<16xi32>], vector<16xf32>,
        %add3A_850 = arith.constant 9 : i32
        %add3A_851 = arith.addi %mul3A_158, %add3A_850 : i32
        %get3A_852 = arith.index_cast %add3A_851 : i32 to index
        %get3A_853 = arith.constant 0 : index
        %get3A_854 = tpu.vector_load %arg9[%get3A_852, %get3A_853] {strides = array<i32>} : memref<80x128xf32, #tpu.memory_space<vmem>>, vector<16xf32>,
        %get3A_855 = arith.index_cast %add3A_851 : i32 to index
        %get3A_856 = arith.constant 0 : index
        %get3A_857 = tpu.vector_load %arg10[%get3A_855, %get3A_856] {strides = array<i32>} : memref<80x128xf32, #tpu.memory_space<vmem>>, vector<16xf32>,
        %sub3A_858 = arith.subf %get3A_854, %get3A_857 : vector<16xf32>
        %mul3A_859 = arith.mulf %sub3A_858, %sub3A_858 : vector<16xf32>
        %add3A_860 = arith.addf %broadcast_in_dim3A_3, %mul3A_859 : vector<16xf32>
        %get3A_861 = arith.index_cast %add3A_851 : i32 to index
        %get3A_862 = arith.constant 16 : index
        %get3A_863 = tpu.vector_load %arg9[%get3A_861, %get3A_862] {strides = array<i32>} : memref<80x128xf32, #tpu.memory_space<vmem>>, vector<16xf32>,
        %get3A_864 = arith.index_cast %add3A_851 : i32 to index
        %get3A_865 = arith.constant 16 : index
        %get3A_866 = tpu.vector_load %arg10[%get3A_864, %get3A_865] {strides = array<i32>} : memref<80x128xf32, #tpu.memory_space<vmem>>, vector<16xf32>,
        %sub3A_867 = arith.subf %get3A_863, %get3A_866 : vector<16xf32>
        %mul3A_868 = arith.mulf %sub3A_867, %sub3A_867 : vector<16xf32>
        %add3A_869 = arith.addf %add3A_860, %mul3A_868 : vector<16xf32>
        %get3A_870 = arith.index_cast %add3A_851 : i32 to index
        %get3A_871 = arith.constant 32 : index
        %get3A_872 = tpu.vector_load %arg9[%get3A_870, %get3A_871] {strides = array<i32>} : memref<80x128xf32, #tpu.memory_space<vmem>>, vector<16xf32>,
        %get3A_873 = arith.index_cast %add3A_851 : i32 to index
        %get3A_874 = arith.constant 32 : index
        %get3A_875 = tpu.vector_load %arg10[%get3A_873, %get3A_874] {strides = array<i32>} : memref<80x128xf32, #tpu.memory_space<vmem>>, vector<16xf32>,
        %sub3A_876 = arith.subf %get3A_872, %get3A_875 : vector<16xf32>
        %mul3A_877 = arith.mulf %sub3A_876, %sub3A_876 : vector<16xf32>
        %add3A_878 = arith.addf %add3A_869, %mul3A_877 : vector<16xf32>
        %get3A_879 = arith.index_cast %add3A_851 : i32 to index
        %get3A_880 = arith.constant 48 : index
        %get3A_881 = tpu.vector_load %arg9[%get3A_879, %get3A_880] {strides = array<i32>} : memref<80x128xf32, #tpu.memory_space<vmem>>, vector<16xf32>,
        %get3A_882 = arith.index_cast %add3A_851 : i32 to index
        %get3A_883 = arith.constant 48 : index
        %get3A_884 = tpu.vector_load %arg10[%get3A_882, %get3A_883] {strides = array<i32>} : memref<80x128xf32, #tpu.memory_space<vmem>>, vector<16xf32>,
        %sub3A_885 = arith.subf %get3A_881, %get3A_884 : vector<16xf32>
        %mul3A_886 = arith.mulf %sub3A_885, %sub3A_885 : vector<16xf32>
        %add3A_887 = arith.addf %add3A_878, %mul3A_886 : vector<16xf32>
        %get3A_888 = arith.index_cast %add3A_851 : i32 to index
        %get3A_889 = arith.constant 64 : index
        %get3A_890 = tpu.vector_load %arg9[%get3A_888, %get3A_889] {strides = array<i32>} : memref<80x128xf32, #tpu.memory_space<vmem>>, vector<16xf32>,
        %get3A_891 = arith.index_cast %add3A_851 : i32 to index
        %get3A_892 = arith.constant 64 : index
        %get3A_893 = tpu.vector_load %arg10[%get3A_891, %get3A_892] {strides = array<i32>} : memref<80x128xf32, #tpu.memory_space<vmem>>, vector<16xf32>,
        %sub3A_894 = arith.subf %get3A_890, %get3A_893 : vector<16xf32>
        %mul3A_895 = arith.mulf %sub3A_894, %sub3A_894 : vector<16xf32>
        %add3A_896 = arith.addf %add3A_887, %mul3A_895 : vector<16xf32>
        %get3A_897 = arith.index_cast %add3A_851 : i32 to index
        %get3A_898 = arith.constant 80 : index
        %get3A_899 = tpu.vector_load %arg9[%get3A_897, %get3A_898] {strides = array<i32>} : memref<80x128xf32, #tpu.memory_space<vmem>>, vector<16xf32>,
        %get3A_900 = arith.index_cast %add3A_851 : i32 to index
        %get3A_901 = arith.constant 80 : index
        %get3A_902 = tpu.vector_load %arg10[%get3A_900, %get3A_901] {strides = array<i32>} : memref<80x128xf32, #tpu.memory_space<vmem>>, vector<16xf32>,
        %sub3A_903 = arith.subf %get3A_899, %get3A_902 : vector<16xf32>
        %mul3A_904 = arith.mulf %sub3A_903, %sub3A_903 : vector<16xf32>
        %add3A_905 = arith.addf %add3A_896, %mul3A_904 : vector<16xf32>
        %get3A_906 = arith.index_cast %add3A_851 : i32 to index
        %get3A_907 = arith.constant 96 : index
        %get3A_908 = tpu.vector_load %arg9[%get3A_906, %get3A_907] {strides = array<i32>} : memref<80x128xf32, #tpu.memory_space<vmem>>, vector<16xf32>,
        %get3A_909 = arith.index_cast %add3A_851 : i32 to index
        %get3A_910 = arith.constant 96 : index
        %get3A_911 = tpu.vector_load %arg10[%get3A_909, %get3A_910] {strides = array<i32>} : memref<80x128xf32, #tpu.memory_space<vmem>>, vector<16xf32>,
        %sub3A_912 = arith.subf %get3A_908, %get3A_911 : vector<16xf32>
        %mul3A_913 = arith.mulf %sub3A_912, %sub3A_912 : vector<16xf32>
        %add3A_914 = arith.addf %add3A_905, %mul3A_913 : vector<16xf32>
        %get3A_915 = arith.index_cast %add3A_851 : i32 to index
        %get3A_916 = arith.constant 112 : index
        %get3A_917 = tpu.vector_load %arg9[%get3A_915, %get3A_916] {strides = array<i32>} : memref<80x128xf32, #tpu.memory_space<vmem>>, vector<16xf32>,
        %get3A_918 = arith.index_cast %add3A_851 : i32 to index
        %get3A_919 = arith.constant 112 : index
        %get3A_920 = tpu.vector_load %arg10[%get3A_918, %get3A_919] {strides = array<i32>} : memref<80x128xf32, #tpu.memory_space<vmem>>, vector<16xf32>,
        %sub3A_921 = arith.subf %get3A_917, %get3A_920 : vector<16xf32>
        %mul3A_922 = arith.mulf %sub3A_921, %sub3A_921 : vector<16xf32>
        %add3A_923 = arith.addf %add3A_914, %mul3A_922 : vector<16xf32>
        %add3A_924 = arith.constant 9 : i32
        %add3A_925 = vector.broadcast %add3A_924 : i32 to vector<16xi32>
        %add3A_926 = arith.addi %mul3A_10, %add3A_925 : vector<16xi32>
        tpu.vector_store_idx %arg15[%add3A_926], %add3A_923 : memref<272xf32, #tpu.memory_space<vmem>>[vector<16xi32>], vector<16xf32>,
        %add3A_927 = arith.constant 10 : i32
        %add3A_928 = arith.addi %mul3A_158, %add3A_927 : i32
        %get3A_929 = arith.index_cast %add3A_928 : i32 to index
        %get3A_930 = arith.constant 0 : index
        %get3A_931 = tpu.vector_load %arg9[%get3A_929, %get3A_930] {strides = array<i32>} : memref<80x128xf32, #tpu.memory_space<vmem>>, vector<16xf32>,
        %get3A_932 = arith.index_cast %add3A_928 : i32 to index
        %get3A_933 = arith.constant 0 : index
        %get3A_934 = tpu.vector_load %arg10[%get3A_932, %get3A_933] {strides = array<i32>} : memref<80x128xf32, #tpu.memory_space<vmem>>, vector<16xf32>,
        %sub3A_935 = arith.subf %get3A_931, %get3A_934 : vector<16xf32>
        %mul3A_936 = arith.mulf %sub3A_935, %sub3A_935 : vector<16xf32>
        %add3A_937 = arith.addf %broadcast_in_dim3A_3, %mul3A_936 : vector<16xf32>
        %get3A_938 = arith.index_cast %add3A_928 : i32 to index
        %get3A_939 = arith.constant 16 : index
        %get3A_940 = tpu.vector_load %arg9[%get3A_938, %get3A_939] {strides = array<i32>} : memref<80x128xf32, #tpu.memory_space<vmem>>, vector<16xf32>,
        %get3A_941 = arith.index_cast %add3A_928 : i32 to index
        %get3A_942 = arith.constant 16 : index
        %get3A_943 = tpu.vector_load %arg10[%get3A_941, %get3A_942] {strides = array<i32>} : memref<80x128xf32, #tpu.memory_space<vmem>>, vector<16xf32>,
        %sub3A_944 = arith.subf %get3A_940, %get3A_943 : vector<16xf32>
        %mul3A_945 = arith.mulf %sub3A_944, %sub3A_944 : vector<16xf32>
        %add3A_946 = arith.addf %add3A_937, %mul3A_945 : vector<16xf32>
        %get3A_947 = arith.index_cast %add3A_928 : i32 to index
        %get3A_948 = arith.constant 32 : index
        %get3A_949 = tpu.vector_load %arg9[%get3A_947, %get3A_948] {strides = array<i32>} : memref<80x128xf32, #tpu.memory_space<vmem>>, vector<16xf32>,
        %get3A_950 = arith.index_cast %add3A_928 : i32 to index
        %get3A_951 = arith.constant 32 : index
        %get3A_952 = tpu.vector_load %arg10[%get3A_950, %get3A_951] {strides = array<i32>} : memref<80x128xf32, #tpu.memory_space<vmem>>, vector<16xf32>,
        %sub3A_953 = arith.subf %get3A_949, %get3A_952 : vector<16xf32>
        %mul3A_954 = arith.mulf %sub3A_953, %sub3A_953 : vector<16xf32>
        %add3A_955 = arith.addf %add3A_946, %mul3A_954 : vector<16xf32>
        %get3A_956 = arith.index_cast %add3A_928 : i32 to index
        %get3A_957 = arith.constant 48 : index
        %get3A_958 = tpu.vector_load %arg9[%get3A_956, %get3A_957] {strides = array<i32>} : memref<80x128xf32, #tpu.memory_space<vmem>>, vector<16xf32>,
        %get3A_959 = arith.index_cast %add3A_928 : i32 to index
        %get3A_960 = arith.constant 48 : index
        %get3A_961 = tpu.vector_load %arg10[%get3A_959, %get3A_960] {strides = array<i32>} : memref<80x128xf32, #tpu.memory_space<vmem>>, vector<16xf32>,
        %sub3A_962 = arith.subf %get3A_958, %get3A_961 : vector<16xf32>
        %mul3A_963 = arith.mulf %sub3A_962, %sub3A_962 : vector<16xf32>
        %add3A_964 = arith.addf %add3A_955, %mul3A_963 : vector<16xf32>
        %get3A_965 = arith.index_cast %add3A_928 : i32 to index
        %get3A_966 = arith.constant 64 : index
        %get3A_967 = tpu.vector_load %arg9[%get3A_965, %get3A_966] {strides = array<i32>} : memref<80x128xf32, #tpu.memory_space<vmem>>, vector<16xf32>,
        %get3A_968 = arith.index_cast %add3A_928 : i32 to index
        %get3A_969 = arith.constant 64 : index
        %get3A_970 = tpu.vector_load %arg10[%get3A_968, %get3A_969] {strides = array<i32>} : memref<80x128xf32, #tpu.memory_space<vmem>>, vector<16xf32>,
        %sub3A_971 = arith.subf %get3A_967, %get3A_970 : vector<16xf32>
        %mul3A_972 = arith.mulf %sub3A_971, %sub3A_971 : vector<16xf32>
        %add3A_973 = arith.addf %add3A_964, %mul3A_972 : vector<16xf32>
        %get3A_974 = arith.index_cast %add3A_928 : i32 to index
        %get3A_975 = arith.constant 80 : index
        %get3A_976 = tpu.vector_load %arg9[%get3A_974, %get3A_975] {strides = array<i32>} : memref<80x128xf32, #tpu.memory_space<vmem>>, vector<16xf32>,
        %get3A_977 = arith.index_cast %add3A_928 : i32 to index
        %get3A_978 = arith.constant 80 : index
        %get3A_979 = tpu.vector_load %arg10[%get3A_977, %get3A_978] {strides = array<i32>} : memref<80x128xf32, #tpu.memory_space<vmem>>, vector<16xf32>,
        %sub3A_980 = arith.subf %get3A_976, %get3A_979 : vector<16xf32>
        %mul3A_981 = arith.mulf %sub3A_980, %sub3A_980 : vector<16xf32>
        %add3A_982 = arith.addf %add3A_973, %mul3A_981 : vector<16xf32>
        %get3A_983 = arith.index_cast %add3A_928 : i32 to index
        %get3A_984 = arith.constant 96 : index
        %get3A_985 = tpu.vector_load %arg9[%get3A_983, %get3A_984] {strides = array<i32>} : memref<80x128xf32, #tpu.memory_space<vmem>>, vector<16xf32>,
        %get3A_986 = arith.index_cast %add3A_928 : i32 to index
        %get3A_987 = arith.constant 96 : index
        %get3A_988 = tpu.vector_load %arg10[%get3A_986, %get3A_987] {strides = array<i32>} : memref<80x128xf32, #tpu.memory_space<vmem>>, vector<16xf32>,
        %sub3A_989 = arith.subf %get3A_985, %get3A_988 : vector<16xf32>
        %mul3A_990 = arith.mulf %sub3A_989, %sub3A_989 : vector<16xf32>
        %add3A_991 = arith.addf %add3A_982, %mul3A_990 : vector<16xf32>
        %get3A_992 = arith.index_cast %add3A_928 : i32 to index
        %get3A_993 = arith.constant 112 : index
        %get3A_994 = tpu.vector_load %arg9[%get3A_992, %get3A_993] {strides = array<i32>} : memref<80x128xf32, #tpu.memory_space<vmem>>, vector<16xf32>,
        %get3A_995 = arith.index_cast %add3A_928 : i32 to index
        %get3A_996 = arith.constant 112 : index
        %get3A_997 = tpu.vector_load %arg10[%get3A_995, %get3A_996] {strides = array<i32>} : memref<80x128xf32, #tpu.memory_space<vmem>>, vector<16xf32>,
        %sub3A_998 = arith.subf %get3A_994, %get3A_997 : vector<16xf32>
        %mul3A_999 = arith.mulf %sub3A_998, %sub3A_998 : vector<16xf32>
        %add3A_1000 = arith.addf %add3A_991, %mul3A_999 : vector<16xf32>
        %add3A_1001 = arith.constant 10 : i32
        %add3A_1002 = vector.broadcast %add3A_1001 : i32 to vector<16xi32>
        %add3A_1003 = arith.addi %mul3A_10, %add3A_1002 : vector<16xi32>
        tpu.vector_store_idx %arg15[%add3A_1003], %add3A_1000 : memref<272xf32, #tpu.memory_space<vmem>>[vector<16xi32>], vector<16xf32>,
        %add3A_1004 = arith.constant 11 : i32
        %add3A_1005 = arith.addi %mul3A_158, %add3A_1004 : i32
        %get3A_1006 = arith.index_cast %add3A_1005 : i32 to index
        %get3A_1007 = arith.constant 0 : index
        %get3A_1008 = tpu.vector_load %arg9[%get3A_1006, %get3A_1007] {strides = array<i32>} : memref<80x128xf32, #tpu.memory_space<vmem>>, vector<16xf32>,
        %get3A_1009 = arith.index_cast %add3A_1005 : i32 to index
        %get3A_1010 = arith.constant 0 : index
        %get3A_1011 = tpu.vector_load %arg10[%get3A_1009, %get3A_1010] {strides = array<i32>} : memref<80x128xf32, #tpu.memory_space<vmem>>, vector<16xf32>,
        %sub3A_1012 = arith.subf %get3A_1008, %get3A_1011 : vector<16xf32>
        %mul3A_1013 = arith.mulf %sub3A_1012, %sub3A_1012 : vector<16xf32>
        %add3A_1014 = arith.addf %broadcast_in_dim3A_3, %mul3A_1013 : vector<16xf32>
        %get3A_1015 = arith.index_cast %add3A_1005 : i32 to index
        %get3A_1016 = arith.constant 16 : index
        %get3A_1017 = tpu.vector_load %arg9[%get3A_1015, %get3A_1016] {strides = array<i32>} : memref<80x128xf32, #tpu.memory_space<vmem>>, vector<16xf32>,
        %get3A_1018 = arith.index_cast %add3A_1005 : i32 to index
        %get3A_1019 = arith.constant 16 : index
        %get3A_1020 = tpu.vector_load %arg10[%get3A_1018, %get3A_1019] {strides = array<i32>} : memref<80x128xf32, #tpu.memory_space<vmem>>, vector<16xf32>,
        %sub3A_1021 = arith.subf %get3A_1017, %get3A_1020 : vector<16xf32>
        %mul3A_1022 = arith.mulf %sub3A_1021, %sub3A_1021 : vector<16xf32>
        %add3A_1023 = arith.addf %add3A_1014, %mul3A_1022 : vector<16xf32>
        %get3A_1024 = arith.index_cast %add3A_1005 : i32 to index
        %get3A_1025 = arith.constant 32 : index
        %get3A_1026 = tpu.vector_load %arg9[%get3A_1024, %get3A_1025] {strides = array<i32>} : memref<80x128xf32, #tpu.memory_space<vmem>>, vector<16xf32>,
        %get3A_1027 = arith.index_cast %add3A_1005 : i32 to index
        %get3A_1028 = arith.constant 32 : index
        %get3A_1029 = tpu.vector_load %arg10[%get3A_1027, %get3A_1028] {strides = array<i32>} : memref<80x128xf32, #tpu.memory_space<vmem>>, vector<16xf32>,
        %sub3A_1030 = arith.subf %get3A_1026, %get3A_1029 : vector<16xf32>
        %mul3A_1031 = arith.mulf %sub3A_1030, %sub3A_1030 : vector<16xf32>
        %add3A_1032 = arith.addf %add3A_1023, %mul3A_1031 : vector<16xf32>
        %get3A_1033 = arith.index_cast %add3A_1005 : i32 to index
        %get3A_1034 = arith.constant 48 : index
        %get3A_1035 = tpu.vector_load %arg9[%get3A_1033, %get3A_1034] {strides = array<i32>} : memref<80x128xf32, #tpu.memory_space<vmem>>, vector<16xf32>,
        %get3A_1036 = arith.index_cast %add3A_1005 : i32 to index
        %get3A_1037 = arith.constant 48 : index
        %get3A_1038 = tpu.vector_load %arg10[%get3A_1036, %get3A_1037] {strides = array<i32>} : memref<80x128xf32, #tpu.memory_space<vmem>>, vector<16xf32>,
        %sub3A_1039 = arith.subf %get3A_1035, %get3A_1038 : vector<16xf32>
        %mul3A_1040 = arith.mulf %sub3A_1039, %sub3A_1039 : vector<16xf32>
        %add3A_1041 = arith.addf %add3A_1032, %mul3A_1040 : vector<16xf32>
        %get3A_1042 = arith.index_cast %add3A_1005 : i32 to index
        %get3A_1043 = arith.constant 64 : index
        %get3A_1044 = tpu.vector_load %arg9[%get3A_1042, %get3A_1043] {strides = array<i32>} : memref<80x128xf32, #tpu.memory_space<vmem>>, vector<16xf32>,
        %get3A_1045 = arith.index_cast %add3A_1005 : i32 to index
        %get3A_1046 = arith.constant 64 : index
        %get3A_1047 = tpu.vector_load %arg10[%get3A_1045, %get3A_1046] {strides = array<i32>} : memref<80x128xf32, #tpu.memory_space<vmem>>, vector<16xf32>,
        %sub3A_1048 = arith.subf %get3A_1044, %get3A_1047 : vector<16xf32>
        %mul3A_1049 = arith.mulf %sub3A_1048, %sub3A_1048 : vector<16xf32>
        %add3A_1050 = arith.addf %add3A_1041, %mul3A_1049 : vector<16xf32>
        %get3A_1051 = arith.index_cast %add3A_1005 : i32 to index
        %get3A_1052 = arith.constant 80 : index
        %get3A_1053 = tpu.vector_load %arg9[%get3A_1051, %get3A_1052] {strides = array<i32>} : memref<80x128xf32, #tpu.memory_space<vmem>>, vector<16xf32>,
        %get3A_1054 = arith.index_cast %add3A_1005 : i32 to index
        %get3A_1055 = arith.constant 80 : index
        %get3A_1056 = tpu.vector_load %arg10[%get3A_1054, %get3A_1055] {strides = array<i32>} : memref<80x128xf32, #tpu.memory_space<vmem>>, vector<16xf32>,
        %sub3A_1057 = arith.subf %get3A_1053, %get3A_1056 : vector<16xf32>
        %mul3A_1058 = arith.mulf %sub3A_1057, %sub3A_1057 : vector<16xf32>
        %add3A_1059 = arith.addf %add3A_1050, %mul3A_1058 : vector<16xf32>
        %get3A_1060 = arith.index_cast %add3A_1005 : i32 to index
        %get3A_1061 = arith.constant 96 : index
        %get3A_1062 = tpu.vector_load %arg9[%get3A_1060, %get3A_1061] {strides = array<i32>} : memref<80x128xf32, #tpu.memory_space<vmem>>, vector<16xf32>,
        %get3A_1063 = arith.index_cast %add3A_1005 : i32 to index
        %get3A_1064 = arith.constant 96 : index
        %get3A_1065 = tpu.vector_load %arg10[%get3A_1063, %get3A_1064] {strides = array<i32>} : memref<80x128xf32, #tpu.memory_space<vmem>>, vector<16xf32>,
        %sub3A_1066 = arith.subf %get3A_1062, %get3A_1065 : vector<16xf32>
        %mul3A_1067 = arith.mulf %sub3A_1066, %sub3A_1066 : vector<16xf32>
        %add3A_1068 = arith.addf %add3A_1059, %mul3A_1067 : vector<16xf32>
        %get3A_1069 = arith.index_cast %add3A_1005 : i32 to index
        %get3A_1070 = arith.constant 112 : index
        %get3A_1071 = tpu.vector_load %arg9[%get3A_1069, %get3A_1070] {strides = array<i32>} : memref<80x128xf32, #tpu.memory_space<vmem>>, vector<16xf32>,
        %get3A_1072 = arith.index_cast %add3A_1005 : i32 to index
        %get3A_1073 = arith.constant 112 : index
        %get3A_1074 = tpu.vector_load %arg10[%get3A_1072, %get3A_1073] {strides = array<i32>} : memref<80x128xf32, #tpu.memory_space<vmem>>, vector<16xf32>,
        %sub3A_1075 = arith.subf %get3A_1071, %get3A_1074 : vector<16xf32>
        %mul3A_1076 = arith.mulf %sub3A_1075, %sub3A_1075 : vector<16xf32>
        %add3A_1077 = arith.addf %add3A_1068, %mul3A_1076 : vector<16xf32>
        %add3A_1078 = arith.constant 11 : i32
        %add3A_1079 = vector.broadcast %add3A_1078 : i32 to vector<16xi32>
        %add3A_1080 = arith.addi %mul3A_10, %add3A_1079 : vector<16xi32>
        tpu.vector_store_idx %arg15[%add3A_1080], %add3A_1077 : memref<272xf32, #tpu.memory_space<vmem>>[vector<16xi32>], vector<16xf32>,
        %add3A_1081 = arith.constant 12 : i32
        %add3A_1082 = arith.addi %mul3A_158, %add3A_1081 : i32
        %get3A_1083 = arith.index_cast %add3A_1082 : i32 to index
        %get3A_1084 = arith.constant 0 : index
        %get3A_1085 = tpu.vector_load %arg9[%get3A_1083, %get3A_1084] {strides = array<i32>} : memref<80x128xf32, #tpu.memory_space<vmem>>, vector<16xf32>,
        %get3A_1086 = arith.index_cast %add3A_1082 : i32 to index
        %get3A_1087 = arith.constant 0 : index
        %get3A_1088 = tpu.vector_load %arg10[%get3A_1086, %get3A_1087] {strides = array<i32>} : memref<80x128xf32, #tpu.memory_space<vmem>>, vector<16xf32>,
        %sub3A_1089 = arith.subf %get3A_1085, %get3A_1088 : vector<16xf32>
        %mul3A_1090 = arith.mulf %sub3A_1089, %sub3A_1089 : vector<16xf32>
        %add3A_1091 = arith.addf %broadcast_in_dim3A_3, %mul3A_1090 : vector<16xf32>
        %get3A_1092 = arith.index_cast %add3A_1082 : i32 to index
        %get3A_1093 = arith.constant 16 : index
        %get3A_1094 = tpu.vector_load %arg9[%get3A_1092, %get3A_1093] {strides = array<i32>} : memref<80x128xf32, #tpu.memory_space<vmem>>, vector<16xf32>,
        %get3A_1095 = arith.index_cast %add3A_1082 : i32 to index
        %get3A_1096 = arith.constant 16 : index
        %get3A_1097 = tpu.vector_load %arg10[%get3A_1095, %get3A_1096] {strides = array<i32>} : memref<80x128xf32, #tpu.memory_space<vmem>>, vector<16xf32>,
        %sub3A_1098 = arith.subf %get3A_1094, %get3A_1097 : vector<16xf32>
        %mul3A_1099 = arith.mulf %sub3A_1098, %sub3A_1098 : vector<16xf32>
        %add3A_1100 = arith.addf %add3A_1091, %mul3A_1099 : vector<16xf32>
        %get3A_1101 = arith.index_cast %add3A_1082 : i32 to index
        %get3A_1102 = arith.constant 32 : index
        %get3A_1103 = tpu.vector_load %arg9[%get3A_1101, %get3A_1102] {strides = array<i32>} : memref<80x128xf32, #tpu.memory_space<vmem>>, vector<16xf32>,
        %get3A_1104 = arith.index_cast %add3A_1082 : i32 to index
        %get3A_1105 = arith.constant 32 : index
        %get3A_1106 = tpu.vector_load %arg10[%get3A_1104, %get3A_1105] {strides = array<i32>} : memref<80x128xf32, #tpu.memory_space<vmem>>, vector<16xf32>,
        %sub3A_1107 = arith.subf %get3A_1103, %get3A_1106 : vector<16xf32>
        %mul3A_1108 = arith.mulf %sub3A_1107, %sub3A_1107 : vector<16xf32>
        %add3A_1109 = arith.addf %add3A_1100, %mul3A_1108 : vector<16xf32>
        %get3A_1110 = arith.index_cast %add3A_1082 : i32 to index
        %get3A_1111 = arith.constant 48 : index
        %get3A_1112 = tpu.vector_load %arg9[%get3A_1110, %get3A_1111] {strides = array<i32>} : memref<80x128xf32, #tpu.memory_space<vmem>>, vector<16xf32>,
        %get3A_1113 = arith.index_cast %add3A_1082 : i32 to index
        %get3A_1114 = arith.constant 48 : index
        %get3A_1115 = tpu.vector_load %arg10[%get3A_1113, %get3A_1114] {strides = array<i32>} : memref<80x128xf32, #tpu.memory_space<vmem>>, vector<16xf32>,
        %sub3A_1116 = arith.subf %get3A_1112, %get3A_1115 : vector<16xf32>
        %mul3A_1117 = arith.mulf %sub3A_1116, %sub3A_1116 : vector<16xf32>
        %add3A_1118 = arith.addf %add3A_1109, %mul3A_1117 : vector<16xf32>
        %get3A_1119 = arith.index_cast %add3A_1082 : i32 to index
        %get3A_1120 = arith.constant 64 : index
        %get3A_1121 = tpu.vector_load %arg9[%get3A_1119, %get3A_1120] {strides = array<i32>} : memref<80x128xf32, #tpu.memory_space<vmem>>, vector<16xf32>,
        %get3A_1122 = arith.index_cast %add3A_1082 : i32 to index
        %get3A_1123 = arith.constant 64 : index
        %get3A_1124 = tpu.vector_load %arg10[%get3A_1122, %get3A_1123] {strides = array<i32>} : memref<80x128xf32, #tpu.memory_space<vmem>>, vector<16xf32>,
        %sub3A_1125 = arith.subf %get3A_1121, %get3A_1124 : vector<16xf32>
        %mul3A_1126 = arith.mulf %sub3A_1125, %sub3A_1125 : vector<16xf32>
        %add3A_1127 = arith.addf %add3A_1118, %mul3A_1126 : vector<16xf32>
        %get3A_1128 = arith.index_cast %add3A_1082 : i32 to index
        %get3A_1129 = arith.constant 80 : index
        %get3A_1130 = tpu.vector_load %arg9[%get3A_1128, %get3A_1129] {strides = array<i32>} : memref<80x128xf32, #tpu.memory_space<vmem>>, vector<16xf32>,
        %get3A_1131 = arith.index_cast %add3A_1082 : i32 to index
        %get3A_1132 = arith.constant 80 : index
        %get3A_1133 = tpu.vector_load %arg10[%get3A_1131, %get3A_1132] {strides = array<i32>} : memref<80x128xf32, #tpu.memory_space<vmem>>, vector<16xf32>,
        %sub3A_1134 = arith.subf %get3A_1130, %get3A_1133 : vector<16xf32>
        %mul3A_1135 = arith.mulf %sub3A_1134, %sub3A_1134 : vector<16xf32>
        %add3A_1136 = arith.addf %add3A_1127, %mul3A_1135 : vector<16xf32>
        %get3A_1137 = arith.index_cast %add3A_1082 : i32 to index
        %get3A_1138 = arith.constant 96 : index
        %get3A_1139 = tpu.vector_load %arg9[%get3A_1137, %get3A_1138] {strides = array<i32>} : memref<80x128xf32, #tpu.memory_space<vmem>>, vector<16xf32>,
        %get3A_1140 = arith.index_cast %add3A_1082 : i32 to index
        %get3A_1141 = arith.constant 96 : index
        %get3A_1142 = tpu.vector_load %arg10[%get3A_1140, %get3A_1141] {strides = array<i32>} : memref<80x128xf32, #tpu.memory_space<vmem>>, vector<16xf32>,
        %sub3A_1143 = arith.subf %get3A_1139, %get3A_1142 : vector<16xf32>
        %mul3A_1144 = arith.mulf %sub3A_1143, %sub3A_1143 : vector<16xf32>
        %add3A_1145 = arith.addf %add3A_1136, %mul3A_1144 : vector<16xf32>
        %get3A_1146 = arith.index_cast %add3A_1082 : i32 to index
        %get3A_1147 = arith.constant 112 : index
        %get3A_1148 = tpu.vector_load %arg9[%get3A_1146, %get3A_1147] {strides = array<i32>} : memref<80x128xf32, #tpu.memory_space<vmem>>, vector<16xf32>,
        %get3A_1149 = arith.index_cast %add3A_1082 : i32 to index
        %get3A_1150 = arith.constant 112 : index
        %get3A_1151 = tpu.vector_load %arg10[%get3A_1149, %get3A_1150] {strides = array<i32>} : memref<80x128xf32, #tpu.memory_space<vmem>>, vector<16xf32>,
        %sub3A_1152 = arith.subf %get3A_1148, %get3A_1151 : vector<16xf32>
        %mul3A_1153 = arith.mulf %sub3A_1152, %sub3A_1152 : vector<16xf32>
        %add3A_1154 = arith.addf %add3A_1145, %mul3A_1153 : vector<16xf32>
        %add3A_1155 = arith.constant 12 : i32
        %add3A_1156 = vector.broadcast %add3A_1155 : i32 to vector<16xi32>
        %add3A_1157 = arith.addi %mul3A_10, %add3A_1156 : vector<16xi32>
        tpu.vector_store_idx %arg15[%add3A_1157], %add3A_1154 : memref<272xf32, #tpu.memory_space<vmem>>[vector<16xi32>], vector<16xf32>,
        %add3A_1158 = arith.constant 13 : i32
        %add3A_1159 = arith.addi %mul3A_158, %add3A_1158 : i32
        %get3A_1160 = arith.index_cast %add3A_1159 : i32 to index
        %get3A_1161 = arith.constant 0 : index
        %get3A_1162 = tpu.vector_load %arg9[%get3A_1160, %get3A_1161] {strides = array<i32>} : memref<80x128xf32, #tpu.memory_space<vmem>>, vector<16xf32>,
        %get3A_1163 = arith.index_cast %add3A_1159 : i32 to index
        %get3A_1164 = arith.constant 0 : index
        %get3A_1165 = tpu.vector_load %arg10[%get3A_1163, %get3A_1164] {strides = array<i32>} : memref<80x128xf32, #tpu.memory_space<vmem>>, vector<16xf32>,
        %sub3A_1166 = arith.subf %get3A_1162, %get3A_1165 : vector<16xf32>
        %mul3A_1167 = arith.mulf %sub3A_1166, %sub3A_1166 : vector<16xf32>
        %add3A_1168 = arith.addf %broadcast_in_dim3A_3, %mul3A_1167 : vector<16xf32>
        %get3A_1169 = arith.index_cast %add3A_1159 : i32 to index
        %get3A_1170 = arith.constant 16 : index
        %get3A_1171 = tpu.vector_load %arg9[%get3A_1169, %get3A_1170] {strides = array<i32>} : memref<80x128xf32, #tpu.memory_space<vmem>>, vector<16xf32>,
        %get3A_1172 = arith.index_cast %add3A_1159 : i32 to index
        %get3A_1173 = arith.constant 16 : index
        %get3A_1174 = tpu.vector_load %arg10[%get3A_1172, %get3A_1173] {strides = array<i32>} : memref<80x128xf32, #tpu.memory_space<vmem>>, vector<16xf32>,
        %sub3A_1175 = arith.subf %get3A_1171, %get3A_1174 : vector<16xf32>
        %mul3A_1176 = arith.mulf %sub3A_1175, %sub3A_1175 : vector<16xf32>
        %add3A_1177 = arith.addf %add3A_1168, %mul3A_1176 : vector<16xf32>
        %get3A_1178 = arith.index_cast %add3A_1159 : i32 to index
        %get3A_1179 = arith.constant 32 : index
        %get3A_1180 = tpu.vector_load %arg9[%get3A_1178, %get3A_1179] {strides = array<i32>} : memref<80x128xf32, #tpu.memory_space<vmem>>, vector<16xf32>,
        %get3A_1181 = arith.index_cast %add3A_1159 : i32 to index
        %get3A_1182 = arith.constant 32 : index
        %get3A_1183 = tpu.vector_load %arg10[%get3A_1181, %get3A_1182] {strides = array<i32>} : memref<80x128xf32, #tpu.memory_space<vmem>>, vector<16xf32>,
        %sub3A_1184 = arith.subf %get3A_1180, %get3A_1183 : vector<16xf32>
        %mul3A_1185 = arith.mulf %sub3A_1184, %sub3A_1184 : vector<16xf32>
        %add3A_1186 = arith.addf %add3A_1177, %mul3A_1185 : vector<16xf32>
        %get3A_1187 = arith.index_cast %add3A_1159 : i32 to index
        %get3A_1188 = arith.constant 48 : index
        %get3A_1189 = tpu.vector_load %arg9[%get3A_1187, %get3A_1188] {strides = array<i32>} : memref<80x128xf32, #tpu.memory_space<vmem>>, vector<16xf32>,
        %get3A_1190 = arith.index_cast %add3A_1159 : i32 to index
        %get3A_1191 = arith.constant 48 : index
        %get3A_1192 = tpu.vector_load %arg10[%get3A_1190, %get3A_1191] {strides = array<i32>} : memref<80x128xf32, #tpu.memory_space<vmem>>, vector<16xf32>,
        %sub3A_1193 = arith.subf %get3A_1189, %get3A_1192 : vector<16xf32>
        %mul3A_1194 = arith.mulf %sub3A_1193, %sub3A_1193 : vector<16xf32>
        %add3A_1195 = arith.addf %add3A_1186, %mul3A_1194 : vector<16xf32>
        %get3A_1196 = arith.index_cast %add3A_1159 : i32 to index
        %get3A_1197 = arith.constant 64 : index
        %get3A_1198 = tpu.vector_load %arg9[%get3A_1196, %get3A_1197] {strides = array<i32>} : memref<80x128xf32, #tpu.memory_space<vmem>>, vector<16xf32>,
        %get3A_1199 = arith.index_cast %add3A_1159 : i32 to index
        %get3A_1200 = arith.constant 64 : index
        %get3A_1201 = tpu.vector_load %arg10[%get3A_1199, %get3A_1200] {strides = array<i32>} : memref<80x128xf32, #tpu.memory_space<vmem>>, vector<16xf32>,
        %sub3A_1202 = arith.subf %get3A_1198, %get3A_1201 : vector<16xf32>
        %mul3A_1203 = arith.mulf %sub3A_1202, %sub3A_1202 : vector<16xf32>
        %add3A_1204 = arith.addf %add3A_1195, %mul3A_1203 : vector<16xf32>
        %get3A_1205 = arith.index_cast %add3A_1159 : i32 to index
        %get3A_1206 = arith.constant 80 : index
        %get3A_1207 = tpu.vector_load %arg9[%get3A_1205, %get3A_1206] {strides = array<i32>} : memref<80x128xf32, #tpu.memory_space<vmem>>, vector<16xf32>,
        %get3A_1208 = arith.index_cast %add3A_1159 : i32 to index
        %get3A_1209 = arith.constant 80 : index
        %get3A_1210 = tpu.vector_load %arg10[%get3A_1208, %get3A_1209] {strides = array<i32>} : memref<80x128xf32, #tpu.memory_space<vmem>>, vector<16xf32>,
        %sub3A_1211 = arith.subf %get3A_1207, %get3A_1210 : vector<16xf32>
        %mul3A_1212 = arith.mulf %sub3A_1211, %sub3A_1211 : vector<16xf32>
        %add3A_1213 = arith.addf %add3A_1204, %mul3A_1212 : vector<16xf32>
        %get3A_1214 = arith.index_cast %add3A_1159 : i32 to index
        %get3A_1215 = arith.constant 96 : index
        %get3A_1216 = tpu.vector_load %arg9[%get3A_1214, %get3A_1215] {strides = array<i32>} : memref<80x128xf32, #tpu.memory_space<vmem>>, vector<16xf32>,
        %get3A_1217 = arith.index_cast %add3A_1159 : i32 to index
        %get3A_1218 = arith.constant 96 : index
        %get3A_1219 = tpu.vector_load %arg10[%get3A_1217, %get3A_1218] {strides = array<i32>} : memref<80x128xf32, #tpu.memory_space<vmem>>, vector<16xf32>,
        %sub3A_1220 = arith.subf %get3A_1216, %get3A_1219 : vector<16xf32>
        %mul3A_1221 = arith.mulf %sub3A_1220, %sub3A_1220 : vector<16xf32>
        %add3A_1222 = arith.addf %add3A_1213, %mul3A_1221 : vector<16xf32>
        %get3A_1223 = arith.index_cast %add3A_1159 : i32 to index
        %get3A_1224 = arith.constant 112 : index
        %get3A_1225 = tpu.vector_load %arg9[%get3A_1223, %get3A_1224] {strides = array<i32>} : memref<80x128xf32, #tpu.memory_space<vmem>>, vector<16xf32>,
        %get3A_1226 = arith.index_cast %add3A_1159 : i32 to index
        %get3A_1227 = arith.constant 112 : index
        %get3A_1228 = tpu.vector_load %arg10[%get3A_1226, %get3A_1227] {strides = array<i32>} : memref<80x128xf32, #tpu.memory_space<vmem>>, vector<16xf32>,
        %sub3A_1229 = arith.subf %get3A_1225, %get3A_1228 : vector<16xf32>
        %mul3A_1230 = arith.mulf %sub3A_1229, %sub3A_1229 : vector<16xf32>
        %add3A_1231 = arith.addf %add3A_1222, %mul3A_1230 : vector<16xf32>
        %add3A_1232 = arith.constant 13 : i32
        %add3A_1233 = vector.broadcast %add3A_1232 : i32 to vector<16xi32>
        %add3A_1234 = arith.addi %mul3A_10, %add3A_1233 : vector<16xi32>
        tpu.vector_store_idx %arg15[%add3A_1234], %add3A_1231 : memref<272xf32, #tpu.memory_space<vmem>>[vector<16xi32>], vector<16xf32>,
        %add3A_1235 = arith.constant 14 : i32
        %add3A_1236 = arith.addi %mul3A_158, %add3A_1235 : i32
        %get3A_1237 = arith.index_cast %add3A_1236 : i32 to index
        %get3A_1238 = arith.constant 0 : index
        %get3A_1239 = tpu.vector_load %arg9[%get3A_1237, %get3A_1238] {strides = array<i32>} : memref<80x128xf32, #tpu.memory_space<vmem>>, vector<16xf32>,
        %get3A_1240 = arith.index_cast %add3A_1236 : i32 to index
        %get3A_1241 = arith.constant 0 : index
        %get3A_1242 = tpu.vector_load %arg10[%get3A_1240, %get3A_1241] {strides = array<i32>} : memref<80x128xf32, #tpu.memory_space<vmem>>, vector<16xf32>,
        %sub3A_1243 = arith.subf %get3A_1239, %get3A_1242 : vector<16xf32>
        %mul3A_1244 = arith.mulf %sub3A_1243, %sub3A_1243 : vector<16xf32>
        %add3A_1245 = arith.addf %broadcast_in_dim3A_3, %mul3A_1244 : vector<16xf32>
        %get3A_1246 = arith.index_cast %add3A_1236 : i32 to index
        %get3A_1247 = arith.constant 16 : index
        %get3A_1248 = tpu.vector_load %arg9[%get3A_1246, %get3A_1247] {strides = array<i32>} : memref<80x128xf32, #tpu.memory_space<vmem>>, vector<16xf32>,
        %get3A_1249 = arith.index_cast %add3A_1236 : i32 to index
        %get3A_1250 = arith.constant 16 : index
        %get3A_1251 = tpu.vector_load %arg10[%get3A_1249, %get3A_1250] {strides = array<i32>} : memref<80x128xf32, #tpu.memory_space<vmem>>, vector<16xf32>,
        %sub3A_1252 = arith.subf %get3A_1248, %get3A_1251 : vector<16xf32>
        %mul3A_1253 = arith.mulf %sub3A_1252, %sub3A_1252 : vector<16xf32>
        %add3A_1254 = arith.addf %add3A_1245, %mul3A_1253 : vector<16xf32>
        %get3A_1255 = arith.index_cast %add3A_1236 : i32 to index
        %get3A_1256 = arith.constant 32 : index
        %get3A_1257 = tpu.vector_load %arg9[%get3A_1255, %get3A_1256] {strides = array<i32>} : memref<80x128xf32, #tpu.memory_space<vmem>>, vector<16xf32>,
        %get3A_1258 = arith.index_cast %add3A_1236 : i32 to index
        %get3A_1259 = arith.constant 32 : index
        %get3A_1260 = tpu.vector_load %arg10[%get3A_1258, %get3A_1259] {strides = array<i32>} : memref<80x128xf32, #tpu.memory_space<vmem>>, vector<16xf32>,
        %sub3A_1261 = arith.subf %get3A_1257, %get3A_1260 : vector<16xf32>
        %mul3A_1262 = arith.mulf %sub3A_1261, %sub3A_1261 : vector<16xf32>
        %add3A_1263 = arith.addf %add3A_1254, %mul3A_1262 : vector<16xf32>
        %get3A_1264 = arith.index_cast %add3A_1236 : i32 to index
        %get3A_1265 = arith.constant 48 : index
        %get3A_1266 = tpu.vector_load %arg9[%get3A_1264, %get3A_1265] {strides = array<i32>} : memref<80x128xf32, #tpu.memory_space<vmem>>, vector<16xf32>,
        %get3A_1267 = arith.index_cast %add3A_1236 : i32 to index
        %get3A_1268 = arith.constant 48 : index
        %get3A_1269 = tpu.vector_load %arg10[%get3A_1267, %get3A_1268] {strides = array<i32>} : memref<80x128xf32, #tpu.memory_space<vmem>>, vector<16xf32>,
        %sub3A_1270 = arith.subf %get3A_1266, %get3A_1269 : vector<16xf32>
        %mul3A_1271 = arith.mulf %sub3A_1270, %sub3A_1270 : vector<16xf32>
        %add3A_1272 = arith.addf %add3A_1263, %mul3A_1271 : vector<16xf32>
        %get3A_1273 = arith.index_cast %add3A_1236 : i32 to index
        %get3A_1274 = arith.constant 64 : index
        %get3A_1275 = tpu.vector_load %arg9[%get3A_1273, %get3A_1274] {strides = array<i32>} : memref<80x128xf32, #tpu.memory_space<vmem>>, vector<16xf32>,
        %get3A_1276 = arith.index_cast %add3A_1236 : i32 to index
        %get3A_1277 = arith.constant 64 : index
        %get3A_1278 = tpu.vector_load %arg10[%get3A_1276, %get3A_1277] {strides = array<i32>} : memref<80x128xf32, #tpu.memory_space<vmem>>, vector<16xf32>,
        %sub3A_1279 = arith.subf %get3A_1275, %get3A_1278 : vector<16xf32>
        %mul3A_1280 = arith.mulf %sub3A_1279, %sub3A_1279 : vector<16xf32>
        %add3A_1281 = arith.addf %add3A_1272, %mul3A_1280 : vector<16xf32>
        %get3A_1282 = arith.index_cast %add3A_1236 : i32 to index
        %get3A_1283 = arith.constant 80 : index
        %get3A_1284 = tpu.vector_load %arg9[%get3A_1282, %get3A_1283] {strides = array<i32>} : memref<80x128xf32, #tpu.memory_space<vmem>>, vector<16xf32>,
        %get3A_1285 = arith.index_cast %add3A_1236 : i32 to index
        %get3A_1286 = arith.constant 80 : index
        %get3A_1287 = tpu.vector_load %arg10[%get3A_1285, %get3A_1286] {strides = array<i32>} : memref<80x128xf32, #tpu.memory_space<vmem>>, vector<16xf32>,
        %sub3A_1288 = arith.subf %get3A_1284, %get3A_1287 : vector<16xf32>
        %mul3A_1289 = arith.mulf %sub3A_1288, %sub3A_1288 : vector<16xf32>
        %add3A_1290 = arith.addf %add3A_1281, %mul3A_1289 : vector<16xf32>
        %get3A_1291 = arith.index_cast %add3A_1236 : i32 to index
        %get3A_1292 = arith.constant 96 : index
        %get3A_1293 = tpu.vector_load %arg9[%get3A_1291, %get3A_1292] {strides = array<i32>} : memref<80x128xf32, #tpu.memory_space<vmem>>, vector<16xf32>,
        %get3A_1294 = arith.index_cast %add3A_1236 : i32 to index
        %get3A_1295 = arith.constant 96 : index
        %get3A_1296 = tpu.vector_load %arg10[%get3A_1294, %get3A_1295] {strides = array<i32>} : memref<80x128xf32, #tpu.memory_space<vmem>>, vector<16xf32>,
        %sub3A_1297 = arith.subf %get3A_1293, %get3A_1296 : vector<16xf32>
        %mul3A_1298 = arith.mulf %sub3A_1297, %sub3A_1297 : vector<16xf32>
        %add3A_1299 = arith.addf %add3A_1290, %mul3A_1298 : vector<16xf32>
        %get3A_1300 = arith.index_cast %add3A_1236 : i32 to index
        %get3A_1301 = arith.constant 112 : index
        %get3A_1302 = tpu.vector_load %arg9[%get3A_1300, %get3A_1301] {strides = array<i32>} : memref<80x128xf32, #tpu.memory_space<vmem>>, vector<16xf32>,
        %get3A_1303 = arith.index_cast %add3A_1236 : i32 to index
        %get3A_1304 = arith.constant 112 : index
        %get3A_1305 = tpu.vector_load %arg10[%get3A_1303, %get3A_1304] {strides = array<i32>} : memref<80x128xf32, #tpu.memory_space<vmem>>, vector<16xf32>,
        %sub3A_1306 = arith.subf %get3A_1302, %get3A_1305 : vector<16xf32>
        %mul3A_1307 = arith.mulf %sub3A_1306, %sub3A_1306 : vector<16xf32>
        %add3A_1308 = arith.addf %add3A_1299, %mul3A_1307 : vector<16xf32>
        %add3A_1309 = arith.constant 14 : i32
        %add3A_1310 = vector.broadcast %add3A_1309 : i32 to vector<16xi32>
        %add3A_1311 = arith.addi %mul3A_10, %add3A_1310 : vector<16xi32>
        tpu.vector_store_idx %arg15[%add3A_1311], %add3A_1308 : memref<272xf32, #tpu.memory_space<vmem>>[vector<16xi32>], vector<16xf32>,
        %add3A_1312 = arith.constant 15 : i32
        %add3A_1313 = arith.addi %mul3A_158, %add3A_1312 : i32
        %get3A_1314 = arith.index_cast %add3A_1313 : i32 to index
        %get3A_1315 = arith.constant 0 : index
        %get3A_1316 = tpu.vector_load %arg9[%get3A_1314, %get3A_1315] {strides = array<i32>} : memref<80x128xf32, #tpu.memory_space<vmem>>, vector<16xf32>,
        %get3A_1317 = arith.index_cast %add3A_1313 : i32 to index
        %get3A_1318 = arith.constant 0 : index
        %get3A_1319 = tpu.vector_load %arg10[%get3A_1317, %get3A_1318] {strides = array<i32>} : memref<80x128xf32, #tpu.memory_space<vmem>>, vector<16xf32>,
        %sub3A_1320 = arith.subf %get3A_1316, %get3A_1319 : vector<16xf32>
        %mul3A_1321 = arith.mulf %sub3A_1320, %sub3A_1320 : vector<16xf32>
        %add3A_1322 = arith.addf %broadcast_in_dim3A_3, %mul3A_1321 : vector<16xf32>
        %get3A_1323 = arith.index_cast %add3A_1313 : i32 to index
        %get3A_1324 = arith.constant 16 : index
        %get3A_1325 = tpu.vector_load %arg9[%get3A_1323, %get3A_1324] {strides = array<i32>} : memref<80x128xf32, #tpu.memory_space<vmem>>, vector<16xf32>,
        %get3A_1326 = arith.index_cast %add3A_1313 : i32 to index
        %get3A_1327 = arith.constant 16 : index
        %get3A_1328 = tpu.vector_load %arg10[%get3A_1326, %get3A_1327] {strides = array<i32>} : memref<80x128xf32, #tpu.memory_space<vmem>>, vector<16xf32>,
        %sub3A_1329 = arith.subf %get3A_1325, %get3A_1328 : vector<16xf32>
        %mul3A_1330 = arith.mulf %sub3A_1329, %sub3A_1329 : vector<16xf32>
        %add3A_1331 = arith.addf %add3A_1322, %mul3A_1330 : vector<16xf32>
        %get3A_1332 = arith.index_cast %add3A_1313 : i32 to index
        %get3A_1333 = arith.constant 32 : index
        %get3A_1334 = tpu.vector_load %arg9[%get3A_1332, %get3A_1333] {strides = array<i32>} : memref<80x128xf32, #tpu.memory_space<vmem>>, vector<16xf32>,
        %get3A_1335 = arith.index_cast %add3A_1313 : i32 to index
        %get3A_1336 = arith.constant 32 : index
        %get3A_1337 = tpu.vector_load %arg10[%get3A_1335, %get3A_1336] {strides = array<i32>} : memref<80x128xf32, #tpu.memory_space<vmem>>, vector<16xf32>,
        %sub3A_1338 = arith.subf %get3A_1334, %get3A_1337 : vector<16xf32>
        %mul3A_1339 = arith.mulf %sub3A_1338, %sub3A_1338 : vector<16xf32>
        %add3A_1340 = arith.addf %add3A_1331, %mul3A_1339 : vector<16xf32>
        %get3A_1341 = arith.index_cast %add3A_1313 : i32 to index
        %get3A_1342 = arith.constant 48 : index
        %get3A_1343 = tpu.vector_load %arg9[%get3A_1341, %get3A_1342] {strides = array<i32>} : memref<80x128xf32, #tpu.memory_space<vmem>>, vector<16xf32>,
        %get3A_1344 = arith.index_cast %add3A_1313 : i32 to index
        %get3A_1345 = arith.constant 48 : index
        %get3A_1346 = tpu.vector_load %arg10[%get3A_1344, %get3A_1345] {strides = array<i32>} : memref<80x128xf32, #tpu.memory_space<vmem>>, vector<16xf32>,
        %sub3A_1347 = arith.subf %get3A_1343, %get3A_1346 : vector<16xf32>
        %mul3A_1348 = arith.mulf %sub3A_1347, %sub3A_1347 : vector<16xf32>
        %add3A_1349 = arith.addf %add3A_1340, %mul3A_1348 : vector<16xf32>
        %get3A_1350 = arith.index_cast %add3A_1313 : i32 to index
        %get3A_1351 = arith.constant 64 : index
        %get3A_1352 = tpu.vector_load %arg9[%get3A_1350, %get3A_1351] {strides = array<i32>} : memref<80x128xf32, #tpu.memory_space<vmem>>, vector<16xf32>,
        %get3A_1353 = arith.index_cast %add3A_1313 : i32 to index
        %get3A_1354 = arith.constant 64 : index
        %get3A_1355 = tpu.vector_load %arg10[%get3A_1353, %get3A_1354] {strides = array<i32>} : memref<80x128xf32, #tpu.memory_space<vmem>>, vector<16xf32>,
        %sub3A_1356 = arith.subf %get3A_1352, %get3A_1355 : vector<16xf32>
        %mul3A_1357 = arith.mulf %sub3A_1356, %sub3A_1356 : vector<16xf32>
        %add3A_1358 = arith.addf %add3A_1349, %mul3A_1357 : vector<16xf32>
        %get3A_1359 = arith.index_cast %add3A_1313 : i32 to index
        %get3A_1360 = arith.constant 80 : index
        %get3A_1361 = tpu.vector_load %arg9[%get3A_1359, %get3A_1360] {strides = array<i32>} : memref<80x128xf32, #tpu.memory_space<vmem>>, vector<16xf32>,
        %get3A_1362 = arith.index_cast %add3A_1313 : i32 to index
        %get3A_1363 = arith.constant 80 : index
        %get3A_1364 = tpu.vector_load %arg10[%get3A_1362, %get3A_1363] {strides = array<i32>} : memref<80x128xf32, #tpu.memory_space<vmem>>, vector<16xf32>,
        %sub3A_1365 = arith.subf %get3A_1361, %get3A_1364 : vector<16xf32>
        %mul3A_1366 = arith.mulf %sub3A_1365, %sub3A_1365 : vector<16xf32>
        %add3A_1367 = arith.addf %add3A_1358, %mul3A_1366 : vector<16xf32>
        %get3A_1368 = arith.index_cast %add3A_1313 : i32 to index
        %get3A_1369 = arith.constant 96 : index
        %get3A_1370 = tpu.vector_load %arg9[%get3A_1368, %get3A_1369] {strides = array<i32>} : memref<80x128xf32, #tpu.memory_space<vmem>>, vector<16xf32>,
        %get3A_1371 = arith.index_cast %add3A_1313 : i32 to index
        %get3A_1372 = arith.constant 96 : index
        %get3A_1373 = tpu.vector_load %arg10[%get3A_1371, %get3A_1372] {strides = array<i32>} : memref<80x128xf32, #tpu.memory_space<vmem>>, vector<16xf32>,
        %sub3A_1374 = arith.subf %get3A_1370, %get3A_1373 : vector<16xf32>
        %mul3A_1375 = arith.mulf %sub3A_1374, %sub3A_1374 : vector<16xf32>
        %add3A_1376 = arith.addf %add3A_1367, %mul3A_1375 : vector<16xf32>
        %get3A_1377 = arith.index_cast %add3A_1313 : i32 to index
        %get3A_1378 = arith.constant 112 : index
        %get3A_1379 = tpu.vector_load %arg9[%get3A_1377, %get3A_1378] {strides = array<i32>} : memref<80x128xf32, #tpu.memory_space<vmem>>, vector<16xf32>,
        %get3A_1380 = arith.index_cast %add3A_1313 : i32 to index
        %get3A_1381 = arith.constant 112 : index
        %get3A_1382 = tpu.vector_load %arg10[%get3A_1380, %get3A_1381] {strides = array<i32>} : memref<80x128xf32, #tpu.memory_space<vmem>>, vector<16xf32>,
        %sub3A_1383 = arith.subf %get3A_1379, %get3A_1382 : vector<16xf32>
        %mul3A_1384 = arith.mulf %sub3A_1383, %sub3A_1383 : vector<16xf32>
        %add3A_1385 = arith.addf %add3A_1376, %mul3A_1384 : vector<16xf32>
        %add3A_1386 = arith.constant 15 : i32
        %add3A_1387 = vector.broadcast %add3A_1386 : i32 to vector<16xi32>
        %add3A_1388 = arith.addi %mul3A_10, %add3A_1387 : vector<16xi32>
        tpu.vector_store_idx %arg15[%add3A_1388], %add3A_1385 : memref<272xf32, #tpu.memory_space<vmem>>[vector<16xi32>], vector<16xf32>,
        %get3A_1389 = arith.constant 0 : index
        %get3A_1390 = tpu.vector_load %arg15[%get3A_1389] {strides = array<i32>} : memref<272xf32, #tpu.memory_space<vmem>>, vector<16xf32>,
        %get3A_1391 = arith.constant 17 : index
        %get3A_1392 = tpu.vector_load %arg15[%get3A_1391] {strides = array<i32>} : memref<272xf32, #tpu.memory_space<vmem>>, vector<16xf32>,
        %get3A_1393 = arith.constant 34 : index
        %get3A_1394 = tpu.vector_load %arg15[%get3A_1393] {strides = array<i32>} : memref<272xf32, #tpu.memory_space<vmem>>, vector<16xf32>,
        %get3A_1395 = arith.constant 51 : index
        %get3A_1396 = tpu.vector_load %arg15[%get3A_1395] {strides = array<i32>} : memref<272xf32, #tpu.memory_space<vmem>>, vector<16xf32>,
        %get3A_1397 = arith.constant 68 : index
        %get3A_1398 = tpu.vector_load %arg15[%get3A_1397] {strides = array<i32>} : memref<272xf32, #tpu.memory_space<vmem>>, vector<16xf32>,
        %get3A_1399 = arith.constant 85 : index
        %get3A_1400 = tpu.vector_load %arg15[%get3A_1399] {strides = array<i32>} : memref<272xf32, #tpu.memory_space<vmem>>, vector<16xf32>,
        %get3A_1401 = arith.constant 102 : index
        %get3A_1402 = tpu.vector_load %arg15[%get3A_1401] {strides = array<i32>} : memref<272xf32, #tpu.memory_space<vmem>>, vector<16xf32>,
        %get3A_1403 = arith.constant 119 : index
        %get3A_1404 = tpu.vector_load %arg15[%get3A_1403] {strides = array<i32>} : memref<272xf32, #tpu.memory_space<vmem>>, vector<16xf32>,
        %get3A_1405 = arith.constant 136 : index
        %get3A_1406 = tpu.vector_load %arg15[%get3A_1405] {strides = array<i32>} : memref<272xf32, #tpu.memory_space<vmem>>, vector<16xf32>,
        %get3A_1407 = arith.constant 153 : index
        %get3A_1408 = tpu.vector_load %arg15[%get3A_1407] {strides = array<i32>} : memref<272xf32, #tpu.memory_space<vmem>>, vector<16xf32>,
        %get3A_1409 = arith.constant 170 : index
        %get3A_1410 = tpu.vector_load %arg15[%get3A_1409] {strides = array<i32>} : memref<272xf32, #tpu.memory_space<vmem>>, vector<16xf32>,
        %get3A_1411 = arith.constant 187 : index
        %get3A_1412 = tpu.vector_load %arg15[%get3A_1411] {strides = array<i32>} : memref<272xf32, #tpu.memory_space<vmem>>, vector<16xf32>,
        %get3A_1413 = arith.constant 204 : index
        %get3A_1414 = tpu.vector_load %arg15[%get3A_1413] {strides = array<i32>} : memref<272xf32, #tpu.memory_space<vmem>>, vector<16xf32>,
        %get3A_1415 = arith.constant 221 : index
        %get3A_1416 = tpu.vector_load %arg15[%get3A_1415] {strides = array<i32>} : memref<272xf32, #tpu.memory_space<vmem>>, vector<16xf32>,
        %get3A_1417 = arith.constant 238 : index
        %get3A_1418 = tpu.vector_load %arg15[%get3A_1417] {strides = array<i32>} : memref<272xf32, #tpu.memory_space<vmem>>, vector<16xf32>,
        %get3A_1419 = arith.constant 255 : index
        %get3A_1420 = tpu.vector_load %arg15[%get3A_1419] {strides = array<i32>} : memref<272xf32, #tpu.memory_space<vmem>>, vector<16xf32>,
        %add3A_1421 = arith.addf %get3A_1390, %get3A_1392 : vector<16xf32>
        %add3A_1422 = arith.addf %get3A_1394, %get3A_1396 : vector<16xf32>
        %add3A_1423 = arith.addf %get3A_1398, %get3A_1400 : vector<16xf32>
        %add3A_1424 = arith.addf %get3A_1402, %get3A_1404 : vector<16xf32>
        %add3A_1425 = arith.addf %get3A_1406, %get3A_1408 : vector<16xf32>
        %add3A_1426 = arith.addf %get3A_1410, %get3A_1412 : vector<16xf32>
        %add3A_1427 = arith.addf %get3A_1414, %get3A_1416 : vector<16xf32>
        %add3A_1428 = arith.addf %get3A_1418, %get3A_1420 : vector<16xf32>
        %add3A_1429 = arith.addf %add3A_1421, %add3A_1422 : vector<16xf32>
        %add3A_1430 = arith.addf %add3A_1423, %add3A_1424 : vector<16xf32>
        %add3A_1431 = arith.addf %add3A_1425, %add3A_1426 : vector<16xf32>
        %add3A_1432 = arith.addf %add3A_1427, %add3A_1428 : vector<16xf32>
        %add3A_1433 = arith.addf %add3A_1429, %add3A_1430 : vector<16xf32>
        %add3A_1434 = arith.addf %add3A_1431, %add3A_1432 : vector<16xf32>
        %add3A_1435 = arith.addf %add3A_1433, %add3A_1434 : vector<16xf32>
        %add3A_1436 = arith.addi %mul3A_95, %mul3A_158 : i32
        %swap3A = arith.index_cast %add3A_1436 : i32 to index
        %swap3A_1437 = tpu.vector_load %arg13[%swap3A] {strides = array<i32>} : memref<10000xf32, #tpu.memory_space<vmem>>, vector<16xf32>,
        tpu.vector_store %arg13[%swap3A], %add3A_1435 {strides = array<i32>} : memref<10000xf32, #tpu.memory_space<vmem>>, vector<16xf32>,
      }
      %scan3A_100 = arith.constant 5 : i32
      %add3A_101 = arith.constant 2 : i32
      %add3A_102 = arith.addi %mul3A_81, %add3A_101 : i32
      %min3A_103 = arith.constant 124 : i32
      %min3A_104 = arith.minsi %add3A_102, %min3A_103 : i32
      %mul3A_105 = arith.constant 80 : i32
      %mul3A_106 = arith.muli %min3A_104, %mul3A_105 : i32
      %dma_start3A_107 = tpu.memref_slice %arg7[%mul3A_106] : memref<10000xi32, #tpu.memory_space<vmem>> -> memref<80xi32, #tpu.memory_space<vmem>>
      %dma_start3A_108 = arith.constant 0 : i32
      %dma_start3A_109 = arith.constant 0 : i32
      %dma_start3A_110 = tpu.memref_slice %arg2[%dma_start3A_108, %dma_start3A_109] : memref<10000x128xf32, #tpu.memory_space<hbm>> -> memref<10000x128xf32, #tpu.memory_space<hbm>>
      tpu.enqueue_indirect_dma source(%dma_start3A_110 : memref<10000x128xf32, #tpu.memory_space<hbm>>) target(%arg9 : memref<80x128xf32, #tpu.memory_space<vmem>>) offsets(%dma_start3A_107 : memref<80xi32, #tpu.memory_space<vmem>>) semaphore(%arg16 : memref<!tpu.dma_semaphore, #tpu.memory_space<semaphore_mem>>)
      %dma_start3A_111 = tpu.memref_slice %arg8[%mul3A_106] : memref<10000xi32, #tpu.memory_space<vmem>> -> memref<80xi32, #tpu.memory_space<vmem>>
      %dma_start3A_112 = arith.constant 0 : i32
      %dma_start3A_113 = arith.constant 0 : i32
      %dma_start3A_114 = tpu.memref_slice %arg2[%dma_start3A_112, %dma_start3A_113] : memref<10000x128xf32, #tpu.memory_space<hbm>> -> memref<10000x128xf32, #tpu.memory_space<hbm>>
      tpu.enqueue_indirect_dma source(%dma_start3A_114 : memref<10000x128xf32, #tpu.memory_space<hbm>>) target(%arg10 : memref<80x128xf32, #tpu.memory_space<vmem>>) offsets(%dma_start3A_111 : memref<80xi32, #tpu.memory_space<vmem>>) semaphore(%arg17 : memref<!tpu.dma_semaphore, #tpu.memory_space<semaphore_mem>>)
      %mul3A_115 = arith.constant 2 : i32
      %mul3A_116 = arith.muli %mul3A_115, %add3A_79 : i32
      %add3A_117 = arith.constant 1 : i32
      %add3A_118 = arith.addi %mul3A_116, %add3A_117 : i32
      %min3A_119 = arith.constant 124 : i32
      %min3A_120 = arith.minsi %add3A_118, %min3A_119 : i32
      %mul3A_121 = arith.constant 80 : i32
      %mul3A_122 = arith.muli %min3A_120, %mul3A_121 : i32
      %dma_wait3A_123 = tpu.memref_slice %arg7[%mul3A_122] : memref<10000xi32, #tpu.memory_space<vmem>> -> memref<80xi32, #tpu.memory_space<vmem>>
      %dma_wait3A_124 = arith.constant 0 : i32
      %dma_wait3A_125 = arith.constant 0 : i32
      %dma_wait3A_126 = tpu.memref_slice %arg2[%dma_wait3A_124, %dma_wait3A_125] : memref<10000x128xf32, #tpu.memory_space<hbm>> -> memref<10000x128xf32, #tpu.memory_space<hbm>>
      tpu.wait_indirect_dma semaphore(%arg18 : memref<!tpu.dma_semaphore, #tpu.memory_space<semaphore_mem>>) src(%dma_wait3A_126 : memref<10000x128xf32, #tpu.memory_space<hbm>>) dst(%arg11 : memref<80x128xf32, #tpu.memory_space<vmem>>)
      %dma_wait3A_127 = tpu.memref_slice %arg8[%mul3A_122] : memref<10000xi32, #tpu.memory_space<vmem>> -> memref<80xi32, #tpu.memory_space<vmem>>
      %dma_wait3A_128 = arith.constant 0 : i32
      %dma_wait3A_129 = arith.constant 0 : i32
      %dma_wait3A_130 = tpu.memref_slice %arg2[%dma_wait3A_128, %dma_wait3A_129] : memref<10000x128xf32, #tpu.memory_space<hbm>> -> memref<10000x128xf32, #tpu.memory_space<hbm>>
      tpu.wait_indirect_dma semaphore(%arg19 : memref<!tpu.dma_semaphore, #tpu.memory_space<semaphore_mem>>) src(%dma_wait3A_130 : memref<10000x128xf32, #tpu.memory_space<hbm>>) dst(%arg12 : memref<80x128xf32, #tpu.memory_space<vmem>>)
      %mul3A_131 = arith.constant 80 : i32
      %mul3A_132 = arith.muli %add3A_118, %mul3A_131 : i32
      %scan3A_133 = arith.constant 0 : i32
      %scan3A_134 = arith.constant 5 : i32
      %scan3A_135 = arith.addi %scan3A_133, %scan3A_134 : i32
      %scan3A_136 = arith.constant 1 : i32
      scf.for %scan3A_152 = %scan3A_133 to %scan3A_135 step %scan3A_136  : i32 {
        %mul3A_153 = arith.constant 1 : i32
        %mul3A_154 = arith.muli %scan3A_152, %mul3A_153 : i32
        %add3A_155 = arith.constant 0 : i32
        %add3A_156 = arith.addi %add3A_155, %mul3A_154 : i32
        %mul3A_157 = arith.constant 16 : i32
        %mul3A_158 = arith.muli %add3A_156, %mul3A_157 : i32
        %add3A_159 = arith.constant 0 : i32
        %add3A_160 = arith.addi %mul3A_158, %add3A_159 : i32
        %get3A = arith.index_cast %add3A_160 : i32 to index
        %get3A_161 = arith.constant 0 : index
        %get3A_162 = tpu.vector_load %arg11[%get3A, %get3A_161] {strides = array<i32>} : memref<80x128xf32, #tpu.memory_space<vmem>>, vector<16xf32>,
        %get3A_163 = arith.index_cast %add3A_160 : i32 to index
        %get3A_164 = arith.constant 0 : index
        %get3A_165 = tpu.vector_load %arg12[%get3A_163, %get3A_164] {strides = array<i32>} : memref<80x128xf32, #tpu.memory_space<vmem>>, vector<16xf32>,
        %sub3A = arith.subf %get3A_162, %get3A_165 : vector<16xf32>
        %mul3A_166 = arith.mulf %sub3A, %sub3A : vector<16xf32>
        %add3A_167 = arith.addf %broadcast_in_dim3A_3, %mul3A_166 : vector<16xf32>
        %get3A_168 = arith.index_cast %add3A_160 : i32 to index
        %get3A_169 = arith.constant 16 : index
        %get3A_170 = tpu.vector_load %arg11[%get3A_168, %get3A_169] {strides = array<i32>} : memref<80x128xf32, #tpu.memory_space<vmem>>, vector<16xf32>,
        %get3A_171 = arith.index_cast %add3A_160 : i32 to index
        %get3A_172 = arith.constant 16 : index
        %get3A_173 = tpu.vector_load %arg12[%get3A_171, %get3A_172] {strides = array<i32>} : memref<80x128xf32, #tpu.memory_space<vmem>>, vector<16xf32>,
        %sub3A_174 = arith.subf %get3A_170, %get3A_173 : vector<16xf32>
        %mul3A_175 = arith.mulf %sub3A_174, %sub3A_174 : vector<16xf32>
        %add3A_176 = arith.addf %add3A_167, %mul3A_175 : vector<16xf32>
        %get3A_177 = arith.index_cast %add3A_160 : i32 to index
        %get3A_178 = arith.constant 32 : index
        %get3A_179 = tpu.vector_load %arg11[%get3A_177, %get3A_178] {strides = array<i32>} : memref<80x128xf32, #tpu.memory_space<vmem>>, vector<16xf32>,
        %get3A_180 = arith.index_cast %add3A_160 : i32 to index
        %get3A_181 = arith.constant 32 : index
        %get3A_182 = tpu.vector_load %arg12[%get3A_180, %get3A_181] {strides = array<i32>} : memref<80x128xf32, #tpu.memory_space<vmem>>, vector<16xf32>,
        %sub3A_183 = arith.subf %get3A_179, %get3A_182 : vector<16xf32>
        %mul3A_184 = arith.mulf %sub3A_183, %sub3A_183 : vector<16xf32>
        %add3A_185 = arith.addf %add3A_176, %mul3A_184 : vector<16xf32>
        %get3A_186 = arith.index_cast %add3A_160 : i32 to index
        %get3A_187 = arith.constant 48 : index
        %get3A_188 = tpu.vector_load %arg11[%get3A_186, %get3A_187] {strides = array<i32>} : memref<80x128xf32, #tpu.memory_space<vmem>>, vector<16xf32>,
        %get3A_189 = arith.index_cast %add3A_160 : i32 to index
        %get3A_190 = arith.constant 48 : index
        %get3A_191 = tpu.vector_load %arg12[%get3A_189, %get3A_190] {strides = array<i32>} : memref<80x128xf32, #tpu.memory_space<vmem>>, vector<16xf32>,
        %sub3A_192 = arith.subf %get3A_188, %get3A_191 : vector<16xf32>
        %mul3A_193 = arith.mulf %sub3A_192, %sub3A_192 : vector<16xf32>
        %add3A_194 = arith.addf %add3A_185, %mul3A_193 : vector<16xf32>
        %get3A_195 = arith.index_cast %add3A_160 : i32 to index
        %get3A_196 = arith.constant 64 : index
        %get3A_197 = tpu.vector_load %arg11[%get3A_195, %get3A_196] {strides = array<i32>} : memref<80x128xf32, #tpu.memory_space<vmem>>, vector<16xf32>,
        %get3A_198 = arith.index_cast %add3A_160 : i32 to index
        %get3A_199 = arith.constant 64 : index
        %get3A_200 = tpu.vector_load %arg12[%get3A_198, %get3A_199] {strides = array<i32>} : memref<80x128xf32, #tpu.memory_space<vmem>>, vector<16xf32>,
        %sub3A_201 = arith.subf %get3A_197, %get3A_200 : vector<16xf32>
        %mul3A_202 = arith.mulf %sub3A_201, %sub3A_201 : vector<16xf32>
        %add3A_203 = arith.addf %add3A_194, %mul3A_202 : vector<16xf32>
        %get3A_204 = arith.index_cast %add3A_160 : i32 to index
        %get3A_205 = arith.constant 80 : index
        %get3A_206 = tpu.vector_load %arg11[%get3A_204, %get3A_205] {strides = array<i32>} : memref<80x128xf32, #tpu.memory_space<vmem>>, vector<16xf32>,
        %get3A_207 = arith.index_cast %add3A_160 : i32 to index
        %get3A_208 = arith.constant 80 : index
        %get3A_209 = tpu.vector_load %arg12[%get3A_207, %get3A_208] {strides = array<i32>} : memref<80x128xf32, #tpu.memory_space<vmem>>, vector<16xf32>,
        %sub3A_210 = arith.subf %get3A_206, %get3A_209 : vector<16xf32>
        %mul3A_211 = arith.mulf %sub3A_210, %sub3A_210 : vector<16xf32>
        %add3A_212 = arith.addf %add3A_203, %mul3A_211 : vector<16xf32>
        %get3A_213 = arith.index_cast %add3A_160 : i32 to index
        %get3A_214 = arith.constant 96 : index
        %get3A_215 = tpu.vector_load %arg11[%get3A_213, %get3A_214] {strides = array<i32>} : memref<80x128xf32, #tpu.memory_space<vmem>>, vector<16xf32>,
        %get3A_216 = arith.index_cast %add3A_160 : i32 to index
        %get3A_217 = arith.constant 96 : index
        %get3A_218 = tpu.vector_load %arg12[%get3A_216, %get3A_217] {strides = array<i32>} : memref<80x128xf32, #tpu.memory_space<vmem>>, vector<16xf32>,
        %sub3A_219 = arith.subf %get3A_215, %get3A_218 : vector<16xf32>
        %mul3A_220 = arith.mulf %sub3A_219, %sub3A_219 : vector<16xf32>
        %add3A_221 = arith.addf %add3A_212, %mul3A_220 : vector<16xf32>
        %get3A_222 = arith.index_cast %add3A_160 : i32 to index
        %get3A_223 = arith.constant 112 : index
        %get3A_224 = tpu.vector_load %arg11[%get3A_222, %get3A_223] {strides = array<i32>} : memref<80x128xf32, #tpu.memory_space<vmem>>, vector<16xf32>,
        %get3A_225 = arith.index_cast %add3A_160 : i32 to index
        %get3A_226 = arith.constant 112 : index
        %get3A_227 = tpu.vector_load %arg12[%get3A_225, %get3A_226] {strides = array<i32>} : memref<80x128xf32, #tpu.memory_space<vmem>>, vector<16xf32>,
        %sub3A_228 = arith.subf %get3A_224, %get3A_227 : vector<16xf32>
        %mul3A_229 = arith.mulf %sub3A_228, %sub3A_228 : vector<16xf32>
        %add3A_230 = arith.addf %add3A_221, %mul3A_229 : vector<16xf32>
        %add3A_231 = arith.constant 0 : i32
        %add3A_232 = vector.broadcast %add3A_231 : i32 to vector<16xi32>
        %add3A_233 = arith.addi %mul3A_10, %add3A_232 : vector<16xi32>
        tpu.vector_store_idx %arg15[%add3A_233], %add3A_230 : memref<272xf32, #tpu.memory_space<vmem>>[vector<16xi32>], vector<16xf32>,
        %add3A_234 = arith.constant 1 : i32
        %add3A_235 = arith.addi %mul3A_158, %add3A_234 : i32
        %get3A_236 = arith.index_cast %add3A_235 : i32 to index
        %get3A_237 = arith.constant 0 : index
        %get3A_238 = tpu.vector_load %arg11[%get3A_236, %get3A_237] {strides = array<i32>} : memref<80x128xf32, #tpu.memory_space<vmem>>, vector<16xf32>,
        %get3A_239 = arith.index_cast %add3A_235 : i32 to index
        %get3A_240 = arith.constant 0 : index
        %get3A_241 = tpu.vector_load %arg12[%get3A_239, %get3A_240] {strides = array<i32>} : memref<80x128xf32, #tpu.memory_space<vmem>>, vector<16xf32>,
        %sub3A_242 = arith.subf %get3A_238, %get3A_241 : vector<16xf32>
        %mul3A_243 = arith.mulf %sub3A_242, %sub3A_242 : vector<16xf32>
        %add3A_244 = arith.addf %broadcast_in_dim3A_3, %mul3A_243 : vector<16xf32>
        %get3A_245 = arith.index_cast %add3A_235 : i32 to index
        %get3A_246 = arith.constant 16 : index
        %get3A_247 = tpu.vector_load %arg11[%get3A_245, %get3A_246] {strides = array<i32>} : memref<80x128xf32, #tpu.memory_space<vmem>>, vector<16xf32>,
        %get3A_248 = arith.index_cast %add3A_235 : i32 to index
        %get3A_249 = arith.constant 16 : index
        %get3A_250 = tpu.vector_load %arg12[%get3A_248, %get3A_249] {strides = array<i32>} : memref<80x128xf32, #tpu.memory_space<vmem>>, vector<16xf32>,
        %sub3A_251 = arith.subf %get3A_247, %get3A_250 : vector<16xf32>
        %mul3A_252 = arith.mulf %sub3A_251, %sub3A_251 : vector<16xf32>
        %add3A_253 = arith.addf %add3A_244, %mul3A_252 : vector<16xf32>
        %get3A_254 = arith.index_cast %add3A_235 : i32 to index
        %get3A_255 = arith.constant 32 : index
        %get3A_256 = tpu.vector_load %arg11[%get3A_254, %get3A_255] {strides = array<i32>} : memref<80x128xf32, #tpu.memory_space<vmem>>, vector<16xf32>,
        %get3A_257 = arith.index_cast %add3A_235 : i32 to index
        %get3A_258 = arith.constant 32 : index
        %get3A_259 = tpu.vector_load %arg12[%get3A_257, %get3A_258] {strides = array<i32>} : memref<80x128xf32, #tpu.memory_space<vmem>>, vector<16xf32>,
        %sub3A_260 = arith.subf %get3A_256, %get3A_259 : vector<16xf32>
        %mul3A_261 = arith.mulf %sub3A_260, %sub3A_260 : vector<16xf32>
        %add3A_262 = arith.addf %add3A_253, %mul3A_261 : vector<16xf32>
        %get3A_263 = arith.index_cast %add3A_235 : i32 to index
        %get3A_264 = arith.constant 48 : index
        %get3A_265 = tpu.vector_load %arg11[%get3A_263, %get3A_264] {strides = array<i32>} : memref<80x128xf32, #tpu.memory_space<vmem>>, vector<16xf32>,
        %get3A_266 = arith.index_cast %add3A_235 : i32 to index
        %get3A_267 = arith.constant 48 : index
        %get3A_268 = tpu.vector_load %arg12[%get3A_266, %get3A_267] {strides = array<i32>} : memref<80x128xf32, #tpu.memory_space<vmem>>, vector<16xf32>,
        %sub3A_269 = arith.subf %get3A_265, %get3A_268 : vector<16xf32>
        %mul3A_270 = arith.mulf %sub3A_269, %sub3A_269 : vector<16xf32>
        %add3A_271 = arith.addf %add3A_262, %mul3A_270 : vector<16xf32>
        %get3A_272 = arith.index_cast %add3A_235 : i32 to index
        %get3A_273 = arith.constant 64 : index
        %get3A_274 = tpu.vector_load %arg11[%get3A_272, %get3A_273] {strides = array<i32>} : memref<80x128xf32, #tpu.memory_space<vmem>>, vector<16xf32>,
        %get3A_275 = arith.index_cast %add3A_235 : i32 to index
        %get3A_276 = arith.constant 64 : index
        %get3A_277 = tpu.vector_load %arg12[%get3A_275, %get3A_276] {strides = array<i32>} : memref<80x128xf32, #tpu.memory_space<vmem>>, vector<16xf32>,
        %sub3A_278 = arith.subf %get3A_274, %get3A_277 : vector<16xf32>
        %mul3A_279 = arith.mulf %sub3A_278, %sub3A_278 : vector<16xf32>
        %add3A_280 = arith.addf %add3A_271, %mul3A_279 : vector<16xf32>
        %get3A_281 = arith.index_cast %add3A_235 : i32 to index
        %get3A_282 = arith.constant 80 : index
        %get3A_283 = tpu.vector_load %arg11[%get3A_281, %get3A_282] {strides = array<i32>} : memref<80x128xf32, #tpu.memory_space<vmem>>, vector<16xf32>,
        %get3A_284 = arith.index_cast %add3A_235 : i32 to index
        %get3A_285 = arith.constant 80 : index
        %get3A_286 = tpu.vector_load %arg12[%get3A_284, %get3A_285] {strides = array<i32>} : memref<80x128xf32, #tpu.memory_space<vmem>>, vector<16xf32>,
        %sub3A_287 = arith.subf %get3A_283, %get3A_286 : vector<16xf32>
        %mul3A_288 = arith.mulf %sub3A_287, %sub3A_287 : vector<16xf32>
        %add3A_289 = arith.addf %add3A_280, %mul3A_288 : vector<16xf32>
        %get3A_290 = arith.index_cast %add3A_235 : i32 to index
        %get3A_291 = arith.constant 96 : index
        %get3A_292 = tpu.vector_load %arg11[%get3A_290, %get3A_291] {strides = array<i32>} : memref<80x128xf32, #tpu.memory_space<vmem>>, vector<16xf32>,
        %get3A_293 = arith.index_cast %add3A_235 : i32 to index
        %get3A_294 = arith.constant 96 : index
        %get3A_295 = tpu.vector_load %arg12[%get3A_293, %get3A_294] {strides = array<i32>} : memref<80x128xf32, #tpu.memory_space<vmem>>, vector<16xf32>,
        %sub3A_296 = arith.subf %get3A_292, %get3A_295 : vector<16xf32>
        %mul3A_297 = arith.mulf %sub3A_296, %sub3A_296 : vector<16xf32>
        %add3A_298 = arith.addf %add3A_289, %mul3A_297 : vector<16xf32>
        %get3A_299 = arith.index_cast %add3A_235 : i32 to index
        %get3A_300 = arith.constant 112 : index
        %get3A_301 = tpu.vector_load %arg11[%get3A_299, %get3A_300] {strides = array<i32>} : memref<80x128xf32, #tpu.memory_space<vmem>>, vector<16xf32>,
        %get3A_302 = arith.index_cast %add3A_235 : i32 to index
        %get3A_303 = arith.constant 112 : index
        %get3A_304 = tpu.vector_load %arg12[%get3A_302, %get3A_303] {strides = array<i32>} : memref<80x128xf32, #tpu.memory_space<vmem>>, vector<16xf32>,
        %sub3A_305 = arith.subf %get3A_301, %get3A_304 : vector<16xf32>
        %mul3A_306 = arith.mulf %sub3A_305, %sub3A_305 : vector<16xf32>
        %add3A_307 = arith.addf %add3A_298, %mul3A_306 : vector<16xf32>
        %add3A_308 = arith.constant 1 : i32
        %add3A_309 = vector.broadcast %add3A_308 : i32 to vector<16xi32>
        %add3A_310 = arith.addi %mul3A_10, %add3A_309 : vector<16xi32>
        tpu.vector_store_idx %arg15[%add3A_310], %add3A_307 : memref<272xf32, #tpu.memory_space<vmem>>[vector<16xi32>], vector<16xf32>,
        %add3A_311 = arith.constant 2 : i32
        %add3A_312 = arith.addi %mul3A_158, %add3A_311 : i32
        %get3A_313 = arith.index_cast %add3A_312 : i32 to index
        %get3A_314 = arith.constant 0 : index
        %get3A_315 = tpu.vector_load %arg11[%get3A_313, %get3A_314] {strides = array<i32>} : memref<80x128xf32, #tpu.memory_space<vmem>>, vector<16xf32>,
        %get3A_316 = arith.index_cast %add3A_312 : i32 to index
        %get3A_317 = arith.constant 0 : index
        %get3A_318 = tpu.vector_load %arg12[%get3A_316, %get3A_317] {strides = array<i32>} : memref<80x128xf32, #tpu.memory_space<vmem>>, vector<16xf32>,
        %sub3A_319 = arith.subf %get3A_315, %get3A_318 : vector<16xf32>
        %mul3A_320 = arith.mulf %sub3A_319, %sub3A_319 : vector<16xf32>
        %add3A_321 = arith.addf %broadcast_in_dim3A_3, %mul3A_320 : vector<16xf32>
        %get3A_322 = arith.index_cast %add3A_312 : i32 to index
        %get3A_323 = arith.constant 16 : index
        %get3A_324 = tpu.vector_load %arg11[%get3A_322, %get3A_323] {strides = array<i32>} : memref<80x128xf32, #tpu.memory_space<vmem>>, vector<16xf32>,
        %get3A_325 = arith.index_cast %add3A_312 : i32 to index
        %get3A_326 = arith.constant 16 : index
        %get3A_327 = tpu.vector_load %arg12[%get3A_325, %get3A_326] {strides = array<i32>} : memref<80x128xf32, #tpu.memory_space<vmem>>, vector<16xf32>,
        %sub3A_328 = arith.subf %get3A_324, %get3A_327 : vector<16xf32>
        %mul3A_329 = arith.mulf %sub3A_328, %sub3A_328 : vector<16xf32>
        %add3A_330 = arith.addf %add3A_321, %mul3A_329 : vector<16xf32>
        %get3A_331 = arith.index_cast %add3A_312 : i32 to index
        %get3A_332 = arith.constant 32 : index
        %get3A_333 = tpu.vector_load %arg11[%get3A_331, %get3A_332] {strides = array<i32>} : memref<80x128xf32, #tpu.memory_space<vmem>>, vector<16xf32>,
        %get3A_334 = arith.index_cast %add3A_312 : i32 to index
        %get3A_335 = arith.constant 32 : index
        %get3A_336 = tpu.vector_load %arg12[%get3A_334, %get3A_335] {strides = array<i32>} : memref<80x128xf32, #tpu.memory_space<vmem>>, vector<16xf32>,
        %sub3A_337 = arith.subf %get3A_333, %get3A_336 : vector<16xf32>
        %mul3A_338 = arith.mulf %sub3A_337, %sub3A_337 : vector<16xf32>
        %add3A_339 = arith.addf %add3A_330, %mul3A_338 : vector<16xf32>
        %get3A_340 = arith.index_cast %add3A_312 : i32 to index
        %get3A_341 = arith.constant 48 : index
        %get3A_342 = tpu.vector_load %arg11[%get3A_340, %get3A_341] {strides = array<i32>} : memref<80x128xf32, #tpu.memory_space<vmem>>, vector<16xf32>,
        %get3A_343 = arith.index_cast %add3A_312 : i32 to index
        %get3A_344 = arith.constant 48 : index
        %get3A_345 = tpu.vector_load %arg12[%get3A_343, %get3A_344] {strides = array<i32>} : memref<80x128xf32, #tpu.memory_space<vmem>>, vector<16xf32>,
        %sub3A_346 = arith.subf %get3A_342, %get3A_345 : vector<16xf32>
        %mul3A_347 = arith.mulf %sub3A_346, %sub3A_346 : vector<16xf32>
        %add3A_348 = arith.addf %add3A_339, %mul3A_347 : vector<16xf32>
        %get3A_349 = arith.index_cast %add3A_312 : i32 to index
        %get3A_350 = arith.constant 64 : index
        %get3A_351 = tpu.vector_load %arg11[%get3A_349, %get3A_350] {strides = array<i32>} : memref<80x128xf32, #tpu.memory_space<vmem>>, vector<16xf32>,
        %get3A_352 = arith.index_cast %add3A_312 : i32 to index
        %get3A_353 = arith.constant 64 : index
        %get3A_354 = tpu.vector_load %arg12[%get3A_352, %get3A_353] {strides = array<i32>} : memref<80x128xf32, #tpu.memory_space<vmem>>, vector<16xf32>,
        %sub3A_355 = arith.subf %get3A_351, %get3A_354 : vector<16xf32>
        %mul3A_356 = arith.mulf %sub3A_355, %sub3A_355 : vector<16xf32>
        %add3A_357 = arith.addf %add3A_348, %mul3A_356 : vector<16xf32>
        %get3A_358 = arith.index_cast %add3A_312 : i32 to index
        %get3A_359 = arith.constant 80 : index
        %get3A_360 = tpu.vector_load %arg11[%get3A_358, %get3A_359] {strides = array<i32>} : memref<80x128xf32, #tpu.memory_space<vmem>>, vector<16xf32>,
        %get3A_361 = arith.index_cast %add3A_312 : i32 to index
        %get3A_362 = arith.constant 80 : index
        %get3A_363 = tpu.vector_load %arg12[%get3A_361, %get3A_362] {strides = array<i32>} : memref<80x128xf32, #tpu.memory_space<vmem>>, vector<16xf32>,
        %sub3A_364 = arith.subf %get3A_360, %get3A_363 : vector<16xf32>
        %mul3A_365 = arith.mulf %sub3A_364, %sub3A_364 : vector<16xf32>
        %add3A_366 = arith.addf %add3A_357, %mul3A_365 : vector<16xf32>
        %get3A_367 = arith.index_cast %add3A_312 : i32 to index
        %get3A_368 = arith.constant 96 : index
        %get3A_369 = tpu.vector_load %arg11[%get3A_367, %get3A_368] {strides = array<i32>} : memref<80x128xf32, #tpu.memory_space<vmem>>, vector<16xf32>,
        %get3A_370 = arith.index_cast %add3A_312 : i32 to index
        %get3A_371 = arith.constant 96 : index
        %get3A_372 = tpu.vector_load %arg12[%get3A_370, %get3A_371] {strides = array<i32>} : memref<80x128xf32, #tpu.memory_space<vmem>>, vector<16xf32>,
        %sub3A_373 = arith.subf %get3A_369, %get3A_372 : vector<16xf32>
        %mul3A_374 = arith.mulf %sub3A_373, %sub3A_373 : vector<16xf32>
        %add3A_375 = arith.addf %add3A_366, %mul3A_374 : vector<16xf32>
        %get3A_376 = arith.index_cast %add3A_312 : i32 to index
        %get3A_377 = arith.constant 112 : index
        %get3A_378 = tpu.vector_load %arg11[%get3A_376, %get3A_377] {strides = array<i32>} : memref<80x128xf32, #tpu.memory_space<vmem>>, vector<16xf32>,
        %get3A_379 = arith.index_cast %add3A_312 : i32 to index
        %get3A_380 = arith.constant 112 : index
        %get3A_381 = tpu.vector_load %arg12[%get3A_379, %get3A_380] {strides = array<i32>} : memref<80x128xf32, #tpu.memory_space<vmem>>, vector<16xf32>,
        %sub3A_382 = arith.subf %get3A_378, %get3A_381 : vector<16xf32>
        %mul3A_383 = arith.mulf %sub3A_382, %sub3A_382 : vector<16xf32>
        %add3A_384 = arith.addf %add3A_375, %mul3A_383 : vector<16xf32>
        %add3A_385 = arith.constant 2 : i32
        %add3A_386 = vector.broadcast %add3A_385 : i32 to vector<16xi32>
        %add3A_387 = arith.addi %mul3A_10, %add3A_386 : vector<16xi32>
        tpu.vector_store_idx %arg15[%add3A_387], %add3A_384 : memref<272xf32, #tpu.memory_space<vmem>>[vector<16xi32>], vector<16xf32>,
        %add3A_388 = arith.constant 3 : i32
        %add3A_389 = arith.addi %mul3A_158, %add3A_388 : i32
        %get3A_390 = arith.index_cast %add3A_389 : i32 to index
        %get3A_391 = arith.constant 0 : index
        %get3A_392 = tpu.vector_load %arg11[%get3A_390, %get3A_391] {strides = array<i32>} : memref<80x128xf32, #tpu.memory_space<vmem>>, vector<16xf32>,
        %get3A_393 = arith.index_cast %add3A_389 : i32 to index
        %get3A_394 = arith.constant 0 : index
        %get3A_395 = tpu.vector_load %arg12[%get3A_393, %get3A_394] {strides = array<i32>} : memref<80x128xf32, #tpu.memory_space<vmem>>, vector<16xf32>,
        %sub3A_396 = arith.subf %get3A_392, %get3A_395 : vector<16xf32>
        %mul3A_397 = arith.mulf %sub3A_396, %sub3A_396 : vector<16xf32>
        %add3A_398 = arith.addf %broadcast_in_dim3A_3, %mul3A_397 : vector<16xf32>
        %get3A_399 = arith.index_cast %add3A_389 : i32 to index
        %get3A_400 = arith.constant 16 : index
        %get3A_401 = tpu.vector_load %arg11[%get3A_399, %get3A_400] {strides = array<i32>} : memref<80x128xf32, #tpu.memory_space<vmem>>, vector<16xf32>,
        %get3A_402 = arith.index_cast %add3A_389 : i32 to index
        %get3A_403 = arith.constant 16 : index
        %get3A_404 = tpu.vector_load %arg12[%get3A_402, %get3A_403] {strides = array<i32>} : memref<80x128xf32, #tpu.memory_space<vmem>>, vector<16xf32>,
        %sub3A_405 = arith.subf %get3A_401, %get3A_404 : vector<16xf32>
        %mul3A_406 = arith.mulf %sub3A_405, %sub3A_405 : vector<16xf32>
        %add3A_407 = arith.addf %add3A_398, %mul3A_406 : vector<16xf32>
        %get3A_408 = arith.index_cast %add3A_389 : i32 to index
        %get3A_409 = arith.constant 32 : index
        %get3A_410 = tpu.vector_load %arg11[%get3A_408, %get3A_409] {strides = array<i32>} : memref<80x128xf32, #tpu.memory_space<vmem>>, vector<16xf32>,
        %get3A_411 = arith.index_cast %add3A_389 : i32 to index
        %get3A_412 = arith.constant 32 : index
        %get3A_413 = tpu.vector_load %arg12[%get3A_411, %get3A_412] {strides = array<i32>} : memref<80x128xf32, #tpu.memory_space<vmem>>, vector<16xf32>,
        %sub3A_414 = arith.subf %get3A_410, %get3A_413 : vector<16xf32>
        %mul3A_415 = arith.mulf %sub3A_414, %sub3A_414 : vector<16xf32>
        %add3A_416 = arith.addf %add3A_407, %mul3A_415 : vector<16xf32>
        %get3A_417 = arith.index_cast %add3A_389 : i32 to index
        %get3A_418 = arith.constant 48 : index
        %get3A_419 = tpu.vector_load %arg11[%get3A_417, %get3A_418] {strides = array<i32>} : memref<80x128xf32, #tpu.memory_space<vmem>>, vector<16xf32>,
        %get3A_420 = arith.index_cast %add3A_389 : i32 to index
        %get3A_421 = arith.constant 48 : index
        %get3A_422 = tpu.vector_load %arg12[%get3A_420, %get3A_421] {strides = array<i32>} : memref<80x128xf32, #tpu.memory_space<vmem>>, vector<16xf32>,
        %sub3A_423 = arith.subf %get3A_419, %get3A_422 : vector<16xf32>
        %mul3A_424 = arith.mulf %sub3A_423, %sub3A_423 : vector<16xf32>
        %add3A_425 = arith.addf %add3A_416, %mul3A_424 : vector<16xf32>
        %get3A_426 = arith.index_cast %add3A_389 : i32 to index
        %get3A_427 = arith.constant 64 : index
        %get3A_428 = tpu.vector_load %arg11[%get3A_426, %get3A_427] {strides = array<i32>} : memref<80x128xf32, #tpu.memory_space<vmem>>, vector<16xf32>,
        %get3A_429 = arith.index_cast %add3A_389 : i32 to index
        %get3A_430 = arith.constant 64 : index
        %get3A_431 = tpu.vector_load %arg12[%get3A_429, %get3A_430] {strides = array<i32>} : memref<80x128xf32, #tpu.memory_space<vmem>>, vector<16xf32>,
        %sub3A_432 = arith.subf %get3A_428, %get3A_431 : vector<16xf32>
        %mul3A_433 = arith.mulf %sub3A_432, %sub3A_432 : vector<16xf32>
        %add3A_434 = arith.addf %add3A_425, %mul3A_433 : vector<16xf32>
        %get3A_435 = arith.index_cast %add3A_389 : i32 to index
        %get3A_436 = arith.constant 80 : index
        %get3A_437 = tpu.vector_load %arg11[%get3A_435, %get3A_436] {strides = array<i32>} : memref<80x128xf32, #tpu.memory_space<vmem>>, vector<16xf32>,
        %get3A_438 = arith.index_cast %add3A_389 : i32 to index
        %get3A_439 = arith.constant 80 : index
        %get3A_440 = tpu.vector_load %arg12[%get3A_438, %get3A_439] {strides = array<i32>} : memref<80x128xf32, #tpu.memory_space<vmem>>, vector<16xf32>,
        %sub3A_441 = arith.subf %get3A_437, %get3A_440 : vector<16xf32>
        %mul3A_442 = arith.mulf %sub3A_441, %sub3A_441 : vector<16xf32>
        %add3A_443 = arith.addf %add3A_434, %mul3A_442 : vector<16xf32>
        %get3A_444 = arith.index_cast %add3A_389 : i32 to index
        %get3A_445 = arith.constant 96 : index
        %get3A_446 = tpu.vector_load %arg11[%get3A_444, %get3A_445] {strides = array<i32>} : memref<80x128xf32, #tpu.memory_space<vmem>>, vector<16xf32>,
        %get3A_447 = arith.index_cast %add3A_389 : i32 to index
        %get3A_448 = arith.constant 96 : index
        %get3A_449 = tpu.vector_load %arg12[%get3A_447, %get3A_448] {strides = array<i32>} : memref<80x128xf32, #tpu.memory_space<vmem>>, vector<16xf32>,
        %sub3A_450 = arith.subf %get3A_446, %get3A_449 : vector<16xf32>
        %mul3A_451 = arith.mulf %sub3A_450, %sub3A_450 : vector<16xf32>
        %add3A_452 = arith.addf %add3A_443, %mul3A_451 : vector<16xf32>
        %get3A_453 = arith.index_cast %add3A_389 : i32 to index
        %get3A_454 = arith.constant 112 : index
        %get3A_455 = tpu.vector_load %arg11[%get3A_453, %get3A_454] {strides = array<i32>} : memref<80x128xf32, #tpu.memory_space<vmem>>, vector<16xf32>,
        %get3A_456 = arith.index_cast %add3A_389 : i32 to index
        %get3A_457 = arith.constant 112 : index
        %get3A_458 = tpu.vector_load %arg12[%get3A_456, %get3A_457] {strides = array<i32>} : memref<80x128xf32, #tpu.memory_space<vmem>>, vector<16xf32>,
        %sub3A_459 = arith.subf %get3A_455, %get3A_458 : vector<16xf32>
        %mul3A_460 = arith.mulf %sub3A_459, %sub3A_459 : vector<16xf32>
        %add3A_461 = arith.addf %add3A_452, %mul3A_460 : vector<16xf32>
        %add3A_462 = arith.constant 3 : i32
        %add3A_463 = vector.broadcast %add3A_462 : i32 to vector<16xi32>
        %add3A_464 = arith.addi %mul3A_10, %add3A_463 : vector<16xi32>
        tpu.vector_store_idx %arg15[%add3A_464], %add3A_461 : memref<272xf32, #tpu.memory_space<vmem>>[vector<16xi32>], vector<16xf32>,
        %add3A_465 = arith.constant 4 : i32
        %add3A_466 = arith.addi %mul3A_158, %add3A_465 : i32
        %get3A_467 = arith.index_cast %add3A_466 : i32 to index
        %get3A_468 = arith.constant 0 : index
        %get3A_469 = tpu.vector_load %arg11[%get3A_467, %get3A_468] {strides = array<i32>} : memref<80x128xf32, #tpu.memory_space<vmem>>, vector<16xf32>,
        %get3A_470 = arith.index_cast %add3A_466 : i32 to index
        %get3A_471 = arith.constant 0 : index
        %get3A_472 = tpu.vector_load %arg12[%get3A_470, %get3A_471] {strides = array<i32>} : memref<80x128xf32, #tpu.memory_space<vmem>>, vector<16xf32>,
        %sub3A_473 = arith.subf %get3A_469, %get3A_472 : vector<16xf32>
        %mul3A_474 = arith.mulf %sub3A_473, %sub3A_473 : vector<16xf32>
        %add3A_475 = arith.addf %broadcast_in_dim3A_3, %mul3A_474 : vector<16xf32>
        %get3A_476 = arith.index_cast %add3A_466 : i32 to index
        %get3A_477 = arith.constant 16 : index
        %get3A_478 = tpu.vector_load %arg11[%get3A_476, %get3A_477] {strides = array<i32>} : memref<80x128xf32, #tpu.memory_space<vmem>>, vector<16xf32>,
        %get3A_479 = arith.index_cast %add3A_466 : i32 to index
        %get3A_480 = arith.constant 16 : index
        %get3A_481 = tpu.vector_load %arg12[%get3A_479, %get3A_480] {strides = array<i32>} : memref<80x128xf32, #tpu.memory_space<vmem>>, vector<16xf32>,
        %sub3A_482 = arith.subf %get3A_478, %get3A_481 : vector<16xf32>
        %mul3A_483 = arith.mulf %sub3A_482, %sub3A_482 : vector<16xf32>
        %add3A_484 = arith.addf %add3A_475, %mul3A_483 : vector<16xf32>
        %get3A_485 = arith.index_cast %add3A_466 : i32 to index
        %get3A_486 = arith.constant 32 : index
        %get3A_487 = tpu.vector_load %arg11[%get3A_485, %get3A_486] {strides = array<i32>} : memref<80x128xf32, #tpu.memory_space<vmem>>, vector<16xf32>,
        %get3A_488 = arith.index_cast %add3A_466 : i32 to index
        %get3A_489 = arith.constant 32 : index
        %get3A_490 = tpu.vector_load %arg12[%get3A_488, %get3A_489] {strides = array<i32>} : memref<80x128xf32, #tpu.memory_space<vmem>>, vector<16xf32>,
        %sub3A_491 = arith.subf %get3A_487, %get3A_490 : vector<16xf32>
        %mul3A_492 = arith.mulf %sub3A_491, %sub3A_491 : vector<16xf32>
        %add3A_493 = arith.addf %add3A_484, %mul3A_492 : vector<16xf32>
        %get3A_494 = arith.index_cast %add3A_466 : i32 to index
        %get3A_495 = arith.constant 48 : index
        %get3A_496 = tpu.vector_load %arg11[%get3A_494, %get3A_495] {strides = array<i32>} : memref<80x128xf32, #tpu.memory_space<vmem>>, vector<16xf32>,
        %get3A_497 = arith.index_cast %add3A_466 : i32 to index
        %get3A_498 = arith.constant 48 : index
        %get3A_499 = tpu.vector_load %arg12[%get3A_497, %get3A_498] {strides = array<i32>} : memref<80x128xf32, #tpu.memory_space<vmem>>, vector<16xf32>,
        %sub3A_500 = arith.subf %get3A_496, %get3A_499 : vector<16xf32>
        %mul3A_501 = arith.mulf %sub3A_500, %sub3A_500 : vector<16xf32>
        %add3A_502 = arith.addf %add3A_493, %mul3A_501 : vector<16xf32>
        %get3A_503 = arith.index_cast %add3A_466 : i32 to index
        %get3A_504 = arith.constant 64 : index
        %get3A_505 = tpu.vector_load %arg11[%get3A_503, %get3A_504] {strides = array<i32>} : memref<80x128xf32, #tpu.memory_space<vmem>>, vector<16xf32>,
        %get3A_506 = arith.index_cast %add3A_466 : i32 to index
        %get3A_507 = arith.constant 64 : index
        %get3A_508 = tpu.vector_load %arg12[%get3A_506, %get3A_507] {strides = array<i32>} : memref<80x128xf32, #tpu.memory_space<vmem>>, vector<16xf32>,
        %sub3A_509 = arith.subf %get3A_505, %get3A_508 : vector<16xf32>
        %mul3A_510 = arith.mulf %sub3A_509, %sub3A_509 : vector<16xf32>
        %add3A_511 = arith.addf %add3A_502, %mul3A_510 : vector<16xf32>
        %get3A_512 = arith.index_cast %add3A_466 : i32 to index
        %get3A_513 = arith.constant 80 : index
        %get3A_514 = tpu.vector_load %arg11[%get3A_512, %get3A_513] {strides = array<i32>} : memref<80x128xf32, #tpu.memory_space<vmem>>, vector<16xf32>,
        %get3A_515 = arith.index_cast %add3A_466 : i32 to index
        %get3A_516 = arith.constant 80 : index
        %get3A_517 = tpu.vector_load %arg12[%get3A_515, %get3A_516] {strides = array<i32>} : memref<80x128xf32, #tpu.memory_space<vmem>>, vector<16xf32>,
        %sub3A_518 = arith.subf %get3A_514, %get3A_517 : vector<16xf32>
        %mul3A_519 = arith.mulf %sub3A_518, %sub3A_518 : vector<16xf32>
        %add3A_520 = arith.addf %add3A_511, %mul3A_519 : vector<16xf32>
        %get3A_521 = arith.index_cast %add3A_466 : i32 to index
        %get3A_522 = arith.constant 96 : index
        %get3A_523 = tpu.vector_load %arg11[%get3A_521, %get3A_522] {strides = array<i32>} : memref<80x128xf32, #tpu.memory_space<vmem>>, vector<16xf32>,
        %get3A_524 = arith.index_cast %add3A_466 : i32 to index
        %get3A_525 = arith.constant 96 : index
        %get3A_526 = tpu.vector_load %arg12[%get3A_524, %get3A_525] {strides = array<i32>} : memref<80x128xf32, #tpu.memory_space<vmem>>, vector<16xf32>,
        %sub3A_527 = arith.subf %get3A_523, %get3A_526 : vector<16xf32>
        %mul3A_528 = arith.mulf %sub3A_527, %sub3A_527 : vector<16xf32>
        %add3A_529 = arith.addf %add3A_520, %mul3A_528 : vector<16xf32>
        %get3A_530 = arith.index_cast %add3A_466 : i32 to index
        %get3A_531 = arith.constant 112 : index
        %get3A_532 = tpu.vector_load %arg11[%get3A_530, %get3A_531] {strides = array<i32>} : memref<80x128xf32, #tpu.memory_space<vmem>>, vector<16xf32>,
        %get3A_533 = arith.index_cast %add3A_466 : i32 to index
        %get3A_534 = arith.constant 112 : index
        %get3A_535 = tpu.vector_load %arg12[%get3A_533, %get3A_534] {strides = array<i32>} : memref<80x128xf32, #tpu.memory_space<vmem>>, vector<16xf32>,
        %sub3A_536 = arith.subf %get3A_532, %get3A_535 : vector<16xf32>
        %mul3A_537 = arith.mulf %sub3A_536, %sub3A_536 : vector<16xf32>
        %add3A_538 = arith.addf %add3A_529, %mul3A_537 : vector<16xf32>
        %add3A_539 = arith.constant 4 : i32
        %add3A_540 = vector.broadcast %add3A_539 : i32 to vector<16xi32>
        %add3A_541 = arith.addi %mul3A_10, %add3A_540 : vector<16xi32>
        tpu.vector_store_idx %arg15[%add3A_541], %add3A_538 : memref<272xf32, #tpu.memory_space<vmem>>[vector<16xi32>], vector<16xf32>,
        %add3A_542 = arith.constant 5 : i32
        %add3A_543 = arith.addi %mul3A_158, %add3A_542 : i32
        %get3A_544 = arith.index_cast %add3A_543 : i32 to index
        %get3A_545 = arith.constant 0 : index
        %get3A_546 = tpu.vector_load %arg11[%get3A_544, %get3A_545] {strides = array<i32>} : memref<80x128xf32, #tpu.memory_space<vmem>>, vector<16xf32>,
        %get3A_547 = arith.index_cast %add3A_543 : i32 to index
        %get3A_548 = arith.constant 0 : index
        %get3A_549 = tpu.vector_load %arg12[%get3A_547, %get3A_548] {strides = array<i32>} : memref<80x128xf32, #tpu.memory_space<vmem>>, vector<16xf32>,
        %sub3A_550 = arith.subf %get3A_546, %get3A_549 : vector<16xf32>
        %mul3A_551 = arith.mulf %sub3A_550, %sub3A_550 : vector<16xf32>
        %add3A_552 = arith.addf %broadcast_in_dim3A_3, %mul3A_551 : vector<16xf32>
        %get3A_553 = arith.index_cast %add3A_543 : i32 to index
        %get3A_554 = arith.constant 16 : index
        %get3A_555 = tpu.vector_load %arg11[%get3A_553, %get3A_554] {strides = array<i32>} : memref<80x128xf32, #tpu.memory_space<vmem>>, vector<16xf32>,
        %get3A_556 = arith.index_cast %add3A_543 : i32 to index
        %get3A_557 = arith.constant 16 : index
        %get3A_558 = tpu.vector_load %arg12[%get3A_556, %get3A_557] {strides = array<i32>} : memref<80x128xf32, #tpu.memory_space<vmem>>, vector<16xf32>,
        %sub3A_559 = arith.subf %get3A_555, %get3A_558 : vector<16xf32>
        %mul3A_560 = arith.mulf %sub3A_559, %sub3A_559 : vector<16xf32>
        %add3A_561 = arith.addf %add3A_552, %mul3A_560 : vector<16xf32>
        %get3A_562 = arith.index_cast %add3A_543 : i32 to index
        %get3A_563 = arith.constant 32 : index
        %get3A_564 = tpu.vector_load %arg11[%get3A_562, %get3A_563] {strides = array<i32>} : memref<80x128xf32, #tpu.memory_space<vmem>>, vector<16xf32>,
        %get3A_565 = arith.index_cast %add3A_543 : i32 to index
        %get3A_566 = arith.constant 32 : index
        %get3A_567 = tpu.vector_load %arg12[%get3A_565, %get3A_566] {strides = array<i32>} : memref<80x128xf32, #tpu.memory_space<vmem>>, vector<16xf32>,
        %sub3A_568 = arith.subf %get3A_564, %get3A_567 : vector<16xf32>
        %mul3A_569 = arith.mulf %sub3A_568, %sub3A_568 : vector<16xf32>
        %add3A_570 = arith.addf %add3A_561, %mul3A_569 : vector<16xf32>
        %get3A_571 = arith.index_cast %add3A_543 : i32 to index
        %get3A_572 = arith.constant 48 : index
        %get3A_573 = tpu.vector_load %arg11[%get3A_571, %get3A_572] {strides = array<i32>} : memref<80x128xf32, #tpu.memory_space<vmem>>, vector<16xf32>,
        %get3A_574 = arith.index_cast %add3A_543 : i32 to index
        %get3A_575 = arith.constant 48 : index
        %get3A_576 = tpu.vector_load %arg12[%get3A_574, %get3A_575] {strides = array<i32>} : memref<80x128xf32, #tpu.memory_space<vmem>>, vector<16xf32>,
        %sub3A_577 = arith.subf %get3A_573, %get3A_576 : vector<16xf32>
        %mul3A_578 = arith.mulf %sub3A_577, %sub3A_577 : vector<16xf32>
        %add3A_579 = arith.addf %add3A_570, %mul3A_578 : vector<16xf32>
        %get3A_580 = arith.index_cast %add3A_543 : i32 to index
        %get3A_581 = arith.constant 64 : index
        %get3A_582 = tpu.vector_load %arg11[%get3A_580, %get3A_581] {strides = array<i32>} : memref<80x128xf32, #tpu.memory_space<vmem>>, vector<16xf32>,
        %get3A_583 = arith.index_cast %add3A_543 : i32 to index
        %get3A_584 = arith.constant 64 : index
        %get3A_585 = tpu.vector_load %arg12[%get3A_583, %get3A_584] {strides = array<i32>} : memref<80x128xf32, #tpu.memory_space<vmem>>, vector<16xf32>,
        %sub3A_586 = arith.subf %get3A_582, %get3A_585 : vector<16xf32>
        %mul3A_587 = arith.mulf %sub3A_586, %sub3A_586 : vector<16xf32>
        %add3A_588 = arith.addf %add3A_579, %mul3A_587 : vector<16xf32>
        %get3A_589 = arith.index_cast %add3A_543 : i32 to index
        %get3A_590 = arith.constant 80 : index
        %get3A_591 = tpu.vector_load %arg11[%get3A_589, %get3A_590] {strides = array<i32>} : memref<80x128xf32, #tpu.memory_space<vmem>>, vector<16xf32>,
        %get3A_592 = arith.index_cast %add3A_543 : i32 to index
        %get3A_593 = arith.constant 80 : index
        %get3A_594 = tpu.vector_load %arg12[%get3A_592, %get3A_593] {strides = array<i32>} : memref<80x128xf32, #tpu.memory_space<vmem>>, vector<16xf32>,
        %sub3A_595 = arith.subf %get3A_591, %get3A_594 : vector<16xf32>
        %mul3A_596 = arith.mulf %sub3A_595, %sub3A_595 : vector<16xf32>
        %add3A_597 = arith.addf %add3A_588, %mul3A_596 : vector<16xf32>
        %get3A_598 = arith.index_cast %add3A_543 : i32 to index
        %get3A_599 = arith.constant 96 : index
        %get3A_600 = tpu.vector_load %arg11[%get3A_598, %get3A_599] {strides = array<i32>} : memref<80x128xf32, #tpu.memory_space<vmem>>, vector<16xf32>,
        %get3A_601 = arith.index_cast %add3A_543 : i32 to index
        %get3A_602 = arith.constant 96 : index
        %get3A_603 = tpu.vector_load %arg12[%get3A_601, %get3A_602] {strides = array<i32>} : memref<80x128xf32, #tpu.memory_space<vmem>>, vector<16xf32>,
        %sub3A_604 = arith.subf %get3A_600, %get3A_603 : vector<16xf32>
        %mul3A_605 = arith.mulf %sub3A_604, %sub3A_604 : vector<16xf32>
        %add3A_606 = arith.addf %add3A_597, %mul3A_605 : vector<16xf32>
        %get3A_607 = arith.index_cast %add3A_543 : i32 to index
        %get3A_608 = arith.constant 112 : index
        %get3A_609 = tpu.vector_load %arg11[%get3A_607, %get3A_608] {strides = array<i32>} : memref<80x128xf32, #tpu.memory_space<vmem>>, vector<16xf32>,
        %get3A_610 = arith.index_cast %add3A_543 : i32 to index
        %get3A_611 = arith.constant 112 : index
        %get3A_612 = tpu.vector_load %arg12[%get3A_610, %get3A_611] {strides = array<i32>} : memref<80x128xf32, #tpu.memory_space<vmem>>, vector<16xf32>,
        %sub3A_613 = arith.subf %get3A_609, %get3A_612 : vector<16xf32>
        %mul3A_614 = arith.mulf %sub3A_613, %sub3A_613 : vector<16xf32>
        %add3A_615 = arith.addf %add3A_606, %mul3A_614 : vector<16xf32>
        %add3A_616 = arith.constant 5 : i32
        %add3A_617 = vector.broadcast %add3A_616 : i32 to vector<16xi32>
        %add3A_618 = arith.addi %mul3A_10, %add3A_617 : vector<16xi32>
        tpu.vector_store_idx %arg15[%add3A_618], %add3A_615 : memref<272xf32, #tpu.memory_space<vmem>>[vector<16xi32>], vector<16xf32>,
        %add3A_619 = arith.constant 6 : i32
        %add3A_620 = arith.addi %mul3A_158, %add3A_619 : i32
        %get3A_621 = arith.index_cast %add3A_620 : i32 to index
        %get3A_622 = arith.constant 0 : index
        %get3A_623 = tpu.vector_load %arg11[%get3A_621, %get3A_622] {strides = array<i32>} : memref<80x128xf32, #tpu.memory_space<vmem>>, vector<16xf32>,
        %get3A_624 = arith.index_cast %add3A_620 : i32 to index
        %get3A_625 = arith.constant 0 : index
        %get3A_626 = tpu.vector_load %arg12[%get3A_624, %get3A_625] {strides = array<i32>} : memref<80x128xf32, #tpu.memory_space<vmem>>, vector<16xf32>,
        %sub3A_627 = arith.subf %get3A_623, %get3A_626 : vector<16xf32>
        %mul3A_628 = arith.mulf %sub3A_627, %sub3A_627 : vector<16xf32>
        %add3A_629 = arith.addf %broadcast_in_dim3A_3, %mul3A_628 : vector<16xf32>
        %get3A_630 = arith.index_cast %add3A_620 : i32 to index
        %get3A_631 = arith.constant 16 : index
        %get3A_632 = tpu.vector_load %arg11[%get3A_630, %get3A_631] {strides = array<i32>} : memref<80x128xf32, #tpu.memory_space<vmem>>, vector<16xf32>,
        %get3A_633 = arith.index_cast %add3A_620 : i32 to index
        %get3A_634 = arith.constant 16 : index
        %get3A_635 = tpu.vector_load %arg12[%get3A_633, %get3A_634] {strides = array<i32>} : memref<80x128xf32, #tpu.memory_space<vmem>>, vector<16xf32>,
        %sub3A_636 = arith.subf %get3A_632, %get3A_635 : vector<16xf32>
        %mul3A_637 = arith.mulf %sub3A_636, %sub3A_636 : vector<16xf32>
        %add3A_638 = arith.addf %add3A_629, %mul3A_637 : vector<16xf32>
        %get3A_639 = arith.index_cast %add3A_620 : i32 to index
        %get3A_640 = arith.constant 32 : index
        %get3A_641 = tpu.vector_load %arg11[%get3A_639, %get3A_640] {strides = array<i32>} : memref<80x128xf32, #tpu.memory_space<vmem>>, vector<16xf32>,
        %get3A_642 = arith.index_cast %add3A_620 : i32 to index
        %get3A_643 = arith.constant 32 : index
        %get3A_644 = tpu.vector_load %arg12[%get3A_642, %get3A_643] {strides = array<i32>} : memref<80x128xf32, #tpu.memory_space<vmem>>, vector<16xf32>,
        %sub3A_645 = arith.subf %get3A_641, %get3A_644 : vector<16xf32>
        %mul3A_646 = arith.mulf %sub3A_645, %sub3A_645 : vector<16xf32>
        %add3A_647 = arith.addf %add3A_638, %mul3A_646 : vector<16xf32>
        %get3A_648 = arith.index_cast %add3A_620 : i32 to index
        %get3A_649 = arith.constant 48 : index
        %get3A_650 = tpu.vector_load %arg11[%get3A_648, %get3A_649] {strides = array<i32>} : memref<80x128xf32, #tpu.memory_space<vmem>>, vector<16xf32>,
        %get3A_651 = arith.index_cast %add3A_620 : i32 to index
        %get3A_652 = arith.constant 48 : index
        %get3A_653 = tpu.vector_load %arg12[%get3A_651, %get3A_652] {strides = array<i32>} : memref<80x128xf32, #tpu.memory_space<vmem>>, vector<16xf32>,
        %sub3A_654 = arith.subf %get3A_650, %get3A_653 : vector<16xf32>
        %mul3A_655 = arith.mulf %sub3A_654, %sub3A_654 : vector<16xf32>
        %add3A_656 = arith.addf %add3A_647, %mul3A_655 : vector<16xf32>
        %get3A_657 = arith.index_cast %add3A_620 : i32 to index
        %get3A_658 = arith.constant 64 : index
        %get3A_659 = tpu.vector_load %arg11[%get3A_657, %get3A_658] {strides = array<i32>} : memref<80x128xf32, #tpu.memory_space<vmem>>, vector<16xf32>,
        %get3A_660 = arith.index_cast %add3A_620 : i32 to index
        %get3A_661 = arith.constant 64 : index
        %get3A_662 = tpu.vector_load %arg12[%get3A_660, %get3A_661] {strides = array<i32>} : memref<80x128xf32, #tpu.memory_space<vmem>>, vector<16xf32>,
        %sub3A_663 = arith.subf %get3A_659, %get3A_662 : vector<16xf32>
        %mul3A_664 = arith.mulf %sub3A_663, %sub3A_663 : vector<16xf32>
        %add3A_665 = arith.addf %add3A_656, %mul3A_664 : vector<16xf32>
        %get3A_666 = arith.index_cast %add3A_620 : i32 to index
        %get3A_667 = arith.constant 80 : index
        %get3A_668 = tpu.vector_load %arg11[%get3A_666, %get3A_667] {strides = array<i32>} : memref<80x128xf32, #tpu.memory_space<vmem>>, vector<16xf32>,
        %get3A_669 = arith.index_cast %add3A_620 : i32 to index
        %get3A_670 = arith.constant 80 : index
        %get3A_671 = tpu.vector_load %arg12[%get3A_669, %get3A_670] {strides = array<i32>} : memref<80x128xf32, #tpu.memory_space<vmem>>, vector<16xf32>,
        %sub3A_672 = arith.subf %get3A_668, %get3A_671 : vector<16xf32>
        %mul3A_673 = arith.mulf %sub3A_672, %sub3A_672 : vector<16xf32>
        %add3A_674 = arith.addf %add3A_665, %mul3A_673 : vector<16xf32>
        %get3A_675 = arith.index_cast %add3A_620 : i32 to index
        %get3A_676 = arith.constant 96 : index
        %get3A_677 = tpu.vector_load %arg11[%get3A_675, %get3A_676] {strides = array<i32>} : memref<80x128xf32, #tpu.memory_space<vmem>>, vector<16xf32>,
        %get3A_678 = arith.index_cast %add3A_620 : i32 to index
        %get3A_679 = arith.constant 96 : index
        %get3A_680 = tpu.vector_load %arg12[%get3A_678, %get3A_679] {strides = array<i32>} : memref<80x128xf32, #tpu.memory_space<vmem>>, vector<16xf32>,
        %sub3A_681 = arith.subf %get3A_677, %get3A_680 : vector<16xf32>
        %mul3A_682 = arith.mulf %sub3A_681, %sub3A_681 : vector<16xf32>
        %add3A_683 = arith.addf %add3A_674, %mul3A_682 : vector<16xf32>
        %get3A_684 = arith.index_cast %add3A_620 : i32 to index
        %get3A_685 = arith.constant 112 : index
        %get3A_686 = tpu.vector_load %arg11[%get3A_684, %get3A_685] {strides = array<i32>} : memref<80x128xf32, #tpu.memory_space<vmem>>, vector<16xf32>,
        %get3A_687 = arith.index_cast %add3A_620 : i32 to index
        %get3A_688 = arith.constant 112 : index
        %get3A_689 = tpu.vector_load %arg12[%get3A_687, %get3A_688] {strides = array<i32>} : memref<80x128xf32, #tpu.memory_space<vmem>>, vector<16xf32>,
        %sub3A_690 = arith.subf %get3A_686, %get3A_689 : vector<16xf32>
        %mul3A_691 = arith.mulf %sub3A_690, %sub3A_690 : vector<16xf32>
        %add3A_692 = arith.addf %add3A_683, %mul3A_691 : vector<16xf32>
        %add3A_693 = arith.constant 6 : i32
        %add3A_694 = vector.broadcast %add3A_693 : i32 to vector<16xi32>
        %add3A_695 = arith.addi %mul3A_10, %add3A_694 : vector<16xi32>
        tpu.vector_store_idx %arg15[%add3A_695], %add3A_692 : memref<272xf32, #tpu.memory_space<vmem>>[vector<16xi32>], vector<16xf32>,
        %add3A_696 = arith.constant 7 : i32
        %add3A_697 = arith.addi %mul3A_158, %add3A_696 : i32
        %get3A_698 = arith.index_cast %add3A_697 : i32 to index
        %get3A_699 = arith.constant 0 : index
        %get3A_700 = tpu.vector_load %arg11[%get3A_698, %get3A_699] {strides = array<i32>} : memref<80x128xf32, #tpu.memory_space<vmem>>, vector<16xf32>,
        %get3A_701 = arith.index_cast %add3A_697 : i32 to index
        %get3A_702 = arith.constant 0 : index
        %get3A_703 = tpu.vector_load %arg12[%get3A_701, %get3A_702] {strides = array<i32>} : memref<80x128xf32, #tpu.memory_space<vmem>>, vector<16xf32>,
        %sub3A_704 = arith.subf %get3A_700, %get3A_703 : vector<16xf32>
        %mul3A_705 = arith.mulf %sub3A_704, %sub3A_704 : vector<16xf32>
        %add3A_706 = arith.addf %broadcast_in_dim3A_3, %mul3A_705 : vector<16xf32>
        %get3A_707 = arith.index_cast %add3A_697 : i32 to index
        %get3A_708 = arith.constant 16 : index
        %get3A_709 = tpu.vector_load %arg11[%get3A_707, %get3A_708] {strides = array<i32>} : memref<80x128xf32, #tpu.memory_space<vmem>>, vector<16xf32>,
        %get3A_710 = arith.index_cast %add3A_697 : i32 to index
        %get3A_711 = arith.constant 16 : index
        %get3A_712 = tpu.vector_load %arg12[%get3A_710, %get3A_711] {strides = array<i32>} : memref<80x128xf32, #tpu.memory_space<vmem>>, vector<16xf32>,
        %sub3A_713 = arith.subf %get3A_709, %get3A_712 : vector<16xf32>
        %mul3A_714 = arith.mulf %sub3A_713, %sub3A_713 : vector<16xf32>
        %add3A_715 = arith.addf %add3A_706, %mul3A_714 : vector<16xf32>
        %get3A_716 = arith.index_cast %add3A_697 : i32 to index
        %get3A_717 = arith.constant 32 : index
        %get3A_718 = tpu.vector_load %arg11[%get3A_716, %get3A_717] {strides = array<i32>} : memref<80x128xf32, #tpu.memory_space<vmem>>, vector<16xf32>,
        %get3A_719 = arith.index_cast %add3A_697 : i32 to index
        %get3A_720 = arith.constant 32 : index
        %get3A_721 = tpu.vector_load %arg12[%get3A_719, %get3A_720] {strides = array<i32>} : memref<80x128xf32, #tpu.memory_space<vmem>>, vector<16xf32>,
        %sub3A_722 = arith.subf %get3A_718, %get3A_721 : vector<16xf32>
        %mul3A_723 = arith.mulf %sub3A_722, %sub3A_722 : vector<16xf32>
        %add3A_724 = arith.addf %add3A_715, %mul3A_723 : vector<16xf32>
        %get3A_725 = arith.index_cast %add3A_697 : i32 to index
        %get3A_726 = arith.constant 48 : index
        %get3A_727 = tpu.vector_load %arg11[%get3A_725, %get3A_726] {strides = array<i32>} : memref<80x128xf32, #tpu.memory_space<vmem>>, vector<16xf32>,
        %get3A_728 = arith.index_cast %add3A_697 : i32 to index
        %get3A_729 = arith.constant 48 : index
        %get3A_730 = tpu.vector_load %arg12[%get3A_728, %get3A_729] {strides = array<i32>} : memref<80x128xf32, #tpu.memory_space<vmem>>, vector<16xf32>,
        %sub3A_731 = arith.subf %get3A_727, %get3A_730 : vector<16xf32>
        %mul3A_732 = arith.mulf %sub3A_731, %sub3A_731 : vector<16xf32>
        %add3A_733 = arith.addf %add3A_724, %mul3A_732 : vector<16xf32>
        %get3A_734 = arith.index_cast %add3A_697 : i32 to index
        %get3A_735 = arith.constant 64 : index
        %get3A_736 = tpu.vector_load %arg11[%get3A_734, %get3A_735] {strides = array<i32>} : memref<80x128xf32, #tpu.memory_space<vmem>>, vector<16xf32>,
        %get3A_737 = arith.index_cast %add3A_697 : i32 to index
        %get3A_738 = arith.constant 64 : index
        %get3A_739 = tpu.vector_load %arg12[%get3A_737, %get3A_738] {strides = array<i32>} : memref<80x128xf32, #tpu.memory_space<vmem>>, vector<16xf32>,
        %sub3A_740 = arith.subf %get3A_736, %get3A_739 : vector<16xf32>
        %mul3A_741 = arith.mulf %sub3A_740, %sub3A_740 : vector<16xf32>
        %add3A_742 = arith.addf %add3A_733, %mul3A_741 : vector<16xf32>
        %get3A_743 = arith.index_cast %add3A_697 : i32 to index
        %get3A_744 = arith.constant 80 : index
        %get3A_745 = tpu.vector_load %arg11[%get3A_743, %get3A_744] {strides = array<i32>} : memref<80x128xf32, #tpu.memory_space<vmem>>, vector<16xf32>,
        %get3A_746 = arith.index_cast %add3A_697 : i32 to index
        %get3A_747 = arith.constant 80 : index
        %get3A_748 = tpu.vector_load %arg12[%get3A_746, %get3A_747] {strides = array<i32>} : memref<80x128xf32, #tpu.memory_space<vmem>>, vector<16xf32>,
        %sub3A_749 = arith.subf %get3A_745, %get3A_748 : vector<16xf32>
        %mul3A_750 = arith.mulf %sub3A_749, %sub3A_749 : vector<16xf32>
        %add3A_751 = arith.addf %add3A_742, %mul3A_750 : vector<16xf32>
        %get3A_752 = arith.index_cast %add3A_697 : i32 to index
        %get3A_753 = arith.constant 96 : index
        %get3A_754 = tpu.vector_load %arg11[%get3A_752, %get3A_753] {strides = array<i32>} : memref<80x128xf32, #tpu.memory_space<vmem>>, vector<16xf32>,
        %get3A_755 = arith.index_cast %add3A_697 : i32 to index
        %get3A_756 = arith.constant 96 : index
        %get3A_757 = tpu.vector_load %arg12[%get3A_755, %get3A_756] {strides = array<i32>} : memref<80x128xf32, #tpu.memory_space<vmem>>, vector<16xf32>,
        %sub3A_758 = arith.subf %get3A_754, %get3A_757 : vector<16xf32>
        %mul3A_759 = arith.mulf %sub3A_758, %sub3A_758 : vector<16xf32>
        %add3A_760 = arith.addf %add3A_751, %mul3A_759 : vector<16xf32>
        %get3A_761 = arith.index_cast %add3A_697 : i32 to index
        %get3A_762 = arith.constant 112 : index
        %get3A_763 = tpu.vector_load %arg11[%get3A_761, %get3A_762] {strides = array<i32>} : memref<80x128xf32, #tpu.memory_space<vmem>>, vector<16xf32>,
        %get3A_764 = arith.index_cast %add3A_697 : i32 to index
        %get3A_765 = arith.constant 112 : index
        %get3A_766 = tpu.vector_load %arg12[%get3A_764, %get3A_765] {strides = array<i32>} : memref<80x128xf32, #tpu.memory_space<vmem>>, vector<16xf32>,
        %sub3A_767 = arith.subf %get3A_763, %get3A_766 : vector<16xf32>
        %mul3A_768 = arith.mulf %sub3A_767, %sub3A_767 : vector<16xf32>
        %add3A_769 = arith.addf %add3A_760, %mul3A_768 : vector<16xf32>
        %add3A_770 = arith.constant 7 : i32
        %add3A_771 = vector.broadcast %add3A_770 : i32 to vector<16xi32>
        %add3A_772 = arith.addi %mul3A_10, %add3A_771 : vector<16xi32>
        tpu.vector_store_idx %arg15[%add3A_772], %add3A_769 : memref<272xf32, #tpu.memory_space<vmem>>[vector<16xi32>], vector<16xf32>,
        %add3A_773 = arith.constant 8 : i32
        %add3A_774 = arith.addi %mul3A_158, %add3A_773 : i32
        %get3A_775 = arith.index_cast %add3A_774 : i32 to index
        %get3A_776 = arith.constant 0 : index
        %get3A_777 = tpu.vector_load %arg11[%get3A_775, %get3A_776] {strides = array<i32>} : memref<80x128xf32, #tpu.memory_space<vmem>>, vector<16xf32>,
        %get3A_778 = arith.index_cast %add3A_774 : i32 to index
        %get3A_779 = arith.constant 0 : index
        %get3A_780 = tpu.vector_load %arg12[%get3A_778, %get3A_779] {strides = array<i32>} : memref<80x128xf32, #tpu.memory_space<vmem>>, vector<16xf32>,
        %sub3A_781 = arith.subf %get3A_777, %get3A_780 : vector<16xf32>
        %mul3A_782 = arith.mulf %sub3A_781, %sub3A_781 : vector<16xf32>
        %add3A_783 = arith.addf %broadcast_in_dim3A_3, %mul3A_782 : vector<16xf32>
        %get3A_784 = arith.index_cast %add3A_774 : i32 to index
        %get3A_785 = arith.constant 16 : index
        %get3A_786 = tpu.vector_load %arg11[%get3A_784, %get3A_785] {strides = array<i32>} : memref<80x128xf32, #tpu.memory_space<vmem>>, vector<16xf32>,
        %get3A_787 = arith.index_cast %add3A_774 : i32 to index
        %get3A_788 = arith.constant 16 : index
        %get3A_789 = tpu.vector_load %arg12[%get3A_787, %get3A_788] {strides = array<i32>} : memref<80x128xf32, #tpu.memory_space<vmem>>, vector<16xf32>,
        %sub3A_790 = arith.subf %get3A_786, %get3A_789 : vector<16xf32>
        %mul3A_791 = arith.mulf %sub3A_790, %sub3A_790 : vector<16xf32>
        %add3A_792 = arith.addf %add3A_783, %mul3A_791 : vector<16xf32>
        %get3A_793 = arith.index_cast %add3A_774 : i32 to index
        %get3A_794 = arith.constant 32 : index
        %get3A_795 = tpu.vector_load %arg11[%get3A_793, %get3A_794] {strides = array<i32>} : memref<80x128xf32, #tpu.memory_space<vmem>>, vector<16xf32>,
        %get3A_796 = arith.index_cast %add3A_774 : i32 to index
        %get3A_797 = arith.constant 32 : index
        %get3A_798 = tpu.vector_load %arg12[%get3A_796, %get3A_797] {strides = array<i32>} : memref<80x128xf32, #tpu.memory_space<vmem>>, vector<16xf32>,
        %sub3A_799 = arith.subf %get3A_795, %get3A_798 : vector<16xf32>
        %mul3A_800 = arith.mulf %sub3A_799, %sub3A_799 : vector<16xf32>
        %add3A_801 = arith.addf %add3A_792, %mul3A_800 : vector<16xf32>
        %get3A_802 = arith.index_cast %add3A_774 : i32 to index
        %get3A_803 = arith.constant 48 : index
        %get3A_804 = tpu.vector_load %arg11[%get3A_802, %get3A_803] {strides = array<i32>} : memref<80x128xf32, #tpu.memory_space<vmem>>, vector<16xf32>,
        %get3A_805 = arith.index_cast %add3A_774 : i32 to index
        %get3A_806 = arith.constant 48 : index
        %get3A_807 = tpu.vector_load %arg12[%get3A_805, %get3A_806] {strides = array<i32>} : memref<80x128xf32, #tpu.memory_space<vmem>>, vector<16xf32>,
        %sub3A_808 = arith.subf %get3A_804, %get3A_807 : vector<16xf32>
        %mul3A_809 = arith.mulf %sub3A_808, %sub3A_808 : vector<16xf32>
        %add3A_810 = arith.addf %add3A_801, %mul3A_809 : vector<16xf32>
        %get3A_811 = arith.index_cast %add3A_774 : i32 to index
        %get3A_812 = arith.constant 64 : index
        %get3A_813 = tpu.vector_load %arg11[%get3A_811, %get3A_812] {strides = array<i32>} : memref<80x128xf32, #tpu.memory_space<vmem>>, vector<16xf32>,
        %get3A_814 = arith.index_cast %add3A_774 : i32 to index
        %get3A_815 = arith.constant 64 : index
        %get3A_816 = tpu.vector_load %arg12[%get3A_814, %get3A_815] {strides = array<i32>} : memref<80x128xf32, #tpu.memory_space<vmem>>, vector<16xf32>,
        %sub3A_817 = arith.subf %get3A_813, %get3A_816 : vector<16xf32>
        %mul3A_818 = arith.mulf %sub3A_817, %sub3A_817 : vector<16xf32>
        %add3A_819 = arith.addf %add3A_810, %mul3A_818 : vector<16xf32>
        %get3A_820 = arith.index_cast %add3A_774 : i32 to index
        %get3A_821 = arith.constant 80 : index
        %get3A_822 = tpu.vector_load %arg11[%get3A_820, %get3A_821] {strides = array<i32>} : memref<80x128xf32, #tpu.memory_space<vmem>>, vector<16xf32>,
        %get3A_823 = arith.index_cast %add3A_774 : i32 to index
        %get3A_824 = arith.constant 80 : index
        %get3A_825 = tpu.vector_load %arg12[%get3A_823, %get3A_824] {strides = array<i32>} : memref<80x128xf32, #tpu.memory_space<vmem>>, vector<16xf32>,
        %sub3A_826 = arith.subf %get3A_822, %get3A_825 : vector<16xf32>
        %mul3A_827 = arith.mulf %sub3A_826, %sub3A_826 : vector<16xf32>
        %add3A_828 = arith.addf %add3A_819, %mul3A_827 : vector<16xf32>
        %get3A_829 = arith.index_cast %add3A_774 : i32 to index
        %get3A_830 = arith.constant 96 : index
        %get3A_831 = tpu.vector_load %arg11[%get3A_829, %get3A_830] {strides = array<i32>} : memref<80x128xf32, #tpu.memory_space<vmem>>, vector<16xf32>,
        %get3A_832 = arith.index_cast %add3A_774 : i32 to index
        %get3A_833 = arith.constant 96 : index
        %get3A_834 = tpu.vector_load %arg12[%get3A_832, %get3A_833] {strides = array<i32>} : memref<80x128xf32, #tpu.memory_space<vmem>>, vector<16xf32>,
        %sub3A_835 = arith.subf %get3A_831, %get3A_834 : vector<16xf32>
        %mul3A_836 = arith.mulf %sub3A_835, %sub3A_835 : vector<16xf32>
        %add3A_837 = arith.addf %add3A_828, %mul3A_836 : vector<16xf32>
        %get3A_838 = arith.index_cast %add3A_774 : i32 to index
        %get3A_839 = arith.constant 112 : index
        %get3A_840 = tpu.vector_load %arg11[%get3A_838, %get3A_839] {strides = array<i32>} : memref<80x128xf32, #tpu.memory_space<vmem>>, vector<16xf32>,
        %get3A_841 = arith.index_cast %add3A_774 : i32 to index
        %get3A_842 = arith.constant 112 : index
        %get3A_843 = tpu.vector_load %arg12[%get3A_841, %get3A_842] {strides = array<i32>} : memref<80x128xf32, #tpu.memory_space<vmem>>, vector<16xf32>,
        %sub3A_844 = arith.subf %get3A_840, %get3A_843 : vector<16xf32>
        %mul3A_845 = arith.mulf %sub3A_844, %sub3A_844 : vector<16xf32>
        %add3A_846 = arith.addf %add3A_837, %mul3A_845 : vector<16xf32>
        %add3A_847 = arith.constant 8 : i32
        %add3A_848 = vector.broadcast %add3A_847 : i32 to vector<16xi32>
        %add3A_849 = arith.addi %mul3A_10, %add3A_848 : vector<16xi32>
        tpu.vector_store_idx %arg15[%add3A_849], %add3A_846 : memref<272xf32, #tpu.memory_space<vmem>>[vector<16xi32>], vector<16xf32>,
        %add3A_850 = arith.constant 9 : i32
        %add3A_851 = arith.addi %mul3A_158, %add3A_850 : i32
        %get3A_852 = arith.index_cast %add3A_851 : i32 to index
        %get3A_853 = arith.constant 0 : index
        %get3A_854 = tpu.vector_load %arg11[%get3A_852, %get3A_853] {strides = array<i32>} : memref<80x128xf32, #tpu.memory_space<vmem>>, vector<16xf32>,
        %get3A_855 = arith.index_cast %add3A_851 : i32 to index
        %get3A_856 = arith.constant 0 : index
        %get3A_857 = tpu.vector_load %arg12[%get3A_855, %get3A_856] {strides = array<i32>} : memref<80x128xf32, #tpu.memory_space<vmem>>, vector<16xf32>,
        %sub3A_858 = arith.subf %get3A_854, %get3A_857 : vector<16xf32>
        %mul3A_859 = arith.mulf %sub3A_858, %sub3A_858 : vector<16xf32>
        %add3A_860 = arith.addf %broadcast_in_dim3A_3, %mul3A_859 : vector<16xf32>
        %get3A_861 = arith.index_cast %add3A_851 : i32 to index
        %get3A_862 = arith.constant 16 : index
        %get3A_863 = tpu.vector_load %arg11[%get3A_861, %get3A_862] {strides = array<i32>} : memref<80x128xf32, #tpu.memory_space<vmem>>, vector<16xf32>,
        %get3A_864 = arith.index_cast %add3A_851 : i32 to index
        %get3A_865 = arith.constant 16 : index
        %get3A_866 = tpu.vector_load %arg12[%get3A_864, %get3A_865] {strides = array<i32>} : memref<80x128xf32, #tpu.memory_space<vmem>>, vector<16xf32>,
        %sub3A_867 = arith.subf %get3A_863, %get3A_866 : vector<16xf32>
        %mul3A_868 = arith.mulf %sub3A_867, %sub3A_867 : vector<16xf32>
        %add3A_869 = arith.addf %add3A_860, %mul3A_868 : vector<16xf32>
        %get3A_870 = arith.index_cast %add3A_851 : i32 to index
        %get3A_871 = arith.constant 32 : index
        %get3A_872 = tpu.vector_load %arg11[%get3A_870, %get3A_871] {strides = array<i32>} : memref<80x128xf32, #tpu.memory_space<vmem>>, vector<16xf32>,
        %get3A_873 = arith.index_cast %add3A_851 : i32 to index
        %get3A_874 = arith.constant 32 : index
        %get3A_875 = tpu.vector_load %arg12[%get3A_873, %get3A_874] {strides = array<i32>} : memref<80x128xf32, #tpu.memory_space<vmem>>, vector<16xf32>,
        %sub3A_876 = arith.subf %get3A_872, %get3A_875 : vector<16xf32>
        %mul3A_877 = arith.mulf %sub3A_876, %sub3A_876 : vector<16xf32>
        %add3A_878 = arith.addf %add3A_869, %mul3A_877 : vector<16xf32>
        %get3A_879 = arith.index_cast %add3A_851 : i32 to index
        %get3A_880 = arith.constant 48 : index
        %get3A_881 = tpu.vector_load %arg11[%get3A_879, %get3A_880] {strides = array<i32>} : memref<80x128xf32, #tpu.memory_space<vmem>>, vector<16xf32>,
        %get3A_882 = arith.index_cast %add3A_851 : i32 to index
        %get3A_883 = arith.constant 48 : index
        %get3A_884 = tpu.vector_load %arg12[%get3A_882, %get3A_883] {strides = array<i32>} : memref<80x128xf32, #tpu.memory_space<vmem>>, vector<16xf32>,
        %sub3A_885 = arith.subf %get3A_881, %get3A_884 : vector<16xf32>
        %mul3A_886 = arith.mulf %sub3A_885, %sub3A_885 : vector<16xf32>
        %add3A_887 = arith.addf %add3A_878, %mul3A_886 : vector<16xf32>
        %get3A_888 = arith.index_cast %add3A_851 : i32 to index
        %get3A_889 = arith.constant 64 : index
        %get3A_890 = tpu.vector_load %arg11[%get3A_888, %get3A_889] {strides = array<i32>} : memref<80x128xf32, #tpu.memory_space<vmem>>, vector<16xf32>,
        %get3A_891 = arith.index_cast %add3A_851 : i32 to index
        %get3A_892 = arith.constant 64 : index
        %get3A_893 = tpu.vector_load %arg12[%get3A_891, %get3A_892] {strides = array<i32>} : memref<80x128xf32, #tpu.memory_space<vmem>>, vector<16xf32>,
        %sub3A_894 = arith.subf %get3A_890, %get3A_893 : vector<16xf32>
        %mul3A_895 = arith.mulf %sub3A_894, %sub3A_894 : vector<16xf32>
        %add3A_896 = arith.addf %add3A_887, %mul3A_895 : vector<16xf32>
        %get3A_897 = arith.index_cast %add3A_851 : i32 to index
        %get3A_898 = arith.constant 80 : index
        %get3A_899 = tpu.vector_load %arg11[%get3A_897, %get3A_898] {strides = array<i32>} : memref<80x128xf32, #tpu.memory_space<vmem>>, vector<16xf32>,
        %get3A_900 = arith.index_cast %add3A_851 : i32 to index
        %get3A_901 = arith.constant 80 : index
        %get3A_902 = tpu.vector_load %arg12[%get3A_900, %get3A_901] {strides = array<i32>} : memref<80x128xf32, #tpu.memory_space<vmem>>, vector<16xf32>,
        %sub3A_903 = arith.subf %get3A_899, %get3A_902 : vector<16xf32>
        %mul3A_904 = arith.mulf %sub3A_903, %sub3A_903 : vector<16xf32>
        %add3A_905 = arith.addf %add3A_896, %mul3A_904 : vector<16xf32>
        %get3A_906 = arith.index_cast %add3A_851 : i32 to index
        %get3A_907 = arith.constant 96 : index
        %get3A_908 = tpu.vector_load %arg11[%get3A_906, %get3A_907] {strides = array<i32>} : memref<80x128xf32, #tpu.memory_space<vmem>>, vector<16xf32>,
        %get3A_909 = arith.index_cast %add3A_851 : i32 to index
        %get3A_910 = arith.constant 96 : index
        %get3A_911 = tpu.vector_load %arg12[%get3A_909, %get3A_910] {strides = array<i32>} : memref<80x128xf32, #tpu.memory_space<vmem>>, vector<16xf32>,
        %sub3A_912 = arith.subf %get3A_908, %get3A_911 : vector<16xf32>
        %mul3A_913 = arith.mulf %sub3A_912, %sub3A_912 : vector<16xf32>
        %add3A_914 = arith.addf %add3A_905, %mul3A_913 : vector<16xf32>
        %get3A_915 = arith.index_cast %add3A_851 : i32 to index
        %get3A_916 = arith.constant 112 : index
        %get3A_917 = tpu.vector_load %arg11[%get3A_915, %get3A_916] {strides = array<i32>} : memref<80x128xf32, #tpu.memory_space<vmem>>, vector<16xf32>,
        %get3A_918 = arith.index_cast %add3A_851 : i32 to index
        %get3A_919 = arith.constant 112 : index
        %get3A_920 = tpu.vector_load %arg12[%get3A_918, %get3A_919] {strides = array<i32>} : memref<80x128xf32, #tpu.memory_space<vmem>>, vector<16xf32>,
        %sub3A_921 = arith.subf %get3A_917, %get3A_920 : vector<16xf32>
        %mul3A_922 = arith.mulf %sub3A_921, %sub3A_921 : vector<16xf32>
        %add3A_923 = arith.addf %add3A_914, %mul3A_922 : vector<16xf32>
        %add3A_924 = arith.constant 9 : i32
        %add3A_925 = vector.broadcast %add3A_924 : i32 to vector<16xi32>
        %add3A_926 = arith.addi %mul3A_10, %add3A_925 : vector<16xi32>
        tpu.vector_store_idx %arg15[%add3A_926], %add3A_923 : memref<272xf32, #tpu.memory_space<vmem>>[vector<16xi32>], vector<16xf32>,
        %add3A_927 = arith.constant 10 : i32
        %add3A_928 = arith.addi %mul3A_158, %add3A_927 : i32
        %get3A_929 = arith.index_cast %add3A_928 : i32 to index
        %get3A_930 = arith.constant 0 : index
        %get3A_931 = tpu.vector_load %arg11[%get3A_929, %get3A_930] {strides = array<i32>} : memref<80x128xf32, #tpu.memory_space<vmem>>, vector<16xf32>,
        %get3A_932 = arith.index_cast %add3A_928 : i32 to index
        %get3A_933 = arith.constant 0 : index
        %get3A_934 = tpu.vector_load %arg12[%get3A_932, %get3A_933] {strides = array<i32>} : memref<80x128xf32, #tpu.memory_space<vmem>>, vector<16xf32>,
        %sub3A_935 = arith.subf %get3A_931, %get3A_934 : vector<16xf32>
        %mul3A_936 = arith.mulf %sub3A_935, %sub3A_935 : vector<16xf32>
        %add3A_937 = arith.addf %broadcast_in_dim3A_3, %mul3A_936 : vector<16xf32>
        %get3A_938 = arith.index_cast %add3A_928 : i32 to index
        %get3A_939 = arith.constant 16 : index
        %get3A_940 = tpu.vector_load %arg11[%get3A_938, %get3A_939] {strides = array<i32>} : memref<80x128xf32, #tpu.memory_space<vmem>>, vector<16xf32>,
        %get3A_941 = arith.index_cast %add3A_928 : i32 to index
        %get3A_942 = arith.constant 16 : index
        %get3A_943 = tpu.vector_load %arg12[%get3A_941, %get3A_942] {strides = array<i32>} : memref<80x128xf32, #tpu.memory_space<vmem>>, vector<16xf32>,
        %sub3A_944 = arith.subf %get3A_940, %get3A_943 : vector<16xf32>
        %mul3A_945 = arith.mulf %sub3A_944, %sub3A_944 : vector<16xf32>
        %add3A_946 = arith.addf %add3A_937, %mul3A_945 : vector<16xf32>
        %get3A_947 = arith.index_cast %add3A_928 : i32 to index
        %get3A_948 = arith.constant 32 : index
        %get3A_949 = tpu.vector_load %arg11[%get3A_947, %get3A_948] {strides = array<i32>} : memref<80x128xf32, #tpu.memory_space<vmem>>, vector<16xf32>,
        %get3A_950 = arith.index_cast %add3A_928 : i32 to index
        %get3A_951 = arith.constant 32 : index
        %get3A_952 = tpu.vector_load %arg12[%get3A_950, %get3A_951] {strides = array<i32>} : memref<80x128xf32, #tpu.memory_space<vmem>>, vector<16xf32>,
        %sub3A_953 = arith.subf %get3A_949, %get3A_952 : vector<16xf32>
        %mul3A_954 = arith.mulf %sub3A_953, %sub3A_953 : vector<16xf32>
        %add3A_955 = arith.addf %add3A_946, %mul3A_954 : vector<16xf32>
        %get3A_956 = arith.index_cast %add3A_928 : i32 to index
        %get3A_957 = arith.constant 48 : index
        %get3A_958 = tpu.vector_load %arg11[%get3A_956, %get3A_957] {strides = array<i32>} : memref<80x128xf32, #tpu.memory_space<vmem>>, vector<16xf32>,
        %get3A_959 = arith.index_cast %add3A_928 : i32 to index
        %get3A_960 = arith.constant 48 : index
        %get3A_961 = tpu.vector_load %arg12[%get3A_959, %get3A_960] {strides = array<i32>} : memref<80x128xf32, #tpu.memory_space<vmem>>, vector<16xf32>,
        %sub3A_962 = arith.subf %get3A_958, %get3A_961 : vector<16xf32>
        %mul3A_963 = arith.mulf %sub3A_962, %sub3A_962 : vector<16xf32>
        %add3A_964 = arith.addf %add3A_955, %mul3A_963 : vector<16xf32>
        %get3A_965 = arith.index_cast %add3A_928 : i32 to index
        %get3A_966 = arith.constant 64 : index
        %get3A_967 = tpu.vector_load %arg11[%get3A_965, %get3A_966] {strides = array<i32>} : memref<80x128xf32, #tpu.memory_space<vmem>>, vector<16xf32>,
        %get3A_968 = arith.index_cast %add3A_928 : i32 to index
        %get3A_969 = arith.constant 64 : index
        %get3A_970 = tpu.vector_load %arg12[%get3A_968, %get3A_969] {strides = array<i32>} : memref<80x128xf32, #tpu.memory_space<vmem>>, vector<16xf32>,
        %sub3A_971 = arith.subf %get3A_967, %get3A_970 : vector<16xf32>
        %mul3A_972 = arith.mulf %sub3A_971, %sub3A_971 : vector<16xf32>
        %add3A_973 = arith.addf %add3A_964, %mul3A_972 : vector<16xf32>
        %get3A_974 = arith.index_cast %add3A_928 : i32 to index
        %get3A_975 = arith.constant 80 : index
        %get3A_976 = tpu.vector_load %arg11[%get3A_974, %get3A_975] {strides = array<i32>} : memref<80x128xf32, #tpu.memory_space<vmem>>, vector<16xf32>,
        %get3A_977 = arith.index_cast %add3A_928 : i32 to index
        %get3A_978 = arith.constant 80 : index
        %get3A_979 = tpu.vector_load %arg12[%get3A_977, %get3A_978] {strides = array<i32>} : memref<80x128xf32, #tpu.memory_space<vmem>>, vector<16xf32>,
        %sub3A_980 = arith.subf %get3A_976, %get3A_979 : vector<16xf32>
        %mul3A_981 = arith.mulf %sub3A_980, %sub3A_980 : vector<16xf32>
        %add3A_982 = arith.addf %add3A_973, %mul3A_981 : vector<16xf32>
        %get3A_983 = arith.index_cast %add3A_928 : i32 to index
        %get3A_984 = arith.constant 96 : index
        %get3A_985 = tpu.vector_load %arg11[%get3A_983, %get3A_984] {strides = array<i32>} : memref<80x128xf32, #tpu.memory_space<vmem>>, vector<16xf32>,
        %get3A_986 = arith.index_cast %add3A_928 : i32 to index
        %get3A_987 = arith.constant 96 : index
        %get3A_988 = tpu.vector_load %arg12[%get3A_986, %get3A_987] {strides = array<i32>} : memref<80x128xf32, #tpu.memory_space<vmem>>, vector<16xf32>,
        %sub3A_989 = arith.subf %get3A_985, %get3A_988 : vector<16xf32>
        %mul3A_990 = arith.mulf %sub3A_989, %sub3A_989 : vector<16xf32>
        %add3A_991 = arith.addf %add3A_982, %mul3A_990 : vector<16xf32>
        %get3A_992 = arith.index_cast %add3A_928 : i32 to index
        %get3A_993 = arith.constant 112 : index
        %get3A_994 = tpu.vector_load %arg11[%get3A_992, %get3A_993] {strides = array<i32>} : memref<80x128xf32, #tpu.memory_space<vmem>>, vector<16xf32>,
        %get3A_995 = arith.index_cast %add3A_928 : i32 to index
        %get3A_996 = arith.constant 112 : index
        %get3A_997 = tpu.vector_load %arg12[%get3A_995, %get3A_996] {strides = array<i32>} : memref<80x128xf32, #tpu.memory_space<vmem>>, vector<16xf32>,
        %sub3A_998 = arith.subf %get3A_994, %get3A_997 : vector<16xf32>
        %mul3A_999 = arith.mulf %sub3A_998, %sub3A_998 : vector<16xf32>
        %add3A_1000 = arith.addf %add3A_991, %mul3A_999 : vector<16xf32>
        %add3A_1001 = arith.constant 10 : i32
        %add3A_1002 = vector.broadcast %add3A_1001 : i32 to vector<16xi32>
        %add3A_1003 = arith.addi %mul3A_10, %add3A_1002 : vector<16xi32>
        tpu.vector_store_idx %arg15[%add3A_1003], %add3A_1000 : memref<272xf32, #tpu.memory_space<vmem>>[vector<16xi32>], vector<16xf32>,
        %add3A_1004 = arith.constant 11 : i32
        %add3A_1005 = arith.addi %mul3A_158, %add3A_1004 : i32
        %get3A_1006 = arith.index_cast %add3A_1005 : i32 to index
        %get3A_1007 = arith.constant 0 : index
        %get3A_1008 = tpu.vector_load %arg11[%get3A_1006, %get3A_1007] {strides = array<i32>} : memref<80x128xf32, #tpu.memory_space<vmem>>, vector<16xf32>,
        %get3A_1009 = arith.index_cast %add3A_1005 : i32 to index
        %get3A_1010 = arith.constant 0 : index
        %get3A_1011 = tpu.vector_load %arg12[%get3A_1009, %get3A_1010] {strides = array<i32>} : memref<80x128xf32, #tpu.memory_space<vmem>>, vector<16xf32>,
        %sub3A_1012 = arith.subf %get3A_1008, %get3A_1011 : vector<16xf32>
        %mul3A_1013 = arith.mulf %sub3A_1012, %sub3A_1012 : vector<16xf32>
        %add3A_1014 = arith.addf %broadcast_in_dim3A_3, %mul3A_1013 : vector<16xf32>
        %get3A_1015 = arith.index_cast %add3A_1005 : i32 to index
        %get3A_1016 = arith.constant 16 : index
        %get3A_1017 = tpu.vector_load %arg11[%get3A_1015, %get3A_1016] {strides = array<i32>} : memref<80x128xf32, #tpu.memory_space<vmem>>, vector<16xf32>,
        %get3A_1018 = arith.index_cast %add3A_1005 : i32 to index
        %get3A_1019 = arith.constant 16 : index
        %get3A_1020 = tpu.vector_load %arg12[%get3A_1018, %get3A_1019] {strides = array<i32>} : memref<80x128xf32, #tpu.memory_space<vmem>>, vector<16xf32>,
        %sub3A_1021 = arith.subf %get3A_1017, %get3A_1020 : vector<16xf32>
        %mul3A_1022 = arith.mulf %sub3A_1021, %sub3A_1021 : vector<16xf32>
        %add3A_1023 = arith.addf %add3A_1014, %mul3A_1022 : vector<16xf32>
        %get3A_1024 = arith.index_cast %add3A_1005 : i32 to index
        %get3A_1025 = arith.constant 32 : index
        %get3A_1026 = tpu.vector_load %arg11[%get3A_1024, %get3A_1025] {strides = array<i32>} : memref<80x128xf32, #tpu.memory_space<vmem>>, vector<16xf32>,
        %get3A_1027 = arith.index_cast %add3A_1005 : i32 to index
        %get3A_1028 = arith.constant 32 : index
        %get3A_1029 = tpu.vector_load %arg12[%get3A_1027, %get3A_1028] {strides = array<i32>} : memref<80x128xf32, #tpu.memory_space<vmem>>, vector<16xf32>,
        %sub3A_1030 = arith.subf %get3A_1026, %get3A_1029 : vector<16xf32>
        %mul3A_1031 = arith.mulf %sub3A_1030, %sub3A_1030 : vector<16xf32>
        %add3A_1032 = arith.addf %add3A_1023, %mul3A_1031 : vector<16xf32>
        %get3A_1033 = arith.index_cast %add3A_1005 : i32 to index
        %get3A_1034 = arith.constant 48 : index
        %get3A_1035 = tpu.vector_load %arg11[%get3A_1033, %get3A_1034] {strides = array<i32>} : memref<80x128xf32, #tpu.memory_space<vmem>>, vector<16xf32>,
        %get3A_1036 = arith.index_cast %add3A_1005 : i32 to index
        %get3A_1037 = arith.constant 48 : index
        %get3A_1038 = tpu.vector_load %arg12[%get3A_1036, %get3A_1037] {strides = array<i32>} : memref<80x128xf32, #tpu.memory_space<vmem>>, vector<16xf32>,
        %sub3A_1039 = arith.subf %get3A_1035, %get3A_1038 : vector<16xf32>
        %mul3A_1040 = arith.mulf %sub3A_1039, %sub3A_1039 : vector<16xf32>
        %add3A_1041 = arith.addf %add3A_1032, %mul3A_1040 : vector<16xf32>
        %get3A_1042 = arith.index_cast %add3A_1005 : i32 to index
        %get3A_1043 = arith.constant 64 : index
        %get3A_1044 = tpu.vector_load %arg11[%get3A_1042, %get3A_1043] {strides = array<i32>} : memref<80x128xf32, #tpu.memory_space<vmem>>, vector<16xf32>,
        %get3A_1045 = arith.index_cast %add3A_1005 : i32 to index
        %get3A_1046 = arith.constant 64 : index
        %get3A_1047 = tpu.vector_load %arg12[%get3A_1045, %get3A_1046] {strides = array<i32>} : memref<80x128xf32, #tpu.memory_space<vmem>>, vector<16xf32>,
        %sub3A_1048 = arith.subf %get3A_1044, %get3A_1047 : vector<16xf32>
        %mul3A_1049 = arith.mulf %sub3A_1048, %sub3A_1048 : vector<16xf32>
        %add3A_1050 = arith.addf %add3A_1041, %mul3A_1049 : vector<16xf32>
        %get3A_1051 = arith.index_cast %add3A_1005 : i32 to index
        %get3A_1052 = arith.constant 80 : index
        %get3A_1053 = tpu.vector_load %arg11[%get3A_1051, %get3A_1052] {strides = array<i32>} : memref<80x128xf32, #tpu.memory_space<vmem>>, vector<16xf32>,
        %get3A_1054 = arith.index_cast %add3A_1005 : i32 to index
        %get3A_1055 = arith.constant 80 : index
        %get3A_1056 = tpu.vector_load %arg12[%get3A_1054, %get3A_1055] {strides = array<i32>} : memref<80x128xf32, #tpu.memory_space<vmem>>, vector<16xf32>,
        %sub3A_1057 = arith.subf %get3A_1053, %get3A_1056 : vector<16xf32>
        %mul3A_1058 = arith.mulf %sub3A_1057, %sub3A_1057 : vector<16xf32>
        %add3A_1059 = arith.addf %add3A_1050, %mul3A_1058 : vector<16xf32>
        %get3A_1060 = arith.index_cast %add3A_1005 : i32 to index
        %get3A_1061 = arith.constant 96 : index
        %get3A_1062 = tpu.vector_load %arg11[%get3A_1060, %get3A_1061] {strides = array<i32>} : memref<80x128xf32, #tpu.memory_space<vmem>>, vector<16xf32>,
        %get3A_1063 = arith.index_cast %add3A_1005 : i32 to index
        %get3A_1064 = arith.constant 96 : index
        %get3A_1065 = tpu.vector_load %arg12[%get3A_1063, %get3A_1064] {strides = array<i32>} : memref<80x128xf32, #tpu.memory_space<vmem>>, vector<16xf32>,
        %sub3A_1066 = arith.subf %get3A_1062, %get3A_1065 : vector<16xf32>
        %mul3A_1067 = arith.mulf %sub3A_1066, %sub3A_1066 : vector<16xf32>
        %add3A_1068 = arith.addf %add3A_1059, %mul3A_1067 : vector<16xf32>
        %get3A_1069 = arith.index_cast %add3A_1005 : i32 to index
        %get3A_1070 = arith.constant 112 : index
        %get3A_1071 = tpu.vector_load %arg11[%get3A_1069, %get3A_1070] {strides = array<i32>} : memref<80x128xf32, #tpu.memory_space<vmem>>, vector<16xf32>,
        %get3A_1072 = arith.index_cast %add3A_1005 : i32 to index
        %get3A_1073 = arith.constant 112 : index
        %get3A_1074 = tpu.vector_load %arg12[%get3A_1072, %get3A_1073] {strides = array<i32>} : memref<80x128xf32, #tpu.memory_space<vmem>>, vector<16xf32>,
        %sub3A_1075 = arith.subf %get3A_1071, %get3A_1074 : vector<16xf32>
        %mul3A_1076 = arith.mulf %sub3A_1075, %sub3A_1075 : vector<16xf32>
        %add3A_1077 = arith.addf %add3A_1068, %mul3A_1076 : vector<16xf32>
        %add3A_1078 = arith.constant 11 : i32
        %add3A_1079 = vector.broadcast %add3A_1078 : i32 to vector<16xi32>
        %add3A_1080 = arith.addi %mul3A_10, %add3A_1079 : vector<16xi32>
        tpu.vector_store_idx %arg15[%add3A_1080], %add3A_1077 : memref<272xf32, #tpu.memory_space<vmem>>[vector<16xi32>], vector<16xf32>,
        %add3A_1081 = arith.constant 12 : i32
        %add3A_1082 = arith.addi %mul3A_158, %add3A_1081 : i32
        %get3A_1083 = arith.index_cast %add3A_1082 : i32 to index
        %get3A_1084 = arith.constant 0 : index
        %get3A_1085 = tpu.vector_load %arg11[%get3A_1083, %get3A_1084] {strides = array<i32>} : memref<80x128xf32, #tpu.memory_space<vmem>>, vector<16xf32>,
        %get3A_1086 = arith.index_cast %add3A_1082 : i32 to index
        %get3A_1087 = arith.constant 0 : index
        %get3A_1088 = tpu.vector_load %arg12[%get3A_1086, %get3A_1087] {strides = array<i32>} : memref<80x128xf32, #tpu.memory_space<vmem>>, vector<16xf32>,
        %sub3A_1089 = arith.subf %get3A_1085, %get3A_1088 : vector<16xf32>
        %mul3A_1090 = arith.mulf %sub3A_1089, %sub3A_1089 : vector<16xf32>
        %add3A_1091 = arith.addf %broadcast_in_dim3A_3, %mul3A_1090 : vector<16xf32>
        %get3A_1092 = arith.index_cast %add3A_1082 : i32 to index
        %get3A_1093 = arith.constant 16 : index
        %get3A_1094 = tpu.vector_load %arg11[%get3A_1092, %get3A_1093] {strides = array<i32>} : memref<80x128xf32, #tpu.memory_space<vmem>>, vector<16xf32>,
        %get3A_1095 = arith.index_cast %add3A_1082 : i32 to index
        %get3A_1096 = arith.constant 16 : index
        %get3A_1097 = tpu.vector_load %arg12[%get3A_1095, %get3A_1096] {strides = array<i32>} : memref<80x128xf32, #tpu.memory_space<vmem>>, vector<16xf32>,
        %sub3A_1098 = arith.subf %get3A_1094, %get3A_1097 : vector<16xf32>
        %mul3A_1099 = arith.mulf %sub3A_1098, %sub3A_1098 : vector<16xf32>
        %add3A_1100 = arith.addf %add3A_1091, %mul3A_1099 : vector<16xf32>
        %get3A_1101 = arith.index_cast %add3A_1082 : i32 to index
        %get3A_1102 = arith.constant 32 : index
        %get3A_1103 = tpu.vector_load %arg11[%get3A_1101, %get3A_1102] {strides = array<i32>} : memref<80x128xf32, #tpu.memory_space<vmem>>, vector<16xf32>,
        %get3A_1104 = arith.index_cast %add3A_1082 : i32 to index
        %get3A_1105 = arith.constant 32 : index
        %get3A_1106 = tpu.vector_load %arg12[%get3A_1104, %get3A_1105] {strides = array<i32>} : memref<80x128xf32, #tpu.memory_space<vmem>>, vector<16xf32>,
        %sub3A_1107 = arith.subf %get3A_1103, %get3A_1106 : vector<16xf32>
        %mul3A_1108 = arith.mulf %sub3A_1107, %sub3A_1107 : vector<16xf32>
        %add3A_1109 = arith.addf %add3A_1100, %mul3A_1108 : vector<16xf32>
        %get3A_1110 = arith.index_cast %add3A_1082 : i32 to index
        %get3A_1111 = arith.constant 48 : index
        %get3A_1112 = tpu.vector_load %arg11[%get3A_1110, %get3A_1111] {strides = array<i32>} : memref<80x128xf32, #tpu.memory_space<vmem>>, vector<16xf32>,
        %get3A_1113 = arith.index_cast %add3A_1082 : i32 to index
        %get3A_1114 = arith.constant 48 : index
        %get3A_1115 = tpu.vector_load %arg12[%get3A_1113, %get3A_1114] {strides = array<i32>} : memref<80x128xf32, #tpu.memory_space<vmem>>, vector<16xf32>,
        %sub3A_1116 = arith.subf %get3A_1112, %get3A_1115 : vector<16xf32>
        %mul3A_1117 = arith.mulf %sub3A_1116, %sub3A_1116 : vector<16xf32>
        %add3A_1118 = arith.addf %add3A_1109, %mul3A_1117 : vector<16xf32>
        %get3A_1119 = arith.index_cast %add3A_1082 : i32 to index
        %get3A_1120 = arith.constant 64 : index
        %get3A_1121 = tpu.vector_load %arg11[%get3A_1119, %get3A_1120] {strides = array<i32>} : memref<80x128xf32, #tpu.memory_space<vmem>>, vector<16xf32>,
        %get3A_1122 = arith.index_cast %add3A_1082 : i32 to index
        %get3A_1123 = arith.constant 64 : index
        %get3A_1124 = tpu.vector_load %arg12[%get3A_1122, %get3A_1123] {strides = array<i32>} : memref<80x128xf32, #tpu.memory_space<vmem>>, vector<16xf32>,
        %sub3A_1125 = arith.subf %get3A_1121, %get3A_1124 : vector<16xf32>
        %mul3A_1126 = arith.mulf %sub3A_1125, %sub3A_1125 : vector<16xf32>
        %add3A_1127 = arith.addf %add3A_1118, %mul3A_1126 : vector<16xf32>
        %get3A_1128 = arith.index_cast %add3A_1082 : i32 to index
        %get3A_1129 = arith.constant 80 : index
        %get3A_1130 = tpu.vector_load %arg11[%get3A_1128, %get3A_1129] {strides = array<i32>} : memref<80x128xf32, #tpu.memory_space<vmem>>, vector<16xf32>,
        %get3A_1131 = arith.index_cast %add3A_1082 : i32 to index
        %get3A_1132 = arith.constant 80 : index
        %get3A_1133 = tpu.vector_load %arg12[%get3A_1131, %get3A_1132] {strides = array<i32>} : memref<80x128xf32, #tpu.memory_space<vmem>>, vector<16xf32>,
        %sub3A_1134 = arith.subf %get3A_1130, %get3A_1133 : vector<16xf32>
        %mul3A_1135 = arith.mulf %sub3A_1134, %sub3A_1134 : vector<16xf32>
        %add3A_1136 = arith.addf %add3A_1127, %mul3A_1135 : vector<16xf32>
        %get3A_1137 = arith.index_cast %add3A_1082 : i32 to index
        %get3A_1138 = arith.constant 96 : index
        %get3A_1139 = tpu.vector_load %arg11[%get3A_1137, %get3A_1138] {strides = array<i32>} : memref<80x128xf32, #tpu.memory_space<vmem>>, vector<16xf32>,
        %get3A_1140 = arith.index_cast %add3A_1082 : i32 to index
        %get3A_1141 = arith.constant 96 : index
        %get3A_1142 = tpu.vector_load %arg12[%get3A_1140, %get3A_1141] {strides = array<i32>} : memref<80x128xf32, #tpu.memory_space<vmem>>, vector<16xf32>,
        %sub3A_1143 = arith.subf %get3A_1139, %get3A_1142 : vector<16xf32>
        %mul3A_1144 = arith.mulf %sub3A_1143, %sub3A_1143 : vector<16xf32>
        %add3A_1145 = arith.addf %add3A_1136, %mul3A_1144 : vector<16xf32>
        %get3A_1146 = arith.index_cast %add3A_1082 : i32 to index
        %get3A_1147 = arith.constant 112 : index
        %get3A_1148 = tpu.vector_load %arg11[%get3A_1146, %get3A_1147] {strides = array<i32>} : memref<80x128xf32, #tpu.memory_space<vmem>>, vector<16xf32>,
        %get3A_1149 = arith.index_cast %add3A_1082 : i32 to index
        %get3A_1150 = arith.constant 112 : index
        %get3A_1151 = tpu.vector_load %arg12[%get3A_1149, %get3A_1150] {strides = array<i32>} : memref<80x128xf32, #tpu.memory_space<vmem>>, vector<16xf32>,
        %sub3A_1152 = arith.subf %get3A_1148, %get3A_1151 : vector<16xf32>
        %mul3A_1153 = arith.mulf %sub3A_1152, %sub3A_1152 : vector<16xf32>
        %add3A_1154 = arith.addf %add3A_1145, %mul3A_1153 : vector<16xf32>
        %add3A_1155 = arith.constant 12 : i32
        %add3A_1156 = vector.broadcast %add3A_1155 : i32 to vector<16xi32>
        %add3A_1157 = arith.addi %mul3A_10, %add3A_1156 : vector<16xi32>
        tpu.vector_store_idx %arg15[%add3A_1157], %add3A_1154 : memref<272xf32, #tpu.memory_space<vmem>>[vector<16xi32>], vector<16xf32>,
        %add3A_1158 = arith.constant 13 : i32
        %add3A_1159 = arith.addi %mul3A_158, %add3A_1158 : i32
        %get3A_1160 = arith.index_cast %add3A_1159 : i32 to index
        %get3A_1161 = arith.constant 0 : index
        %get3A_1162 = tpu.vector_load %arg11[%get3A_1160, %get3A_1161] {strides = array<i32>} : memref<80x128xf32, #tpu.memory_space<vmem>>, vector<16xf32>,
        %get3A_1163 = arith.index_cast %add3A_1159 : i32 to index
        %get3A_1164 = arith.constant 0 : index
        %get3A_1165 = tpu.vector_load %arg12[%get3A_1163, %get3A_1164] {strides = array<i32>} : memref<80x128xf32, #tpu.memory_space<vmem>>, vector<16xf32>,
        %sub3A_1166 = arith.subf %get3A_1162, %get3A_1165 : vector<16xf32>
        %mul3A_1167 = arith.mulf %sub3A_1166, %sub3A_1166 : vector<16xf32>
        %add3A_1168 = arith.addf %broadcast_in_dim3A_3, %mul3A_1167 : vector<16xf32>
        %get3A_1169 = arith.index_cast %add3A_1159 : i32 to index
        %get3A_1170 = arith.constant 16 : index
        %get3A_1171 = tpu.vector_load %arg11[%get3A_1169, %get3A_1170] {strides = array<i32>} : memref<80x128xf32, #tpu.memory_space<vmem>>, vector<16xf32>,
        %get3A_1172 = arith.index_cast %add3A_1159 : i32 to index
        %get3A_1173 = arith.constant 16 : index
        %get3A_1174 = tpu.vector_load %arg12[%get3A_1172, %get3A_1173] {strides = array<i32>} : memref<80x128xf32, #tpu.memory_space<vmem>>, vector<16xf32>,
        %sub3A_1175 = arith.subf %get3A_1171, %get3A_1174 : vector<16xf32>
        %mul3A_1176 = arith.mulf %sub3A_1175, %sub3A_1175 : vector<16xf32>
        %add3A_1177 = arith.addf %add3A_1168, %mul3A_1176 : vector<16xf32>
        %get3A_1178 = arith.index_cast %add3A_1159 : i32 to index
        %get3A_1179 = arith.constant 32 : index
        %get3A_1180 = tpu.vector_load %arg11[%get3A_1178, %get3A_1179] {strides = array<i32>} : memref<80x128xf32, #tpu.memory_space<vmem>>, vector<16xf32>,
        %get3A_1181 = arith.index_cast %add3A_1159 : i32 to index
        %get3A_1182 = arith.constant 32 : index
        %get3A_1183 = tpu.vector_load %arg12[%get3A_1181, %get3A_1182] {strides = array<i32>} : memref<80x128xf32, #tpu.memory_space<vmem>>, vector<16xf32>,
        %sub3A_1184 = arith.subf %get3A_1180, %get3A_1183 : vector<16xf32>
        %mul3A_1185 = arith.mulf %sub3A_1184, %sub3A_1184 : vector<16xf32>
        %add3A_1186 = arith.addf %add3A_1177, %mul3A_1185 : vector<16xf32>
        %get3A_1187 = arith.index_cast %add3A_1159 : i32 to index
        %get3A_1188 = arith.constant 48 : index
        %get3A_1189 = tpu.vector_load %arg11[%get3A_1187, %get3A_1188] {strides = array<i32>} : memref<80x128xf32, #tpu.memory_space<vmem>>, vector<16xf32>,
        %get3A_1190 = arith.index_cast %add3A_1159 : i32 to index
        %get3A_1191 = arith.constant 48 : index
        %get3A_1192 = tpu.vector_load %arg12[%get3A_1190, %get3A_1191] {strides = array<i32>} : memref<80x128xf32, #tpu.memory_space<vmem>>, vector<16xf32>,
        %sub3A_1193 = arith.subf %get3A_1189, %get3A_1192 : vector<16xf32>
        %mul3A_1194 = arith.mulf %sub3A_1193, %sub3A_1193 : vector<16xf32>
        %add3A_1195 = arith.addf %add3A_1186, %mul3A_1194 : vector<16xf32>
        %get3A_1196 = arith.index_cast %add3A_1159 : i32 to index
        %get3A_1197 = arith.constant 64 : index
        %get3A_1198 = tpu.vector_load %arg11[%get3A_1196, %get3A_1197] {strides = array<i32>} : memref<80x128xf32, #tpu.memory_space<vmem>>, vector<16xf32>,
        %get3A_1199 = arith.index_cast %add3A_1159 : i32 to index
        %get3A_1200 = arith.constant 64 : index
        %get3A_1201 = tpu.vector_load %arg12[%get3A_1199, %get3A_1200] {strides = array<i32>} : memref<80x128xf32, #tpu.memory_space<vmem>>, vector<16xf32>,
        %sub3A_1202 = arith.subf %get3A_1198, %get3A_1201 : vector<16xf32>
        %mul3A_1203 = arith.mulf %sub3A_1202, %sub3A_1202 : vector<16xf32>
        %add3A_1204 = arith.addf %add3A_1195, %mul3A_1203 : vector<16xf32>
        %get3A_1205 = arith.index_cast %add3A_1159 : i32 to index
        %get3A_1206 = arith.constant 80 : index
        %get3A_1207 = tpu.vector_load %arg11[%get3A_1205, %get3A_1206] {strides = array<i32>} : memref<80x128xf32, #tpu.memory_space<vmem>>, vector<16xf32>,
        %get3A_1208 = arith.index_cast %add3A_1159 : i32 to index
        %get3A_1209 = arith.constant 80 : index
        %get3A_1210 = tpu.vector_load %arg12[%get3A_1208, %get3A_1209] {strides = array<i32>} : memref<80x128xf32, #tpu.memory_space<vmem>>, vector<16xf32>,
        %sub3A_1211 = arith.subf %get3A_1207, %get3A_1210 : vector<16xf32>
        %mul3A_1212 = arith.mulf %sub3A_1211, %sub3A_1211 : vector<16xf32>
        %add3A_1213 = arith.addf %add3A_1204, %mul3A_1212 : vector<16xf32>
        %get3A_1214 = arith.index_cast %add3A_1159 : i32 to index
        %get3A_1215 = arith.constant 96 : index
        %get3A_1216 = tpu.vector_load %arg11[%get3A_1214, %get3A_1215] {strides = array<i32>} : memref<80x128xf32, #tpu.memory_space<vmem>>, vector<16xf32>,
        %get3A_1217 = arith.index_cast %add3A_1159 : i32 to index
        %get3A_1218 = arith.constant 96 : index
        %get3A_1219 = tpu.vector_load %arg12[%get3A_1217, %get3A_1218] {strides = array<i32>} : memref<80x128xf32, #tpu.memory_space<vmem>>, vector<16xf32>,
        %sub3A_1220 = arith.subf %get3A_1216, %get3A_1219 : vector<16xf32>
        %mul3A_1221 = arith.mulf %sub3A_1220, %sub3A_1220 : vector<16xf32>
        %add3A_1222 = arith.addf %add3A_1213, %mul3A_1221 : vector<16xf32>
        %get3A_1223 = arith.index_cast %add3A_1159 : i32 to index
        %get3A_1224 = arith.constant 112 : index
        %get3A_1225 = tpu.vector_load %arg11[%get3A_1223, %get3A_1224] {strides = array<i32>} : memref<80x128xf32, #tpu.memory_space<vmem>>, vector<16xf32>,
        %get3A_1226 = arith.index_cast %add3A_1159 : i32 to index
        %get3A_1227 = arith.constant 112 : index
        %get3A_1228 = tpu.vector_load %arg12[%get3A_1226, %get3A_1227] {strides = array<i32>} : memref<80x128xf32, #tpu.memory_space<vmem>>, vector<16xf32>,
        %sub3A_1229 = arith.subf %get3A_1225, %get3A_1228 : vector<16xf32>
        %mul3A_1230 = arith.mulf %sub3A_1229, %sub3A_1229 : vector<16xf32>
        %add3A_1231 = arith.addf %add3A_1222, %mul3A_1230 : vector<16xf32>
        %add3A_1232 = arith.constant 13 : i32
        %add3A_1233 = vector.broadcast %add3A_1232 : i32 to vector<16xi32>
        %add3A_1234 = arith.addi %mul3A_10, %add3A_1233 : vector<16xi32>
        tpu.vector_store_idx %arg15[%add3A_1234], %add3A_1231 : memref<272xf32, #tpu.memory_space<vmem>>[vector<16xi32>], vector<16xf32>,
        %add3A_1235 = arith.constant 14 : i32
        %add3A_1236 = arith.addi %mul3A_158, %add3A_1235 : i32
        %get3A_1237 = arith.index_cast %add3A_1236 : i32 to index
        %get3A_1238 = arith.constant 0 : index
        %get3A_1239 = tpu.vector_load %arg11[%get3A_1237, %get3A_1238] {strides = array<i32>} : memref<80x128xf32, #tpu.memory_space<vmem>>, vector<16xf32>,
        %get3A_1240 = arith.index_cast %add3A_1236 : i32 to index
        %get3A_1241 = arith.constant 0 : index
        %get3A_1242 = tpu.vector_load %arg12[%get3A_1240, %get3A_1241] {strides = array<i32>} : memref<80x128xf32, #tpu.memory_space<vmem>>, vector<16xf32>,
        %sub3A_1243 = arith.subf %get3A_1239, %get3A_1242 : vector<16xf32>
        %mul3A_1244 = arith.mulf %sub3A_1243, %sub3A_1243 : vector<16xf32>
        %add3A_1245 = arith.addf %broadcast_in_dim3A_3, %mul3A_1244 : vector<16xf32>
        %get3A_1246 = arith.index_cast %add3A_1236 : i32 to index
        %get3A_1247 = arith.constant 16 : index
        %get3A_1248 = tpu.vector_load %arg11[%get3A_1246, %get3A_1247] {strides = array<i32>} : memref<80x128xf32, #tpu.memory_space<vmem>>, vector<16xf32>,
        %get3A_1249 = arith.index_cast %add3A_1236 : i32 to index
        %get3A_1250 = arith.constant 16 : index
        %get3A_1251 = tpu.vector_load %arg12[%get3A_1249, %get3A_1250] {strides = array<i32>} : memref<80x128xf32, #tpu.memory_space<vmem>>, vector<16xf32>,
        %sub3A_1252 = arith.subf %get3A_1248, %get3A_1251 : vector<16xf32>
        %mul3A_1253 = arith.mulf %sub3A_1252, %sub3A_1252 : vector<16xf32>
        %add3A_1254 = arith.addf %add3A_1245, %mul3A_1253 : vector<16xf32>
        %get3A_1255 = arith.index_cast %add3A_1236 : i32 to index
        %get3A_1256 = arith.constant 32 : index
        %get3A_1257 = tpu.vector_load %arg11[%get3A_1255, %get3A_1256] {strides = array<i32>} : memref<80x128xf32, #tpu.memory_space<vmem>>, vector<16xf32>,
        %get3A_1258 = arith.index_cast %add3A_1236 : i32 to index
        %get3A_1259 = arith.constant 32 : index
        %get3A_1260 = tpu.vector_load %arg12[%get3A_1258, %get3A_1259] {strides = array<i32>} : memref<80x128xf32, #tpu.memory_space<vmem>>, vector<16xf32>,
        %sub3A_1261 = arith.subf %get3A_1257, %get3A_1260 : vector<16xf32>
        %mul3A_1262 = arith.mulf %sub3A_1261, %sub3A_1261 : vector<16xf32>
        %add3A_1263 = arith.addf %add3A_1254, %mul3A_1262 : vector<16xf32>
        %get3A_1264 = arith.index_cast %add3A_1236 : i32 to index
        %get3A_1265 = arith.constant 48 : index
        %get3A_1266 = tpu.vector_load %arg11[%get3A_1264, %get3A_1265] {strides = array<i32>} : memref<80x128xf32, #tpu.memory_space<vmem>>, vector<16xf32>,
        %get3A_1267 = arith.index_cast %add3A_1236 : i32 to index
        %get3A_1268 = arith.constant 48 : index
        %get3A_1269 = tpu.vector_load %arg12[%get3A_1267, %get3A_1268] {strides = array<i32>} : memref<80x128xf32, #tpu.memory_space<vmem>>, vector<16xf32>,
        %sub3A_1270 = arith.subf %get3A_1266, %get3A_1269 : vector<16xf32>
        %mul3A_1271 = arith.mulf %sub3A_1270, %sub3A_1270 : vector<16xf32>
        %add3A_1272 = arith.addf %add3A_1263, %mul3A_1271 : vector<16xf32>
        %get3A_1273 = arith.index_cast %add3A_1236 : i32 to index
        %get3A_1274 = arith.constant 64 : index
        %get3A_1275 = tpu.vector_load %arg11[%get3A_1273, %get3A_1274] {strides = array<i32>} : memref<80x128xf32, #tpu.memory_space<vmem>>, vector<16xf32>,
        %get3A_1276 = arith.index_cast %add3A_1236 : i32 to index
        %get3A_1277 = arith.constant 64 : index
        %get3A_1278 = tpu.vector_load %arg12[%get3A_1276, %get3A_1277] {strides = array<i32>} : memref<80x128xf32, #tpu.memory_space<vmem>>, vector<16xf32>,
        %sub3A_1279 = arith.subf %get3A_1275, %get3A_1278 : vector<16xf32>
        %mul3A_1280 = arith.mulf %sub3A_1279, %sub3A_1279 : vector<16xf32>
        %add3A_1281 = arith.addf %add3A_1272, %mul3A_1280 : vector<16xf32>
        %get3A_1282 = arith.index_cast %add3A_1236 : i32 to index
        %get3A_1283 = arith.constant 80 : index
        %get3A_1284 = tpu.vector_load %arg11[%get3A_1282, %get3A_1283] {strides = array<i32>} : memref<80x128xf32, #tpu.memory_space<vmem>>, vector<16xf32>,
        %get3A_1285 = arith.index_cast %add3A_1236 : i32 to index
        %get3A_1286 = arith.constant 80 : index
        %get3A_1287 = tpu.vector_load %arg12[%get3A_1285, %get3A_1286] {strides = array<i32>} : memref<80x128xf32, #tpu.memory_space<vmem>>, vector<16xf32>,
        %sub3A_1288 = arith.subf %get3A_1284, %get3A_1287 : vector<16xf32>
        %mul3A_1289 = arith.mulf %sub3A_1288, %sub3A_1288 : vector<16xf32>
        %add3A_1290 = arith.addf %add3A_1281, %mul3A_1289 : vector<16xf32>
        %get3A_1291 = arith.index_cast %add3A_1236 : i32 to index
        %get3A_1292 = arith.constant 96 : index
        %get3A_1293 = tpu.vector_load %arg11[%get3A_1291, %get3A_1292] {strides = array<i32>} : memref<80x128xf32, #tpu.memory_space<vmem>>, vector<16xf32>,
        %get3A_1294 = arith.index_cast %add3A_1236 : i32 to index
        %get3A_1295 = arith.constant 96 : index
        %get3A_1296 = tpu.vector_load %arg12[%get3A_1294, %get3A_1295] {strides = array<i32>} : memref<80x128xf32, #tpu.memory_space<vmem>>, vector<16xf32>,
        %sub3A_1297 = arith.subf %get3A_1293, %get3A_1296 : vector<16xf32>
        %mul3A_1298 = arith.mulf %sub3A_1297, %sub3A_1297 : vector<16xf32>
        %add3A_1299 = arith.addf %add3A_1290, %mul3A_1298 : vector<16xf32>
        %get3A_1300 = arith.index_cast %add3A_1236 : i32 to index
        %get3A_1301 = arith.constant 112 : index
        %get3A_1302 = tpu.vector_load %arg11[%get3A_1300, %get3A_1301] {strides = array<i32>} : memref<80x128xf32, #tpu.memory_space<vmem>>, vector<16xf32>,
        %get3A_1303 = arith.index_cast %add3A_1236 : i32 to index
        %get3A_1304 = arith.constant 112 : index
        %get3A_1305 = tpu.vector_load %arg12[%get3A_1303, %get3A_1304] {strides = array<i32>} : memref<80x128xf32, #tpu.memory_space<vmem>>, vector<16xf32>,
        %sub3A_1306 = arith.subf %get3A_1302, %get3A_1305 : vector<16xf32>
        %mul3A_1307 = arith.mulf %sub3A_1306, %sub3A_1306 : vector<16xf32>
        %add3A_1308 = arith.addf %add3A_1299, %mul3A_1307 : vector<16xf32>
        %add3A_1309 = arith.constant 14 : i32
        %add3A_1310 = vector.broadcast %add3A_1309 : i32 to vector<16xi32>
        %add3A_1311 = arith.addi %mul3A_10, %add3A_1310 : vector<16xi32>
        tpu.vector_store_idx %arg15[%add3A_1311], %add3A_1308 : memref<272xf32, #tpu.memory_space<vmem>>[vector<16xi32>], vector<16xf32>,
        %add3A_1312 = arith.constant 15 : i32
        %add3A_1313 = arith.addi %mul3A_158, %add3A_1312 : i32
        %get3A_1314 = arith.index_cast %add3A_1313 : i32 to index
        %get3A_1315 = arith.constant 0 : index
        %get3A_1316 = tpu.vector_load %arg11[%get3A_1314, %get3A_1315] {strides = array<i32>} : memref<80x128xf32, #tpu.memory_space<vmem>>, vector<16xf32>,
        %get3A_1317 = arith.index_cast %add3A_1313 : i32 to index
        %get3A_1318 = arith.constant 0 : index
        %get3A_1319 = tpu.vector_load %arg12[%get3A_1317, %get3A_1318] {strides = array<i32>} : memref<80x128xf32, #tpu.memory_space<vmem>>, vector<16xf32>,
        %sub3A_1320 = arith.subf %get3A_1316, %get3A_1319 : vector<16xf32>
        %mul3A_1321 = arith.mulf %sub3A_1320, %sub3A_1320 : vector<16xf32>
        %add3A_1322 = arith.addf %broadcast_in_dim3A_3, %mul3A_1321 : vector<16xf32>
        %get3A_1323 = arith.index_cast %add3A_1313 : i32 to index
        %get3A_1324 = arith.constant 16 : index
        %get3A_1325 = tpu.vector_load %arg11[%get3A_1323, %get3A_1324] {strides = array<i32>} : memref<80x128xf32, #tpu.memory_space<vmem>>, vector<16xf32>,
        %get3A_1326 = arith.index_cast %add3A_1313 : i32 to index
        %get3A_1327 = arith.constant 16 : index
        %get3A_1328 = tpu.vector_load %arg12[%get3A_1326, %get3A_1327] {strides = array<i32>} : memref<80x128xf32, #tpu.memory_space<vmem>>, vector<16xf32>,
        %sub3A_1329 = arith.subf %get3A_1325, %get3A_1328 : vector<16xf32>
        %mul3A_1330 = arith.mulf %sub3A_1329, %sub3A_1329 : vector<16xf32>
        %add3A_1331 = arith.addf %add3A_1322, %mul3A_1330 : vector<16xf32>
        %get3A_1332 = arith.index_cast %add3A_1313 : i32 to index
        %get3A_1333 = arith.constant 32 : index
        %get3A_1334 = tpu.vector_load %arg11[%get3A_1332, %get3A_1333] {strides = array<i32>} : memref<80x128xf32, #tpu.memory_space<vmem>>, vector<16xf32>,
        %get3A_1335 = arith.index_cast %add3A_1313 : i32 to index
        %get3A_1336 = arith.constant 32 : index
        %get3A_1337 = tpu.vector_load %arg12[%get3A_1335, %get3A_1336] {strides = array<i32>} : memref<80x128xf32, #tpu.memory_space<vmem>>, vector<16xf32>,
        %sub3A_1338 = arith.subf %get3A_1334, %get3A_1337 : vector<16xf32>
        %mul3A_1339 = arith.mulf %sub3A_1338, %sub3A_1338 : vector<16xf32>
        %add3A_1340 = arith.addf %add3A_1331, %mul3A_1339 : vector<16xf32>
        %get3A_1341 = arith.index_cast %add3A_1313 : i32 to index
        %get3A_1342 = arith.constant 48 : index
        %get3A_1343 = tpu.vector_load %arg11[%get3A_1341, %get3A_1342] {strides = array<i32>} : memref<80x128xf32, #tpu.memory_space<vmem>>, vector<16xf32>,
        %get3A_1344 = arith.index_cast %add3A_1313 : i32 to index
        %get3A_1345 = arith.constant 48 : index
        %get3A_1346 = tpu.vector_load %arg12[%get3A_1344, %get3A_1345] {strides = array<i32>} : memref<80x128xf32, #tpu.memory_space<vmem>>, vector<16xf32>,
        %sub3A_1347 = arith.subf %get3A_1343, %get3A_1346 : vector<16xf32>
        %mul3A_1348 = arith.mulf %sub3A_1347, %sub3A_1347 : vector<16xf32>
        %add3A_1349 = arith.addf %add3A_1340, %mul3A_1348 : vector<16xf32>
        %get3A_1350 = arith.index_cast %add3A_1313 : i32 to index
        %get3A_1351 = arith.constant 64 : index
        %get3A_1352 = tpu.vector_load %arg11[%get3A_1350, %get3A_1351] {strides = array<i32>} : memref<80x128xf32, #tpu.memory_space<vmem>>, vector<16xf32>,
        %get3A_1353 = arith.index_cast %add3A_1313 : i32 to index
        %get3A_1354 = arith.constant 64 : index
        %get3A_1355 = tpu.vector_load %arg12[%get3A_1353, %get3A_1354] {strides = array<i32>} : memref<80x128xf32, #tpu.memory_space<vmem>>, vector<16xf32>,
        %sub3A_1356 = arith.subf %get3A_1352, %get3A_1355 : vector<16xf32>
        %mul3A_1357 = arith.mulf %sub3A_1356, %sub3A_1356 : vector<16xf32>
        %add3A_1358 = arith.addf %add3A_1349, %mul3A_1357 : vector<16xf32>
        %get3A_1359 = arith.index_cast %add3A_1313 : i32 to index
        %get3A_1360 = arith.constant 80 : index
        %get3A_1361 = tpu.vector_load %arg11[%get3A_1359, %get3A_1360] {strides = array<i32>} : memref<80x128xf32, #tpu.memory_space<vmem>>, vector<16xf32>,
        %get3A_1362 = arith.index_cast %add3A_1313 : i32 to index
        %get3A_1363 = arith.constant 80 : index
        %get3A_1364 = tpu.vector_load %arg12[%get3A_1362, %get3A_1363] {strides = array<i32>} : memref<80x128xf32, #tpu.memory_space<vmem>>, vector<16xf32>,
        %sub3A_1365 = arith.subf %get3A_1361, %get3A_1364 : vector<16xf32>
        %mul3A_1366 = arith.mulf %sub3A_1365, %sub3A_1365 : vector<16xf32>
        %add3A_1367 = arith.addf %add3A_1358, %mul3A_1366 : vector<16xf32>
        %get3A_1368 = arith.index_cast %add3A_1313 : i32 to index
        %get3A_1369 = arith.constant 96 : index
        %get3A_1370 = tpu.vector_load %arg11[%get3A_1368, %get3A_1369] {strides = array<i32>} : memref<80x128xf32, #tpu.memory_space<vmem>>, vector<16xf32>,
        %get3A_1371 = arith.index_cast %add3A_1313 : i32 to index
        %get3A_1372 = arith.constant 96 : index
        %get3A_1373 = tpu.vector_load %arg12[%get3A_1371, %get3A_1372] {strides = array<i32>} : memref<80x128xf32, #tpu.memory_space<vmem>>, vector<16xf32>,
        %sub3A_1374 = arith.subf %get3A_1370, %get3A_1373 : vector<16xf32>
        %mul3A_1375 = arith.mulf %sub3A_1374, %sub3A_1374 : vector<16xf32>
        %add3A_1376 = arith.addf %add3A_1367, %mul3A_1375 : vector<16xf32>
        %get3A_1377 = arith.index_cast %add3A_1313 : i32 to index
        %get3A_1378 = arith.constant 112 : index
        %get3A_1379 = tpu.vector_load %arg11[%get3A_1377, %get3A_1378] {strides = array<i32>} : memref<80x128xf32, #tpu.memory_space<vmem>>, vector<16xf32>,
        %get3A_1380 = arith.index_cast %add3A_1313 : i32 to index
        %get3A_1381 = arith.constant 112 : index
        %get3A_1382 = tpu.vector_load %arg12[%get3A_1380, %get3A_1381] {strides = array<i32>} : memref<80x128xf32, #tpu.memory_space<vmem>>, vector<16xf32>,
        %sub3A_1383 = arith.subf %get3A_1379, %get3A_1382 : vector<16xf32>
        %mul3A_1384 = arith.mulf %sub3A_1383, %sub3A_1383 : vector<16xf32>
        %add3A_1385 = arith.addf %add3A_1376, %mul3A_1384 : vector<16xf32>
        %add3A_1386 = arith.constant 15 : i32
        %add3A_1387 = vector.broadcast %add3A_1386 : i32 to vector<16xi32>
        %add3A_1388 = arith.addi %mul3A_10, %add3A_1387 : vector<16xi32>
        tpu.vector_store_idx %arg15[%add3A_1388], %add3A_1385 : memref<272xf32, #tpu.memory_space<vmem>>[vector<16xi32>], vector<16xf32>,
        %get3A_1389 = arith.constant 0 : index
        %get3A_1390 = tpu.vector_load %arg15[%get3A_1389] {strides = array<i32>} : memref<272xf32, #tpu.memory_space<vmem>>, vector<16xf32>,
        %get3A_1391 = arith.constant 17 : index
        %get3A_1392 = tpu.vector_load %arg15[%get3A_1391] {strides = array<i32>} : memref<272xf32, #tpu.memory_space<vmem>>, vector<16xf32>,
        %get3A_1393 = arith.constant 34 : index
        %get3A_1394 = tpu.vector_load %arg15[%get3A_1393] {strides = array<i32>} : memref<272xf32, #tpu.memory_space<vmem>>, vector<16xf32>,
        %get3A_1395 = arith.constant 51 : index
        %get3A_1396 = tpu.vector_load %arg15[%get3A_1395] {strides = array<i32>} : memref<272xf32, #tpu.memory_space<vmem>>, vector<16xf32>,
        %get3A_1397 = arith.constant 68 : index
        %get3A_1398 = tpu.vector_load %arg15[%get3A_1397] {strides = array<i32>} : memref<272xf32, #tpu.memory_space<vmem>>, vector<16xf32>,
        %get3A_1399 = arith.constant 85 : index
        %get3A_1400 = tpu.vector_load %arg15[%get3A_1399] {strides = array<i32>} : memref<272xf32, #tpu.memory_space<vmem>>, vector<16xf32>,
        %get3A_1401 = arith.constant 102 : index
        %get3A_1402 = tpu.vector_load %arg15[%get3A_1401] {strides = array<i32>} : memref<272xf32, #tpu.memory_space<vmem>>, vector<16xf32>,
        %get3A_1403 = arith.constant 119 : index
        %get3A_1404 = tpu.vector_load %arg15[%get3A_1403] {strides = array<i32>} : memref<272xf32, #tpu.memory_space<vmem>>, vector<16xf32>,
        %get3A_1405 = arith.constant 136 : index
        %get3A_1406 = tpu.vector_load %arg15[%get3A_1405] {strides = array<i32>} : memref<272xf32, #tpu.memory_space<vmem>>, vector<16xf32>,
        %get3A_1407 = arith.constant 153 : index
        %get3A_1408 = tpu.vector_load %arg15[%get3A_1407] {strides = array<i32>} : memref<272xf32, #tpu.memory_space<vmem>>, vector<16xf32>,
        %get3A_1409 = arith.constant 170 : index
        %get3A_1410 = tpu.vector_load %arg15[%get3A_1409] {strides = array<i32>} : memref<272xf32, #tpu.memory_space<vmem>>, vector<16xf32>,
        %get3A_1411 = arith.constant 187 : index
        %get3A_1412 = tpu.vector_load %arg15[%get3A_1411] {strides = array<i32>} : memref<272xf32, #tpu.memory_space<vmem>>, vector<16xf32>,
        %get3A_1413 = arith.constant 204 : index
        %get3A_1414 = tpu.vector_load %arg15[%get3A_1413] {strides = array<i32>} : memref<272xf32, #tpu.memory_space<vmem>>, vector<16xf32>,
        %get3A_1415 = arith.constant 221 : index
        %get3A_1416 = tpu.vector_load %arg15[%get3A_1415] {strides = array<i32>} : memref<272xf32, #tpu.memory_space<vmem>>, vector<16xf32>,
        %get3A_1417 = arith.constant 238 : index
        %get3A_1418 = tpu.vector_load %arg15[%get3A_1417] {strides = array<i32>} : memref<272xf32, #tpu.memory_space<vmem>>, vector<16xf32>,
        %get3A_1419 = arith.constant 255 : index
        %get3A_1420 = tpu.vector_load %arg15[%get3A_1419] {strides = array<i32>} : memref<272xf32, #tpu.memory_space<vmem>>, vector<16xf32>,
        %add3A_1421 = arith.addf %get3A_1390, %get3A_1392 : vector<16xf32>
        %add3A_1422 = arith.addf %get3A_1394, %get3A_1396 : vector<16xf32>
        %add3A_1423 = arith.addf %get3A_1398, %get3A_1400 : vector<16xf32>
        %add3A_1424 = arith.addf %get3A_1402, %get3A_1404 : vector<16xf32>
        %add3A_1425 = arith.addf %get3A_1406, %get3A_1408 : vector<16xf32>
        %add3A_1426 = arith.addf %get3A_1410, %get3A_1412 : vector<16xf32>
        %add3A_1427 = arith.addf %get3A_1414, %get3A_1416 : vector<16xf32>
        %add3A_1428 = arith.addf %get3A_1418, %get3A_1420 : vector<16xf32>
        %add3A_1429 = arith.addf %add3A_1421, %add3A_1422 : vector<16xf32>
        %add3A_1430 = arith.addf %add3A_1423, %add3A_1424 : vector<16xf32>
        %add3A_1431 = arith.addf %add3A_1425, %add3A_1426 : vector<16xf32>
        %add3A_1432 = arith.addf %add3A_1427, %add3A_1428 : vector<16xf32>
        %add3A_1433 = arith.addf %add3A_1429, %add3A_1430 : vector<16xf32>
        %add3A_1434 = arith.addf %add3A_1431, %add3A_1432 : vector<16xf32>
        %add3A_1435 = arith.addf %add3A_1433, %add3A_1434 : vector<16xf32>
        %add3A_1436 = arith.addi %mul3A_132, %mul3A_158 : i32
        %swap3A = arith.index_cast %add3A_1436 : i32 to index
        %swap3A_1437 = tpu.vector_load %arg13[%swap3A] {strides = array<i32>} : memref<10000xf32, #tpu.memory_space<vmem>>, vector<16xf32>,
        tpu.vector_store %arg13[%swap3A], %add3A_1435 {strides = array<i32>} : memref<10000xf32, #tpu.memory_space<vmem>>, vector<16xf32>,
      }
      %scan3A_137 = arith.constant 5 : i32
      %add3A_138 = arith.constant 2 : i32
      %add3A_139 = arith.addi %add3A_118, %add3A_138 : i32
      %min3A_140 = arith.constant 124 : i32
      %min3A_141 = arith.minsi %add3A_139, %min3A_140 : i32
      %mul3A_142 = arith.constant 80 : i32
      %mul3A_143 = arith.muli %min3A_141, %mul3A_142 : i32
      %dma_start3A_144 = tpu.memref_slice %arg7[%mul3A_143] : memref<10000xi32, #tpu.memory_space<vmem>> -> memref<80xi32, #tpu.memory_space<vmem>>
      %dma_start3A_145 = arith.constant 0 : i32
      %dma_start3A_146 = arith.constant 0 : i32
      %dma_start3A_147 = tpu.memref_slice %arg2[%dma_start3A_145, %dma_start3A_146] : memref<10000x128xf32, #tpu.memory_space<hbm>> -> memref<10000x128xf32, #tpu.memory_space<hbm>>
      tpu.enqueue_indirect_dma source(%dma_start3A_147 : memref<10000x128xf32, #tpu.memory_space<hbm>>) target(%arg11 : memref<80x128xf32, #tpu.memory_space<vmem>>) offsets(%dma_start3A_144 : memref<80xi32, #tpu.memory_space<vmem>>) semaphore(%arg18 : memref<!tpu.dma_semaphore, #tpu.memory_space<semaphore_mem>>)
      %dma_start3A_148 = tpu.memref_slice %arg8[%mul3A_143] : memref<10000xi32, #tpu.memory_space<vmem>> -> memref<80xi32, #tpu.memory_space<vmem>>
      %dma_start3A_149 = arith.constant 0 : i32
      %dma_start3A_150 = arith.constant 0 : i32
      %dma_start3A_151 = tpu.memref_slice %arg2[%dma_start3A_149, %dma_start3A_150] : memref<10000x128xf32, #tpu.memory_space<hbm>> -> memref<10000x128xf32, #tpu.memory_space<hbm>>
      tpu.enqueue_indirect_dma source(%dma_start3A_151 : memref<10000x128xf32, #tpu.memory_space<hbm>>) target(%arg12 : memref<80x128xf32, #tpu.memory_space<vmem>>) offsets(%dma_start3A_148 : memref<80xi32, #tpu.memory_space<vmem>>) semaphore(%arg19 : memref<!tpu.dma_semaphore, #tpu.memory_space<semaphore_mem>>)
    }
    %scan3A_39 = arith.constant 62 : i32
    %min3A_40 = arith.constant 124 : i32
    %min3A_41 = arith.constant 124 : i32
    %min3A_42 = arith.minsi %min3A_40, %min3A_41 : i32
    %mul3A_43 = arith.constant 80 : i32
    %mul3A_44 = arith.muli %min3A_42, %mul3A_43 : i32
    %dma_wait3A = tpu.memref_slice %arg7[%mul3A_44] : memref<10000xi32, #tpu.memory_space<vmem>> -> memref<80xi32, #tpu.memory_space<vmem>>
    %dma_wait3A_45 = arith.constant 0 : i32
    %dma_wait3A_46 = arith.constant 0 : i32
    %dma_wait3A_47 = tpu.memref_slice %arg2[%dma_wait3A_45, %dma_wait3A_46] : memref<10000x128xf32, #tpu.memory_space<hbm>> -> memref<10000x128xf32, #tpu.memory_space<hbm>>
    tpu.wait_indirect_dma semaphore(%arg16 : memref<!tpu.dma_semaphore, #tpu.memory_space<semaphore_mem>>) src(%dma_wait3A_47 : memref<10000x128xf32, #tpu.memory_space<hbm>>) dst(%arg9 : memref<80x128xf32, #tpu.memory_space<vmem>>)
    %dma_wait3A_48 = tpu.memref_slice %arg8[%mul3A_44] : memref<10000xi32, #tpu.memory_space<vmem>> -> memref<80xi32, #tpu.memory_space<vmem>>
    %dma_wait3A_49 = arith.constant 0 : i32
    %dma_wait3A_50 = arith.constant 0 : i32
    %dma_wait3A_51 = tpu.memref_slice %arg2[%dma_wait3A_49, %dma_wait3A_50] : memref<10000x128xf32, #tpu.memory_space<hbm>> -> memref<10000x128xf32, #tpu.memory_space<hbm>>
    tpu.wait_indirect_dma semaphore(%arg17 : memref<!tpu.dma_semaphore, #tpu.memory_space<semaphore_mem>>) src(%dma_wait3A_51 : memref<10000x128xf32, #tpu.memory_space<hbm>>) dst(%arg10 : memref<80x128xf32, #tpu.memory_space<vmem>>)
    %scan3A_52 = arith.constant 0 : i32
    %scan3A_53 = arith.constant 5 : i32
    %scan3A_54 = arith.addi %scan3A_52, %scan3A_53 : i32
    %scan3A_55 = arith.constant 1 : i32
    scf.for %scan3A_75 = %scan3A_52 to %scan3A_54 step %scan3A_55  : i32 {
      %mul3A_76 = arith.constant 1 : i32
      %mul3A_77 = arith.muli %scan3A_75, %mul3A_76 : i32
      %add3A_78 = arith.constant 0 : i32
      %add3A_79 = arith.addi %add3A_78, %mul3A_77 : i32
      %mul3A_80 = arith.constant 16 : i32
      %mul3A_81 = arith.muli %add3A_79, %mul3A_80 : i32
      %add3A_82 = arith.constant 0 : i32
      %add3A_83 = arith.addi %mul3A_81, %add3A_82 : i32
      %get3A = arith.index_cast %add3A_83 : i32 to index
      %get3A_84 = arith.constant 0 : index
      %get3A_85 = tpu.vector_load %arg9[%get3A, %get3A_84] {strides = array<i32>} : memref<80x128xf32, #tpu.memory_space<vmem>>, vector<16xf32>,
      %get3A_86 = arith.index_cast %add3A_83 : i32 to index
      %get3A_87 = arith.constant 0 : index
      %get3A_88 = tpu.vector_load %arg10[%get3A_86, %get3A_87] {strides = array<i32>} : memref<80x128xf32, #tpu.memory_space<vmem>>, vector<16xf32>,
      %sub3A = arith.subf %get3A_85, %get3A_88 : vector<16xf32>
      %mul3A_89 = arith.mulf %sub3A, %sub3A : vector<16xf32>
      %add3A_90 = arith.addf %broadcast_in_dim3A_3, %mul3A_89 : vector<16xf32>
      %get3A_91 = arith.index_cast %add3A_83 : i32 to index
      %get3A_92 = arith.constant 16 : index
      %get3A_93 = tpu.vector_load %arg9[%get3A_91, %get3A_92] {strides = array<i32>} : memref<80x128xf32, #tpu.memory_space<vmem>>, vector<16xf32>,
      %get3A_94 = arith.index_cast %add3A_83 : i32 to index
      %get3A_95 = arith.constant 16 : index
      %get3A_96 = tpu.vector_load %arg10[%get3A_94, %get3A_95] {strides = array<i32>} : memref<80x128xf32, #tpu.memory_space<vmem>>, vector<16xf32>,
      %sub3A_97 = arith.subf %get3A_93, %get3A_96 : vector<16xf32>
      %mul3A_98 = arith.mulf %sub3A_97, %sub3A_97 : vector<16xf32>
      %add3A_99 = arith.addf %add3A_90, %mul3A_98 : vector<16xf32>
      %get3A_100 = arith.index_cast %add3A_83 : i32 to index
      %get3A_101 = arith.constant 32 : index
      %get3A_102 = tpu.vector_load %arg9[%get3A_100, %get3A_101] {strides = array<i32>} : memref<80x128xf32, #tpu.memory_space<vmem>>, vector<16xf32>,
      %get3A_103 = arith.index_cast %add3A_83 : i32 to index
      %get3A_104 = arith.constant 32 : index
      %get3A_105 = tpu.vector_load %arg10[%get3A_103, %get3A_104] {strides = array<i32>} : memref<80x128xf32, #tpu.memory_space<vmem>>, vector<16xf32>,
      %sub3A_106 = arith.subf %get3A_102, %get3A_105 : vector<16xf32>
      %mul3A_107 = arith.mulf %sub3A_106, %sub3A_106 : vector<16xf32>
      %add3A_108 = arith.addf %add3A_99, %mul3A_107 : vector<16xf32>
      %get3A_109 = arith.index_cast %add3A_83 : i32 to index
      %get3A_110 = arith.constant 48 : index
      %get3A_111 = tpu.vector_load %arg9[%get3A_109, %get3A_110] {strides = array<i32>} : memref<80x128xf32, #tpu.memory_space<vmem>>, vector<16xf32>,
      %get3A_112 = arith.index_cast %add3A_83 : i32 to index
      %get3A_113 = arith.constant 48 : index
      %get3A_114 = tpu.vector_load %arg10[%get3A_112, %get3A_113] {strides = array<i32>} : memref<80x128xf32, #tpu.memory_space<vmem>>, vector<16xf32>,
      %sub3A_115 = arith.subf %get3A_111, %get3A_114 : vector<16xf32>
      %mul3A_116 = arith.mulf %sub3A_115, %sub3A_115 : vector<16xf32>
      %add3A_117 = arith.addf %add3A_108, %mul3A_116 : vector<16xf32>
      %get3A_118 = arith.index_cast %add3A_83 : i32 to index
      %get3A_119 = arith.constant 64 : index
      %get3A_120 = tpu.vector_load %arg9[%get3A_118, %get3A_119] {strides = array<i32>} : memref<80x128xf32, #tpu.memory_space<vmem>>, vector<16xf32>,
      %get3A_121 = arith.index_cast %add3A_83 : i32 to index
      %get3A_122 = arith.constant 64 : index
      %get3A_123 = tpu.vector_load %arg10[%get3A_121, %get3A_122] {strides = array<i32>} : memref<80x128xf32, #tpu.memory_space<vmem>>, vector<16xf32>,
      %sub3A_124 = arith.subf %get3A_120, %get3A_123 : vector<16xf32>
      %mul3A_125 = arith.mulf %sub3A_124, %sub3A_124 : vector<16xf32>
      %add3A_126 = arith.addf %add3A_117, %mul3A_125 : vector<16xf32>
      %get3A_127 = arith.index_cast %add3A_83 : i32 to index
      %get3A_128 = arith.constant 80 : index
      %get3A_129 = tpu.vector_load %arg9[%get3A_127, %get3A_128] {strides = array<i32>} : memref<80x128xf32, #tpu.memory_space<vmem>>, vector<16xf32>,
      %get3A_130 = arith.index_cast %add3A_83 : i32 to index
      %get3A_131 = arith.constant 80 : index
      %get3A_132 = tpu.vector_load %arg10[%get3A_130, %get3A_131] {strides = array<i32>} : memref<80x128xf32, #tpu.memory_space<vmem>>, vector<16xf32>,
      %sub3A_133 = arith.subf %get3A_129, %get3A_132 : vector<16xf32>
      %mul3A_134 = arith.mulf %sub3A_133, %sub3A_133 : vector<16xf32>
      %add3A_135 = arith.addf %add3A_126, %mul3A_134 : vector<16xf32>
      %get3A_136 = arith.index_cast %add3A_83 : i32 to index
      %get3A_137 = arith.constant 96 : index
      %get3A_138 = tpu.vector_load %arg9[%get3A_136, %get3A_137] {strides = array<i32>} : memref<80x128xf32, #tpu.memory_space<vmem>>, vector<16xf32>,
      %get3A_139 = arith.index_cast %add3A_83 : i32 to index
      %get3A_140 = arith.constant 96 : index
      %get3A_141 = tpu.vector_load %arg10[%get3A_139, %get3A_140] {strides = array<i32>} : memref<80x128xf32, #tpu.memory_space<vmem>>, vector<16xf32>,
      %sub3A_142 = arith.subf %get3A_138, %get3A_141 : vector<16xf32>
      %mul3A_143 = arith.mulf %sub3A_142, %sub3A_142 : vector<16xf32>
      %add3A_144 = arith.addf %add3A_135, %mul3A_143 : vector<16xf32>
      %get3A_145 = arith.index_cast %add3A_83 : i32 to index
      %get3A_146 = arith.constant 112 : index
      %get3A_147 = tpu.vector_load %arg9[%get3A_145, %get3A_146] {strides = array<i32>} : memref<80x128xf32, #tpu.memory_space<vmem>>, vector<16xf32>,
      %get3A_148 = arith.index_cast %add3A_83 : i32 to index
      %get3A_149 = arith.constant 112 : index
      %get3A_150 = tpu.vector_load %arg10[%get3A_148, %get3A_149] {strides = array<i32>} : memref<80x128xf32, #tpu.memory_space<vmem>>, vector<16xf32>,
      %sub3A_151 = arith.subf %get3A_147, %get3A_150 : vector<16xf32>
      %mul3A_152 = arith.mulf %sub3A_151, %sub3A_151 : vector<16xf32>
      %add3A_153 = arith.addf %add3A_144, %mul3A_152 : vector<16xf32>
      %add3A_154 = arith.constant 0 : i32
      %add3A_155 = vector.broadcast %add3A_154 : i32 to vector<16xi32>
      %add3A_156 = arith.addi %mul3A_10, %add3A_155 : vector<16xi32>
      tpu.vector_store_idx %arg15[%add3A_156], %add3A_153 : memref<272xf32, #tpu.memory_space<vmem>>[vector<16xi32>], vector<16xf32>,
      %add3A_157 = arith.constant 1 : i32
      %add3A_158 = arith.addi %mul3A_81, %add3A_157 : i32
      %get3A_159 = arith.index_cast %add3A_158 : i32 to index
      %get3A_160 = arith.constant 0 : index
      %get3A_161 = tpu.vector_load %arg9[%get3A_159, %get3A_160] {strides = array<i32>} : memref<80x128xf32, #tpu.memory_space<vmem>>, vector<16xf32>,
      %get3A_162 = arith.index_cast %add3A_158 : i32 to index
      %get3A_163 = arith.constant 0 : index
      %get3A_164 = tpu.vector_load %arg10[%get3A_162, %get3A_163] {strides = array<i32>} : memref<80x128xf32, #tpu.memory_space<vmem>>, vector<16xf32>,
      %sub3A_165 = arith.subf %get3A_161, %get3A_164 : vector<16xf32>
      %mul3A_166 = arith.mulf %sub3A_165, %sub3A_165 : vector<16xf32>
      %add3A_167 = arith.addf %broadcast_in_dim3A_3, %mul3A_166 : vector<16xf32>
      %get3A_168 = arith.index_cast %add3A_158 : i32 to index
      %get3A_169 = arith.constant 16 : index
      %get3A_170 = tpu.vector_load %arg9[%get3A_168, %get3A_169] {strides = array<i32>} : memref<80x128xf32, #tpu.memory_space<vmem>>, vector<16xf32>,
      %get3A_171 = arith.index_cast %add3A_158 : i32 to index
      %get3A_172 = arith.constant 16 : index
      %get3A_173 = tpu.vector_load %arg10[%get3A_171, %get3A_172] {strides = array<i32>} : memref<80x128xf32, #tpu.memory_space<vmem>>, vector<16xf32>,
      %sub3A_174 = arith.subf %get3A_170, %get3A_173 : vector<16xf32>
      %mul3A_175 = arith.mulf %sub3A_174, %sub3A_174 : vector<16xf32>
      %add3A_176 = arith.addf %add3A_167, %mul3A_175 : vector<16xf32>
      %get3A_177 = arith.index_cast %add3A_158 : i32 to index
      %get3A_178 = arith.constant 32 : index
      %get3A_179 = tpu.vector_load %arg9[%get3A_177, %get3A_178] {strides = array<i32>} : memref<80x128xf32, #tpu.memory_space<vmem>>, vector<16xf32>,
      %get3A_180 = arith.index_cast %add3A_158 : i32 to index
      %get3A_181 = arith.constant 32 : index
      %get3A_182 = tpu.vector_load %arg10[%get3A_180, %get3A_181] {strides = array<i32>} : memref<80x128xf32, #tpu.memory_space<vmem>>, vector<16xf32>,
      %sub3A_183 = arith.subf %get3A_179, %get3A_182 : vector<16xf32>
      %mul3A_184 = arith.mulf %sub3A_183, %sub3A_183 : vector<16xf32>
      %add3A_185 = arith.addf %add3A_176, %mul3A_184 : vector<16xf32>
      %get3A_186 = arith.index_cast %add3A_158 : i32 to index
      %get3A_187 = arith.constant 48 : index
      %get3A_188 = tpu.vector_load %arg9[%get3A_186, %get3A_187] {strides = array<i32>} : memref<80x128xf32, #tpu.memory_space<vmem>>, vector<16xf32>,
      %get3A_189 = arith.index_cast %add3A_158 : i32 to index
      %get3A_190 = arith.constant 48 : index
      %get3A_191 = tpu.vector_load %arg10[%get3A_189, %get3A_190] {strides = array<i32>} : memref<80x128xf32, #tpu.memory_space<vmem>>, vector<16xf32>,
      %sub3A_192 = arith.subf %get3A_188, %get3A_191 : vector<16xf32>
      %mul3A_193 = arith.mulf %sub3A_192, %sub3A_192 : vector<16xf32>
      %add3A_194 = arith.addf %add3A_185, %mul3A_193 : vector<16xf32>
      %get3A_195 = arith.index_cast %add3A_158 : i32 to index
      %get3A_196 = arith.constant 64 : index
      %get3A_197 = tpu.vector_load %arg9[%get3A_195, %get3A_196] {strides = array<i32>} : memref<80x128xf32, #tpu.memory_space<vmem>>, vector<16xf32>,
      %get3A_198 = arith.index_cast %add3A_158 : i32 to index
      %get3A_199 = arith.constant 64 : index
      %get3A_200 = tpu.vector_load %arg10[%get3A_198, %get3A_199] {strides = array<i32>} : memref<80x128xf32, #tpu.memory_space<vmem>>, vector<16xf32>,
      %sub3A_201 = arith.subf %get3A_197, %get3A_200 : vector<16xf32>
      %mul3A_202 = arith.mulf %sub3A_201, %sub3A_201 : vector<16xf32>
      %add3A_203 = arith.addf %add3A_194, %mul3A_202 : vector<16xf32>
      %get3A_204 = arith.index_cast %add3A_158 : i32 to index
      %get3A_205 = arith.constant 80 : index
      %get3A_206 = tpu.vector_load %arg9[%get3A_204, %get3A_205] {strides = array<i32>} : memref<80x128xf32, #tpu.memory_space<vmem>>, vector<16xf32>,
      %get3A_207 = arith.index_cast %add3A_158 : i32 to index
      %get3A_208 = arith.constant 80 : index
      %get3A_209 = tpu.vector_load %arg10[%get3A_207, %get3A_208] {strides = array<i32>} : memref<80x128xf32, #tpu.memory_space<vmem>>, vector<16xf32>,
      %sub3A_210 = arith.subf %get3A_206, %get3A_209 : vector<16xf32>
      %mul3A_211 = arith.mulf %sub3A_210, %sub3A_210 : vector<16xf32>
      %add3A_212 = arith.addf %add3A_203, %mul3A_211 : vector<16xf32>
      %get3A_213 = arith.index_cast %add3A_158 : i32 to index
      %get3A_214 = arith.constant 96 : index
      %get3A_215 = tpu.vector_load %arg9[%get3A_213, %get3A_214] {strides = array<i32>} : memref<80x128xf32, #tpu.memory_space<vmem>>, vector<16xf32>,
      %get3A_216 = arith.index_cast %add3A_158 : i32 to index
      %get3A_217 = arith.constant 96 : index
      %get3A_218 = tpu.vector_load %arg10[%get3A_216, %get3A_217] {strides = array<i32>} : memref<80x128xf32, #tpu.memory_space<vmem>>, vector<16xf32>,
      %sub3A_219 = arith.subf %get3A_215, %get3A_218 : vector<16xf32>
      %mul3A_220 = arith.mulf %sub3A_219, %sub3A_219 : vector<16xf32>
      %add3A_221 = arith.addf %add3A_212, %mul3A_220 : vector<16xf32>
      %get3A_222 = arith.index_cast %add3A_158 : i32 to index
      %get3A_223 = arith.constant 112 : index
      %get3A_224 = tpu.vector_load %arg9[%get3A_222, %get3A_223] {strides = array<i32>} : memref<80x128xf32, #tpu.memory_space<vmem>>, vector<16xf32>,
      %get3A_225 = arith.index_cast %add3A_158 : i32 to index
      %get3A_226 = arith.constant 112 : index
      %get3A_227 = tpu.vector_load %arg10[%get3A_225, %get3A_226] {strides = array<i32>} : memref<80x128xf32, #tpu.memory_space<vmem>>, vector<16xf32>,
      %sub3A_228 = arith.subf %get3A_224, %get3A_227 : vector<16xf32>
      %mul3A_229 = arith.mulf %sub3A_228, %sub3A_228 : vector<16xf32>
      %add3A_230 = arith.addf %add3A_221, %mul3A_229 : vector<16xf32>
      %add3A_231 = arith.constant 1 : i32
      %add3A_232 = vector.broadcast %add3A_231 : i32 to vector<16xi32>
      %add3A_233 = arith.addi %mul3A_10, %add3A_232 : vector<16xi32>
      tpu.vector_store_idx %arg15[%add3A_233], %add3A_230 : memref<272xf32, #tpu.memory_space<vmem>>[vector<16xi32>], vector<16xf32>,
      %add3A_234 = arith.constant 2 : i32
      %add3A_235 = arith.addi %mul3A_81, %add3A_234 : i32
      %get3A_236 = arith.index_cast %add3A_235 : i32 to index
      %get3A_237 = arith.constant 0 : index
      %get3A_238 = tpu.vector_load %arg9[%get3A_236, %get3A_237] {strides = array<i32>} : memref<80x128xf32, #tpu.memory_space<vmem>>, vector<16xf32>,
      %get3A_239 = arith.index_cast %add3A_235 : i32 to index
      %get3A_240 = arith.constant 0 : index
      %get3A_241 = tpu.vector_load %arg10[%get3A_239, %get3A_240] {strides = array<i32>} : memref<80x128xf32, #tpu.memory_space<vmem>>, vector<16xf32>,
      %sub3A_242 = arith.subf %get3A_238, %get3A_241 : vector<16xf32>
      %mul3A_243 = arith.mulf %sub3A_242, %sub3A_242 : vector<16xf32>
      %add3A_244 = arith.addf %broadcast_in_dim3A_3, %mul3A_243 : vector<16xf32>
      %get3A_245 = arith.index_cast %add3A_235 : i32 to index
      %get3A_246 = arith.constant 16 : index
      %get3A_247 = tpu.vector_load %arg9[%get3A_245, %get3A_246] {strides = array<i32>} : memref<80x128xf32, #tpu.memory_space<vmem>>, vector<16xf32>,
      %get3A_248 = arith.index_cast %add3A_235 : i32 to index
      %get3A_249 = arith.constant 16 : index
      %get3A_250 = tpu.vector_load %arg10[%get3A_248, %get3A_249] {strides = array<i32>} : memref<80x128xf32, #tpu.memory_space<vmem>>, vector<16xf32>,
      %sub3A_251 = arith.subf %get3A_247, %get3A_250 : vector<16xf32>
      %mul3A_252 = arith.mulf %sub3A_251, %sub3A_251 : vector<16xf32>
      %add3A_253 = arith.addf %add3A_244, %mul3A_252 : vector<16xf32>
      %get3A_254 = arith.index_cast %add3A_235 : i32 to index
      %get3A_255 = arith.constant 32 : index
      %get3A_256 = tpu.vector_load %arg9[%get3A_254, %get3A_255] {strides = array<i32>} : memref<80x128xf32, #tpu.memory_space<vmem>>, vector<16xf32>,
      %get3A_257 = arith.index_cast %add3A_235 : i32 to index
      %get3A_258 = arith.constant 32 : index
      %get3A_259 = tpu.vector_load %arg10[%get3A_257, %get3A_258] {strides = array<i32>} : memref<80x128xf32, #tpu.memory_space<vmem>>, vector<16xf32>,
      %sub3A_260 = arith.subf %get3A_256, %get3A_259 : vector<16xf32>
      %mul3A_261 = arith.mulf %sub3A_260, %sub3A_260 : vector<16xf32>
      %add3A_262 = arith.addf %add3A_253, %mul3A_261 : vector<16xf32>
      %get3A_263 = arith.index_cast %add3A_235 : i32 to index
      %get3A_264 = arith.constant 48 : index
      %get3A_265 = tpu.vector_load %arg9[%get3A_263, %get3A_264] {strides = array<i32>} : memref<80x128xf32, #tpu.memory_space<vmem>>, vector<16xf32>,
      %get3A_266 = arith.index_cast %add3A_235 : i32 to index
      %get3A_267 = arith.constant 48 : index
      %get3A_268 = tpu.vector_load %arg10[%get3A_266, %get3A_267] {strides = array<i32>} : memref<80x128xf32, #tpu.memory_space<vmem>>, vector<16xf32>,
      %sub3A_269 = arith.subf %get3A_265, %get3A_268 : vector<16xf32>
      %mul3A_270 = arith.mulf %sub3A_269, %sub3A_269 : vector<16xf32>
      %add3A_271 = arith.addf %add3A_262, %mul3A_270 : vector<16xf32>
      %get3A_272 = arith.index_cast %add3A_235 : i32 to index
      %get3A_273 = arith.constant 64 : index
      %get3A_274 = tpu.vector_load %arg9[%get3A_272, %get3A_273] {strides = array<i32>} : memref<80x128xf32, #tpu.memory_space<vmem>>, vector<16xf32>,
      %get3A_275 = arith.index_cast %add3A_235 : i32 to index
      %get3A_276 = arith.constant 64 : index
      %get3A_277 = tpu.vector_load %arg10[%get3A_275, %get3A_276] {strides = array<i32>} : memref<80x128xf32, #tpu.memory_space<vmem>>, vector<16xf32>,
      %sub3A_278 = arith.subf %get3A_274, %get3A_277 : vector<16xf32>
      %mul3A_279 = arith.mulf %sub3A_278, %sub3A_278 : vector<16xf32>
      %add3A_280 = arith.addf %add3A_271, %mul3A_279 : vector<16xf32>
      %get3A_281 = arith.index_cast %add3A_235 : i32 to index
      %get3A_282 = arith.constant 80 : index
      %get3A_283 = tpu.vector_load %arg9[%get3A_281, %get3A_282] {strides = array<i32>} : memref<80x128xf32, #tpu.memory_space<vmem>>, vector<16xf32>,
      %get3A_284 = arith.index_cast %add3A_235 : i32 to index
      %get3A_285 = arith.constant 80 : index
      %get3A_286 = tpu.vector_load %arg10[%get3A_284, %get3A_285] {strides = array<i32>} : memref<80x128xf32, #tpu.memory_space<vmem>>, vector<16xf32>,
      %sub3A_287 = arith.subf %get3A_283, %get3A_286 : vector<16xf32>
      %mul3A_288 = arith.mulf %sub3A_287, %sub3A_287 : vector<16xf32>
      %add3A_289 = arith.addf %add3A_280, %mul3A_288 : vector<16xf32>
      %get3A_290 = arith.index_cast %add3A_235 : i32 to index
      %get3A_291 = arith.constant 96 : index
      %get3A_292 = tpu.vector_load %arg9[%get3A_290, %get3A_291] {strides = array<i32>} : memref<80x128xf32, #tpu.memory_space<vmem>>, vector<16xf32>,
      %get3A_293 = arith.index_cast %add3A_235 : i32 to index
      %get3A_294 = arith.constant 96 : index
      %get3A_295 = tpu.vector_load %arg10[%get3A_293, %get3A_294] {strides = array<i32>} : memref<80x128xf32, #tpu.memory_space<vmem>>, vector<16xf32>,
      %sub3A_296 = arith.subf %get3A_292, %get3A_295 : vector<16xf32>
      %mul3A_297 = arith.mulf %sub3A_296, %sub3A_296 : vector<16xf32>
      %add3A_298 = arith.addf %add3A_289, %mul3A_297 : vector<16xf32>
      %get3A_299 = arith.index_cast %add3A_235 : i32 to index
      %get3A_300 = arith.constant 112 : index
      %get3A_301 = tpu.vector_load %arg9[%get3A_299, %get3A_300] {strides = array<i32>} : memref<80x128xf32, #tpu.memory_space<vmem>>, vector<16xf32>,
      %get3A_302 = arith.index_cast %add3A_235 : i32 to index
      %get3A_303 = arith.constant 112 : index
      %get3A_304 = tpu.vector_load %arg10[%get3A_302, %get3A_303] {strides = array<i32>} : memref<80x128xf32, #tpu.memory_space<vmem>>, vector<16xf32>,
      %sub3A_305 = arith.subf %get3A_301, %get3A_304 : vector<16xf32>
      %mul3A_306 = arith.mulf %sub3A_305, %sub3A_305 : vector<16xf32>
      %add3A_307 = arith.addf %add3A_298, %mul3A_306 : vector<16xf32>
      %add3A_308 = arith.constant 2 : i32
      %add3A_309 = vector.broadcast %add3A_308 : i32 to vector<16xi32>
      %add3A_310 = arith.addi %mul3A_10, %add3A_309 : vector<16xi32>
      tpu.vector_store_idx %arg15[%add3A_310], %add3A_307 : memref<272xf32, #tpu.memory_space<vmem>>[vector<16xi32>], vector<16xf32>,
      %add3A_311 = arith.constant 3 : i32
      %add3A_312 = arith.addi %mul3A_81, %add3A_311 : i32
      %get3A_313 = arith.index_cast %add3A_312 : i32 to index
      %get3A_314 = arith.constant 0 : index
      %get3A_315 = tpu.vector_load %arg9[%get3A_313, %get3A_314] {strides = array<i32>} : memref<80x128xf32, #tpu.memory_space<vmem>>, vector<16xf32>,
      %get3A_316 = arith.index_cast %add3A_312 : i32 to index
      %get3A_317 = arith.constant 0 : index
      %get3A_318 = tpu.vector_load %arg10[%get3A_316, %get3A_317] {strides = array<i32>} : memref<80x128xf32, #tpu.memory_space<vmem>>, vector<16xf32>,
      %sub3A_319 = arith.subf %get3A_315, %get3A_318 : vector<16xf32>
      %mul3A_320 = arith.mulf %sub3A_319, %sub3A_319 : vector<16xf32>
      %add3A_321 = arith.addf %broadcast_in_dim3A_3, %mul3A_320 : vector<16xf32>
      %get3A_322 = arith.index_cast %add3A_312 : i32 to index
      %get3A_323 = arith.constant 16 : index
      %get3A_324 = tpu.vector_load %arg9[%get3A_322, %get3A_323] {strides = array<i32>} : memref<80x128xf32, #tpu.memory_space<vmem>>, vector<16xf32>,
      %get3A_325 = arith.index_cast %add3A_312 : i32 to index
      %get3A_326 = arith.constant 16 : index
      %get3A_327 = tpu.vector_load %arg10[%get3A_325, %get3A_326] {strides = array<i32>} : memref<80x128xf32, #tpu.memory_space<vmem>>, vector<16xf32>,
      %sub3A_328 = arith.subf %get3A_324, %get3A_327 : vector<16xf32>
      %mul3A_329 = arith.mulf %sub3A_328, %sub3A_328 : vector<16xf32>
      %add3A_330 = arith.addf %add3A_321, %mul3A_329 : vector<16xf32>
      %get3A_331 = arith.index_cast %add3A_312 : i32 to index
      %get3A_332 = arith.constant 32 : index
      %get3A_333 = tpu.vector_load %arg9[%get3A_331, %get3A_332] {strides = array<i32>} : memref<80x128xf32, #tpu.memory_space<vmem>>, vector<16xf32>,
      %get3A_334 = arith.index_cast %add3A_312 : i32 to index
      %get3A_335 = arith.constant 32 : index
      %get3A_336 = tpu.vector_load %arg10[%get3A_334, %get3A_335] {strides = array<i32>} : memref<80x128xf32, #tpu.memory_space<vmem>>, vector<16xf32>,
      %sub3A_337 = arith.subf %get3A_333, %get3A_336 : vector<16xf32>
      %mul3A_338 = arith.mulf %sub3A_337, %sub3A_337 : vector<16xf32>
      %add3A_339 = arith.addf %add3A_330, %mul3A_338 : vector<16xf32>
      %get3A_340 = arith.index_cast %add3A_312 : i32 to index
      %get3A_341 = arith.constant 48 : index
      %get3A_342 = tpu.vector_load %arg9[%get3A_340, %get3A_341] {strides = array<i32>} : memref<80x128xf32, #tpu.memory_space<vmem>>, vector<16xf32>,
      %get3A_343 = arith.index_cast %add3A_312 : i32 to index
      %get3A_344 = arith.constant 48 : index
      %get3A_345 = tpu.vector_load %arg10[%get3A_343, %get3A_344] {strides = array<i32>} : memref<80x128xf32, #tpu.memory_space<vmem>>, vector<16xf32>,
      %sub3A_346 = arith.subf %get3A_342, %get3A_345 : vector<16xf32>
      %mul3A_347 = arith.mulf %sub3A_346, %sub3A_346 : vector<16xf32>
      %add3A_348 = arith.addf %add3A_339, %mul3A_347 : vector<16xf32>
      %get3A_349 = arith.index_cast %add3A_312 : i32 to index
      %get3A_350 = arith.constant 64 : index
      %get3A_351 = tpu.vector_load %arg9[%get3A_349, %get3A_350] {strides = array<i32>} : memref<80x128xf32, #tpu.memory_space<vmem>>, vector<16xf32>,
      %get3A_352 = arith.index_cast %add3A_312 : i32 to index
      %get3A_353 = arith.constant 64 : index
      %get3A_354 = tpu.vector_load %arg10[%get3A_352, %get3A_353] {strides = array<i32>} : memref<80x128xf32, #tpu.memory_space<vmem>>, vector<16xf32>,
      %sub3A_355 = arith.subf %get3A_351, %get3A_354 : vector<16xf32>
      %mul3A_356 = arith.mulf %sub3A_355, %sub3A_355 : vector<16xf32>
      %add3A_357 = arith.addf %add3A_348, %mul3A_356 : vector<16xf32>
      %get3A_358 = arith.index_cast %add3A_312 : i32 to index
      %get3A_359 = arith.constant 80 : index
      %get3A_360 = tpu.vector_load %arg9[%get3A_358, %get3A_359] {strides = array<i32>} : memref<80x128xf32, #tpu.memory_space<vmem>>, vector<16xf32>,
      %get3A_361 = arith.index_cast %add3A_312 : i32 to index
      %get3A_362 = arith.constant 80 : index
      %get3A_363 = tpu.vector_load %arg10[%get3A_361, %get3A_362] {strides = array<i32>} : memref<80x128xf32, #tpu.memory_space<vmem>>, vector<16xf32>,
      %sub3A_364 = arith.subf %get3A_360, %get3A_363 : vector<16xf32>
      %mul3A_365 = arith.mulf %sub3A_364, %sub3A_364 : vector<16xf32>
      %add3A_366 = arith.addf %add3A_357, %mul3A_365 : vector<16xf32>
      %get3A_367 = arith.index_cast %add3A_312 : i32 to index
      %get3A_368 = arith.constant 96 : index
      %get3A_369 = tpu.vector_load %arg9[%get3A_367, %get3A_368] {strides = array<i32>} : memref<80x128xf32, #tpu.memory_space<vmem>>, vector<16xf32>,
      %get3A_370 = arith.index_cast %add3A_312 : i32 to index
      %get3A_371 = arith.constant 96 : index
      %get3A_372 = tpu.vector_load %arg10[%get3A_370, %get3A_371] {strides = array<i32>} : memref<80x128xf32, #tpu.memory_space<vmem>>, vector<16xf32>,
      %sub3A_373 = arith.subf %get3A_369, %get3A_372 : vector<16xf32>
      %mul3A_374 = arith.mulf %sub3A_373, %sub3A_373 : vector<16xf32>
      %add3A_375 = arith.addf %add3A_366, %mul3A_374 : vector<16xf32>
      %get3A_376 = arith.index_cast %add3A_312 : i32 to index
      %get3A_377 = arith.constant 112 : index
      %get3A_378 = tpu.vector_load %arg9[%get3A_376, %get3A_377] {strides = array<i32>} : memref<80x128xf32, #tpu.memory_space<vmem>>, vector<16xf32>,
      %get3A_379 = arith.index_cast %add3A_312 : i32 to index
      %get3A_380 = arith.constant 112 : index
      %get3A_381 = tpu.vector_load %arg10[%get3A_379, %get3A_380] {strides = array<i32>} : memref<80x128xf32, #tpu.memory_space<vmem>>, vector<16xf32>,
      %sub3A_382 = arith.subf %get3A_378, %get3A_381 : vector<16xf32>
      %mul3A_383 = arith.mulf %sub3A_382, %sub3A_382 : vector<16xf32>
      %add3A_384 = arith.addf %add3A_375, %mul3A_383 : vector<16xf32>
      %add3A_385 = arith.constant 3 : i32
      %add3A_386 = vector.broadcast %add3A_385 : i32 to vector<16xi32>
      %add3A_387 = arith.addi %mul3A_10, %add3A_386 : vector<16xi32>
      tpu.vector_store_idx %arg15[%add3A_387], %add3A_384 : memref<272xf32, #tpu.memory_space<vmem>>[vector<16xi32>], vector<16xf32>,
      %add3A_388 = arith.constant 4 : i32
      %add3A_389 = arith.addi %mul3A_81, %add3A_388 : i32
      %get3A_390 = arith.index_cast %add3A_389 : i32 to index
      %get3A_391 = arith.constant 0 : index
      %get3A_392 = tpu.vector_load %arg9[%get3A_390, %get3A_391] {strides = array<i32>} : memref<80x128xf32, #tpu.memory_space<vmem>>, vector<16xf32>,
      %get3A_393 = arith.index_cast %add3A_389 : i32 to index
      %get3A_394 = arith.constant 0 : index
      %get3A_395 = tpu.vector_load %arg10[%get3A_393, %get3A_394] {strides = array<i32>} : memref<80x128xf32, #tpu.memory_space<vmem>>, vector<16xf32>,
      %sub3A_396 = arith.subf %get3A_392, %get3A_395 : vector<16xf32>
      %mul3A_397 = arith.mulf %sub3A_396, %sub3A_396 : vector<16xf32>
      %add3A_398 = arith.addf %broadcast_in_dim3A_3, %mul3A_397 : vector<16xf32>
      %get3A_399 = arith.index_cast %add3A_389 : i32 to index
      %get3A_400 = arith.constant 16 : index
      %get3A_401 = tpu.vector_load %arg9[%get3A_399, %get3A_400] {strides = array<i32>} : memref<80x128xf32, #tpu.memory_space<vmem>>, vector<16xf32>,
      %get3A_402 = arith.index_cast %add3A_389 : i32 to index
      %get3A_403 = arith.constant 16 : index
      %get3A_404 = tpu.vector_load %arg10[%get3A_402, %get3A_403] {strides = array<i32>} : memref<80x128xf32, #tpu.memory_space<vmem>>, vector<16xf32>,
      %sub3A_405 = arith.subf %get3A_401, %get3A_404 : vector<16xf32>
      %mul3A_406 = arith.mulf %sub3A_405, %sub3A_405 : vector<16xf32>
      %add3A_407 = arith.addf %add3A_398, %mul3A_406 : vector<16xf32>
      %get3A_408 = arith.index_cast %add3A_389 : i32 to index
      %get3A_409 = arith.constant 32 : index
      %get3A_410 = tpu.vector_load %arg9[%get3A_408, %get3A_409] {strides = array<i32>} : memref<80x128xf32, #tpu.memory_space<vmem>>, vector<16xf32>,
      %get3A_411 = arith.index_cast %add3A_389 : i32 to index
      %get3A_412 = arith.constant 32 : index
      %get3A_413 = tpu.vector_load %arg10[%get3A_411, %get3A_412] {strides = array<i32>} : memref<80x128xf32, #tpu.memory_space<vmem>>, vector<16xf32>,
      %sub3A_414 = arith.subf %get3A_410, %get3A_413 : vector<16xf32>
      %mul3A_415 = arith.mulf %sub3A_414, %sub3A_414 : vector<16xf32>
      %add3A_416 = arith.addf %add3A_407, %mul3A_415 : vector<16xf32>
      %get3A_417 = arith.index_cast %add3A_389 : i32 to index
      %get3A_418 = arith.constant 48 : index
      %get3A_419 = tpu.vector_load %arg9[%get3A_417, %get3A_418] {strides = array<i32>} : memref<80x128xf32, #tpu.memory_space<vmem>>, vector<16xf32>,
      %get3A_420 = arith.index_cast %add3A_389 : i32 to index
      %get3A_421 = arith.constant 48 : index
      %get3A_422 = tpu.vector_load %arg10[%get3A_420, %get3A_421] {strides = array<i32>} : memref<80x128xf32, #tpu.memory_space<vmem>>, vector<16xf32>,
      %sub3A_423 = arith.subf %get3A_419, %get3A_422 : vector<16xf32>
      %mul3A_424 = arith.mulf %sub3A_423, %sub3A_423 : vector<16xf32>
      %add3A_425 = arith.addf %add3A_416, %mul3A_424 : vector<16xf32>
      %get3A_426 = arith.index_cast %add3A_389 : i32 to index
      %get3A_427 = arith.constant 64 : index
      %get3A_428 = tpu.vector_load %arg9[%get3A_426, %get3A_427] {strides = array<i32>} : memref<80x128xf32, #tpu.memory_space<vmem>>, vector<16xf32>,
      %get3A_429 = arith.index_cast %add3A_389 : i32 to index
      %get3A_430 = arith.constant 64 : index
      %get3A_431 = tpu.vector_load %arg10[%get3A_429, %get3A_430] {strides = array<i32>} : memref<80x128xf32, #tpu.memory_space<vmem>>, vector<16xf32>,
      %sub3A_432 = arith.subf %get3A_428, %get3A_431 : vector<16xf32>
      %mul3A_433 = arith.mulf %sub3A_432, %sub3A_432 : vector<16xf32>
      %add3A_434 = arith.addf %add3A_425, %mul3A_433 : vector<16xf32>
      %get3A_435 = arith.index_cast %add3A_389 : i32 to index
      %get3A_436 = arith.constant 80 : index
      %get3A_437 = tpu.vector_load %arg9[%get3A_435, %get3A_436] {strides = array<i32>} : memref<80x128xf32, #tpu.memory_space<vmem>>, vector<16xf32>,
      %get3A_438 = arith.index_cast %add3A_389 : i32 to index
      %get3A_439 = arith.constant 80 : index
      %get3A_440 = tpu.vector_load %arg10[%get3A_438, %get3A_439] {strides = array<i32>} : memref<80x128xf32, #tpu.memory_space<vmem>>, vector<16xf32>,
      %sub3A_441 = arith.subf %get3A_437, %get3A_440 : vector<16xf32>
      %mul3A_442 = arith.mulf %sub3A_441, %sub3A_441 : vector<16xf32>
      %add3A_443 = arith.addf %add3A_434, %mul3A_442 : vector<16xf32>
      %get3A_444 = arith.index_cast %add3A_389 : i32 to index
      %get3A_445 = arith.constant 96 : index
      %get3A_446 = tpu.vector_load %arg9[%get3A_444, %get3A_445] {strides = array<i32>} : memref<80x128xf32, #tpu.memory_space<vmem>>, vector<16xf32>,
      %get3A_447 = arith.index_cast %add3A_389 : i32 to index
      %get3A_448 = arith.constant 96 : index
      %get3A_449 = tpu.vector_load %arg10[%get3A_447, %get3A_448] {strides = array<i32>} : memref<80x128xf32, #tpu.memory_space<vmem>>, vector<16xf32>,
      %sub3A_450 = arith.subf %get3A_446, %get3A_449 : vector<16xf32>
      %mul3A_451 = arith.mulf %sub3A_450, %sub3A_450 : vector<16xf32>
      %add3A_452 = arith.addf %add3A_443, %mul3A_451 : vector<16xf32>
      %get3A_453 = arith.index_cast %add3A_389 : i32 to index
      %get3A_454 = arith.constant 112 : index
      %get3A_455 = tpu.vector_load %arg9[%get3A_453, %get3A_454] {strides = array<i32>} : memref<80x128xf32, #tpu.memory_space<vmem>>, vector<16xf32>,
      %get3A_456 = arith.index_cast %add3A_389 : i32 to index
      %get3A_457 = arith.constant 112 : index
      %get3A_458 = tpu.vector_load %arg10[%get3A_456, %get3A_457] {strides = array<i32>} : memref<80x128xf32, #tpu.memory_space<vmem>>, vector<16xf32>,
      %sub3A_459 = arith.subf %get3A_455, %get3A_458 : vector<16xf32>
      %mul3A_460 = arith.mulf %sub3A_459, %sub3A_459 : vector<16xf32>
      %add3A_461 = arith.addf %add3A_452, %mul3A_460 : vector<16xf32>
      %add3A_462 = arith.constant 4 : i32
      %add3A_463 = vector.broadcast %add3A_462 : i32 to vector<16xi32>
      %add3A_464 = arith.addi %mul3A_10, %add3A_463 : vector<16xi32>
      tpu.vector_store_idx %arg15[%add3A_464], %add3A_461 : memref<272xf32, #tpu.memory_space<vmem>>[vector<16xi32>], vector<16xf32>,
      %add3A_465 = arith.constant 5 : i32
      %add3A_466 = arith.addi %mul3A_81, %add3A_465 : i32
      %get3A_467 = arith.index_cast %add3A_466 : i32 to index
      %get3A_468 = arith.constant 0 : index
      %get3A_469 = tpu.vector_load %arg9[%get3A_467, %get3A_468] {strides = array<i32>} : memref<80x128xf32, #tpu.memory_space<vmem>>, vector<16xf32>,
      %get3A_470 = arith.index_cast %add3A_466 : i32 to index
      %get3A_471 = arith.constant 0 : index
      %get3A_472 = tpu.vector_load %arg10[%get3A_470, %get3A_471] {strides = array<i32>} : memref<80x128xf32, #tpu.memory_space<vmem>>, vector<16xf32>,
      %sub3A_473 = arith.subf %get3A_469, %get3A_472 : vector<16xf32>
      %mul3A_474 = arith.mulf %sub3A_473, %sub3A_473 : vector<16xf32>
      %add3A_475 = arith.addf %broadcast_in_dim3A_3, %mul3A_474 : vector<16xf32>
      %get3A_476 = arith.index_cast %add3A_466 : i32 to index
      %get3A_477 = arith.constant 16 : index
      %get3A_478 = tpu.vector_load %arg9[%get3A_476, %get3A_477] {strides = array<i32>} : memref<80x128xf32, #tpu.memory_space<vmem>>, vector<16xf32>,
      %get3A_479 = arith.index_cast %add3A_466 : i32 to index
      %get3A_480 = arith.constant 16 : index
      %get3A_481 = tpu.vector_load %arg10[%get3A_479, %get3A_480] {strides = array<i32>} : memref<80x128xf32, #tpu.memory_space<vmem>>, vector<16xf32>,
      %sub3A_482 = arith.subf %get3A_478, %get3A_481 : vector<16xf32>
      %mul3A_483 = arith.mulf %sub3A_482, %sub3A_482 : vector<16xf32>
      %add3A_484 = arith.addf %add3A_475, %mul3A_483 : vector<16xf32>
      %get3A_485 = arith.index_cast %add3A_466 : i32 to index
      %get3A_486 = arith.constant 32 : index
      %get3A_487 = tpu.vector_load %arg9[%get3A_485, %get3A_486] {strides = array<i32>} : memref<80x128xf32, #tpu.memory_space<vmem>>, vector<16xf32>,
      %get3A_488 = arith.index_cast %add3A_466 : i32 to index
      %get3A_489 = arith.constant 32 : index
      %get3A_490 = tpu.vector_load %arg10[%get3A_488, %get3A_489] {strides = array<i32>} : memref<80x128xf32, #tpu.memory_space<vmem>>, vector<16xf32>,
      %sub3A_491 = arith.subf %get3A_487, %get3A_490 : vector<16xf32>
      %mul3A_492 = arith.mulf %sub3A_491, %sub3A_491 : vector<16xf32>
      %add3A_493 = arith.addf %add3A_484, %mul3A_492 : vector<16xf32>
      %get3A_494 = arith.index_cast %add3A_466 : i32 to index
      %get3A_495 = arith.constant 48 : index
      %get3A_496 = tpu.vector_load %arg9[%get3A_494, %get3A_495] {strides = array<i32>} : memref<80x128xf32, #tpu.memory_space<vmem>>, vector<16xf32>,
      %get3A_497 = arith.index_cast %add3A_466 : i32 to index
      %get3A_498 = arith.constant 48 : index
      %get3A_499 = tpu.vector_load %arg10[%get3A_497, %get3A_498] {strides = array<i32>} : memref<80x128xf32, #tpu.memory_space<vmem>>, vector<16xf32>,
      %sub3A_500 = arith.subf %get3A_496, %get3A_499 : vector<16xf32>
      %mul3A_501 = arith.mulf %sub3A_500, %sub3A_500 : vector<16xf32>
      %add3A_502 = arith.addf %add3A_493, %mul3A_501 : vector<16xf32>
      %get3A_503 = arith.index_cast %add3A_466 : i32 to index
      %get3A_504 = arith.constant 64 : index
      %get3A_505 = tpu.vector_load %arg9[%get3A_503, %get3A_504] {strides = array<i32>} : memref<80x128xf32, #tpu.memory_space<vmem>>, vector<16xf32>,
      %get3A_506 = arith.index_cast %add3A_466 : i32 to index
      %get3A_507 = arith.constant 64 : index
      %get3A_508 = tpu.vector_load %arg10[%get3A_506, %get3A_507] {strides = array<i32>} : memref<80x128xf32, #tpu.memory_space<vmem>>, vector<16xf32>,
      %sub3A_509 = arith.subf %get3A_505, %get3A_508 : vector<16xf32>
      %mul3A_510 = arith.mulf %sub3A_509, %sub3A_509 : vector<16xf32>
      %add3A_511 = arith.addf %add3A_502, %mul3A_510 : vector<16xf32>
      %get3A_512 = arith.index_cast %add3A_466 : i32 to index
      %get3A_513 = arith.constant 80 : index
      %get3A_514 = tpu.vector_load %arg9[%get3A_512, %get3A_513] {strides = array<i32>} : memref<80x128xf32, #tpu.memory_space<vmem>>, vector<16xf32>,
      %get3A_515 = arith.index_cast %add3A_466 : i32 to index
      %get3A_516 = arith.constant 80 : index
      %get3A_517 = tpu.vector_load %arg10[%get3A_515, %get3A_516] {strides = array<i32>} : memref<80x128xf32, #tpu.memory_space<vmem>>, vector<16xf32>,
      %sub3A_518 = arith.subf %get3A_514, %get3A_517 : vector<16xf32>
      %mul3A_519 = arith.mulf %sub3A_518, %sub3A_518 : vector<16xf32>
      %add3A_520 = arith.addf %add3A_511, %mul3A_519 : vector<16xf32>
      %get3A_521 = arith.index_cast %add3A_466 : i32 to index
      %get3A_522 = arith.constant 96 : index
      %get3A_523 = tpu.vector_load %arg9[%get3A_521, %get3A_522] {strides = array<i32>} : memref<80x128xf32, #tpu.memory_space<vmem>>, vector<16xf32>,
      %get3A_524 = arith.index_cast %add3A_466 : i32 to index
      %get3A_525 = arith.constant 96 : index
      %get3A_526 = tpu.vector_load %arg10[%get3A_524, %get3A_525] {strides = array<i32>} : memref<80x128xf32, #tpu.memory_space<vmem>>, vector<16xf32>,
      %sub3A_527 = arith.subf %get3A_523, %get3A_526 : vector<16xf32>
      %mul3A_528 = arith.mulf %sub3A_527, %sub3A_527 : vector<16xf32>
      %add3A_529 = arith.addf %add3A_520, %mul3A_528 : vector<16xf32>
      %get3A_530 = arith.index_cast %add3A_466 : i32 to index
      %get3A_531 = arith.constant 112 : index
      %get3A_532 = tpu.vector_load %arg9[%get3A_530, %get3A_531] {strides = array<i32>} : memref<80x128xf32, #tpu.memory_space<vmem>>, vector<16xf32>,
      %get3A_533 = arith.index_cast %add3A_466 : i32 to index
      %get3A_534 = arith.constant 112 : index
      %get3A_535 = tpu.vector_load %arg10[%get3A_533, %get3A_534] {strides = array<i32>} : memref<80x128xf32, #tpu.memory_space<vmem>>, vector<16xf32>,
      %sub3A_536 = arith.subf %get3A_532, %get3A_535 : vector<16xf32>
      %mul3A_537 = arith.mulf %sub3A_536, %sub3A_536 : vector<16xf32>
      %add3A_538 = arith.addf %add3A_529, %mul3A_537 : vector<16xf32>
      %add3A_539 = arith.constant 5 : i32
      %add3A_540 = vector.broadcast %add3A_539 : i32 to vector<16xi32>
      %add3A_541 = arith.addi %mul3A_10, %add3A_540 : vector<16xi32>
      tpu.vector_store_idx %arg15[%add3A_541], %add3A_538 : memref<272xf32, #tpu.memory_space<vmem>>[vector<16xi32>], vector<16xf32>,
      %add3A_542 = arith.constant 6 : i32
      %add3A_543 = arith.addi %mul3A_81, %add3A_542 : i32
      %get3A_544 = arith.index_cast %add3A_543 : i32 to index
      %get3A_545 = arith.constant 0 : index
      %get3A_546 = tpu.vector_load %arg9[%get3A_544, %get3A_545] {strides = array<i32>} : memref<80x128xf32, #tpu.memory_space<vmem>>, vector<16xf32>,
      %get3A_547 = arith.index_cast %add3A_543 : i32 to index
      %get3A_548 = arith.constant 0 : index
      %get3A_549 = tpu.vector_load %arg10[%get3A_547, %get3A_548] {strides = array<i32>} : memref<80x128xf32, #tpu.memory_space<vmem>>, vector<16xf32>,
      %sub3A_550 = arith.subf %get3A_546, %get3A_549 : vector<16xf32>
      %mul3A_551 = arith.mulf %sub3A_550, %sub3A_550 : vector<16xf32>
      %add3A_552 = arith.addf %broadcast_in_dim3A_3, %mul3A_551 : vector<16xf32>
      %get3A_553 = arith.index_cast %add3A_543 : i32 to index
      %get3A_554 = arith.constant 16 : index
      %get3A_555 = tpu.vector_load %arg9[%get3A_553, %get3A_554] {strides = array<i32>} : memref<80x128xf32, #tpu.memory_space<vmem>>, vector<16xf32>,
      %get3A_556 = arith.index_cast %add3A_543 : i32 to index
      %get3A_557 = arith.constant 16 : index
      %get3A_558 = tpu.vector_load %arg10[%get3A_556, %get3A_557] {strides = array<i32>} : memref<80x128xf32, #tpu.memory_space<vmem>>, vector<16xf32>,
      %sub3A_559 = arith.subf %get3A_555, %get3A_558 : vector<16xf32>
      %mul3A_560 = arith.mulf %sub3A_559, %sub3A_559 : vector<16xf32>
      %add3A_561 = arith.addf %add3A_552, %mul3A_560 : vector<16xf32>
      %get3A_562 = arith.index_cast %add3A_543 : i32 to index
      %get3A_563 = arith.constant 32 : index
      %get3A_564 = tpu.vector_load %arg9[%get3A_562, %get3A_563] {strides = array<i32>} : memref<80x128xf32, #tpu.memory_space<vmem>>, vector<16xf32>,
      %get3A_565 = arith.index_cast %add3A_543 : i32 to index
      %get3A_566 = arith.constant 32 : index
      %get3A_567 = tpu.vector_load %arg10[%get3A_565, %get3A_566] {strides = array<i32>} : memref<80x128xf32, #tpu.memory_space<vmem>>, vector<16xf32>,
      %sub3A_568 = arith.subf %get3A_564, %get3A_567 : vector<16xf32>
      %mul3A_569 = arith.mulf %sub3A_568, %sub3A_568 : vector<16xf32>
      %add3A_570 = arith.addf %add3A_561, %mul3A_569 : vector<16xf32>
      %get3A_571 = arith.index_cast %add3A_543 : i32 to index
      %get3A_572 = arith.constant 48 : index
      %get3A_573 = tpu.vector_load %arg9[%get3A_571, %get3A_572] {strides = array<i32>} : memref<80x128xf32, #tpu.memory_space<vmem>>, vector<16xf32>,
      %get3A_574 = arith.index_cast %add3A_543 : i32 to index
      %get3A_575 = arith.constant 48 : index
      %get3A_576 = tpu.vector_load %arg10[%get3A_574, %get3A_575] {strides = array<i32>} : memref<80x128xf32, #tpu.memory_space<vmem>>, vector<16xf32>,
      %sub3A_577 = arith.subf %get3A_573, %get3A_576 : vector<16xf32>
      %mul3A_578 = arith.mulf %sub3A_577, %sub3A_577 : vector<16xf32>
      %add3A_579 = arith.addf %add3A_570, %mul3A_578 : vector<16xf32>
      %get3A_580 = arith.index_cast %add3A_543 : i32 to index
      %get3A_581 = arith.constant 64 : index
      %get3A_582 = tpu.vector_load %arg9[%get3A_580, %get3A_581] {strides = array<i32>} : memref<80x128xf32, #tpu.memory_space<vmem>>, vector<16xf32>,
      %get3A_583 = arith.index_cast %add3A_543 : i32 to index
      %get3A_584 = arith.constant 64 : index
      %get3A_585 = tpu.vector_load %arg10[%get3A_583, %get3A_584] {strides = array<i32>} : memref<80x128xf32, #tpu.memory_space<vmem>>, vector<16xf32>,
      %sub3A_586 = arith.subf %get3A_582, %get3A_585 : vector<16xf32>
      %mul3A_587 = arith.mulf %sub3A_586, %sub3A_586 : vector<16xf32>
      %add3A_588 = arith.addf %add3A_579, %mul3A_587 : vector<16xf32>
      %get3A_589 = arith.index_cast %add3A_543 : i32 to index
      %get3A_590 = arith.constant 80 : index
      %get3A_591 = tpu.vector_load %arg9[%get3A_589, %get3A_590] {strides = array<i32>} : memref<80x128xf32, #tpu.memory_space<vmem>>, vector<16xf32>,
      %get3A_592 = arith.index_cast %add3A_543 : i32 to index
      %get3A_593 = arith.constant 80 : index
      %get3A_594 = tpu.vector_load %arg10[%get3A_592, %get3A_593] {strides = array<i32>} : memref<80x128xf32, #tpu.memory_space<vmem>>, vector<16xf32>,
      %sub3A_595 = arith.subf %get3A_591, %get3A_594 : vector<16xf32>
      %mul3A_596 = arith.mulf %sub3A_595, %sub3A_595 : vector<16xf32>
      %add3A_597 = arith.addf %add3A_588, %mul3A_596 : vector<16xf32>
      %get3A_598 = arith.index_cast %add3A_543 : i32 to index
      %get3A_599 = arith.constant 96 : index
      %get3A_600 = tpu.vector_load %arg9[%get3A_598, %get3A_599] {strides = array<i32>} : memref<80x128xf32, #tpu.memory_space<vmem>>, vector<16xf32>,
      %get3A_601 = arith.index_cast %add3A_543 : i32 to index
      %get3A_602 = arith.constant 96 : index
      %get3A_603 = tpu.vector_load %arg10[%get3A_601, %get3A_602] {strides = array<i32>} : memref<80x128xf32, #tpu.memory_space<vmem>>, vector<16xf32>,
      %sub3A_604 = arith.subf %get3A_600, %get3A_603 : vector<16xf32>
      %mul3A_605 = arith.mulf %sub3A_604, %sub3A_604 : vector<16xf32>
      %add3A_606 = arith.addf %add3A_597, %mul3A_605 : vector<16xf32>
      %get3A_607 = arith.index_cast %add3A_543 : i32 to index
      %get3A_608 = arith.constant 112 : index
      %get3A_609 = tpu.vector_load %arg9[%get3A_607, %get3A_608] {strides = array<i32>} : memref<80x128xf32, #tpu.memory_space<vmem>>, vector<16xf32>,
      %get3A_610 = arith.index_cast %add3A_543 : i32 to index
      %get3A_611 = arith.constant 112 : index
      %get3A_612 = tpu.vector_load %arg10[%get3A_610, %get3A_611] {strides = array<i32>} : memref<80x128xf32, #tpu.memory_space<vmem>>, vector<16xf32>,
      %sub3A_613 = arith.subf %get3A_609, %get3A_612 : vector<16xf32>
      %mul3A_614 = arith.mulf %sub3A_613, %sub3A_613 : vector<16xf32>
      %add3A_615 = arith.addf %add3A_606, %mul3A_614 : vector<16xf32>
      %add3A_616 = arith.constant 6 : i32
      %add3A_617 = vector.broadcast %add3A_616 : i32 to vector<16xi32>
      %add3A_618 = arith.addi %mul3A_10, %add3A_617 : vector<16xi32>
      tpu.vector_store_idx %arg15[%add3A_618], %add3A_615 : memref<272xf32, #tpu.memory_space<vmem>>[vector<16xi32>], vector<16xf32>,
      %add3A_619 = arith.constant 7 : i32
      %add3A_620 = arith.addi %mul3A_81, %add3A_619 : i32
      %get3A_621 = arith.index_cast %add3A_620 : i32 to index
      %get3A_622 = arith.constant 0 : index
      %get3A_623 = tpu.vector_load %arg9[%get3A_621, %get3A_622] {strides = array<i32>} : memref<80x128xf32, #tpu.memory_space<vmem>>, vector<16xf32>,
      %get3A_624 = arith.index_cast %add3A_620 : i32 to index
      %get3A_625 = arith.constant 0 : index
      %get3A_626 = tpu.vector_load %arg10[%get3A_624, %get3A_625] {strides = array<i32>} : memref<80x128xf32, #tpu.memory_space<vmem>>, vector<16xf32>,
      %sub3A_627 = arith.subf %get3A_623, %get3A_626 : vector<16xf32>
      %mul3A_628 = arith.mulf %sub3A_627, %sub3A_627 : vector<16xf32>
      %add3A_629 = arith.addf %broadcast_in_dim3A_3, %mul3A_628 : vector<16xf32>
      %get3A_630 = arith.index_cast %add3A_620 : i32 to index
      %get3A_631 = arith.constant 16 : index
      %get3A_632 = tpu.vector_load %arg9[%get3A_630, %get3A_631] {strides = array<i32>} : memref<80x128xf32, #tpu.memory_space<vmem>>, vector<16xf32>,
      %get3A_633 = arith.index_cast %add3A_620 : i32 to index
      %get3A_634 = arith.constant 16 : index
      %get3A_635 = tpu.vector_load %arg10[%get3A_633, %get3A_634] {strides = array<i32>} : memref<80x128xf32, #tpu.memory_space<vmem>>, vector<16xf32>,
      %sub3A_636 = arith.subf %get3A_632, %get3A_635 : vector<16xf32>
      %mul3A_637 = arith.mulf %sub3A_636, %sub3A_636 : vector<16xf32>
      %add3A_638 = arith.addf %add3A_629, %mul3A_637 : vector<16xf32>
      %get3A_639 = arith.index_cast %add3A_620 : i32 to index
      %get3A_640 = arith.constant 32 : index
      %get3A_641 = tpu.vector_load %arg9[%get3A_639, %get3A_640] {strides = array<i32>} : memref<80x128xf32, #tpu.memory_space<vmem>>, vector<16xf32>,
      %get3A_642 = arith.index_cast %add3A_620 : i32 to index
      %get3A_643 = arith.constant 32 : index
      %get3A_644 = tpu.vector_load %arg10[%get3A_642, %get3A_643] {strides = array<i32>} : memref<80x128xf32, #tpu.memory_space<vmem>>, vector<16xf32>,
      %sub3A_645 = arith.subf %get3A_641, %get3A_644 : vector<16xf32>
      %mul3A_646 = arith.mulf %sub3A_645, %sub3A_645 : vector<16xf32>
      %add3A_647 = arith.addf %add3A_638, %mul3A_646 : vector<16xf32>
      %get3A_648 = arith.index_cast %add3A_620 : i32 to index
      %get3A_649 = arith.constant 48 : index
      %get3A_650 = tpu.vector_load %arg9[%get3A_648, %get3A_649] {strides = array<i32>} : memref<80x128xf32, #tpu.memory_space<vmem>>, vector<16xf32>,
      %get3A_651 = arith.index_cast %add3A_620 : i32 to index
      %get3A_652 = arith.constant 48 : index
      %get3A_653 = tpu.vector_load %arg10[%get3A_651, %get3A_652] {strides = array<i32>} : memref<80x128xf32, #tpu.memory_space<vmem>>, vector<16xf32>,
      %sub3A_654 = arith.subf %get3A_650, %get3A_653 : vector<16xf32>
      %mul3A_655 = arith.mulf %sub3A_654, %sub3A_654 : vector<16xf32>
      %add3A_656 = arith.addf %add3A_647, %mul3A_655 : vector<16xf32>
      %get3A_657 = arith.index_cast %add3A_620 : i32 to index
      %get3A_658 = arith.constant 64 : index
      %get3A_659 = tpu.vector_load %arg9[%get3A_657, %get3A_658] {strides = array<i32>} : memref<80x128xf32, #tpu.memory_space<vmem>>, vector<16xf32>,
      %get3A_660 = arith.index_cast %add3A_620 : i32 to index
      %get3A_661 = arith.constant 64 : index
      %get3A_662 = tpu.vector_load %arg10[%get3A_660, %get3A_661] {strides = array<i32>} : memref<80x128xf32, #tpu.memory_space<vmem>>, vector<16xf32>,
      %sub3A_663 = arith.subf %get3A_659, %get3A_662 : vector<16xf32>
      %mul3A_664 = arith.mulf %sub3A_663, %sub3A_663 : vector<16xf32>
      %add3A_665 = arith.addf %add3A_656, %mul3A_664 : vector<16xf32>
      %get3A_666 = arith.index_cast %add3A_620 : i32 to index
      %get3A_667 = arith.constant 80 : index
      %get3A_668 = tpu.vector_load %arg9[%get3A_666, %get3A_667] {strides = array<i32>} : memref<80x128xf32, #tpu.memory_space<vmem>>, vector<16xf32>,
      %get3A_669 = arith.index_cast %add3A_620 : i32 to index
      %get3A_670 = arith.constant 80 : index
      %get3A_671 = tpu.vector_load %arg10[%get3A_669, %get3A_670] {strides = array<i32>} : memref<80x128xf32, #tpu.memory_space<vmem>>, vector<16xf32>,
      %sub3A_672 = arith.subf %get3A_668, %get3A_671 : vector<16xf32>
      %mul3A_673 = arith.mulf %sub3A_672, %sub3A_672 : vector<16xf32>
      %add3A_674 = arith.addf %add3A_665, %mul3A_673 : vector<16xf32>
      %get3A_675 = arith.index_cast %add3A_620 : i32 to index
      %get3A_676 = arith.constant 96 : index
      %get3A_677 = tpu.vector_load %arg9[%get3A_675, %get3A_676] {strides = array<i32>} : memref<80x128xf32, #tpu.memory_space<vmem>>, vector<16xf32>,
      %get3A_678 = arith.index_cast %add3A_620 : i32 to index
      %get3A_679 = arith.constant 96 : index
      %get3A_680 = tpu.vector_load %arg10[%get3A_678, %get3A_679] {strides = array<i32>} : memref<80x128xf32, #tpu.memory_space<vmem>>, vector<16xf32>,
      %sub3A_681 = arith.subf %get3A_677, %get3A_680 : vector<16xf32>
      %mul3A_682 = arith.mulf %sub3A_681, %sub3A_681 : vector<16xf32>
      %add3A_683 = arith.addf %add3A_674, %mul3A_682 : vector<16xf32>
      %get3A_684 = arith.index_cast %add3A_620 : i32 to index
      %get3A_685 = arith.constant 112 : index
      %get3A_686 = tpu.vector_load %arg9[%get3A_684, %get3A_685] {strides = array<i32>} : memref<80x128xf32, #tpu.memory_space<vmem>>, vector<16xf32>,
      %get3A_687 = arith.index_cast %add3A_620 : i32 to index
      %get3A_688 = arith.constant 112 : index
      %get3A_689 = tpu.vector_load %arg10[%get3A_687, %get3A_688] {strides = array<i32>} : memref<80x128xf32, #tpu.memory_space<vmem>>, vector<16xf32>,
      %sub3A_690 = arith.subf %get3A_686, %get3A_689 : vector<16xf32>
      %mul3A_691 = arith.mulf %sub3A_690, %sub3A_690 : vector<16xf32>
      %add3A_692 = arith.addf %add3A_683, %mul3A_691 : vector<16xf32>
      %add3A_693 = arith.constant 7 : i32
      %add3A_694 = vector.broadcast %add3A_693 : i32 to vector<16xi32>
      %add3A_695 = arith.addi %mul3A_10, %add3A_694 : vector<16xi32>
      tpu.vector_store_idx %arg15[%add3A_695], %add3A_692 : memref<272xf32, #tpu.memory_space<vmem>>[vector<16xi32>], vector<16xf32>,
      %add3A_696 = arith.constant 8 : i32
      %add3A_697 = arith.addi %mul3A_81, %add3A_696 : i32
      %get3A_698 = arith.index_cast %add3A_697 : i32 to index
      %get3A_699 = arith.constant 0 : index
      %get3A_700 = tpu.vector_load %arg9[%get3A_698, %get3A_699] {strides = array<i32>} : memref<80x128xf32, #tpu.memory_space<vmem>>, vector<16xf32>,
      %get3A_701 = arith.index_cast %add3A_697 : i32 to index
      %get3A_702 = arith.constant 0 : index
      %get3A_703 = tpu.vector_load %arg10[%get3A_701, %get3A_702] {strides = array<i32>} : memref<80x128xf32, #tpu.memory_space<vmem>>, vector<16xf32>,
      %sub3A_704 = arith.subf %get3A_700, %get3A_703 : vector<16xf32>
      %mul3A_705 = arith.mulf %sub3A_704, %sub3A_704 : vector<16xf32>
      %add3A_706 = arith.addf %broadcast_in_dim3A_3, %mul3A_705 : vector<16xf32>
      %get3A_707 = arith.index_cast %add3A_697 : i32 to index
      %get3A_708 = arith.constant 16 : index
      %get3A_709 = tpu.vector_load %arg9[%get3A_707, %get3A_708] {strides = array<i32>} : memref<80x128xf32, #tpu.memory_space<vmem>>, vector<16xf32>,
      %get3A_710 = arith.index_cast %add3A_697 : i32 to index
      %get3A_711 = arith.constant 16 : index
      %get3A_712 = tpu.vector_load %arg10[%get3A_710, %get3A_711] {strides = array<i32>} : memref<80x128xf32, #tpu.memory_space<vmem>>, vector<16xf32>,
      %sub3A_713 = arith.subf %get3A_709, %get3A_712 : vector<16xf32>
      %mul3A_714 = arith.mulf %sub3A_713, %sub3A_713 : vector<16xf32>
      %add3A_715 = arith.addf %add3A_706, %mul3A_714 : vector<16xf32>
      %get3A_716 = arith.index_cast %add3A_697 : i32 to index
      %get3A_717 = arith.constant 32 : index
      %get3A_718 = tpu.vector_load %arg9[%get3A_716, %get3A_717] {strides = array<i32>} : memref<80x128xf32, #tpu.memory_space<vmem>>, vector<16xf32>,
      %get3A_719 = arith.index_cast %add3A_697 : i32 to index
      %get3A_720 = arith.constant 32 : index
      %get3A_721 = tpu.vector_load %arg10[%get3A_719, %get3A_720] {strides = array<i32>} : memref<80x128xf32, #tpu.memory_space<vmem>>, vector<16xf32>,
      %sub3A_722 = arith.subf %get3A_718, %get3A_721 : vector<16xf32>
      %mul3A_723 = arith.mulf %sub3A_722, %sub3A_722 : vector<16xf32>
      %add3A_724 = arith.addf %add3A_715, %mul3A_723 : vector<16xf32>
      %get3A_725 = arith.index_cast %add3A_697 : i32 to index
      %get3A_726 = arith.constant 48 : index
      %get3A_727 = tpu.vector_load %arg9[%get3A_725, %get3A_726] {strides = array<i32>} : memref<80x128xf32, #tpu.memory_space<vmem>>, vector<16xf32>,
      %get3A_728 = arith.index_cast %add3A_697 : i32 to index
      %get3A_729 = arith.constant 48 : index
      %get3A_730 = tpu.vector_load %arg10[%get3A_728, %get3A_729] {strides = array<i32>} : memref<80x128xf32, #tpu.memory_space<vmem>>, vector<16xf32>,
      %sub3A_731 = arith.subf %get3A_727, %get3A_730 : vector<16xf32>
      %mul3A_732 = arith.mulf %sub3A_731, %sub3A_731 : vector<16xf32>
      %add3A_733 = arith.addf %add3A_724, %mul3A_732 : vector<16xf32>
      %get3A_734 = arith.index_cast %add3A_697 : i32 to index
      %get3A_735 = arith.constant 64 : index
      %get3A_736 = tpu.vector_load %arg9[%get3A_734, %get3A_735] {strides = array<i32>} : memref<80x128xf32, #tpu.memory_space<vmem>>, vector<16xf32>,
      %get3A_737 = arith.index_cast %add3A_697 : i32 to index
      %get3A_738 = arith.constant 64 : index
      %get3A_739 = tpu.vector_load %arg10[%get3A_737, %get3A_738] {strides = array<i32>} : memref<80x128xf32, #tpu.memory_space<vmem>>, vector<16xf32>,
      %sub3A_740 = arith.subf %get3A_736, %get3A_739 : vector<16xf32>
      %mul3A_741 = arith.mulf %sub3A_740, %sub3A_740 : vector<16xf32>
      %add3A_742 = arith.addf %add3A_733, %mul3A_741 : vector<16xf32>
      %get3A_743 = arith.index_cast %add3A_697 : i32 to index
      %get3A_744 = arith.constant 80 : index
      %get3A_745 = tpu.vector_load %arg9[%get3A_743, %get3A_744] {strides = array<i32>} : memref<80x128xf32, #tpu.memory_space<vmem>>, vector<16xf32>,
      %get3A_746 = arith.index_cast %add3A_697 : i32 to index
      %get3A_747 = arith.constant 80 : index
      %get3A_748 = tpu.vector_load %arg10[%get3A_746, %get3A_747] {strides = array<i32>} : memref<80x128xf32, #tpu.memory_space<vmem>>, vector<16xf32>,
      %sub3A_749 = arith.subf %get3A_745, %get3A_748 : vector<16xf32>
      %mul3A_750 = arith.mulf %sub3A_749, %sub3A_749 : vector<16xf32>
      %add3A_751 = arith.addf %add3A_742, %mul3A_750 : vector<16xf32>
      %get3A_752 = arith.index_cast %add3A_697 : i32 to index
      %get3A_753 = arith.constant 96 : index
      %get3A_754 = tpu.vector_load %arg9[%get3A_752, %get3A_753] {strides = array<i32>} : memref<80x128xf32, #tpu.memory_space<vmem>>, vector<16xf32>,
      %get3A_755 = arith.index_cast %add3A_697 : i32 to index
      %get3A_756 = arith.constant 96 : index
      %get3A_757 = tpu.vector_load %arg10[%get3A_755, %get3A_756] {strides = array<i32>} : memref<80x128xf32, #tpu.memory_space<vmem>>, vector<16xf32>,
      %sub3A_758 = arith.subf %get3A_754, %get3A_757 : vector<16xf32>
      %mul3A_759 = arith.mulf %sub3A_758, %sub3A_758 : vector<16xf32>
      %add3A_760 = arith.addf %add3A_751, %mul3A_759 : vector<16xf32>
      %get3A_761 = arith.index_cast %add3A_697 : i32 to index
      %get3A_762 = arith.constant 112 : index
      %get3A_763 = tpu.vector_load %arg9[%get3A_761, %get3A_762] {strides = array<i32>} : memref<80x128xf32, #tpu.memory_space<vmem>>, vector<16xf32>,
      %get3A_764 = arith.index_cast %add3A_697 : i32 to index
      %get3A_765 = arith.constant 112 : index
      %get3A_766 = tpu.vector_load %arg10[%get3A_764, %get3A_765] {strides = array<i32>} : memref<80x128xf32, #tpu.memory_space<vmem>>, vector<16xf32>,
      %sub3A_767 = arith.subf %get3A_763, %get3A_766 : vector<16xf32>
      %mul3A_768 = arith.mulf %sub3A_767, %sub3A_767 : vector<16xf32>
      %add3A_769 = arith.addf %add3A_760, %mul3A_768 : vector<16xf32>
      %add3A_770 = arith.constant 8 : i32
      %add3A_771 = vector.broadcast %add3A_770 : i32 to vector<16xi32>
      %add3A_772 = arith.addi %mul3A_10, %add3A_771 : vector<16xi32>
      tpu.vector_store_idx %arg15[%add3A_772], %add3A_769 : memref<272xf32, #tpu.memory_space<vmem>>[vector<16xi32>], vector<16xf32>,
      %add3A_773 = arith.constant 9 : i32
      %add3A_774 = arith.addi %mul3A_81, %add3A_773 : i32
      %get3A_775 = arith.index_cast %add3A_774 : i32 to index
      %get3A_776 = arith.constant 0 : index
      %get3A_777 = tpu.vector_load %arg9[%get3A_775, %get3A_776] {strides = array<i32>} : memref<80x128xf32, #tpu.memory_space<vmem>>, vector<16xf32>,
      %get3A_778 = arith.index_cast %add3A_774 : i32 to index
      %get3A_779 = arith.constant 0 : index
      %get3A_780 = tpu.vector_load %arg10[%get3A_778, %get3A_779] {strides = array<i32>} : memref<80x128xf32, #tpu.memory_space<vmem>>, vector<16xf32>,
      %sub3A_781 = arith.subf %get3A_777, %get3A_780 : vector<16xf32>
      %mul3A_782 = arith.mulf %sub3A_781, %sub3A_781 : vector<16xf32>
      %add3A_783 = arith.addf %broadcast_in_dim3A_3, %mul3A_782 : vector<16xf32>
      %get3A_784 = arith.index_cast %add3A_774 : i32 to index
      %get3A_785 = arith.constant 16 : index
      %get3A_786 = tpu.vector_load %arg9[%get3A_784, %get3A_785] {strides = array<i32>} : memref<80x128xf32, #tpu.memory_space<vmem>>, vector<16xf32>,
      %get3A_787 = arith.index_cast %add3A_774 : i32 to index
      %get3A_788 = arith.constant 16 : index
      %get3A_789 = tpu.vector_load %arg10[%get3A_787, %get3A_788] {strides = array<i32>} : memref<80x128xf32, #tpu.memory_space<vmem>>, vector<16xf32>,
      %sub3A_790 = arith.subf %get3A_786, %get3A_789 : vector<16xf32>
      %mul3A_791 = arith.mulf %sub3A_790, %sub3A_790 : vector<16xf32>
      %add3A_792 = arith.addf %add3A_783, %mul3A_791 : vector<16xf32>
      %get3A_793 = arith.index_cast %add3A_774 : i32 to index
      %get3A_794 = arith.constant 32 : index
      %get3A_795 = tpu.vector_load %arg9[%get3A_793, %get3A_794] {strides = array<i32>} : memref<80x128xf32, #tpu.memory_space<vmem>>, vector<16xf32>,
      %get3A_796 = arith.index_cast %add3A_774 : i32 to index
      %get3A_797 = arith.constant 32 : index
      %get3A_798 = tpu.vector_load %arg10[%get3A_796, %get3A_797] {strides = array<i32>} : memref<80x128xf32, #tpu.memory_space<vmem>>, vector<16xf32>,
      %sub3A_799 = arith.subf %get3A_795, %get3A_798 : vector<16xf32>
      %mul3A_800 = arith.mulf %sub3A_799, %sub3A_799 : vector<16xf32>
      %add3A_801 = arith.addf %add3A_792, %mul3A_800 : vector<16xf32>
      %get3A_802 = arith.index_cast %add3A_774 : i32 to index
      %get3A_803 = arith.constant 48 : index
      %get3A_804 = tpu.vector_load %arg9[%get3A_802, %get3A_803] {strides = array<i32>} : memref<80x128xf32, #tpu.memory_space<vmem>>, vector<16xf32>,
      %get3A_805 = arith.index_cast %add3A_774 : i32 to index
      %get3A_806 = arith.constant 48 : index
      %get3A_807 = tpu.vector_load %arg10[%get3A_805, %get3A_806] {strides = array<i32>} : memref<80x128xf32, #tpu.memory_space<vmem>>, vector<16xf32>,
      %sub3A_808 = arith.subf %get3A_804, %get3A_807 : vector<16xf32>
      %mul3A_809 = arith.mulf %sub3A_808, %sub3A_808 : vector<16xf32>
      %add3A_810 = arith.addf %add3A_801, %mul3A_809 : vector<16xf32>
      %get3A_811 = arith.index_cast %add3A_774 : i32 to index
      %get3A_812 = arith.constant 64 : index
      %get3A_813 = tpu.vector_load %arg9[%get3A_811, %get3A_812] {strides = array<i32>} : memref<80x128xf32, #tpu.memory_space<vmem>>, vector<16xf32>,
      %get3A_814 = arith.index_cast %add3A_774 : i32 to index
      %get3A_815 = arith.constant 64 : index
      %get3A_816 = tpu.vector_load %arg10[%get3A_814, %get3A_815] {strides = array<i32>} : memref<80x128xf32, #tpu.memory_space<vmem>>, vector<16xf32>,
      %sub3A_817 = arith.subf %get3A_813, %get3A_816 : vector<16xf32>
      %mul3A_818 = arith.mulf %sub3A_817, %sub3A_817 : vector<16xf32>
      %add3A_819 = arith.addf %add3A_810, %mul3A_818 : vector<16xf32>
      %get3A_820 = arith.index_cast %add3A_774 : i32 to index
      %get3A_821 = arith.constant 80 : index
      %get3A_822 = tpu.vector_load %arg9[%get3A_820, %get3A_821] {strides = array<i32>} : memref<80x128xf32, #tpu.memory_space<vmem>>, vector<16xf32>,
      %get3A_823 = arith.index_cast %add3A_774 : i32 to index
      %get3A_824 = arith.constant 80 : index
      %get3A_825 = tpu.vector_load %arg10[%get3A_823, %get3A_824] {strides = array<i32>} : memref<80x128xf32, #tpu.memory_space<vmem>>, vector<16xf32>,
      %sub3A_826 = arith.subf %get3A_822, %get3A_825 : vector<16xf32>
      %mul3A_827 = arith.mulf %sub3A_826, %sub3A_826 : vector<16xf32>
      %add3A_828 = arith.addf %add3A_819, %mul3A_827 : vector<16xf32>
      %get3A_829 = arith.index_cast %add3A_774 : i32 to index
      %get3A_830 = arith.constant 96 : index
      %get3A_831 = tpu.vector_load %arg9[%get3A_829, %get3A_830] {strides = array<i32>} : memref<80x128xf32, #tpu.memory_space<vmem>>, vector<16xf32>,
      %get3A_832 = arith.index_cast %add3A_774 : i32 to index
      %get3A_833 = arith.constant 96 : index
      %get3A_834 = tpu.vector_load %arg10[%get3A_832, %get3A_833] {strides = array<i32>} : memref<80x128xf32, #tpu.memory_space<vmem>>, vector<16xf32>,
      %sub3A_835 = arith.subf %get3A_831, %get3A_834 : vector<16xf32>
      %mul3A_836 = arith.mulf %sub3A_835, %sub3A_835 : vector<16xf32>
      %add3A_837 = arith.addf %add3A_828, %mul3A_836 : vector<16xf32>
      %get3A_838 = arith.index_cast %add3A_774 : i32 to index
      %get3A_839 = arith.constant 112 : index
      %get3A_840 = tpu.vector_load %arg9[%get3A_838, %get3A_839] {strides = array<i32>} : memref<80x128xf32, #tpu.memory_space<vmem>>, vector<16xf32>,
      %get3A_841 = arith.index_cast %add3A_774 : i32 to index
      %get3A_842 = arith.constant 112 : index
      %get3A_843 = tpu.vector_load %arg10[%get3A_841, %get3A_842] {strides = array<i32>} : memref<80x128xf32, #tpu.memory_space<vmem>>, vector<16xf32>,
      %sub3A_844 = arith.subf %get3A_840, %get3A_843 : vector<16xf32>
      %mul3A_845 = arith.mulf %sub3A_844, %sub3A_844 : vector<16xf32>
      %add3A_846 = arith.addf %add3A_837, %mul3A_845 : vector<16xf32>
      %add3A_847 = arith.constant 9 : i32
      %add3A_848 = vector.broadcast %add3A_847 : i32 to vector<16xi32>
      %add3A_849 = arith.addi %mul3A_10, %add3A_848 : vector<16xi32>
      tpu.vector_store_idx %arg15[%add3A_849], %add3A_846 : memref<272xf32, #tpu.memory_space<vmem>>[vector<16xi32>], vector<16xf32>,
      %add3A_850 = arith.constant 10 : i32
      %add3A_851 = arith.addi %mul3A_81, %add3A_850 : i32
      %get3A_852 = arith.index_cast %add3A_851 : i32 to index
      %get3A_853 = arith.constant 0 : index
      %get3A_854 = tpu.vector_load %arg9[%get3A_852, %get3A_853] {strides = array<i32>} : memref<80x128xf32, #tpu.memory_space<vmem>>, vector<16xf32>,
      %get3A_855 = arith.index_cast %add3A_851 : i32 to index
      %get3A_856 = arith.constant 0 : index
      %get3A_857 = tpu.vector_load %arg10[%get3A_855, %get3A_856] {strides = array<i32>} : memref<80x128xf32, #tpu.memory_space<vmem>>, vector<16xf32>,
      %sub3A_858 = arith.subf %get3A_854, %get3A_857 : vector<16xf32>
      %mul3A_859 = arith.mulf %sub3A_858, %sub3A_858 : vector<16xf32>
      %add3A_860 = arith.addf %broadcast_in_dim3A_3, %mul3A_859 : vector<16xf32>
      %get3A_861 = arith.index_cast %add3A_851 : i32 to index
      %get3A_862 = arith.constant 16 : index
      %get3A_863 = tpu.vector_load %arg9[%get3A_861, %get3A_862] {strides = array<i32>} : memref<80x128xf32, #tpu.memory_space<vmem>>, vector<16xf32>,
      %get3A_864 = arith.index_cast %add3A_851 : i32 to index
      %get3A_865 = arith.constant 16 : index
      %get3A_866 = tpu.vector_load %arg10[%get3A_864, %get3A_865] {strides = array<i32>} : memref<80x128xf32, #tpu.memory_space<vmem>>, vector<16xf32>,
      %sub3A_867 = arith.subf %get3A_863, %get3A_866 : vector<16xf32>
      %mul3A_868 = arith.mulf %sub3A_867, %sub3A_867 : vector<16xf32>
      %add3A_869 = arith.addf %add3A_860, %mul3A_868 : vector<16xf32>
      %get3A_870 = arith.index_cast %add3A_851 : i32 to index
      %get3A_871 = arith.constant 32 : index
      %get3A_872 = tpu.vector_load %arg9[%get3A_870, %get3A_871] {strides = array<i32>} : memref<80x128xf32, #tpu.memory_space<vmem>>, vector<16xf32>,
      %get3A_873 = arith.index_cast %add3A_851 : i32 to index
      %get3A_874 = arith.constant 32 : index
      %get3A_875 = tpu.vector_load %arg10[%get3A_873, %get3A_874] {strides = array<i32>} : memref<80x128xf32, #tpu.memory_space<vmem>>, vector<16xf32>,
      %sub3A_876 = arith.subf %get3A_872, %get3A_875 : vector<16xf32>
      %mul3A_877 = arith.mulf %sub3A_876, %sub3A_876 : vector<16xf32>
      %add3A_878 = arith.addf %add3A_869, %mul3A_877 : vector<16xf32>
      %get3A_879 = arith.index_cast %add3A_851 : i32 to index
      %get3A_880 = arith.constant 48 : index
      %get3A_881 = tpu.vector_load %arg9[%get3A_879, %get3A_880] {strides = array<i32>} : memref<80x128xf32, #tpu.memory_space<vmem>>, vector<16xf32>,
      %get3A_882 = arith.index_cast %add3A_851 : i32 to index
      %get3A_883 = arith.constant 48 : index
      %get3A_884 = tpu.vector_load %arg10[%get3A_882, %get3A_883] {strides = array<i32>} : memref<80x128xf32, #tpu.memory_space<vmem>>, vector<16xf32>,
      %sub3A_885 = arith.subf %get3A_881, %get3A_884 : vector<16xf32>
      %mul3A_886 = arith.mulf %sub3A_885, %sub3A_885 : vector<16xf32>
      %add3A_887 = arith.addf %add3A_878, %mul3A_886 : vector<16xf32>
      %get3A_888 = arith.index_cast %add3A_851 : i32 to index
      %get3A_889 = arith.constant 64 : index
      %get3A_890 = tpu.vector_load %arg9[%get3A_888, %get3A_889] {strides = array<i32>} : memref<80x128xf32, #tpu.memory_space<vmem>>, vector<16xf32>,
      %get3A_891 = arith.index_cast %add3A_851 : i32 to index
      %get3A_892 = arith.constant 64 : index
      %get3A_893 = tpu.vector_load %arg10[%get3A_891, %get3A_892] {strides = array<i32>} : memref<80x128xf32, #tpu.memory_space<vmem>>, vector<16xf32>,
      %sub3A_894 = arith.subf %get3A_890, %get3A_893 : vector<16xf32>
      %mul3A_895 = arith.mulf %sub3A_894, %sub3A_894 : vector<16xf32>
      %add3A_896 = arith.addf %add3A_887, %mul3A_895 : vector<16xf32>
      %get3A_897 = arith.index_cast %add3A_851 : i32 to index
      %get3A_898 = arith.constant 80 : index
      %get3A_899 = tpu.vector_load %arg9[%get3A_897, %get3A_898] {strides = array<i32>} : memref<80x128xf32, #tpu.memory_space<vmem>>, vector<16xf32>,
      %get3A_900 = arith.index_cast %add3A_851 : i32 to index
      %get3A_901 = arith.constant 80 : index
      %get3A_902 = tpu.vector_load %arg10[%get3A_900, %get3A_901] {strides = array<i32>} : memref<80x128xf32, #tpu.memory_space<vmem>>, vector<16xf32>,
      %sub3A_903 = arith.subf %get3A_899, %get3A_902 : vector<16xf32>
      %mul3A_904 = arith.mulf %sub3A_903, %sub3A_903 : vector<16xf32>
      %add3A_905 = arith.addf %add3A_896, %mul3A_904 : vector<16xf32>
      %get3A_906 = arith.index_cast %add3A_851 : i32 to index
      %get3A_907 = arith.constant 96 : index
      %get3A_908 = tpu.vector_load %arg9[%get3A_906, %get3A_907] {strides = array<i32>} : memref<80x128xf32, #tpu.memory_space<vmem>>, vector<16xf32>,
      %get3A_909 = arith.index_cast %add3A_851 : i32 to index
      %get3A_910 = arith.constant 96 : index
      %get3A_911 = tpu.vector_load %arg10[%get3A_909, %get3A_910] {strides = array<i32>} : memref<80x128xf32, #tpu.memory_space<vmem>>, vector<16xf32>,
      %sub3A_912 = arith.subf %get3A_908, %get3A_911 : vector<16xf32>
      %mul3A_913 = arith.mulf %sub3A_912, %sub3A_912 : vector<16xf32>
      %add3A_914 = arith.addf %add3A_905, %mul3A_913 : vector<16xf32>
      %get3A_915 = arith.index_cast %add3A_851 : i32 to index
      %get3A_916 = arith.constant 112 : index
      %get3A_917 = tpu.vector_load %arg9[%get3A_915, %get3A_916] {strides = array<i32>} : memref<80x128xf32, #tpu.memory_space<vmem>>, vector<16xf32>,
      %get3A_918 = arith.index_cast %add3A_851 : i32 to index
      %get3A_919 = arith.constant 112 : index
      %get3A_920 = tpu.vector_load %arg10[%get3A_918, %get3A_919] {strides = array<i32>} : memref<80x128xf32, #tpu.memory_space<vmem>>, vector<16xf32>,
      %sub3A_921 = arith.subf %get3A_917, %get3A_920 : vector<16xf32>
      %mul3A_922 = arith.mulf %sub3A_921, %sub3A_921 : vector<16xf32>
      %add3A_923 = arith.addf %add3A_914, %mul3A_922 : vector<16xf32>
      %add3A_924 = arith.constant 10 : i32
      %add3A_925 = vector.broadcast %add3A_924 : i32 to vector<16xi32>
      %add3A_926 = arith.addi %mul3A_10, %add3A_925 : vector<16xi32>
      tpu.vector_store_idx %arg15[%add3A_926], %add3A_923 : memref<272xf32, #tpu.memory_space<vmem>>[vector<16xi32>], vector<16xf32>,
      %add3A_927 = arith.constant 11 : i32
      %add3A_928 = arith.addi %mul3A_81, %add3A_927 : i32
      %get3A_929 = arith.index_cast %add3A_928 : i32 to index
      %get3A_930 = arith.constant 0 : index
      %get3A_931 = tpu.vector_load %arg9[%get3A_929, %get3A_930] {strides = array<i32>} : memref<80x128xf32, #tpu.memory_space<vmem>>, vector<16xf32>,
      %get3A_932 = arith.index_cast %add3A_928 : i32 to index
      %get3A_933 = arith.constant 0 : index
      %get3A_934 = tpu.vector_load %arg10[%get3A_932, %get3A_933] {strides = array<i32>} : memref<80x128xf32, #tpu.memory_space<vmem>>, vector<16xf32>,
      %sub3A_935 = arith.subf %get3A_931, %get3A_934 : vector<16xf32>
      %mul3A_936 = arith.mulf %sub3A_935, %sub3A_935 : vector<16xf32>
      %add3A_937 = arith.addf %broadcast_in_dim3A_3, %mul3A_936 : vector<16xf32>
      %get3A_938 = arith.index_cast %add3A_928 : i32 to index
      %get3A_939 = arith.constant 16 : index
      %get3A_940 = tpu.vector_load %arg9[%get3A_938, %get3A_939] {strides = array<i32>} : memref<80x128xf32, #tpu.memory_space<vmem>>, vector<16xf32>,
      %get3A_941 = arith.index_cast %add3A_928 : i32 to index
      %get3A_942 = arith.constant 16 : index
      %get3A_943 = tpu.vector_load %arg10[%get3A_941, %get3A_942] {strides = array<i32>} : memref<80x128xf32, #tpu.memory_space<vmem>>, vector<16xf32>,
      %sub3A_944 = arith.subf %get3A_940, %get3A_943 : vector<16xf32>
      %mul3A_945 = arith.mulf %sub3A_944, %sub3A_944 : vector<16xf32>
      %add3A_946 = arith.addf %add3A_937, %mul3A_945 : vector<16xf32>
      %get3A_947 = arith.index_cast %add3A_928 : i32 to index
      %get3A_948 = arith.constant 32 : index
      %get3A_949 = tpu.vector_load %arg9[%get3A_947, %get3A_948] {strides = array<i32>} : memref<80x128xf32, #tpu.memory_space<vmem>>, vector<16xf32>,
      %get3A_950 = arith.index_cast %add3A_928 : i32 to index
      %get3A_951 = arith.constant 32 : index
      %get3A_952 = tpu.vector_load %arg10[%get3A_950, %get3A_951] {strides = array<i32>} : memref<80x128xf32, #tpu.memory_space<vmem>>, vector<16xf32>,
      %sub3A_953 = arith.subf %get3A_949, %get3A_952 : vector<16xf32>
      %mul3A_954 = arith.mulf %sub3A_953, %sub3A_953 : vector<16xf32>
      %add3A_955 = arith.addf %add3A_946, %mul3A_954 : vector<16xf32>
      %get3A_956 = arith.index_cast %add3A_928 : i32 to index
      %get3A_957 = arith.constant 48 : index
      %get3A_958 = tpu.vector_load %arg9[%get3A_956, %get3A_957] {strides = array<i32>} : memref<80x128xf32, #tpu.memory_space<vmem>>, vector<16xf32>,
      %get3A_959 = arith.index_cast %add3A_928 : i32 to index
      %get3A_960 = arith.constant 48 : index
      %get3A_961 = tpu.vector_load %arg10[%get3A_959, %get3A_960] {strides = array<i32>} : memref<80x128xf32, #tpu.memory_space<vmem>>, vector<16xf32>,
      %sub3A_962 = arith.subf %get3A_958, %get3A_961 : vector<16xf32>
      %mul3A_963 = arith.mulf %sub3A_962, %sub3A_962 : vector<16xf32>
      %add3A_964 = arith.addf %add3A_955, %mul3A_963 : vector<16xf32>
      %get3A_965 = arith.index_cast %add3A_928 : i32 to index
      %get3A_966 = arith.constant 64 : index
      %get3A_967 = tpu.vector_load %arg9[%get3A_965, %get3A_966] {strides = array<i32>} : memref<80x128xf32, #tpu.memory_space<vmem>>, vector<16xf32>,
      %get3A_968 = arith.index_cast %add3A_928 : i32 to index
      %get3A_969 = arith.constant 64 : index
      %get3A_970 = tpu.vector_load %arg10[%get3A_968, %get3A_969] {strides = array<i32>} : memref<80x128xf32, #tpu.memory_space<vmem>>, vector<16xf32>,
      %sub3A_971 = arith.subf %get3A_967, %get3A_970 : vector<16xf32>
      %mul3A_972 = arith.mulf %sub3A_971, %sub3A_971 : vector<16xf32>
      %add3A_973 = arith.addf %add3A_964, %mul3A_972 : vector<16xf32>
      %get3A_974 = arith.index_cast %add3A_928 : i32 to index
      %get3A_975 = arith.constant 80 : index
      %get3A_976 = tpu.vector_load %arg9[%get3A_974, %get3A_975] {strides = array<i32>} : memref<80x128xf32, #tpu.memory_space<vmem>>, vector<16xf32>,
      %get3A_977 = arith.index_cast %add3A_928 : i32 to index
      %get3A_978 = arith.constant 80 : index
      %get3A_979 = tpu.vector_load %arg10[%get3A_977, %get3A_978] {strides = array<i32>} : memref<80x128xf32, #tpu.memory_space<vmem>>, vector<16xf32>,
      %sub3A_980 = arith.subf %get3A_976, %get3A_979 : vector<16xf32>
      %mul3A_981 = arith.mulf %sub3A_980, %sub3A_980 : vector<16xf32>
      %add3A_982 = arith.addf %add3A_973, %mul3A_981 : vector<16xf32>
      %get3A_983 = arith.index_cast %add3A_928 : i32 to index
      %get3A_984 = arith.constant 96 : index
      %get3A_985 = tpu.vector_load %arg9[%get3A_983, %get3A_984] {strides = array<i32>} : memref<80x128xf32, #tpu.memory_space<vmem>>, vector<16xf32>,
      %get3A_986 = arith.index_cast %add3A_928 : i32 to index
      %get3A_987 = arith.constant 96 : index
      %get3A_988 = tpu.vector_load %arg10[%get3A_986, %get3A_987] {strides = array<i32>} : memref<80x128xf32, #tpu.memory_space<vmem>>, vector<16xf32>,
      %sub3A_989 = arith.subf %get3A_985, %get3A_988 : vector<16xf32>
      %mul3A_990 = arith.mulf %sub3A_989, %sub3A_989 : vector<16xf32>
      %add3A_991 = arith.addf %add3A_982, %mul3A_990 : vector<16xf32>
      %get3A_992 = arith.index_cast %add3A_928 : i32 to index
      %get3A_993 = arith.constant 112 : index
      %get3A_994 = tpu.vector_load %arg9[%get3A_992, %get3A_993] {strides = array<i32>} : memref<80x128xf32, #tpu.memory_space<vmem>>, vector<16xf32>,
      %get3A_995 = arith.index_cast %add3A_928 : i32 to index
      %get3A_996 = arith.constant 112 : index
      %get3A_997 = tpu.vector_load %arg10[%get3A_995, %get3A_996] {strides = array<i32>} : memref<80x128xf32, #tpu.memory_space<vmem>>, vector<16xf32>,
      %sub3A_998 = arith.subf %get3A_994, %get3A_997 : vector<16xf32>
      %mul3A_999 = arith.mulf %sub3A_998, %sub3A_998 : vector<16xf32>
      %add3A_1000 = arith.addf %add3A_991, %mul3A_999 : vector<16xf32>
      %add3A_1001 = arith.constant 11 : i32
      %add3A_1002 = vector.broadcast %add3A_1001 : i32 to vector<16xi32>
      %add3A_1003 = arith.addi %mul3A_10, %add3A_1002 : vector<16xi32>
      tpu.vector_store_idx %arg15[%add3A_1003], %add3A_1000 : memref<272xf32, #tpu.memory_space<vmem>>[vector<16xi32>], vector<16xf32>,
      %add3A_1004 = arith.constant 12 : i32
      %add3A_1005 = arith.addi %mul3A_81, %add3A_1004 : i32
      %get3A_1006 = arith.index_cast %add3A_1005 : i32 to index
      %get3A_1007 = arith.constant 0 : index
      %get3A_1008 = tpu.vector_load %arg9[%get3A_1006, %get3A_1007] {strides = array<i32>} : memref<80x128xf32, #tpu.memory_space<vmem>>, vector<16xf32>,
      %get3A_1009 = arith.index_cast %add3A_1005 : i32 to index
      %get3A_1010 = arith.constant 0 : index
      %get3A_1011 = tpu.vector_load %arg10[%get3A_1009, %get3A_1010] {strides = array<i32>} : memref<80x128xf32, #tpu.memory_space<vmem>>, vector<16xf32>,
      %sub3A_1012 = arith.subf %get3A_1008, %get3A_1011 : vector<16xf32>
      %mul3A_1013 = arith.mulf %sub3A_1012, %sub3A_1012 : vector<16xf32>
      %add3A_1014 = arith.addf %broadcast_in_dim3A_3, %mul3A_1013 : vector<16xf32>
      %get3A_1015 = arith.index_cast %add3A_1005 : i32 to index
      %get3A_1016 = arith.constant 16 : index
      %get3A_1017 = tpu.vector_load %arg9[%get3A_1015, %get3A_1016] {strides = array<i32>} : memref<80x128xf32, #tpu.memory_space<vmem>>, vector<16xf32>,
      %get3A_1018 = arith.index_cast %add3A_1005 : i32 to index
      %get3A_1019 = arith.constant 16 : index
      %get3A_1020 = tpu.vector_load %arg10[%get3A_1018, %get3A_1019] {strides = array<i32>} : memref<80x128xf32, #tpu.memory_space<vmem>>, vector<16xf32>,
      %sub3A_1021 = arith.subf %get3A_1017, %get3A_1020 : vector<16xf32>
      %mul3A_1022 = arith.mulf %sub3A_1021, %sub3A_1021 : vector<16xf32>
      %add3A_1023 = arith.addf %add3A_1014, %mul3A_1022 : vector<16xf32>
      %get3A_1024 = arith.index_cast %add3A_1005 : i32 to index
      %get3A_1025 = arith.constant 32 : index
      %get3A_1026 = tpu.vector_load %arg9[%get3A_1024, %get3A_1025] {strides = array<i32>} : memref<80x128xf32, #tpu.memory_space<vmem>>, vector<16xf32>,
      %get3A_1027 = arith.index_cast %add3A_1005 : i32 to index
      %get3A_1028 = arith.constant 32 : index
      %get3A_1029 = tpu.vector_load %arg10[%get3A_1027, %get3A_1028] {strides = array<i32>} : memref<80x128xf32, #tpu.memory_space<vmem>>, vector<16xf32>,
      %sub3A_1030 = arith.subf %get3A_1026, %get3A_1029 : vector<16xf32>
      %mul3A_1031 = arith.mulf %sub3A_1030, %sub3A_1030 : vector<16xf32>
      %add3A_1032 = arith.addf %add3A_1023, %mul3A_1031 : vector<16xf32>
      %get3A_1033 = arith.index_cast %add3A_1005 : i32 to index
      %get3A_1034 = arith.constant 48 : index
      %get3A_1035 = tpu.vector_load %arg9[%get3A_1033, %get3A_1034] {strides = array<i32>} : memref<80x128xf32, #tpu.memory_space<vmem>>, vector<16xf32>,
      %get3A_1036 = arith.index_cast %add3A_1005 : i32 to index
      %get3A_1037 = arith.constant 48 : index
      %get3A_1038 = tpu.vector_load %arg10[%get3A_1036, %get3A_1037] {strides = array<i32>} : memref<80x128xf32, #tpu.memory_space<vmem>>, vector<16xf32>,
      %sub3A_1039 = arith.subf %get3A_1035, %get3A_1038 : vector<16xf32>
      %mul3A_1040 = arith.mulf %sub3A_1039, %sub3A_1039 : vector<16xf32>
      %add3A_1041 = arith.addf %add3A_1032, %mul3A_1040 : vector<16xf32>
      %get3A_1042 = arith.index_cast %add3A_1005 : i32 to index
      %get3A_1043 = arith.constant 64 : index
      %get3A_1044 = tpu.vector_load %arg9[%get3A_1042, %get3A_1043] {strides = array<i32>} : memref<80x128xf32, #tpu.memory_space<vmem>>, vector<16xf32>,
      %get3A_1045 = arith.index_cast %add3A_1005 : i32 to index
      %get3A_1046 = arith.constant 64 : index
      %get3A_1047 = tpu.vector_load %arg10[%get3A_1045, %get3A_1046] {strides = array<i32>} : memref<80x128xf32, #tpu.memory_space<vmem>>, vector<16xf32>,
      %sub3A_1048 = arith.subf %get3A_1044, %get3A_1047 : vector<16xf32>
      %mul3A_1049 = arith.mulf %sub3A_1048, %sub3A_1048 : vector<16xf32>
      %add3A_1050 = arith.addf %add3A_1041, %mul3A_1049 : vector<16xf32>
      %get3A_1051 = arith.index_cast %add3A_1005 : i32 to index
      %get3A_1052 = arith.constant 80 : index
      %get3A_1053 = tpu.vector_load %arg9[%get3A_1051, %get3A_1052] {strides = array<i32>} : memref<80x128xf32, #tpu.memory_space<vmem>>, vector<16xf32>,
      %get3A_1054 = arith.index_cast %add3A_1005 : i32 to index
      %get3A_1055 = arith.constant 80 : index
      %get3A_1056 = tpu.vector_load %arg10[%get3A_1054, %get3A_1055] {strides = array<i32>} : memref<80x128xf32, #tpu.memory_space<vmem>>, vector<16xf32>,
      %sub3A_1057 = arith.subf %get3A_1053, %get3A_1056 : vector<16xf32>
      %mul3A_1058 = arith.mulf %sub3A_1057, %sub3A_1057 : vector<16xf32>
      %add3A_1059 = arith.addf %add3A_1050, %mul3A_1058 : vector<16xf32>
      %get3A_1060 = arith.index_cast %add3A_1005 : i32 to index
      %get3A_1061 = arith.constant 96 : index
      %get3A_1062 = tpu.vector_load %arg9[%get3A_1060, %get3A_1061] {strides = array<i32>} : memref<80x128xf32, #tpu.memory_space<vmem>>, vector<16xf32>,
      %get3A_1063 = arith.index_cast %add3A_1005 : i32 to index
      %get3A_1064 = arith.constant 96 : index
      %get3A_1065 = tpu.vector_load %arg10[%get3A_1063, %get3A_1064] {strides = array<i32>} : memref<80x128xf32, #tpu.memory_space<vmem>>, vector<16xf32>,
      %sub3A_1066 = arith.subf %get3A_1062, %get3A_1065 : vector<16xf32>
      %mul3A_1067 = arith.mulf %sub3A_1066, %sub3A_1066 : vector<16xf32>
      %add3A_1068 = arith.addf %add3A_1059, %mul3A_1067 : vector<16xf32>
      %get3A_1069 = arith.index_cast %add3A_1005 : i32 to index
      %get3A_1070 = arith.constant 112 : index
      %get3A_1071 = tpu.vector_load %arg9[%get3A_1069, %get3A_1070] {strides = array<i32>} : memref<80x128xf32, #tpu.memory_space<vmem>>, vector<16xf32>,
      %get3A_1072 = arith.index_cast %add3A_1005 : i32 to index
      %get3A_1073 = arith.constant 112 : index
      %get3A_1074 = tpu.vector_load %arg10[%get3A_1072, %get3A_1073] {strides = array<i32>} : memref<80x128xf32, #tpu.memory_space<vmem>>, vector<16xf32>,
      %sub3A_1075 = arith.subf %get3A_1071, %get3A_1074 : vector<16xf32>
      %mul3A_1076 = arith.mulf %sub3A_1075, %sub3A_1075 : vector<16xf32>
      %add3A_1077 = arith.addf %add3A_1068, %mul3A_1076 : vector<16xf32>
      %add3A_1078 = arith.constant 12 : i32
      %add3A_1079 = vector.broadcast %add3A_1078 : i32 to vector<16xi32>
      %add3A_1080 = arith.addi %mul3A_10, %add3A_1079 : vector<16xi32>
      tpu.vector_store_idx %arg15[%add3A_1080], %add3A_1077 : memref<272xf32, #tpu.memory_space<vmem>>[vector<16xi32>], vector<16xf32>,
      %add3A_1081 = arith.constant 13 : i32
      %add3A_1082 = arith.addi %mul3A_81, %add3A_1081 : i32
      %get3A_1083 = arith.index_cast %add3A_1082 : i32 to index
      %get3A_1084 = arith.constant 0 : index
      %get3A_1085 = tpu.vector_load %arg9[%get3A_1083, %get3A_1084] {strides = array<i32>} : memref<80x128xf32, #tpu.memory_space<vmem>>, vector<16xf32>,
      %get3A_1086 = arith.index_cast %add3A_1082 : i32 to index
      %get3A_1087 = arith.constant 0 : index
      %get3A_1088 = tpu.vector_load %arg10[%get3A_1086, %get3A_1087] {strides = array<i32>} : memref<80x128xf32, #tpu.memory_space<vmem>>, vector<16xf32>,
      %sub3A_1089 = arith.subf %get3A_1085, %get3A_1088 : vector<16xf32>
      %mul3A_1090 = arith.mulf %sub3A_1089, %sub3A_1089 : vector<16xf32>
      %add3A_1091 = arith.addf %broadcast_in_dim3A_3, %mul3A_1090 : vector<16xf32>
      %get3A_1092 = arith.index_cast %add3A_1082 : i32 to index
      %get3A_1093 = arith.constant 16 : index
      %get3A_1094 = tpu.vector_load %arg9[%get3A_1092, %get3A_1093] {strides = array<i32>} : memref<80x128xf32, #tpu.memory_space<vmem>>, vector<16xf32>,
      %get3A_1095 = arith.index_cast %add3A_1082 : i32 to index
      %get3A_1096 = arith.constant 16 : index
      %get3A_1097 = tpu.vector_load %arg10[%get3A_1095, %get3A_1096] {strides = array<i32>} : memref<80x128xf32, #tpu.memory_space<vmem>>, vector<16xf32>,
      %sub3A_1098 = arith.subf %get3A_1094, %get3A_1097 : vector<16xf32>
      %mul3A_1099 = arith.mulf %sub3A_1098, %sub3A_1098 : vector<16xf32>
      %add3A_1100 = arith.addf %add3A_1091, %mul3A_1099 : vector<16xf32>
      %get3A_1101 = arith.index_cast %add3A_1082 : i32 to index
      %get3A_1102 = arith.constant 32 : index
      %get3A_1103 = tpu.vector_load %arg9[%get3A_1101, %get3A_1102] {strides = array<i32>} : memref<80x128xf32, #tpu.memory_space<vmem>>, vector<16xf32>,
      %get3A_1104 = arith.index_cast %add3A_1082 : i32 to index
      %get3A_1105 = arith.constant 32 : index
      %get3A_1106 = tpu.vector_load %arg10[%get3A_1104, %get3A_1105] {strides = array<i32>} : memref<80x128xf32, #tpu.memory_space<vmem>>, vector<16xf32>,
      %sub3A_1107 = arith.subf %get3A_1103, %get3A_1106 : vector<16xf32>
      %mul3A_1108 = arith.mulf %sub3A_1107, %sub3A_1107 : vector<16xf32>
      %add3A_1109 = arith.addf %add3A_1100, %mul3A_1108 : vector<16xf32>
      %get3A_1110 = arith.index_cast %add3A_1082 : i32 to index
      %get3A_1111 = arith.constant 48 : index
      %get3A_1112 = tpu.vector_load %arg9[%get3A_1110, %get3A_1111] {strides = array<i32>} : memref<80x128xf32, #tpu.memory_space<vmem>>, vector<16xf32>,
      %get3A_1113 = arith.index_cast %add3A_1082 : i32 to index
      %get3A_1114 = arith.constant 48 : index
      %get3A_1115 = tpu.vector_load %arg10[%get3A_1113, %get3A_1114] {strides = array<i32>} : memref<80x128xf32, #tpu.memory_space<vmem>>, vector<16xf32>,
      %sub3A_1116 = arith.subf %get3A_1112, %get3A_1115 : vector<16xf32>
      %mul3A_1117 = arith.mulf %sub3A_1116, %sub3A_1116 : vector<16xf32>
      %add3A_1118 = arith.addf %add3A_1109, %mul3A_1117 : vector<16xf32>
      %get3A_1119 = arith.index_cast %add3A_1082 : i32 to index
      %get3A_1120 = arith.constant 64 : index
      %get3A_1121 = tpu.vector_load %arg9[%get3A_1119, %get3A_1120] {strides = array<i32>} : memref<80x128xf32, #tpu.memory_space<vmem>>, vector<16xf32>,
      %get3A_1122 = arith.index_cast %add3A_1082 : i32 to index
      %get3A_1123 = arith.constant 64 : index
      %get3A_1124 = tpu.vector_load %arg10[%get3A_1122, %get3A_1123] {strides = array<i32>} : memref<80x128xf32, #tpu.memory_space<vmem>>, vector<16xf32>,
      %sub3A_1125 = arith.subf %get3A_1121, %get3A_1124 : vector<16xf32>
      %mul3A_1126 = arith.mulf %sub3A_1125, %sub3A_1125 : vector<16xf32>
      %add3A_1127 = arith.addf %add3A_1118, %mul3A_1126 : vector<16xf32>
      %get3A_1128 = arith.index_cast %add3A_1082 : i32 to index
      %get3A_1129 = arith.constant 80 : index
      %get3A_1130 = tpu.vector_load %arg9[%get3A_1128, %get3A_1129] {strides = array<i32>} : memref<80x128xf32, #tpu.memory_space<vmem>>, vector<16xf32>,
      %get3A_1131 = arith.index_cast %add3A_1082 : i32 to index
      %get3A_1132 = arith.constant 80 : index
      %get3A_1133 = tpu.vector_load %arg10[%get3A_1131, %get3A_1132] {strides = array<i32>} : memref<80x128xf32, #tpu.memory_space<vmem>>, vector<16xf32>,
      %sub3A_1134 = arith.subf %get3A_1130, %get3A_1133 : vector<16xf32>
      %mul3A_1135 = arith.mulf %sub3A_1134, %sub3A_1134 : vector<16xf32>
      %add3A_1136 = arith.addf %add3A_1127, %mul3A_1135 : vector<16xf32>
      %get3A_1137 = arith.index_cast %add3A_1082 : i32 to index
      %get3A_1138 = arith.constant 96 : index
      %get3A_1139 = tpu.vector_load %arg9[%get3A_1137, %get3A_1138] {strides = array<i32>} : memref<80x128xf32, #tpu.memory_space<vmem>>, vector<16xf32>,
      %get3A_1140 = arith.index_cast %add3A_1082 : i32 to index
      %get3A_1141 = arith.constant 96 : index
      %get3A_1142 = tpu.vector_load %arg10[%get3A_1140, %get3A_1141] {strides = array<i32>} : memref<80x128xf32, #tpu.memory_space<vmem>>, vector<16xf32>,
      %sub3A_1143 = arith.subf %get3A_1139, %get3A_1142 : vector<16xf32>
      %mul3A_1144 = arith.mulf %sub3A_1143, %sub3A_1143 : vector<16xf32>
      %add3A_1145 = arith.addf %add3A_1136, %mul3A_1144 : vector<16xf32>
      %get3A_1146 = arith.index_cast %add3A_1082 : i32 to index
      %get3A_1147 = arith.constant 112 : index
      %get3A_1148 = tpu.vector_load %arg9[%get3A_1146, %get3A_1147] {strides = array<i32>} : memref<80x128xf32, #tpu.memory_space<vmem>>, vector<16xf32>,
      %get3A_1149 = arith.index_cast %add3A_1082 : i32 to index
      %get3A_1150 = arith.constant 112 : index
      %get3A_1151 = tpu.vector_load %arg10[%get3A_1149, %get3A_1150] {strides = array<i32>} : memref<80x128xf32, #tpu.memory_space<vmem>>, vector<16xf32>,
      %sub3A_1152 = arith.subf %get3A_1148, %get3A_1151 : vector<16xf32>
      %mul3A_1153 = arith.mulf %sub3A_1152, %sub3A_1152 : vector<16xf32>
      %add3A_1154 = arith.addf %add3A_1145, %mul3A_1153 : vector<16xf32>
      %add3A_1155 = arith.constant 13 : i32
      %add3A_1156 = vector.broadcast %add3A_1155 : i32 to vector<16xi32>
      %add3A_1157 = arith.addi %mul3A_10, %add3A_1156 : vector<16xi32>
      tpu.vector_store_idx %arg15[%add3A_1157], %add3A_1154 : memref<272xf32, #tpu.memory_space<vmem>>[vector<16xi32>], vector<16xf32>,
      %add3A_1158 = arith.constant 14 : i32
      %add3A_1159 = arith.addi %mul3A_81, %add3A_1158 : i32
      %get3A_1160 = arith.index_cast %add3A_1159 : i32 to index
      %get3A_1161 = arith.constant 0 : index
      %get3A_1162 = tpu.vector_load %arg9[%get3A_1160, %get3A_1161] {strides = array<i32>} : memref<80x128xf32, #tpu.memory_space<vmem>>, vector<16xf32>,
      %get3A_1163 = arith.index_cast %add3A_1159 : i32 to index
      %get3A_1164 = arith.constant 0 : index
      %get3A_1165 = tpu.vector_load %arg10[%get3A_1163, %get3A_1164] {strides = array<i32>} : memref<80x128xf32, #tpu.memory_space<vmem>>, vector<16xf32>,
      %sub3A_1166 = arith.subf %get3A_1162, %get3A_1165 : vector<16xf32>
      %mul3A_1167 = arith.mulf %sub3A_1166, %sub3A_1166 : vector<16xf32>
      %add3A_1168 = arith.addf %broadcast_in_dim3A_3, %mul3A_1167 : vector<16xf32>
      %get3A_1169 = arith.index_cast %add3A_1159 : i32 to index
      %get3A_1170 = arith.constant 16 : index
      %get3A_1171 = tpu.vector_load %arg9[%get3A_1169, %get3A_1170] {strides = array<i32>} : memref<80x128xf32, #tpu.memory_space<vmem>>, vector<16xf32>,
      %get3A_1172 = arith.index_cast %add3A_1159 : i32 to index
      %get3A_1173 = arith.constant 16 : index
      %get3A_1174 = tpu.vector_load %arg10[%get3A_1172, %get3A_1173] {strides = array<i32>} : memref<80x128xf32, #tpu.memory_space<vmem>>, vector<16xf32>,
      %sub3A_1175 = arith.subf %get3A_1171, %get3A_1174 : vector<16xf32>
      %mul3A_1176 = arith.mulf %sub3A_1175, %sub3A_1175 : vector<16xf32>
      %add3A_1177 = arith.addf %add3A_1168, %mul3A_1176 : vector<16xf32>
      %get3A_1178 = arith.index_cast %add3A_1159 : i32 to index
      %get3A_1179 = arith.constant 32 : index
      %get3A_1180 = tpu.vector_load %arg9[%get3A_1178, %get3A_1179] {strides = array<i32>} : memref<80x128xf32, #tpu.memory_space<vmem>>, vector<16xf32>,
      %get3A_1181 = arith.index_cast %add3A_1159 : i32 to index
      %get3A_1182 = arith.constant 32 : index
      %get3A_1183 = tpu.vector_load %arg10[%get3A_1181, %get3A_1182] {strides = array<i32>} : memref<80x128xf32, #tpu.memory_space<vmem>>, vector<16xf32>,
      %sub3A_1184 = arith.subf %get3A_1180, %get3A_1183 : vector<16xf32>
      %mul3A_1185 = arith.mulf %sub3A_1184, %sub3A_1184 : vector<16xf32>
      %add3A_1186 = arith.addf %add3A_1177, %mul3A_1185 : vector<16xf32>
      %get3A_1187 = arith.index_cast %add3A_1159 : i32 to index
      %get3A_1188 = arith.constant 48 : index
      %get3A_1189 = tpu.vector_load %arg9[%get3A_1187, %get3A_1188] {strides = array<i32>} : memref<80x128xf32, #tpu.memory_space<vmem>>, vector<16xf32>,
      %get3A_1190 = arith.index_cast %add3A_1159 : i32 to index
      %get3A_1191 = arith.constant 48 : index
      %get3A_1192 = tpu.vector_load %arg10[%get3A_1190, %get3A_1191] {strides = array<i32>} : memref<80x128xf32, #tpu.memory_space<vmem>>, vector<16xf32>,
      %sub3A_1193 = arith.subf %get3A_1189, %get3A_1192 : vector<16xf32>
      %mul3A_1194 = arith.mulf %sub3A_1193, %sub3A_1193 : vector<16xf32>
      %add3A_1195 = arith.addf %add3A_1186, %mul3A_1194 : vector<16xf32>
      %get3A_1196 = arith.index_cast %add3A_1159 : i32 to index
      %get3A_1197 = arith.constant 64 : index
      %get3A_1198 = tpu.vector_load %arg9[%get3A_1196, %get3A_1197] {strides = array<i32>} : memref<80x128xf32, #tpu.memory_space<vmem>>, vector<16xf32>,
      %get3A_1199 = arith.index_cast %add3A_1159 : i32 to index
      %get3A_1200 = arith.constant 64 : index
      %get3A_1201 = tpu.vector_load %arg10[%get3A_1199, %get3A_1200] {strides = array<i32>} : memref<80x128xf32, #tpu.memory_space<vmem>>, vector<16xf32>,
      %sub3A_1202 = arith.subf %get3A_1198, %get3A_1201 : vector<16xf32>
      %mul3A_1203 = arith.mulf %sub3A_1202, %sub3A_1202 : vector<16xf32>
      %add3A_1204 = arith.addf %add3A_1195, %mul3A_1203 : vector<16xf32>
      %get3A_1205 = arith.index_cast %add3A_1159 : i32 to index
      %get3A_1206 = arith.constant 80 : index
      %get3A_1207 = tpu.vector_load %arg9[%get3A_1205, %get3A_1206] {strides = array<i32>} : memref<80x128xf32, #tpu.memory_space<vmem>>, vector<16xf32>,
      %get3A_1208 = arith.index_cast %add3A_1159 : i32 to index
      %get3A_1209 = arith.constant 80 : index
      %get3A_1210 = tpu.vector_load %arg10[%get3A_1208, %get3A_1209] {strides = array<i32>} : memref<80x128xf32, #tpu.memory_space<vmem>>, vector<16xf32>,
      %sub3A_1211 = arith.subf %get3A_1207, %get3A_1210 : vector<16xf32>
      %mul3A_1212 = arith.mulf %sub3A_1211, %sub3A_1211 : vector<16xf32>
      %add3A_1213 = arith.addf %add3A_1204, %mul3A_1212 : vector<16xf32>
      %get3A_1214 = arith.index_cast %add3A_1159 : i32 to index
      %get3A_1215 = arith.constant 96 : index
      %get3A_1216 = tpu.vector_load %arg9[%get3A_1214, %get3A_1215] {strides = array<i32>} : memref<80x128xf32, #tpu.memory_space<vmem>>, vector<16xf32>,
      %get3A_1217 = arith.index_cast %add3A_1159 : i32 to index
      %get3A_1218 = arith.constant 96 : index
      %get3A_1219 = tpu.vector_load %arg10[%get3A_1217, %get3A_1218] {strides = array<i32>} : memref<80x128xf32, #tpu.memory_space<vmem>>, vector<16xf32>,
      %sub3A_1220 = arith.subf %get3A_1216, %get3A_1219 : vector<16xf32>
      %mul3A_1221 = arith.mulf %sub3A_1220, %sub3A_1220 : vector<16xf32>
      %add3A_1222 = arith.addf %add3A_1213, %mul3A_1221 : vector<16xf32>
      %get3A_1223 = arith.index_cast %add3A_1159 : i32 to index
      %get3A_1224 = arith.constant 112 : index
      %get3A_1225 = tpu.vector_load %arg9[%get3A_1223, %get3A_1224] {strides = array<i32>} : memref<80x128xf32, #tpu.memory_space<vmem>>, vector<16xf32>,
      %get3A_1226 = arith.index_cast %add3A_1159 : i32 to index
      %get3A_1227 = arith.constant 112 : index
      %get3A_1228 = tpu.vector_load %arg10[%get3A_1226, %get3A_1227] {strides = array<i32>} : memref<80x128xf32, #tpu.memory_space<vmem>>, vector<16xf32>,
      %sub3A_1229 = arith.subf %get3A_1225, %get3A_1228 : vector<16xf32>
      %mul3A_1230 = arith.mulf %sub3A_1229, %sub3A_1229 : vector<16xf32>
      %add3A_1231 = arith.addf %add3A_1222, %mul3A_1230 : vector<16xf32>
      %add3A_1232 = arith.constant 14 : i32
      %add3A_1233 = vector.broadcast %add3A_1232 : i32 to vector<16xi32>
      %add3A_1234 = arith.addi %mul3A_10, %add3A_1233 : vector<16xi32>
      tpu.vector_store_idx %arg15[%add3A_1234], %add3A_1231 : memref<272xf32, #tpu.memory_space<vmem>>[vector<16xi32>], vector<16xf32>,
      %add3A_1235 = arith.constant 15 : i32
      %add3A_1236 = arith.addi %mul3A_81, %add3A_1235 : i32
      %get3A_1237 = arith.index_cast %add3A_1236 : i32 to index
      %get3A_1238 = arith.constant 0 : index
      %get3A_1239 = tpu.vector_load %arg9[%get3A_1237, %get3A_1238] {strides = array<i32>} : memref<80x128xf32, #tpu.memory_space<vmem>>, vector<16xf32>,
      %get3A_1240 = arith.index_cast %add3A_1236 : i32 to index
      %get3A_1241 = arith.constant 0 : index
      %get3A_1242 = tpu.vector_load %arg10[%get3A_1240, %get3A_1241] {strides = array<i32>} : memref<80x128xf32, #tpu.memory_space<vmem>>, vector<16xf32>,
      %sub3A_1243 = arith.subf %get3A_1239, %get3A_1242 : vector<16xf32>
      %mul3A_1244 = arith.mulf %sub3A_1243, %sub3A_1243 : vector<16xf32>
      %add3A_1245 = arith.addf %broadcast_in_dim3A_3, %mul3A_1244 : vector<16xf32>
      %get3A_1246 = arith.index_cast %add3A_1236 : i32 to index
      %get3A_1247 = arith.constant 16 : index
      %get3A_1248 = tpu.vector_load %arg9[%get3A_1246, %get3A_1247] {strides = array<i32>} : memref<80x128xf32, #tpu.memory_space<vmem>>, vector<16xf32>,
      %get3A_1249 = arith.index_cast %add3A_1236 : i32 to index
      %get3A_1250 = arith.constant 16 : index
      %get3A_1251 = tpu.vector_load %arg10[%get3A_1249, %get3A_1250] {strides = array<i32>} : memref<80x128xf32, #tpu.memory_space<vmem>>, vector<16xf32>,
      %sub3A_1252 = arith.subf %get3A_1248, %get3A_1251 : vector<16xf32>
      %mul3A_1253 = arith.mulf %sub3A_1252, %sub3A_1252 : vector<16xf32>
      %add3A_1254 = arith.addf %add3A_1245, %mul3A_1253 : vector<16xf32>
      %get3A_1255 = arith.index_cast %add3A_1236 : i32 to index
      %get3A_1256 = arith.constant 32 : index
      %get3A_1257 = tpu.vector_load %arg9[%get3A_1255, %get3A_1256] {strides = array<i32>} : memref<80x128xf32, #tpu.memory_space<vmem>>, vector<16xf32>,
      %get3A_1258 = arith.index_cast %add3A_1236 : i32 to index
      %get3A_1259 = arith.constant 32 : index
      %get3A_1260 = tpu.vector_load %arg10[%get3A_1258, %get3A_1259] {strides = array<i32>} : memref<80x128xf32, #tpu.memory_space<vmem>>, vector<16xf32>,
      %sub3A_1261 = arith.subf %get3A_1257, %get3A_1260 : vector<16xf32>
      %mul3A_1262 = arith.mulf %sub3A_1261, %sub3A_1261 : vector<16xf32>
      %add3A_1263 = arith.addf %add3A_1254, %mul3A_1262 : vector<16xf32>
      %get3A_1264 = arith.index_cast %add3A_1236 : i32 to index
      %get3A_1265 = arith.constant 48 : index
      %get3A_1266 = tpu.vector_load %arg9[%get3A_1264, %get3A_1265] {strides = array<i32>} : memref<80x128xf32, #tpu.memory_space<vmem>>, vector<16xf32>,
      %get3A_1267 = arith.index_cast %add3A_1236 : i32 to index
      %get3A_1268 = arith.constant 48 : index
      %get3A_1269 = tpu.vector_load %arg10[%get3A_1267, %get3A_1268] {strides = array<i32>} : memref<80x128xf32, #tpu.memory_space<vmem>>, vector<16xf32>,
      %sub3A_1270 = arith.subf %get3A_1266, %get3A_1269 : vector<16xf32>
      %mul3A_1271 = arith.mulf %sub3A_1270, %sub3A_1270 : vector<16xf32>
      %add3A_1272 = arith.addf %add3A_1263, %mul3A_1271 : vector<16xf32>
      %get3A_1273 = arith.index_cast %add3A_1236 : i32 to index
      %get3A_1274 = arith.constant 64 : index
      %get3A_1275 = tpu.vector_load %arg9[%get3A_1273, %get3A_1274] {strides = array<i32>} : memref<80x128xf32, #tpu.memory_space<vmem>>, vector<16xf32>,
      %get3A_1276 = arith.index_cast %add3A_1236 : i32 to index
      %get3A_1277 = arith.constant 64 : index
      %get3A_1278 = tpu.vector_load %arg10[%get3A_1276, %get3A_1277] {strides = array<i32>} : memref<80x128xf32, #tpu.memory_space<vmem>>, vector<16xf32>,
      %sub3A_1279 = arith.subf %get3A_1275, %get3A_1278 : vector<16xf32>
      %mul3A_1280 = arith.mulf %sub3A_1279, %sub3A_1279 : vector<16xf32>
      %add3A_1281 = arith.addf %add3A_1272, %mul3A_1280 : vector<16xf32>
      %get3A_1282 = arith.index_cast %add3A_1236 : i32 to index
      %get3A_1283 = arith.constant 80 : index
      %get3A_1284 = tpu.vector_load %arg9[%get3A_1282, %get3A_1283] {strides = array<i32>} : memref<80x128xf32, #tpu.memory_space<vmem>>, vector<16xf32>,
      %get3A_1285 = arith.index_cast %add3A_1236 : i32 to index
      %get3A_1286 = arith.constant 80 : index
      %get3A_1287 = tpu.vector_load %arg10[%get3A_1285, %get3A_1286] {strides = array<i32>} : memref<80x128xf32, #tpu.memory_space<vmem>>, vector<16xf32>,
      %sub3A_1288 = arith.subf %get3A_1284, %get3A_1287 : vector<16xf32>
      %mul3A_1289 = arith.mulf %sub3A_1288, %sub3A_1288 : vector<16xf32>
      %add3A_1290 = arith.addf %add3A_1281, %mul3A_1289 : vector<16xf32>
      %get3A_1291 = arith.index_cast %add3A_1236 : i32 to index
      %get3A_1292 = arith.constant 96 : index
      %get3A_1293 = tpu.vector_load %arg9[%get3A_1291, %get3A_1292] {strides = array<i32>} : memref<80x128xf32, #tpu.memory_space<vmem>>, vector<16xf32>,
      %get3A_1294 = arith.index_cast %add3A_1236 : i32 to index
      %get3A_1295 = arith.constant 96 : index
      %get3A_1296 = tpu.vector_load %arg10[%get3A_1294, %get3A_1295] {strides = array<i32>} : memref<80x128xf32, #tpu.memory_space<vmem>>, vector<16xf32>,
      %sub3A_1297 = arith.subf %get3A_1293, %get3A_1296 : vector<16xf32>
      %mul3A_1298 = arith.mulf %sub3A_1297, %sub3A_1297 : vector<16xf32>
      %add3A_1299 = arith.addf %add3A_1290, %mul3A_1298 : vector<16xf32>
      %get3A_1300 = arith.index_cast %add3A_1236 : i32 to index
      %get3A_1301 = arith.constant 112 : index
      %get3A_1302 = tpu.vector_load %arg9[%get3A_1300, %get3A_1301] {strides = array<i32>} : memref<80x128xf32, #tpu.memory_space<vmem>>, vector<16xf32>,
      %get3A_1303 = arith.index_cast %add3A_1236 : i32 to index
      %get3A_1304 = arith.constant 112 : index
      %get3A_1305 = tpu.vector_load %arg10[%get3A_1303, %get3A_1304] {strides = array<i32>} : memref<80x128xf32, #tpu.memory_space<vmem>>, vector<16xf32>,
      %sub3A_1306 = arith.subf %get3A_1302, %get3A_1305 : vector<16xf32>
      %mul3A_1307 = arith.mulf %sub3A_1306, %sub3A_1306 : vector<16xf32>
      %add3A_1308 = arith.addf %add3A_1299, %mul3A_1307 : vector<16xf32>
      %add3A_1309 = arith.constant 15 : i32
      %add3A_1310 = vector.broadcast %add3A_1309 : i32 to vector<16xi32>
      %add3A_1311 = arith.addi %mul3A_10, %add3A_1310 : vector<16xi32>
      tpu.vector_store_idx %arg15[%add3A_1311], %add3A_1308 : memref<272xf32, #tpu.memory_space<vmem>>[vector<16xi32>], vector<16xf32>,
      %get3A_1312 = arith.constant 0 : index
      %get3A_1313 = tpu.vector_load %arg15[%get3A_1312] {strides = array<i32>} : memref<272xf32, #tpu.memory_space<vmem>>, vector<16xf32>,
      %get3A_1314 = arith.constant 17 : index
      %get3A_1315 = tpu.vector_load %arg15[%get3A_1314] {strides = array<i32>} : memref<272xf32, #tpu.memory_space<vmem>>, vector<16xf32>,
      %get3A_1316 = arith.constant 34 : index
      %get3A_1317 = tpu.vector_load %arg15[%get3A_1316] {strides = array<i32>} : memref<272xf32, #tpu.memory_space<vmem>>, vector<16xf32>,
      %get3A_1318 = arith.constant 51 : index
      %get3A_1319 = tpu.vector_load %arg15[%get3A_1318] {strides = array<i32>} : memref<272xf32, #tpu.memory_space<vmem>>, vector<16xf32>,
      %get3A_1320 = arith.constant 68 : index
      %get3A_1321 = tpu.vector_load %arg15[%get3A_1320] {strides = array<i32>} : memref<272xf32, #tpu.memory_space<vmem>>, vector<16xf32>,
      %get3A_1322 = arith.constant 85 : index
      %get3A_1323 = tpu.vector_load %arg15[%get3A_1322] {strides = array<i32>} : memref<272xf32, #tpu.memory_space<vmem>>, vector<16xf32>,
      %get3A_1324 = arith.constant 102 : index
      %get3A_1325 = tpu.vector_load %arg15[%get3A_1324] {strides = array<i32>} : memref<272xf32, #tpu.memory_space<vmem>>, vector<16xf32>,
      %get3A_1326 = arith.constant 119 : index
      %get3A_1327 = tpu.vector_load %arg15[%get3A_1326] {strides = array<i32>} : memref<272xf32, #tpu.memory_space<vmem>>, vector<16xf32>,
      %get3A_1328 = arith.constant 136 : index
      %get3A_1329 = tpu.vector_load %arg15[%get3A_1328] {strides = array<i32>} : memref<272xf32, #tpu.memory_space<vmem>>, vector<16xf32>,
      %get3A_1330 = arith.constant 153 : index
      %get3A_1331 = tpu.vector_load %arg15[%get3A_1330] {strides = array<i32>} : memref<272xf32, #tpu.memory_space<vmem>>, vector<16xf32>,
      %get3A_1332 = arith.constant 170 : index
      %get3A_1333 = tpu.vector_load %arg15[%get3A_1332] {strides = array<i32>} : memref<272xf32, #tpu.memory_space<vmem>>, vector<16xf32>,
      %get3A_1334 = arith.constant 187 : index
      %get3A_1335 = tpu.vector_load %arg15[%get3A_1334] {strides = array<i32>} : memref<272xf32, #tpu.memory_space<vmem>>, vector<16xf32>,
      %get3A_1336 = arith.constant 204 : index
      %get3A_1337 = tpu.vector_load %arg15[%get3A_1336] {strides = array<i32>} : memref<272xf32, #tpu.memory_space<vmem>>, vector<16xf32>,
      %get3A_1338 = arith.constant 221 : index
      %get3A_1339 = tpu.vector_load %arg15[%get3A_1338] {strides = array<i32>} : memref<272xf32, #tpu.memory_space<vmem>>, vector<16xf32>,
      %get3A_1340 = arith.constant 238 : index
      %get3A_1341 = tpu.vector_load %arg15[%get3A_1340] {strides = array<i32>} : memref<272xf32, #tpu.memory_space<vmem>>, vector<16xf32>,
      %get3A_1342 = arith.constant 255 : index
      %get3A_1343 = tpu.vector_load %arg15[%get3A_1342] {strides = array<i32>} : memref<272xf32, #tpu.memory_space<vmem>>, vector<16xf32>,
      %add3A_1344 = arith.addf %get3A_1313, %get3A_1315 : vector<16xf32>
      %add3A_1345 = arith.addf %get3A_1317, %get3A_1319 : vector<16xf32>
      %add3A_1346 = arith.addf %get3A_1321, %get3A_1323 : vector<16xf32>
      %add3A_1347 = arith.addf %get3A_1325, %get3A_1327 : vector<16xf32>
      %add3A_1348 = arith.addf %get3A_1329, %get3A_1331 : vector<16xf32>
      %add3A_1349 = arith.addf %get3A_1333, %get3A_1335 : vector<16xf32>
      %add3A_1350 = arith.addf %get3A_1337, %get3A_1339 : vector<16xf32>
      %add3A_1351 = arith.addf %get3A_1341, %get3A_1343 : vector<16xf32>
      %add3A_1352 = arith.addf %add3A_1344, %add3A_1345 : vector<16xf32>
      %add3A_1353 = arith.addf %add3A_1346, %add3A_1347 : vector<16xf32>
      %add3A_1354 = arith.addf %add3A_1348, %add3A_1349 : vector<16xf32>
      %add3A_1355 = arith.addf %add3A_1350, %add3A_1351 : vector<16xf32>
      %add3A_1356 = arith.addf %add3A_1352, %add3A_1353 : vector<16xf32>
      %add3A_1357 = arith.addf %add3A_1354, %add3A_1355 : vector<16xf32>
      %add3A_1358 = arith.addf %add3A_1356, %add3A_1357 : vector<16xf32>
      %add3A_1359 = arith.constant 9920 : i32
      %add3A_1360 = arith.addi %add3A_1359, %mul3A_81 : i32
      %swap3A = arith.index_cast %add3A_1360 : i32 to index
      %swap3A_1361 = tpu.vector_load %arg13[%swap3A] {strides = array<i32>} : memref<10000xf32, #tpu.memory_space<vmem>>, vector<16xf32>,
      tpu.vector_store %arg13[%swap3A], %add3A_1358 {strides = array<i32>} : memref<10000xf32, #tpu.memory_space<vmem>>, vector<16xf32>,
    }
    %scan3A_56 = arith.constant 5 : i32
    %min3A_57 = arith.constant 125 : i32
    %min3A_58 = arith.constant 124 : i32
    %min3A_59 = arith.minsi %min3A_57, %min3A_58 : i32
    %mul3A_60 = arith.constant 80 : i32
    %mul3A_61 = arith.muli %min3A_59, %mul3A_60 : i32
    %dma_wait3A_62 = tpu.memref_slice %arg7[%mul3A_61] : memref<10000xi32, #tpu.memory_space<vmem>> -> memref<80xi32, #tpu.memory_space<vmem>>
    %dma_wait3A_63 = arith.constant 0 : i32
    %dma_wait3A_64 = arith.constant 0 : i32
    %dma_wait3A_65 = tpu.memref_slice %arg2[%dma_wait3A_63, %dma_wait3A_64] : memref<10000x128xf32, #tpu.memory_space<hbm>> -> memref<10000x128xf32, #tpu.memory_space<hbm>>
    tpu.wait_indirect_dma semaphore(%arg18 : memref<!tpu.dma_semaphore, #tpu.memory_space<semaphore_mem>>) src(%dma_wait3A_65 : memref<10000x128xf32, #tpu.memory_space<hbm>>) dst(%arg11 : memref<80x128xf32, #tpu.memory_space<vmem>>)
    %dma_wait3A_66 = tpu.memref_slice %arg8[%mul3A_61] : memref<10000xi32, #tpu.memory_space<vmem>> -> memref<80xi32, #tpu.memory_space<vmem>>
    %dma_wait3A_67 = arith.constant 0 : i32
    %dma_wait3A_68 = arith.constant 0 : i32
    %dma_wait3A_69 = tpu.memref_slice %arg2[%dma_wait3A_67, %dma_wait3A_68] : memref<10000x128xf32, #tpu.memory_space<hbm>> -> memref<10000x128xf32, #tpu.memory_space<hbm>>
    tpu.wait_indirect_dma semaphore(%arg19 : memref<!tpu.dma_semaphore, #tpu.memory_space<semaphore_mem>>) src(%dma_wait3A_69 : memref<10000x128xf32, #tpu.memory_space<hbm>>) dst(%arg12 : memref<80x128xf32, #tpu.memory_space<vmem>>)
    %scan3A_70 = arith.constant 0 : i32
    %scan3A_71 = arith.constant 625 : i32
    %scan3A_72 = arith.addi %scan3A_70, %scan3A_71 : i32
    %scan3A_73 = arith.constant 1 : i32
    scf.for %scan3A_75 = %scan3A_70 to %scan3A_72 step %scan3A_73  : i32 {
      %mul3A_76 = arith.constant 1 : i32
      %mul3A_77 = arith.muli %scan3A_75, %mul3A_76 : i32
      %add3A_78 = arith.constant 0 : i32
      %add3A_79 = arith.addi %add3A_78, %mul3A_77 : i32
      %mul3A_80 = arith.constant 16 : i32
      %mul3A_81 = arith.muli %add3A_79, %mul3A_80 : i32
      %get3A = arith.index_cast %mul3A_81 : i32 to index
      %get3A_82 = tpu.vector_load %arg13[%get3A] {strides = array<i32>} : memref<10000xf32, #tpu.memory_space<vmem>>, vector<16xf32>,
      %add3A_83 = arith.constant 1.000000e-07 : f32
      %add3A_84 = vector.broadcast %add3A_83 : f32 to vector<16xf32>
      %add3A_85 = arith.addf %get3A_82, %add3A_84 : vector<16xf32>
      %bitcast3A = vector.bitcast %add3A_85 : vector<16xf32> to vector<16xi32>
      %shift_right_arithmetic3A = arith.constant 1 : i32
      %shift_right_arithmetic3A_86 = vector.broadcast %shift_right_arithmetic3A : i32 to vector<16xi32>
      %shift_right_arithmetic3A_87 = arith.shrsi %bitcast3A, %shift_right_arithmetic3A_86 : vector<16xi32>
      %sub3A = arith.constant 1597463007 : i32
      %sub3A_88 = vector.broadcast %sub3A : i32 to vector<16xi32>
      %sub3A_89 = arith.subi %sub3A_88, %shift_right_arithmetic3A_87 : vector<16xi32>
      %bitcast3A_90 = vector.bitcast %sub3A_89 : vector<16xi32> to vector<16xf32>
      %mul3A_91 = arith.constant -5.000000e-01 : f32
      %mul3A_92 = vector.broadcast %mul3A_91 : f32 to vector<16xf32>
      %mul3A_93 = arith.mulf %add3A_85, %mul3A_92 : vector<16xf32>
      %mul3A_94 = arith.mulf %mul3A_93, %bitcast3A_90 : vector<16xf32>
      %mul3A_95 = arith.mulf %mul3A_94, %bitcast3A_90 : vector<16xf32>
      %add3A_96 = arith.constant 1.500000e+00 : f32
      %add3A_97 = vector.broadcast %add3A_96 : f32 to vector<16xf32>
      %add3A_98 = arith.addf %add3A_97, %mul3A_95 : vector<16xf32>
      %mul3A_99 = arith.mulf %bitcast3A_90, %add3A_98 : vector<16xf32>
      %mul3A_100 = arith.mulf %mul3A_93, %mul3A_99 : vector<16xf32>
      %mul3A_101 = arith.mulf %mul3A_100, %mul3A_99 : vector<16xf32>
      %add3A_102 = arith.constant 1.500000e+00 : f32
      %add3A_103 = vector.broadcast %add3A_102 : f32 to vector<16xf32>
      %add3A_104 = arith.addf %add3A_103, %mul3A_101 : vector<16xf32>
      %mul3A_105 = arith.mulf %mul3A_99, %add3A_104 : vector<16xf32>
      %mul3A_106 = arith.mulf %mul3A_93, %mul3A_105 : vector<16xf32>
      %mul3A_107 = arith.mulf %mul3A_106, %mul3A_105 : vector<16xf32>
      %add3A_108 = arith.constant 1.500000e+00 : f32
      %add3A_109 = vector.broadcast %add3A_108 : f32 to vector<16xf32>
      %add3A_110 = arith.addf %add3A_109, %mul3A_107 : vector<16xf32>
      %mul3A_111 = arith.mulf %mul3A_105, %add3A_110 : vector<16xf32>
      %mul3A_112 = arith.mulf %mul3A_93, %mul3A_111 : vector<16xf32>
      %mul3A_113 = arith.mulf %mul3A_112, %mul3A_111 : vector<16xf32>
      %add3A_114 = arith.constant 1.500000e+00 : f32
      %add3A_115 = vector.broadcast %add3A_114 : f32 to vector<16xf32>
      %add3A_116 = arith.addf %add3A_115, %mul3A_113 : vector<16xf32>
      %mul3A_117 = arith.mulf %mul3A_111, %add3A_116 : vector<16xf32>
      %min3A_118 = arith.constant 1.000000e+01 : f32
      %min3A_119 = vector.broadcast %min3A_118 : f32 to vector<16xf32>
      %min3A_120 = arith.minimumf %mul3A_117, %min3A_119 : vector<16xf32>
      %add3A_121 = arith.constant 9.99999971E-10 : f32
      %add3A_122 = vector.broadcast %add3A_121 : f32 to vector<16xf32>
      %add3A_123 = arith.addf %min3A_120, %add3A_122 : vector<16xf32>
      %gt3A = arith.constant 4.000000e+02 : f32
      %gt3A_124 = vector.broadcast %gt3A : f32 to vector<16xf32>
      %gt3A_125 = arith.cmpf ogt, %add3A_85, %gt3A_124 : vector<16xf32>
      %jit3A = arith.constant 9.99999971E-10 : f32
      %broadcast_in_dim3A_126 = vector.broadcast %jit3A : f32 to vector<16xf32>
      %select_n3A = arith.select %gt3A_125, %broadcast_in_dim3A_126, %add3A_123 : vector<16xi1>, vector<16xf32>
      %swap3A = arith.index_cast %mul3A_81 : i32 to index
      %swap3A_127 = tpu.vector_load %arg13[%swap3A] {strides = array<i32>} : memref<10000xf32, #tpu.memory_space<vmem>>, vector<16xf32>,
      tpu.vector_store %arg13[%swap3A], %select_n3A {strides = array<i32>} : memref<10000xf32, #tpu.memory_space<vmem>>, vector<16xf32>,
      %get3A_128 = arith.index_cast %mul3A_81 : i32 to index
      %get3A_129 = tpu.vector_load %arg8[%get3A_128] {strides = array<i32>} : memref<10000xi32, #tpu.memory_space<vmem>>, vector<16xi32>,
      tpu.vector_store_idx %arg14[%get3A_129], %select_n3A {add = true} : memref<10240xf32, #tpu.memory_space<vmem>>[vector<16xi32>], vector<16xf32>,
    }
    %scan3A_74 = arith.constant 625 : i32
    "tpu.region"() ({
      %run_scoped3A = tpu.sem_alloc : memref<!tpu.dma_semaphore, #tpu.memory_space<semaphore_mem>>
      %dma_start3A_75 = tpu.memref_slice %arg5[%mul3A_2] : memref<320000xf32, #tpu.memory_space<hbm>> -> memref<10000xf32, #tpu.memory_space<hbm>>
      %dma_start3A_76 = tpu.memref_slice %arg5[%mul3A_2] : memref<320000xf32, #tpu.memory_space<hbm>> -> memref<10000xf32, #tpu.memory_space<hbm>>
      tpu.enqueue_dma source(%arg13 : memref<10000xf32, #tpu.memory_space<vmem>>) target(%dma_start3A_76 : memref<10000xf32, #tpu.memory_space<hbm>>) target_semaphore(%run_scoped3A : memref<!tpu.dma_semaphore, #tpu.memory_space<semaphore_mem>>)
      %dma_wait3A_77 = tpu.memref_slice %arg5[%mul3A_2] : memref<320000xf32, #tpu.memory_space<hbm>> -> memref<10000xf32, #tpu.memory_space<hbm>>
      %dma_wait3A_78 = tpu.memref_slice %arg5[%mul3A_2] : memref<320000xf32, #tpu.memory_space<hbm>> -> memref<10000xf32, #tpu.memory_space<hbm>>
      tpu.wait_dma2 semaphore(%run_scoped3A : memref<!tpu.dma_semaphore, #tpu.memory_space<semaphore_mem>>) src(%arg13 : memref<10000xf32, #tpu.memory_space<vmem>>) dst(%dma_wait3A_78 : memref<10000xf32, #tpu.memory_space<hbm>>)
      tpu.yield
    }) : () -> ()
    "tpu.region"() ({
      %run_scoped3A = tpu.sem_alloc : memref<!tpu.dma_semaphore, #tpu.memory_space<semaphore_mem>>
      %dma_start3A_75 = arith.constant 0 : i32
      %dma_start3A_76 = tpu.memref_slice %arg6[%add3A, %dma_start3A_75] : memref<32x10240xf32, #tpu.memory_space<hbm>> -> memref<1x10240xf32, #tpu.memory_space<hbm>>
      %dma_start3A_77 = tpu.memref_squeeze %dma_start3A_76 : memref<1x10240xf32, #tpu.memory_space<hbm>> -> memref<10240xf32, #tpu.memory_space<hbm>>
      %dma_start3A_78 = arith.constant 0 : i32
      %dma_start3A_79 = tpu.memref_slice %arg6[%add3A, %dma_start3A_78] : memref<32x10240xf32, #tpu.memory_space<hbm>> -> memref<1x10240xf32, #tpu.memory_space<hbm>>
      %dma_start3A_80 = tpu.memref_squeeze %dma_start3A_79 : memref<1x10240xf32, #tpu.memory_space<hbm>> -> memref<10240xf32, #tpu.memory_space<hbm>>
      tpu.enqueue_dma source(%arg14 : memref<10240xf32, #tpu.memory_space<vmem>>) target(%dma_start3A_80 : memref<10240xf32, #tpu.memory_space<hbm>>) target_semaphore(%run_scoped3A : memref<!tpu.dma_semaphore, #tpu.memory_space<semaphore_mem>>)
      %dma_wait3A_81 = arith.constant 0 : i32
      %dma_wait3A_82 = tpu.memref_slice %arg6[%add3A, %dma_wait3A_81] : memref<32x10240xf32, #tpu.memory_space<hbm>> -> memref<1x10240xf32, #tpu.memory_space<hbm>>
      %dma_wait3A_83 = tpu.memref_squeeze %dma_wait3A_82 : memref<1x10240xf32, #tpu.memory_space<hbm>> -> memref<10240xf32, #tpu.memory_space<hbm>>
      %dma_wait3A_84 = arith.constant 0 : i32
      %dma_wait3A_85 = tpu.memref_slice %arg6[%add3A, %dma_wait3A_84] : memref<32x10240xf32, #tpu.memory_space<hbm>> -> memref<1x10240xf32, #tpu.memory_space<hbm>>
      %dma_wait3A_86 = tpu.memref_squeeze %dma_wait3A_85 : memref<1x10240xf32, #tpu.memory_space<hbm>> -> memref<10240xf32, #tpu.memory_space<hbm>>
      tpu.wait_dma2 semaphore(%run_scoped3A : memref<!tpu.dma_semaphore, #tpu.memory_space<semaphore_mem>>) src(%arg14 : memref<10240xf32, #tpu.memory_space<vmem>>) dst(%dma_wait3A_86 : memref<10240xf32, #tpu.memory_space<hbm>>)
      tpu.yield
    }) : () -> ()
    return
  }
}

module attributes {stable_mosaic.version = 14 : i64} {
  func.func @_combine_body(%arg0: memref<32x80x128xf32, #tpu.memory_space<vmem>>, %arg1: memref<80x128xf32, #tpu.memory_space<vmem>>) attributes {dimension_semantics = [], scalar_prefetch = 0 : i64, scratch_operands = 0 : i64, tpu.core_type = #tpu.core_type<tc>} {
    %get3A = arith.constant 0 : index
    %get3A_0 = arith.constant 0 : index
    %get3A_1 = arith.constant 0 : index
    %get3A_2 = vector.load %arg0[%get3A, %get3A_0, %get3A_1] : memref<32x80x128xf32, #tpu.memory_space<vmem>>, vector<32x80x128xf32>
    %reduce_sum3A = arith.constant dense<0.000000e+00> : vector<80x128xf32>
    %reduce_sum3A_3 = vector.multi_reduction <add>, %get3A_2, %reduce_sum3A [0] : vector<32x80x128xf32> to vector<80x128xf32>
    %swap3A = arith.constant 0 : index
    %swap3A_4 = arith.constant 0 : index
    %swap3A_5 = vector.load %arg1[%swap3A, %swap3A_4] : memref<80x128xf32, #tpu.memory_space<vmem>>, vector<80x128xf32>
    tpu.vector_store %arg1[%swap3A, %swap3A_4], %reduce_sum3A_3 {strides = array<i32>} : memref<80x128xf32, #tpu.memory_space<vmem>>, vector<80x128xf32>,
    return
  }
}

</mosaic_0001>

<sc_bundles>
// kernel: kernel.4.cloned.1.call-start
scs
__scs_entry_jumppad:
0x0: {  	(pc) =	sbr.rel $0x88, $3  }
0x1: {  	(tag) =	ssettag $0x0;
	lr =	simm.s32 $0x1  }
0x2: {  	[smem:$0x3F9F] =	sst lr;
	_ =	strace $0xD0000000  }
0x3: {  	_ = 	snop  }
0x4: {  	_ = 	snop  }
0x5: {  	_ = 	snop  }
0x6: {  	_ = 	snop  }
0x7: {  	_ = 	snop  }
__scs_overlays_trampoline_lowered:
0x8: {  	[smem:$0x3FAE] =	sst s0  }
0x9: {  	[smem:$0x3FAF] =	sst s1  }
0xa: {  	[smem:$0x3FB0] =	sst s2  }
0xb: {  	[smem:$0x3FB1] =	sst s3  }
0xc: {  	[smem:$0x3FB2] =	sst s4  }
0xd: {  	[smem:$0x3FB3] =	sst s5  }
0xe: {  	[smem:$0x3FB4] =	sst s6  }
0xf: {  	[smem:$0x3FB5] =	sst s7  }
0x10: {  	[smem:$0x3FB6] =	sst s8  }
0x11: {  	[smem:$0x3FB7] =	sst s9;
	s0 =	simm.s32 @!p0 $0x0  }
0x12: {  	s1 =	sld [smem:$0x3F9D];
	s0 =	simm.s32 @p0 $0x1  }
0x13: {  	[smem:$0x3FB8] =	sst s0;
	s0 =	simm.s32 @!p1 $0x0  }
0x14: {  	s2 =	sld [smem:$0x3F9C];
	s0 =	simm.s32 @p1 $0x1  }
0x15: {  	[smem:$0x3FB9] =	sst s0;
	s0 =	simm.s32 @!p2 $0x0  }
0x16: {  	s3 =	sld [smem:$0x3FDB];
	s0 =	simm.s32 @p2 $0x1  }
0x17: {  	s4 =	simm.s32 $0x1BF5;
	[smem:$0x3FBB] =	sst s0  }
0x18: {  	s0 =	sld [smem:$0x3F9E];
	_ =	swait.ge [sflag:s4], $0x0  }
0x19: {  	s7 =	sld [smem:$0x3F9F]  }
0x1a: {  	s8 =	sadd.s32 $0xFFFFE003, lr  }
0x1b: {  	s9 =	sadd.s32 $0xFFFFFEF7, lr;
	s5 =	simm.s32 $0xFFFFFFFF;
	p2 =	slt.u32 s8, $0xFFFFF086  }
0x1c: {  	p1 =	slt.u32 s9, $0xF7A;
	s5 =	simm.s32 @!p2 $0x0  }
0x1d: {  	s5 =	simm.s32 @p1 $0x1;
	p0 =	seq.s32 s7, s2  }
0x1e: {  	s7 =	smul.u32 @!p0 $0xF7A, s2;
	p2 =	seq.s32 @!p0 s5, $0x0  }
0x1f: {  	s9 =	smul.u32 $0xF7A, s1;
	s8 =	simm.s32 @!p0 $0x1BF5;
	p2 =	por !p2, p0  }
0x20: {  	[sflag:s8] =	ssyncset.s32 @!p0 $0xFFFFF086;
	s6 =	sadd.s32 @!p0 s3, s7;
	s7 =	simm.s32 @!p0 $0x108  }
0x21: {  	s3 =	sadd.s32 s3, s9;
	s6 =	sadd.s32 @!p0 $0x88, s6;
	s7 =	simm.s32 @p2 $0x1082  }
0x22: {  	[simem:s7], [sflag:s8] =	dma.local @!p0 [hbm:s6], $0xF7A  }
0x23: {  	s9 =	sor.u32 $0xD0000000, s2;
	s6 =	simm.s32 $0x108;
	_ =	swait.ge @!p0 [sflag:s8], $0x0  }
0x24: {  	s3 =	sadd.s32 $0x88, s3;
	s6 =	simm.s32 @!p1 $0x1082;
	[sflag:s4] =	ssyncset.s32 $0xFFFFF086  }
0x25: {  	[simem:s6], [sflag:s4] =	dma.local [hbm:s3], $0xF7A  }
0x26: {  	[smem:$0x3F9F] =	sst s1;
	(tag) =	ssettag s2;
	_ =	strace s9  }
0x27: {  	s1 =	sld [smem:$0x3FAF]  }
0x28: {  	s2 =	sld [smem:$0x3FB0]  }
0x29: {  	s4 =	sld [smem:$0x3FB2]  }
0x2a: {  	p0 =	seq.s32 s5, $0x0;
	s5 =	sld [smem:$0x3FB3]  }
0x2b: {  	s6 =	sld [smem:$0x3FB4]  }
0x2c: {  	s7 =	sld [smem:$0x3FB5]  }
0x2d: {  	s3 =	simm.s32 $0x108;
	s8 =	sld [smem:$0x3FB6]  }
0x2e: {  	s3 =	simm.s32 @!p0 $0x1082;
	s9 =	sld [smem:$0x3FB7]  }
0x2f: {  	lr =	sadd.s32 s0, s3;
	s0 =	sld [smem:$0x3FAE]  }
0x30: {  	s3 =	sld [smem:$0x3FB1]  }
0x31: {  	[smem:$0x3FBA] =	sst s10  }
0x32: {  	s10 =	sld [smem:$0x3FB8];
	_ =	sdelay $0x3  }
0x33: {  	p0 =	seq.s32 s10, $0x1;
	s10 =	sld [smem:$0x3FBA];
	_ =	sdelay $0x3  }
0x34: {  	[smem:$0x3FBA] =	sst s10  }
0x35: {  	s10 =	sld [smem:$0x3FB9];
	_ =	sdelay $0x3  }
0x36: {  	p1 =	seq.s32 s10, $0x1;
	s10 =	sld [smem:$0x3FBA];
	_ =	sdelay $0x3  }
0x37: {  	[smem:$0x3FBA] =	sst s10  }
0x38: {  	s10 =	sld [smem:$0x3FBB]  }
0x39: {  	_ = 	snop;
	(pc) =	sbr.ind lr, $3  }
0x3a: {  	_ = 	snop  }
0x3b: {  	_ = 	snop  }
0x3c: {  	p2 =	seq.s32 s10, $0x1;
	s10 =	sld [smem:$0x3FBA]  }
0x3d: {  	_ =	shalt  }
0x3e: {  	_ =	shalt  }
0x3f: {  	_ =	shalt  }
0x40: {  	_ =	shalt  }
0x41: {  	_ =	shalt  }
0x42: {  	_ =	shalt  }
0x43: {  	_ =	shalt  }
0x44: {  	_ =	shalt  }
0x45: {  	_ =	shalt  }
0x46: {  	_ =	shalt  }
0x47: {  	_ =	shalt  }
0x48: {  	_ =	shalt  }
0x49: {  	_ =	shalt  }
0x4a: {  	_ =	shalt  }
0x4b: {  	_ =	shalt  }
0x4c: {  	_ =	shalt  }
0x4d: {  	_ =	shalt  }
0x4e: {  	_ =	shalt  }
0x4f: {  	_ =	shalt  }
0x50: {  	_ =	shalt  }
0x51: {  	_ =	shalt  }
0x52: {  	_ =	shalt  }
0x53: {  	_ =	shalt  }
0x54: {  	_ =	shalt  }
0x55: {  	_ =	shalt  }
0x56: {  	_ =	shalt  }
0x57: {  	_ =	shalt  }
0x58: {  	_ =	shalt  }
0x59: {  	_ =	shalt  }
0x5a: {  	_ =	shalt  }
0x5b: {  	_ =	shalt  }
0x5c: {  	_ =	shalt  }
0x5d: {  	_ =	shalt  }
0x5e: {  	_ =	shalt  }
0x5f: {  	_ =	shalt  }
0x60: {  	_ =	shalt  }
0x61: {  	_ =	shalt  }
0x62: {  	_ =	shalt  }
0x63: {  	_ =	shalt  }
0x64: {  	_ =	shalt  }
0x65: {  	_ =	shalt  }
0x66: {  	_ =	shalt  }
0x67: {  	_ =	shalt  }
0x68: {  	_ =	shalt  }
0x69: {  	_ =	shalt  }
0x6a: {  	_ =	shalt  }
0x6b: {  	_ =	shalt  }
0x6c: {  	_ =	shalt  }
0x6d: {  	_ =	shalt  }
0x6e: {  	_ =	shalt  }
0x6f: {  	_ =	shalt  }
0x70: {  	_ =	shalt  }
0x71: {  	_ =	shalt  }
0x72: {  	_ =	shalt  }
0x73: {  	_ =	shalt  }
0x74: {  	_ =	shalt  }
0x75: {  	_ =	shalt  }
0x76: {  	_ =	shalt  }
0x77: {  	_ =	shalt  }
0x78: {  	_ =	shalt  }
0x79: {  	_ =	shalt  }
0x7a: {  	_ =	shalt  }
0x7b: {  	_ =	shalt  }
0x7c: {  	_ =	shalt  }
0x7d: {  	_ =	shalt  }
0x7e: {  	_ =	shalt  }
0x7f: {  	_ =	shalt  }
0x80: {  	_ =	shalt  }
0x81: {  	_ =	shalt  }
0x82: {  	_ =	shalt  }
0x83: {  	_ =	shalt  }
0x84: {  	_ =	shalt  }
0x85: {  	_ =	shalt  }
0x86: {  	_ =	shalt  }
0x87: {  	_ =	shalt  }
.Lfunc_end0:
.L_simem_size_0:
called_computation_lowered:
.L_overlay_start_0:
0x88: {  	s2 =	sld [smem:$0x3FD9]  }
0x89: {  	s3 =	sld [smem:$0x3FFE];
	_ =	sdelay $0x1  }
0x8a: {  	s1 =	srdreg.scid  }
0x8b: {  	s0 =	sand.u32 $0x1, s1  }
0x8c: {  	s14 =	sshll.u32 s0, $0xA;
	s2 =	sadd.s32 s3, s2  }
0x8d: {  	s2 =	sadd.s32 s2, s14  }
0x8e: {  	[smem:$0x3FC6] =	sst s2  }
0x8f: {  	_ = 	snop  }
0x90: {  	s2 =	sld [smem:$0x3FD0];
	_ =	sdelay $0x2  }
0x91: {  	s4 =	simm.s32 $0xA;
	s5 =	simm.s32 $0x10;
	s15 =	sld [smem:$0x3FC9]  }
0x92: {  	[smem:s5], [sflag:s4] =	dma.local [hbm:s2], $0x1  }
0x93: {  	_ =	swait.eq [sflag:s4], $0x1  }
0x94: {  	[sflag:s4] =	ssyncset.done $0x0  }
0x95: {  	[sflag:s4] =	ssyncadd.s32 $0xFFFFFFFF  }
0x96: {  	s16 =	sld [smem:$0x10];
	(tm) =	ssettm $0x1  }
0x97: {  	s17 =	sld [smem:$0x3FFB];
	_ =	sdelay $0x3  }
0x98: {  	_ =	strace s17  }
0x99: {  	s4 =	sld [smem:$0x3FFC];
	_ =	sdelay $0x3  }
0x9a: {  	_ =	strace s4  }
0x9b: {  	s4 =	sld [smem:$0x3FFD];
	_ =	sdelay $0x3  }
0x9c: {  	_ =	strace s4  }
0x9d: {  	_ =	strace $0x8FFFFFFF  }
0x9e: {  	s18 =	sld [smem:$0x3FDB];
	_ =	sdelay $0x1  }
0x9f: {  	s19 =	simm.s32 $_scs_section_size  }
0xa0: {  	s6 =	simm.s32 $_size__tile_overlayer_lowered;
	s7 =	simm.s32 $_tile_overlayer_lowered  }
0xa1: {  	s22 =	simm.s32 $0x1BFF;
	s21 =	sshll.u32 s7, $0x1;
	s4 =	sadd.s32 s19, s18  }
0xa2: {  	s8 =	simm.s32 $0x0;
	s20 =	sshll.u32 s6, $0x1;
	s6 =	sadd.s32 s21, s4  }
0xa3: {  	[timem:s8], [sflag:s22] =	dma.local [hbm:s6], s20  }
0xa4: {  	_ =	swait.ge [sflag:s22], s20  }
0xa5: {  	s5 =	ssub.s32 $0x0, s20;
	[sflag:s22] =	ssyncset.done $0x0  }
0xa6: {  	[sflag:s22] =	ssyncadd.s32 s5;
	_ =	sdelay $0x1  }
0xa7: {  	s23 =	simm.s32 $0x1B8B  }
0xa8: {  	_ =	swait.ge [sflag:s23], $0x1  }
0xa9: {  	[sflag:s23] =	ssyncset.done $0x0  }
0xaa: {  	s25 =	simm.s32 $0x1B8E;
	s24 =	sld [smem:$0x3FFE];
	[sflag:s23] =	ssyncadd.s32 $0xFFFFFFFF  }
0xab: {  	s26 =	simm.s32 $execute0_lowered;
	[smem:$0x3FD2] =	sst s25  }
0xac: {  	s6 =	sshll.u32 s26, $0x1;
	_ =	strace $0x80000046;
	[dreg:$0x1] =	wrdreg $0xFFFFFFFF  }
0xad: {  	s28 =	simm.s32 $_size_execute0_lowered;
	s4 =	sadd.s32 s4, s6;
	[dreg:$0x0] =	wrdreg $0x0  }
0xae: {  	s6 =	sshll.u32 s28, $0x1;
	[dreg:$0x2] =	wrdreg s4  }
0xaf: {  	[dreg:$0x3] =	wrdreg s6  }
0xb0: {  	[dreg:$0x4] =	wrdreg $0xC0  }
0xb1: {  	_ =	task [dreg:s8], $0x5FFFF  }
0xb2: {  	[dreg:$0x1] =	wrdreg $0xFFFFFFFF  }
0xb3: {  	[dreg:$0x0] =	wrdreg $0x60  }
0xb4: {  	[dreg:$0x2] =	wrdreg s15  }
0xb5: {  	[dreg:$0x3] =	wrdreg s24  }
0xb6: {  	[dreg:$0x4] =	wrdreg s16  }
0xb7: {  	[dreg:$0x5] =	wrdreg $0x9  }
0xb8: {  	_ =	task.clear_ibuf [dreg:s8], $0x6FFFF;
	_ =	strace $0x90000046  }
0xb9: {  	s29 =	simm.s32 $0x9;
	_ =	strace $0x80000048  }
0xba: {  	_ =	swait.ge [sflag:s29], $0x1  }
0xbb: {  	[sflag:s29] =	ssyncadd.s32 $0xFFFFFFFF  }
0xbc: {  	_ =	strace $0x90000048  }
0xbd: {  	_ =	sfence  }
0xbe: {  	s30 =	sld [smem:$0x0];
	_ =	sdelay $0x2  }
0xbf: {  	s31 =	sshll.u32 s1, $0xD;
	s1 =	sshrl.u32 s1, $0x2  }
0xc0: {  	s3 =	sand.u32 $0x4000, s31;
	s1 =	sadd.s32 s1, s30  }
0xc1: {  	s0 =	sor.u32 s3, s0;
	s1 =	sshll.u32 s1, $0x11  }
0xc2: {  	s0 =	sor.u32 s1, s0  }
0xc3: {  	s0 =	sadd.s32 $0x8F2B, s0  }
0xc4: {  	[sflag:s0] =	ssyncadd.remote.s32 $0x1  }
0xc5: {  	_ =	sfence.sel $0xFFFF  }
0xc6: {  	[dreg:$0x0] =	wrdreg $0xFFFFFFFF;
	(pc) =	sbr.abs _section_cstart, $3  }
0xc7: {  	[dreg:$0x1] =	wrdreg $0xFFFFFFFF  }
0xc8: {  	_ =	task.clear_ibuf [dreg:s8], $0x2FFFF;
	_ =	strace $0x9FFFFFFF  }
0xc9: {  	(tm) =	ssettm $0x7FFFFFFF  }
tec
execute0_lowered:
.L_overlay_start_1:
0x0: {  	(tag) =	ssettag $0x1  }
0x1: {  	s1 =	rddreg [dreg:$0x0];
	s2 =	srdreg.scid  }
0x2: {  	s0 =	stileid.u32;
	s4 =	rddreg [dreg:$0x1]  }
0x3: {  	s6 =	rddreg [dreg:$0x2];
	s3 =	simm.s32 $0x0;
	s11 =	simm.s32 $0x50  }
0x4: {  	s12 =	simm.s32 $0x4E20;
	s13 =	simm.s32 $0x7620;
	s14 =	simm.s32 $0x9E20  }
0x5: {  	s15 =	simm.s32 $0x2760;
	s16 =	simm.s32 $0xC620;
	s17 =	simm.s32 $0x1  }
0x6: {  	s18 =	simm.s32 $0x2;
	s19 =	simm.s32 $0x13D30;
	s20 =	simm.s32 $0x3  }
0x7: {  	v0 =	vlaneseq.u32;
	s21 =	simm.s32 $0x4;
	s5 =	sand.u32 $0x1, s2;
	s31 =	sshll.u32 s0, $0x1  }
0x8: {  	s22 =	simm.s32 $0x11530;
	s23 =	simm.s32 $0xEE20;
	v0 =	vmul.u32 $0x11, v0;
	s7 =	sor.u32 s5, s31  }
0x9: {  	v1 =	vimm.f32 $0.0e+00;
	s24 =	simm.s32 $0x0;
	s5 =	ssub.s32 $0x2, s5;
	s8 =	smul.u32 $0x4E2, s7  }
0xa: {  	[smem:$0x7FF] =	sst s3;
	s7 =	smul.u32 $0x500, s7;
	s9 =	sshrl.u32 s5, $0x1;
	v2 =	vadd.s32 $0x1, v0;
	v3 =	vadd.s32 $0x2, v0;
	v4 =	vadd.s32 $0x3, v0  }
0xb: {  	s2 =	rddreg [dreg:$0x3];
	_ =	strace $0x80000047;
	v5 =	vadd.s32 $0x4, v0;
	v6 =	vadd.s32 $0x5, v0;
	v7 =	vadd.s32 $0x6, v0;
	s9 =	ssub.s32 s5, s9  }
0xc: {  	v8 =	vadd.s32 $0x7, v0;
	v9 =	vadd.s32 $0x8, v0;
	v10 =	vadd.s32 $0x9, v0;
	s10 =	sadd.s32 s8, s4;
	s7 =	sadd.s32 s7, s4;
	s6 =	sadd.s32 s6, s8  }
0xd: {  	v11 =	vadd.s32 $0xA, v0;
	v12 =	vadd.s32 $0xB, v0;
	v13 =	vadd.s32 $0xC, v0;
	s8 =	smax.u32 s9, $0x1;
	s9 =	simm.s32 $0x5;
	s4 =	sadd.s32 $0xA000, s10  }
0xe: {  	v14 =	vadd.s32 $0xD, v0;
	v15 =	vadd.s32 $0xE, v0;
	v16 =	vadd.s32 $0xF, v0;
	s5 =	sadd.s32 $0x200, s10;
	s7 =	sadd.s32 $0x13E00, s7;
	s10 =	simm.s32 $0x2710  }
.LBB2_1:
0xf: {  	[tilespmem:s3], [sflag:$0x5] =	stream.linear.gather [hbm4b:s4+s3], $0x2710, $0x38;
	[tilespmem:$0x13E40] =	vst v63  }
0x10: {  	_ =	swait.ge [sflag:s9], $0x2710  }
0x11: {  	[sflag:s9] =	ssyncset.done $0x0  }
0x12: {  	[sflag:s9] =	ssyncadd.s32 $0xFFFFD8F0  }
0x13: {  	[tilespmem:s10], [sflag:$0x5] =	stream.linear.gather [hbm4b:s5+s3], $0x2710, $0x38;
	[tilespmem:$0x13E40] =	vst v63  }
0x14: {  	_ =	swait.ge [sflag:s9], $0x2710  }
0x15: {  	[sflag:s9] =	ssyncset.done $0x0  }
0x16: {  	s25 =	simm.s32 $0x40;
	s26 =	simm.s32 $0x0;
	[sflag:s9] =	ssyncadd.s32 $0xFFFFD8F0  }
.LBB2_2:
0x17: {  	p0 =	sne.s32 s25, $0x9FC0;
	[tilespmem:s26+$0x11530] =	vst v1;
	s26 =	smov.u32 s25;
	s25 =	sadd.s32 $0x40, s25  }
.Ltmp0:
0x18: {  	(pc) =	sbr.rel @p0 .LBB2_2-.Ltmp0, $2  }
0x19: {  	_ =	sdelay $0x2  }
0x1a: {  	s26 =	sshra.s32 s26, $0x2  }
0x1b: {  	[tilespmem:s26+$0x11530] =	vst v1;
	s25 =	simm.s32 $0x0  }
0x1c: {  	[tilespmem:s12], [sflag:$0x1] =	stream.indirect.gather [hbm4b:s1+s11], $0x80, s25, s11, $0xb8;
	[tilespmem:$0x13E40] =	vst v63  }
0x1d: {  	_ = 	snop  }
0x1e: {  	[tilespmem:s13], [sflag:$0x2] =	stream.indirect.gather [hbm4b:s1+s11], $0x80, s10, s11, $0xb8;
	[tilespmem:$0x13E40] =	vst v63  }
0x1f: {  	_ = 	snop  }
0x20: {  	[tilespmem:s14], [sflag:$0x3] =	stream.indirect.gather [hbm4b:s1+s11], $0x80, s11, s11, $0xb8;
	[tilespmem:$0x13E40] =	vst v63  }
0x21: {  	_ = 	snop  }
0x22: {  	[tilespmem:s16], [sflag:$0x4] =	stream.indirect.gather [hbm4b:s1+s11], $0x80, s15, s11, $0xb8;
	[tilespmem:$0x13E40] =	vst v63  }
.LBB2_4:
0x23: {  	_ =	swait.ge [sflag:s17], $0x2800  }
0x24: {  	s26 =	smul.u32 $0x280, s25;
	[sflag:s17] =	ssyncset.done $0x0  }
0x25: {  	[sflag:s17] =	ssyncadd.s32 $0xFFFFD800  }
0x26: {  	s26 =	sshra.s32 s26, $0x2;
	_ =	swait.ge [sflag:s18], $0x2800  }
0x27: {  	s28 =	sadd.s32 $0xEE20, s26;
	[sflag:s18] =	ssyncset.done $0x0  }
0x28: {  	v17 =	vmov s28;
	s28 =	simm.s32 $0x0;
	[sflag:s18] =	ssyncadd.s32 $0xFFFFD800  }
.LBB2_5:
0x29: {  	s29 =	sshll.u32 s28, $0xB  }
0x2a: {  	v18 =	vld [tilespmem:s29+$0x4E20]  }
0x2b: {  	v19 =	vld [tilespmem:s29+$0x7620]  }
0x2c: {  	v20 =	vld [tilespmem:s29+$0x4E30]  }
0x2d: {  	v21 =	vld [tilespmem:s29+$0x7630]  }
0x2e: {  	v22 =	vld [tilespmem:s29+$0x4E40]  }
0x2f: {  	v23 =	vld [tilespmem:s29+$0x7640]  }
0x30: {  	v24 =	vld [tilespmem:s29+$0x4E50]  }
0x31: {  	v25 =	vld [tilespmem:s29+$0x7650]  }
0x32: {  	v58 =	vld [tilespmem:s29+$0x4E60];
	v18 =	vsub.f32 v18, v19;
	v19 =	vsub.f32 v20, v21  }
0x33: {  	v59 =	vld [tilespmem:s29+$0x7660]  }
0x34: {  	v60 =	vld [tilespmem:s29+$0x4E70];
	v22 =	vsub.f32 v22, v23;
	v18 =	vmul.f32 v18, v18;
	v19 =	vmul.f32 v19, v19  }
0x35: {  	v26 =	vld [tilespmem:s29+$0x7670]  }
0x36: {  	v62 =	vld [tilespmem:s29+$0x4E80];
	v61 =	vsub.f32 v24, v25;
	v18 =	vadd.f32 v19, v18;
	v19 =	vmul.f32 v22, v22  }
0x37: {  	v63 =	vld [tilespmem:s29+$0x7680]  }
0x38: {  	v28 =	vld [tilespmem:s29+$0x4E90];
	v20 =	vsub.f32 v58, v59;
	v18 =	vadd.f32 v19, v18;
	v19 =	vmul.f32 v61, v61  }
0x39: {  	v29 =	vld [tilespmem:s29+$0x7690]  }
0x3a: {  	v30 =	vsub.f32 v60, v26;
	v18 =	vadd.f32 v19, v18;
	v19 =	vmul.f32 v20, v20;
	_ =	sdelay $0x1  }
0x3b: {  	v31 =	vsub.f32 v62, v63;
	v18 =	vadd.f32 v19, v18;
	v19 =	vmul.f32 v30, v30;
	_ =	sdelay $0x1  }
0x3c: {  	v32 =	vsub.f32 v28, v29;
	v18 =	vadd.f32 v19, v18;
	v19 =	vmul.f32 v31, v31;
	_ =	sdelay $0x1  }
0x3d: {  	v18 =	vadd.f32 v19, v18;
	v19 =	vmul.f32 v32, v32;
	_ =	sdelay $0x1  }
0x3e: {  	v18 =	vadd.f32 v19, v18;
	_ =	sdelay $0x1  }
0x3f: {  	[tilespmem:v0+s19+$0x0] =	vst.idx.msk $0xffff, v18  }
0x40: {  	v18 =	vld [tilespmem:s29+$0x4EA0]  }
0x41: {  	v19 =	vld [tilespmem:s29+$0x76A0]  }
0x42: {  	v33 =	vld [tilespmem:s29+$0x4EB0]  }
0x43: {  	v34 =	vld [tilespmem:s29+$0x76B0]  }
0x44: {  	v35 =	vld [tilespmem:s29+$0x4EC0]  }
0x45: {  	v36 =	vld [tilespmem:s29+$0x76C0]  }
0x46: {  	v37 =	vld [tilespmem:s29+$0x4ED0]  }
0x47: {  	v38 =	vld [tilespmem:s29+$0x76D0]  }
0x48: {  	v39 =	vld [tilespmem:s29+$0x4EE0];
	v18 =	vsub.f32 v18, v19;
	v19 =	vsub.f32 v33, v34  }
0x49: {  	v40 =	vld [tilespmem:s29+$0x76E0]  }
0x4a: {  	v41 =	vld [tilespmem:s29+$0x4EF0];
	v22 =	vsub.f32 v35, v36;
	v18 =	vmul.f32 v18, v18;
	v19 =	vmul.f32 v19, v19  }
0x4b: {  	v42 =	vld [tilespmem:s29+$0x76F0]  }
0x4c: {  	v44 =	vld [tilespmem:s29+$0x4F00];
	v43 =	vsub.f32 v37, v38;
	v18 =	vadd.f32 v19, v18;
	v19 =	vmul.f32 v22, v22  }
0x4d: {  	v45 =	vld [tilespmem:s29+$0x7700]  }
0x4e: {  	v46 =	vld [tilespmem:s29+$0x4F10];
	v20 =	vsub.f32 v39, v40;
	v18 =	vadd.f32 v19, v18;
	v19 =	vmul.f32 v43, v43  }
0x4f: {  	v47 =	vld [tilespmem:s29+$0x7710]  }
0x50: {  	v48 =	vsub.f32 v41, v42;
	v18 =	vadd.f32 v19, v18;
	v19 =	vmul.f32 v20, v20;
	_ =	sdelay $0x1  }
0x51: {  	v49 =	vsub.f32 v44, v45;
	v18 =	vadd.f32 v19, v18;
	v19 =	vmul.f32 v48, v48;
	_ =	sdelay $0x1  }
0x52: {  	v50 =	vsub.f32 v46, v47;
	v18 =	vadd.f32 v19, v18;
	v19 =	vmul.f32 v49, v49;
	_ =	sdelay $0x1  }
0x53: {  	v18 =	vadd.f32 v19, v18;
	v19 =	vmul.f32 v50, v50;
	_ =	sdelay $0x1  }
0x54: {  	v18 =	vadd.f32 v19, v18;
	_ =	sdelay $0x1  }
0x55: {  	[tilespmem:v2+s19+$0x0] =	vst.idx.msk $0xffff, v18  }
0x56: {  	v18 =	vld [tilespmem:s29+$0x4F20]  }
0x57: {  	v19 =	vld [tilespmem:s29+$0x7720]  }
0x58: {  	v51 =	vld [tilespmem:s29+$0x4F30]  }
0x59: {  	v52 =	vld [tilespmem:s29+$0x7730]  }
0x5a: {  	v53 =	vld [tilespmem:s29+$0x4F40]  }
0x5b: {  	v54 =	vld [tilespmem:s29+$0x7740]  }
0x5c: {  	v55 =	vld [tilespmem:s29+$0x4F50]  }
0x5d: {  	v56 =	vld [tilespmem:s29+$0x7750]  }
0x5e: {  	v57 =	vld [tilespmem:s29+$0x4F60];
	v18 =	vsub.f32 v18, v19;
	v19 =	vsub.f32 v51, v52  }
0x5f: {  	v58 =	vld [tilespmem:s29+$0x7760]  }
0x60: {  	v59 =	vld [tilespmem:s29+$0x4F70];
	v22 =	vsub.f32 v53, v54;
	v18 =	vmul.f32 v18, v18;
	v19 =	vmul.f32 v19, v19  }
0x61: {  	v60 =	vld [tilespmem:s29+$0x7770]  }
0x62: {  	v62 =	vld [tilespmem:s29+$0x4F80];
	v61 =	vsub.f32 v55, v56;
	v18 =	vadd.f32 v19, v18;
	v19 =	vmul.f32 v22, v22  }
0x63: {  	v63 =	vld [tilespmem:s29+$0x7780]  }
0x64: {  	v28 =	vld [tilespmem:s29+$0x4F90];
	v20 =	vsub.f32 v57, v58;
	v18 =	vadd.f32 v19, v18;
	v19 =	vmul.f32 v61, v61  }
0x65: {  	v29 =	vld [tilespmem:s29+$0x7790]  }
0x66: {  	v30 =	vsub.f32 v59, v60;
	v18 =	vadd.f32 v19, v18;
	v19 =	vmul.f32 v20, v20;
	_ =	sdelay $0x1  }
0x67: {  	v31 =	vsub.f32 v62, v63;
	v18 =	vadd.f32 v19, v18;
	v19 =	vmul.f32 v30, v30;
	_ =	sdelay $0x1  }
0x68: {  	v32 =	vsub.f32 v28, v29;
	v18 =	vadd.f32 v19, v18;
	v19 =	vmul.f32 v31, v31;
	_ =	sdelay $0x1  }
0x69: {  	v18 =	vadd.f32 v19, v18;
	v19 =	vmul.f32 v32, v32;
	_ =	sdelay $0x1  }
0x6a: {  	v18 =	vadd.f32 v19, v18;
	_ =	sdelay $0x1  }
0x6b: {  	[tilespmem:v3+s19+$0x0] =	vst.idx.msk $0xffff, v18  }
0x6c: {  	v18 =	vld [tilespmem:s29+$0x4FA0]  }
0x6d: {  	v19 =	vld [tilespmem:s29+$0x77A0]  }
0x6e: {  	v33 =	vld [tilespmem:s29+$0x4FB0]  }
0x6f: {  	v34 =	vld [tilespmem:s29+$0x77B0]  }
0x70: {  	v35 =	vld [tilespmem:s29+$0x4FC0]  }
0x71: {  	v36 =	vld [tilespmem:s29+$0x77C0]  }
0x72: {  	v37 =	vld [tilespmem:s29+$0x4FD0]  }
0x73: {  	v38 =	vld [tilespmem:s29+$0x77D0]  }
0x74: {  	v39 =	vld [tilespmem:s29+$0x4FE0];
	v18 =	vsub.f32 v18, v19;
	v19 =	vsub.f32 v33, v34  }
0x75: {  	v40 =	vld [tilespmem:s29+$0x77E0]  }
0x76: {  	v41 =	vld [tilespmem:s29+$0x4FF0];
	v22 =	vsub.f32 v35, v36;
	v18 =	vmul.f32 v18, v18;
	v19 =	vmul.f32 v19, v19  }
0x77: {  	v42 =	vld [tilespmem:s29+$0x77F0]  }
0x78: {  	v44 =	vld [tilespmem:s29+$0x5000];
	v43 =	vsub.f32 v37, v38;
	v18 =	vadd.f32 v19, v18;
	v19 =	vmul.f32 v22, v22  }
0x79: {  	v45 =	vld [tilespmem:s29+$0x7800]  }
0x7a: {  	v46 =	vld [tilespmem:s29+$0x5010];
	v20 =	vsub.f32 v39, v40;
	v18 =	vadd.f32 v19, v18;
	v19 =	vmul.f32 v43, v43  }
0x7b: {  	v47 =	vld [tilespmem:s29+$0x7810]  }
0x7c: {  	v48 =	vsub.f32 v41, v42;
	v18 =	vadd.f32 v19, v18;
	v19 =	vmul.f32 v20, v20;
	_ =	sdelay $0x1  }
0x7d: {  	v49 =	vsub.f32 v44, v45;
	v18 =	vadd.f32 v19, v18;
	v19 =	vmul.f32 v48, v48;
	_ =	sdelay $0x1  }
0x7e: {  	v50 =	vsub.f32 v46, v47;
	v18 =	vadd.f32 v19, v18;
	v19 =	vmul.f32 v49, v49;
	_ =	sdelay $0x1  }
0x7f: {  	v18 =	vadd.f32 v19, v18;
	v19 =	vmul.f32 v50, v50;
	_ =	sdelay $0x1  }
0x80: {  	v18 =	vadd.f32 v19, v18;
	_ =	sdelay $0x1  }
0x81: {  	[tilespmem:v4+s19+$0x0] =	vst.idx.msk $0xffff, v18  }
0x82: {  	v18 =	vld [tilespmem:s29+$0x5020]  }
0x83: {  	v19 =	vld [tilespmem:s29+$0x7820]  }
0x84: {  	v51 =	vld [tilespmem:s29+$0x5030]  }
0x85: {  	v52 =	vld [tilespmem:s29+$0x7830]  }
0x86: {  	v53 =	vld [tilespmem:s29+$0x5040]  }
0x87: {  	v54 =	vld [tilespmem:s29+$0x7840]  }
0x88: {  	v55 =	vld [tilespmem:s29+$0x5050]  }
0x89: {  	v56 =	vld [tilespmem:s29+$0x7850]  }
0x8a: {  	v57 =	vld [tilespmem:s29+$0x5060];
	v18 =	vsub.f32 v18, v19;
	v19 =	vsub.f32 v51, v52  }
0x8b: {  	v58 =	vld [tilespmem:s29+$0x7860]  }
0x8c: {  	v59 =	vld [tilespmem:s29+$0x5070];
	v22 =	vsub.f32 v53, v54;
	v18 =	vmul.f32 v18, v18;
	v19 =	vmul.f32 v19, v19  }
0x8d: {  	v60 =	vld [tilespmem:s29+$0x7870]  }
0x8e: {  	v62 =	vld [tilespmem:s29+$0x5080];
	v61 =	vsub.f32 v55, v56;
	v18 =	vadd.f32 v19, v18;
	v19 =	vmul.f32 v22, v22  }
0x8f: {  	v63 =	vld [tilespmem:s29+$0x7880]  }
0x90: {  	v28 =	vld [tilespmem:s29+$0x5090];
	v20 =	vsub.f32 v57, v58;
	v18 =	vadd.f32 v19, v18;
	v19 =	vmul.f32 v61, v61  }
0x91: {  	v29 =	vld [tilespmem:s29+$0x7890]  }
0x92: {  	v30 =	vsub.f32 v59, v60;
	v18 =	vadd.f32 v19, v18;
	v19 =	vmul.f32 v20, v20;
	_ =	sdelay $0x1  }
0x93: {  	v31 =	vsub.f32 v62, v63;
	v18 =	vadd.f32 v19, v18;
	v19 =	vmul.f32 v30, v30;
	_ =	sdelay $0x1  }
0x94: {  	v32 =	vsub.f32 v28, v29;
	v18 =	vadd.f32 v19, v18;
	v19 =	vmul.f32 v31, v31;
	_ =	sdelay $0x1  }
0x95: {  	v18 =	vadd.f32 v19, v18;
	v19 =	vmul.f32 v32, v32;
	_ =	sdelay $0x1  }
0x96: {  	v18 =	vadd.f32 v19, v18;
	_ =	sdelay $0x1  }
0x97: {  	[tilespmem:v5+s19+$0x0] =	vst.idx.msk $0xffff, v18  }
0x98: {  	v18 =	vld [tilespmem:s29+$0x50A0]  }
0x99: {  	v19 =	vld [tilespmem:s29+$0x78A0]  }
0x9a: {  	v33 =	vld [tilespmem:s29+$0x50B0]  }
0x9b: {  	v34 =	vld [tilespmem:s29+$0x78B0]  }
0x9c: {  	v35 =	vld [tilespmem:s29+$0x50C0]  }
0x9d: {  	v36 =	vld [tilespmem:s29+$0x78C0]  }
0x9e: {  	v37 =	vld [tilespmem:s29+$0x50D0]  }
0x9f: {  	v38 =	vld [tilespmem:s29+$0x78D0]  }
0xa0: {  	v39 =	vld [tilespmem:s29+$0x50E0];
	v18 =	vsub.f32 v18, v19;
	v19 =	vsub.f32 v33, v34  }
0xa1: {  	v40 =	vld [tilespmem:s29+$0x78E0]  }
0xa2: {  	v41 =	vld [tilespmem:s29+$0x50F0];
	v22 =	vsub.f32 v35, v36;
	v18 =	vmul.f32 v18, v18;
	v19 =	vmul.f32 v19, v19  }
0xa3: {  	v42 =	vld [tilespmem:s29+$0x78F0]  }
0xa4: {  	v44 =	vld [tilespmem:s29+$0x5100];
	v43 =	vsub.f32 v37, v38;
	v18 =	vadd.f32 v19, v18;
	v19 =	vmul.f32 v22, v22  }
0xa5: {  	v45 =	vld [tilespmem:s29+$0x7900]  }
0xa6: {  	v46 =	vld [tilespmem:s29+$0x5110];
	v20 =	vsub.f32 v39, v40;
	v18 =	vadd.f32 v19, v18;
	v19 =	vmul.f32 v43, v43  }
0xa7: {  	v47 =	vld [tilespmem:s29+$0x7910]  }
0xa8: {  	v48 =	vsub.f32 v41, v42;
	v18 =	vadd.f32 v19, v18;
	v19 =	vmul.f32 v20, v20;
	_ =	sdelay $0x1  }
0xa9: {  	v49 =	vsub.f32 v44, v45;
	v18 =	vadd.f32 v19, v18;
	v19 =	vmul.f32 v48, v48;
	_ =	sdelay $0x1  }
0xaa: {  	v50 =	vsub.f32 v46, v47;
	v18 =	vadd.f32 v19, v18;
	v19 =	vmul.f32 v49, v49;
	_ =	sdelay $0x1  }
0xab: {  	v18 =	vadd.f32 v19, v18;
	v19 =	vmul.f32 v50, v50;
	_ =	sdelay $0x1  }
0xac: {  	v18 =	vadd.f32 v19, v18;
	_ =	sdelay $0x1  }
0xad: {  	[tilespmem:v6+s19+$0x0] =	vst.idx.msk $0xffff, v18  }
0xae: {  	v18 =	vld [tilespmem:s29+$0x5120]  }
0xaf: {  	v19 =	vld [tilespmem:s29+$0x7920]  }
0xb0: {  	v51 =	vld [tilespmem:s29+$0x5130]  }
0xb1: {  	v52 =	vld [tilespmem:s29+$0x7930]  }
0xb2: {  	v53 =	vld [tilespmem:s29+$0x5140]  }
0xb3: {  	v54 =	vld [tilespmem:s29+$0x7940]  }
0xb4: {  	v55 =	vld [tilespmem:s29+$0x5150]  }
0xb5: {  	v56 =	vld [tilespmem:s29+$0x7950]  }
0xb6: {  	v57 =	vld [tilespmem:s29+$0x5160];
	v18 =	vsub.f32 v18, v19;
	v19 =	vsub.f32 v51, v52  }
0xb7: {  	v58 =	vld [tilespmem:s29+$0x7960]  }
0xb8: {  	v59 =	vld [tilespmem:s29+$0x5170];
	v22 =	vsub.f32 v53, v54;
	v18 =	vmul.f32 v18, v18;
	v19 =	vmul.f32 v19, v19  }
0xb9: {  	v60 =	vld [tilespmem:s29+$0x7970]  }
0xba: {  	v62 =	vld [tilespmem:s29+$0x5180];
	v61 =	vsub.f32 v55, v56;
	v18 =	vadd.f32 v19, v18;
	v19 =	vmul.f32 v22, v22  }
0xbb: {  	v63 =	vld [tilespmem:s29+$0x7980]  }
0xbc: {  	v28 =	vld [tilespmem:s29+$0x5190];
	v20 =	vsub.f32 v57, v58;
	v18 =	vadd.f32 v19, v18;
	v19 =	vmul.f32 v61, v61  }
0xbd: {  	v29 =	vld [tilespmem:s29+$0x7990]  }
0xbe: {  	v30 =	vsub.f32 v59, v60;
	v18 =	vadd.f32 v19, v18;
	v19 =	vmul.f32 v20, v20;
	_ =	sdelay $0x1  }
0xbf: {  	v31 =	vsub.f32 v62, v63;
	v18 =	vadd.f32 v19, v18;
	v19 =	vmul.f32 v30, v30;
	_ =	sdelay $0x1  }
0xc0: {  	v32 =	vsub.f32 v28, v29;
	v18 =	vadd.f32 v19, v18;
	v19 =	vmul.f32 v31, v31;
	_ =	sdelay $0x1  }
0xc1: {  	v18 =	vadd.f32 v19, v18;
	v19 =	vmul.f32 v32, v32;
	_ =	sdelay $0x1  }
0xc2: {  	v18 =	vadd.f32 v19, v18;
	_ =	sdelay $0x1  }
0xc3: {  	[tilespmem:v7+s19+$0x0] =	vst.idx.msk $0xffff, v18  }
0xc4: {  	v18 =	vld [tilespmem:s29+$0x51A0]  }
0xc5: {  	v19 =	vld [tilespmem:s29+$0x79A0]  }
0xc6: {  	v33 =	vld [tilespmem:s29+$0x51B0]  }
0xc7: {  	v34 =	vld [tilespmem:s29+$0x79B0]  }
0xc8: {  	v35 =	vld [tilespmem:s29+$0x51C0]  }
0xc9: {  	v36 =	vld [tilespmem:s29+$0x79C0]  }
0xca: {  	v37 =	vld [tilespmem:s29+$0x51D0]  }
0xcb: {  	v38 =	vld [tilespmem:s29+$0x79D0]  }
0xcc: {  	v39 =	vld [tilespmem:s29+$0x51E0];
	v18 =	vsub.f32 v18, v19;
	v19 =	vsub.f32 v33, v34  }
0xcd: {  	v40 =	vld [tilespmem:s29+$0x79E0]  }
0xce: {  	v41 =	vld [tilespmem:s29+$0x51F0];
	v22 =	vsub.f32 v35, v36;
	v18 =	vmul.f32 v18, v18;
	v19 =	vmul.f32 v19, v19  }
0xcf: {  	v42 =	vld [tilespmem:s29+$0x79F0]  }
0xd0: {  	v44 =	vld [tilespmem:s29+$0x5200];
	v43 =	vsub.f32 v37, v38;
	v18 =	vadd.f32 v19, v18;
	v19 =	vmul.f32 v22, v22  }
0xd1: {  	v45 =	vld [tilespmem:s29+$0x7A00]  }
0xd2: {  	v46 =	vld [tilespmem:s29+$0x5210];
	v20 =	vsub.f32 v39, v40;
	v18 =	vadd.f32 v19, v18;
	v19 =	vmul.f32 v43, v43  }
0xd3: {  	v47 =	vld [tilespmem:s29+$0x7A10]  }
0xd4: {  	v48 =	vsub.f32 v41, v42;
	v18 =	vadd.f32 v19, v18;
	v19 =	vmul.f32 v20, v20;
	_ =	sdelay $0x1  }
0xd5: {  	v49 =	vsub.f32 v44, v45;
	v18 =	vadd.f32 v19, v18;
	v19 =	vmul.f32 v48, v48;
	_ =	sdelay $0x1  }
0xd6: {  	v50 =	vsub.f32 v46, v47;
	v18 =	vadd.f32 v19, v18;
	v19 =	vmul.f32 v49, v49;
	_ =	sdelay $0x1  }
0xd7: {  	v18 =	vadd.f32 v19, v18;
	v19 =	vmul.f32 v50, v50;
	_ =	sdelay $0x1  }
0xd8: {  	v18 =	vadd.f32 v19, v18;
	_ =	sdelay $0x1  }
0xd9: {  	[tilespmem:v8+s19+$0x0] =	vst.idx.msk $0xffff, v18  }
0xda: {  	v18 =	vld [tilespmem:s29+$0x5220]  }
0xdb: {  	v19 =	vld [tilespmem:s29+$0x7A20]  }
0xdc: {  	v51 =	vld [tilespmem:s29+$0x5230]  }
0xdd: {  	v52 =	vld [tilespmem:s29+$0x7A30]  }
0xde: {  	v53 =	vld [tilespmem:s29+$0x5240]  }
0xdf: {  	v54 =	vld [tilespmem:s29+$0x7A40]  }
0xe0: {  	v55 =	vld [tilespmem:s29+$0x5250]  }
0xe1: {  	v56 =	vld [tilespmem:s29+$0x7A50]  }
0xe2: {  	v57 =	vld [tilespmem:s29+$0x5260];
	v18 =	vsub.f32 v18, v19;
	v19 =	vsub.f32 v51, v52  }
0xe3: {  	v58 =	vld [tilespmem:s29+$0x7A60]  }
0xe4: {  	v59 =	vld [tilespmem:s29+$0x5270];
	v22 =	vsub.f32 v53, v54;
	v18 =	vmul.f32 v18, v18;
	v19 =	vmul.f32 v19, v19  }
0xe5: {  	v60 =	vld [tilespmem:s29+$0x7A70]  }
0xe6: {  	v62 =	vld [tilespmem:s29+$0x5280];
	v61 =	vsub.f32 v55, v56;
	v18 =	vadd.f32 v19, v18;
	v19 =	vmul.f32 v22, v22  }
0xe7: {  	v63 =	vld [tilespmem:s29+$0x7A80]  }
0xe8: {  	v28 =	vld [tilespmem:s29+$0x5290];
	v20 =	vsub.f32 v57, v58;
	v18 =	vadd.f32 v19, v18;
	v19 =	vmul.f32 v61, v61  }
0xe9: {  	v29 =	vld [tilespmem:s29+$0x7A90]  }
0xea: {  	v30 =	vsub.f32 v59, v60;
	v18 =	vadd.f32 v19, v18;
	v19 =	vmul.f32 v20, v20;
	_ =	sdelay $0x1  }
0xeb: {  	v31 =	vsub.f32 v62, v63;
	v18 =	vadd.f32 v19, v18;
	v19 =	vmul.f32 v30, v30;
	_ =	sdelay $0x1  }
0xec: {  	v32 =	vsub.f32 v28, v29;
	v18 =	vadd.f32 v19, v18;
	v19 =	vmul.f32 v31, v31;
	_ =	sdelay $0x1  }
0xed: {  	v18 =	vadd.f32 v19, v18;
	v19 =	vmul.f32 v32, v32;
	_ =	sdelay $0x1  }
0xee: {  	v18 =	vadd.f32 v19, v18;
	_ =	sdelay $0x1  }
0xef: {  	[tilespmem:v9+s19+$0x0] =	vst.idx.msk $0xffff, v18  }
0xf0: {  	v18 =	vld [tilespmem:s29+$0x52A0]  }
0xf1: {  	v19 =	vld [tilespmem:s29+$0x7AA0]  }
0xf2: {  	v33 =	vld [tilespmem:s29+$0x52B0]  }
0xf3: {  	v34 =	vld [tilespmem:s29+$0x7AB0]  }
0xf4: {  	v35 =	vld [tilespmem:s29+$0x52C0]  }
0xf5: {  	v36 =	vld [tilespmem:s29+$0x7AC0]  }
0xf6: {  	v37 =	vld [tilespmem:s29+$0x52D0]  }
0xf7: {  	v38 =	vld [tilespmem:s29+$0x7AD0]  }
0xf8: {  	v39 =	vld [tilespmem:s29+$0x52E0];
	v18 =	vsub.f32 v18, v19;
	v19 =	vsub.f32 v33, v34  }
0xf9: {  	v40 =	vld [tilespmem:s29+$0x7AE0]  }
0xfa: {  	v41 =	vld [tilespmem:s29+$0x52F0];
	v22 =	vsub.f32 v35, v36;
	v18 =	vmul.f32 v18, v18;
	v19 =	vmul.f32 v19, v19  }
0xfb: {  	v42 =	vld [tilespmem:s29+$0x7AF0]  }
0xfc: {  	v44 =	vld [tilespmem:s29+$0x5300];
	v43 =	vsub.f32 v37, v38;
	v18 =	vadd.f32 v19, v18;
	v19 =	vmul.f32 v22, v22  }
0xfd: {  	v45 =	vld [tilespmem:s29+$0x7B00]  }
0xfe: {  	v46 =	vld [tilespmem:s29+$0x5310];
	v20 =	vsub.f32 v39, v40;
	v18 =	vadd.f32 v19, v18;
	v19 =	vmul.f32 v43, v43  }
0xff: {  	v47 =	vld [tilespmem:s29+$0x7B10]  }
0x100: {  	v48 =	vsub.f32 v41, v42;
	v18 =	vadd.f32 v19, v18;
	v19 =	vmul.f32 v20, v20;
	_ =	sdelay $0x1  }
0x101: {  	v49 =	vsub.f32 v44, v45;
	v18 =	vadd.f32 v19, v18;
	v19 =	vmul.f32 v48, v48;
	_ =	sdelay $0x1  }
0x102: {  	v50 =	vsub.f32 v46, v47;
	v18 =	vadd.f32 v19, v18;
	v19 =	vmul.f32 v49, v49;
	_ =	sdelay $0x1  }
0x103: {  	v18 =	vadd.f32 v19, v18;
	v19 =	vmul.f32 v50, v50;
	_ =	sdelay $0x1  }
0x104: {  	v18 =	vadd.f32 v19, v18;
	_ =	sdelay $0x1  }
0x105: {  	[tilespmem:v10+s19+$0x0] =	vst.idx.msk $0xffff, v18  }
0x106: {  	v18 =	vld [tilespmem:s29+$0x5320]  }
0x107: {  	v19 =	vld [tilespmem:s29+$0x7B20]  }
0x108: {  	v51 =	vld [tilespmem:s29+$0x5330]  }
0x109: {  	v52 =	vld [tilespmem:s29+$0x7B30]  }
0x10a: {  	v53 =	vld [tilespmem:s29+$0x5340]  }
0x10b: {  	v54 =	vld [tilespmem:s29+$0x7B40]  }
0x10c: {  	v55 =	vld [tilespmem:s29+$0x5350]  }
0x10d: {  	v56 =	vld [tilespmem:s29+$0x7B50]  }
0x10e: {  	v57 =	vld [tilespmem:s29+$0x5360];
	v18 =	vsub.f32 v18, v19;
	v19 =	vsub.f32 v51, v52  }
0x10f: {  	v58 =	vld [tilespmem:s29+$0x7B60]  }
0x110: {  	v59 =	vld [tilespmem:s29+$0x5370];
	v22 =	vsub.f32 v53, v54;
	v18 =	vmul.f32 v18, v18;
	v19 =	vmul.f32 v19, v19  }
0x111: {  	v60 =	vld [tilespmem:s29+$0x7B70]  }
0x112: {  	v62 =	vld [tilespmem:s29+$0x5380];
	v61 =	vsub.f32 v55, v56;
	v18 =	vadd.f32 v19, v18;
	v19 =	vmul.f32 v22, v22  }
0x113: {  	v63 =	vld [tilespmem:s29+$0x7B80]  }
0x114: {  	v28 =	vld [tilespmem:s29+$0x5390];
	v20 =	vsub.f32 v57, v58;
	v18 =	vadd.f32 v19, v18;
	v19 =	vmul.f32 v61, v61  }
0x115: {  	v29 =	vld [tilespmem:s29+$0x7B90]  }
0x116: {  	v30 =	vsub.f32 v59, v60;
	v18 =	vadd.f32 v19, v18;
	v19 =	vmul.f32 v20, v20;
	_ =	sdelay $0x1  }
0x117: {  	v31 =	vsub.f32 v62, v63;
	v18 =	vadd.f32 v19, v18;
	v19 =	vmul.f32 v30, v30;
	_ =	sdelay $0x1  }
0x118: {  	v32 =	vsub.f32 v28, v29;
	v18 =	vadd.f32 v19, v18;
	v19 =	vmul.f32 v31, v31;
	_ =	sdelay $0x1  }
0x119: {  	v18 =	vadd.f32 v19, v18;
	v19 =	vmul.f32 v32, v32;
	_ =	sdelay $0x1  }
0x11a: {  	v18 =	vadd.f32 v19, v18;
	_ =	sdelay $0x1  }
0x11b: {  	[tilespmem:v11+s19+$0x0] =	vst.idx.msk $0xffff, v18  }
0x11c: {  	v18 =	vld [tilespmem:s29+$0x53A0]  }
0x11d: {  	v19 =	vld [tilespmem:s29+$0x7BA0]  }
0x11e: {  	v33 =	vld [tilespmem:s29+$0x53B0]  }
0x11f: {  	v34 =	vld [tilespmem:s29+$0x7BB0]  }
0x120: {  	v35 =	vld [tilespmem:s29+$0x53C0]  }
0x121: {  	v36 =	vld [tilespmem:s29+$0x7BC0]  }
0x122: {  	v37 =	vld [tilespmem:s29+$0x53D0]  }
0x123: {  	v38 =	vld [tilespmem:s29+$0x7BD0]  }
0x124: {  	v39 =	vld [tilespmem:s29+$0x53E0];
	v18 =	vsub.f32 v18, v19;
	v19 =	vsub.f32 v33, v34  }
0x125: {  	v40 =	vld [tilespmem:s29+$0x7BE0]  }
0x126: {  	v41 =	vld [tilespmem:s29+$0x53F0];
	v22 =	vsub.f32 v35, v36;
	v18 =	vmul.f32 v18, v18;
	v19 =	vmul.f32 v19, v19  }
0x127: {  	v42 =	vld [tilespmem:s29+$0x7BF0]  }
0x128: {  	v44 =	vld [tilespmem:s29+$0x5400];
	v43 =	vsub.f32 v37, v38;
	v18 =	vadd.f32 v19, v18;
	v19 =	vmul.f32 v22, v22  }
0x129: {  	v45 =	vld [tilespmem:s29+$0x7C00]  }
0x12a: {  	v46 =	vld [tilespmem:s29+$0x5410];
	v20 =	vsub.f32 v39, v40;
	v18 =	vadd.f32 v19, v18;
	v19 =	vmul.f32 v43, v43  }
0x12b: {  	v47 =	vld [tilespmem:s29+$0x7C10]  }
0x12c: {  	v48 =	vsub.f32 v41, v42;
	v18 =	vadd.f32 v19, v18;
	v19 =	vmul.f32 v20, v20;
	_ =	sdelay $0x1  }
0x12d: {  	v49 =	vsub.f32 v44, v45;
	v18 =	vadd.f32 v19, v18;
	v19 =	vmul.f32 v48, v48;
	_ =	sdelay $0x1  }
0x12e: {  	v50 =	vsub.f32 v46, v47;
	v18 =	vadd.f32 v19, v18;
	v19 =	vmul.f32 v49, v49;
	_ =	sdelay $0x1  }
0x12f: {  	v18 =	vadd.f32 v19, v18;
	v19 =	vmul.f32 v50, v50;
	_ =	sdelay $0x1  }
0x130: {  	v18 =	vadd.f32 v19, v18;
	_ =	sdelay $0x1  }
0x131: {  	[tilespmem:v12+s19+$0x0] =	vst.idx.msk $0xffff, v18  }
0x132: {  	v18 =	vld [tilespmem:s29+$0x5420]  }
0x133: {  	v19 =	vld [tilespmem:s29+$0x7C20]  }
0x134: {  	v51 =	vld [tilespmem:s29+$0x5430]  }
0x135: {  	v52 =	vld [tilespmem:s29+$0x7C30]  }
0x136: {  	v53 =	vld [tilespmem:s29+$0x5440]  }
0x137: {  	v54 =	vld [tilespmem:s29+$0x7C40]  }
0x138: {  	v55 =	vld [tilespmem:s29+$0x5450]  }
0x139: {  	v56 =	vld [tilespmem:s29+$0x7C50]  }
0x13a: {  	v57 =	vld [tilespmem:s29+$0x5460];
	v18 =	vsub.f32 v18, v19;
	v19 =	vsub.f32 v51, v52  }
0x13b: {  	v58 =	vld [tilespmem:s29+$0x7C60]  }
0x13c: {  	v59 =	vld [tilespmem:s29+$0x5470];
	v22 =	vsub.f32 v53, v54;
	v18 =	vmul.f32 v18, v18;
	v19 =	vmul.f32 v19, v19  }
0x13d: {  	v60 =	vld [tilespmem:s29+$0x7C70]  }
0x13e: {  	v62 =	vld [tilespmem:s29+$0x5480];
	v61 =	vsub.f32 v55, v56;
	v18 =	vadd.f32 v19, v18;
	v19 =	vmul.f32 v22, v22  }
0x13f: {  	v63 =	vld [tilespmem:s29+$0x7C80]  }
0x140: {  	v27 =	vld [tilespmem:s29+$0x5490];
	v20 =	vsub.f32 v57, v58;
	v18 =	vadd.f32 v19, v18;
	v19 =	vmul.f32 v61, v61  }
0x141: {  	v28 =	vld [tilespmem:s29+$0x7C90]  }
0x142: {  	v29 =	vsub.f32 v59, v60;
	v18 =	vadd.f32 v19, v18;
	v19 =	vmul.f32 v20, v20;
	_ =	sdelay $0x1  }
0x143: {  	v30 =	vsub.f32 v62, v63;
	v18 =	vadd.f32 v19, v18;
	v19 =	vmul.f32 v29, v29;
	_ =	sdelay $0x1  }
0x144: {  	v31 =	vsub.f32 v27, v28;
	v18 =	vadd.f32 v19, v18;
	v19 =	vmul.f32 v30, v30;
	_ =	sdelay $0x1  }
0x145: {  	v18 =	vadd.f32 v19, v18;
	v19 =	vmul.f32 v31, v31;
	_ =	sdelay $0x1  }
0x146: {  	v18 =	vadd.f32 v19, v18;
	_ =	sdelay $0x1  }
0x147: {  	[tilespmem:v13+s19+$0x0] =	vst.idx.msk $0xffff, v18  }
0x148: {  	v18 =	vld [tilespmem:s29+$0x54A0]  }
0x149: {  	v19 =	vld [tilespmem:s29+$0x7CA0]  }
0x14a: {  	v32 =	vld [tilespmem:s29+$0x54B0]  }
0x14b: {  	v33 =	vld [tilespmem:s29+$0x7CB0]  }
0x14c: {  	v34 =	vld [tilespmem:s29+$0x54C0]  }
0x14d: {  	v35 =	vld [tilespmem:s29+$0x7CC0]  }
0x14e: {  	v36 =	vld [tilespmem:s29+$0x54D0]  }
0x14f: {  	v37 =	vld [tilespmem:s29+$0x7CD0]  }
0x150: {  	v38 =	vld [tilespmem:s29+$0x54E0];
	v18 =	vsub.f32 v18, v19;
	v19 =	vsub.f32 v32, v33  }
0x151: {  	v39 =	vld [tilespmem:s29+$0x7CE0]  }
0x152: {  	v40 =	vld [tilespmem:s29+$0x54F0];
	v22 =	vsub.f32 v34, v35;
	v18 =	vmul.f32 v18, v18;
	v19 =	vmul.f32 v19, v19  }
0x153: {  	v41 =	vld [tilespmem:s29+$0x7CF0]  }
0x154: {  	v43 =	vld [tilespmem:s29+$0x5500];
	v42 =	vsub.f32 v36, v37;
	v18 =	vadd.f32 v19, v18;
	v19 =	vmul.f32 v22, v22  }
0x155: {  	v44 =	vld [tilespmem:s29+$0x7D00]  }
0x156: {  	v45 =	vld [tilespmem:s29+$0x5510];
	v20 =	vsub.f32 v38, v39;
	v18 =	vadd.f32 v19, v18;
	v19 =	vmul.f32 v42, v42  }
0x157: {  	v46 =	vld [tilespmem:s29+$0x7D10]  }
0x158: {  	v47 =	vsub.f32 v40, v41;
	v18 =	vadd.f32 v19, v18;
	v19 =	vmul.f32 v20, v20;
	_ =	sdelay $0x1  }
0x159: {  	v48 =	vsub.f32 v43, v44;
	v18 =	vadd.f32 v19, v18;
	v19 =	vmul.f32 v47, v47;
	_ =	sdelay $0x1  }
0x15a: {  	v49 =	vsub.f32 v45, v46;
	v18 =	vadd.f32 v19, v18;
	v19 =	vmul.f32 v48, v48;
	_ =	sdelay $0x1  }
0x15b: {  	v18 =	vadd.f32 v19, v18;
	v19 =	vmul.f32 v49, v49;
	_ =	sdelay $0x1  }
0x15c: {  	v18 =	vadd.f32 v19, v18;
	_ =	sdelay $0x1  }
0x15d: {  	[tilespmem:v14+s19+$0x0] =	vst.idx.msk $0xffff, v18  }
0x15e: {  	v18 =	vld [tilespmem:s29+$0x5520]  }
0x15f: {  	v19 =	vld [tilespmem:s29+$0x7D20]  }
0x160: {  	v50 =	vld [tilespmem:s29+$0x5530]  }
0x161: {  	v51 =	vld [tilespmem:s29+$0x7D30]  }
0x162: {  	v52 =	vld [tilespmem:s29+$0x5540]  }
0x163: {  	v53 =	vld [tilespmem:s29+$0x7D40]  }
0x164: {  	v54 =	vld [tilespmem:s29+$0x5550]  }
0x165: {  	v55 =	vld [tilespmem:s29+$0x7D50]  }
0x166: {  	v56 =	vld [tilespmem:s29+$0x5560];
	v18 =	vsub.f32 v18, v19;
	v19 =	vsub.f32 v50, v51  }
0x167: {  	v57 =	vld [tilespmem:s29+$0x7D60]  }
0x168: {  	v58 =	vld [tilespmem:s29+$0x5570];
	v22 =	vsub.f32 v52, v53;
	v18 =	vmul.f32 v18, v18;
	v19 =	vmul.f32 v19, v19  }
0x169: {  	v59 =	vld [tilespmem:s29+$0x7D70]  }
0x16a: {  	v61 =	vld [tilespmem:s29+$0x5580];
	v60 =	vsub.f32 v54, v55;
	v18 =	vadd.f32 v19, v18;
	v19 =	vmul.f32 v22, v22  }
0x16b: {  	v62 =	vld [tilespmem:s29+$0x7D80]  }
0x16c: {  	v63 =	vld [tilespmem:s29+$0x5590];
	v20 =	vsub.f32 v56, v57;
	v18 =	vadd.f32 v19, v18;
	v19 =	vmul.f32 v60, v60  }
0x16d: {  	v27 =	vld [tilespmem:s29+$0x7D90]  }
0x16e: {  	v28 =	vsub.f32 v58, v59;
	v18 =	vadd.f32 v19, v18;
	v19 =	vmul.f32 v20, v20;
	_ =	sdelay $0x1  }
0x16f: {  	v29 =	vsub.f32 v61, v62;
	v18 =	vadd.f32 v19, v18;
	v19 =	vmul.f32 v28, v28;
	_ =	sdelay $0x1  }
0x170: {  	v30 =	vsub.f32 v63, v27;
	v18 =	vadd.f32 v19, v18;
	v19 =	vmul.f32 v29, v29;
	_ =	sdelay $0x1  }
0x171: {  	v18 =	vadd.f32 v19, v18;
	v19 =	vmul.f32 v30, v30;
	_ =	sdelay $0x1  }
0x172: {  	v18 =	vadd.f32 v19, v18;
	_ =	sdelay $0x1  }
0x173: {  	[tilespmem:v15+s19+$0x0] =	vst.idx.msk $0xffff, v18  }
0x174: {  	v18 =	vld [tilespmem:s29+$0x55A0]  }
0x175: {  	v19 =	vld [tilespmem:s29+$0x7DA0]  }
0x176: {  	v31 =	vld [tilespmem:s29+$0x55B0]  }
0x177: {  	v32 =	vld [tilespmem:s29+$0x7DB0]  }
0x178: {  	v33 =	vld [tilespmem:s29+$0x55C0]  }
0x179: {  	v34 =	vld [tilespmem:s29+$0x7DC0]  }
0x17a: {  	v35 =	vld [tilespmem:s29+$0x55D0]  }
0x17b: {  	v36 =	vld [tilespmem:s29+$0x7DD0]  }
0x17c: {  	v37 =	vld [tilespmem:s29+$0x55E0];
	v18 =	vsub.f32 v18, v19;
	v19 =	vsub.f32 v31, v32  }
0x17d: {  	v38 =	vld [tilespmem:s29+$0x7DE0]  }
0x17e: {  	v39 =	vld [tilespmem:s29+$0x55F0];
	v22 =	vsub.f32 v33, v34;
	v18 =	vmul.f32 v18, v18;
	v19 =	vmul.f32 v19, v19  }
0x17f: {  	v40 =	vld [tilespmem:s29+$0x7DF0]  }
0x180: {  	v42 =	vld [tilespmem:s29+$0x5600];
	v41 =	vsub.f32 v35, v36;
	v18 =	vadd.f32 v19, v18;
	v19 =	vmul.f32 v22, v22  }
0x181: {  	v43 =	vld [tilespmem:s29+$0x7E00]  }
0x182: {  	v44 =	vld [tilespmem:s29+$0x5610];
	v20 =	vsub.f32 v37, v38;
	v18 =	vadd.f32 v19, v18;
	v19 =	vmul.f32 v41, v41  }
0x183: {  	v45 =	vld [tilespmem:s29+$0x7E10]  }
0x184: {  	v46 =	vsub.f32 v39, v40;
	v18 =	vadd.f32 v19, v18;
	v19 =	vmul.f32 v20, v20;
	_ =	sdelay $0x1  }
0x185: {  	v47 =	vsub.f32 v42, v43;
	v18 =	vadd.f32 v19, v18;
	v19 =	vmul.f32 v46, v46;
	_ =	sdelay $0x1  }
0x186: {  	v48 =	vsub.f32 v44, v45;
	v18 =	vadd.f32 v19, v18;
	v19 =	vmul.f32 v47, v47;
	_ =	sdelay $0x1  }
0x187: {  	v18 =	vadd.f32 v19, v18;
	v19 =	vmul.f32 v48, v48;
	_ =	sdelay $0x1  }
0x188: {  	v18 =	vadd.f32 v19, v18;
	_ =	sdelay $0x1  }
0x189: {  	[tilespmem:v16+s19+$0x0] =	vst.idx.msk $0xffff, v18  }
0x18a: {  	v18 =	vld [tilespmem:$0x13D30]  }
0x18b: {  	v19 =	vld [tilespmem:$0x13D41]  }
0x18c: {  	v49 =	vld [tilespmem:$0x13D52]  }
0x18d: {  	v50 =	vld [tilespmem:$0x13D63]  }
0x18e: {  	v51 =	vld [tilespmem:$0x13D74]  }
0x18f: {  	v52 =	vld [tilespmem:$0x13D85]  }
0x190: {  	v53 =	vld [tilespmem:$0x13D96]  }
0x191: {  	v54 =	vld [tilespmem:$0x13DA7]  }
0x192: {  	v55 =	vld [tilespmem:$0x13DB8]  }
0x193: {  	v27 =	vld [tilespmem:$0x13DC9]  }
0x194: {  	v28 =	vld [tilespmem:$0x13DDA]  }
0x195: {  	v29 =	vld [tilespmem:$0x13DEB]  }
0x196: {  	v30 =	vld [tilespmem:$0x13DFC]  }
0x197: {  	v31 =	vld [tilespmem:$0x13E0D]  }
0x198: {  	v32 =	vld [tilespmem:$0x13E1E]  }
0x199: {  	v33 =	vld [tilespmem:$0x13E2F];
	_ =	sdelay $0x1  }
0x19a: {  	v18 =	vadd.f32 v19, v18;
	v19 =	vadd.f32 v50, v49  }
0x19b: {  	v56 =	vadd.f32 v52, v51;
	v57 =	vadd.f32 v54, v53  }
0x19c: {  	v58 =	vadd.f32 v27, v55;
	v59 =	vadd.f32 v29, v28  }
0x19d: {  	v60 =	vadd.f32 v31, v30;
	v61 =	vadd.f32 v33, v32  }
0x19e: {  	v18 =	vadd.f32 v19, v18;
	v19 =	vadd.f32 v57, v56  }
0x19f: {  	v62 =	vadd.f32 v59, v58;
	v63 =	vadd.f32 v61, v60  }
0x1a0: {  	p0 =	sne.s32 s28, $0x4  }
.Ltmp1:
0x1a1: {  	v18 =	vadd.f32 v19, v18;
	v19 =	vadd.f32 v63, v62;
	(pc) =	sbr.rel @p0 .LBB2_5-.Ltmp1, $4  }
0x1a2: {  	_ = 	snop  }
0x1a3: {  	s31 =	sshll.u32 s28, $0x4;
	v18 =	vadd.f32 v19, v18  }
0x1a4: {  	s29 =	sand.u32 $0x3FFFFFF0, s31  }
0x1a5: {  	s28 =	sadd.s32 $0x1, s28;
	[tilespmem:v17+s29+$0x0 ss:$0x1] =	vst.idx.msk $0xffff, v18  }
0x1a6: {  	s28 =	smul.u32 $0xA0, s25;
	_ =	sdelay $0x1  }
0x1a7: {  	s29 =	sadd.s32 $0xA0, s28  }
0x1a8: {  	[tilespmem:s12], [sflag:$0x1] =	stream.indirect.gather [hbm4b:s1+s11], $0x80, s29, s11, $0xb8;
	[tilespmem:$0x13E40] =	vst v63  }
0x1a9: {  	s28 =	sadd.s32 $0x27B0, s28  }
0x1aa: {  	[tilespmem:s13], [sflag:$0x2] =	stream.indirect.gather [hbm4b:s1+s11], $0x80, s28, s11, $0xb8;
	[tilespmem:$0x13E40] =	vst v63  }
0x1ab: {  	_ =	swait.ge [sflag:s20], $0x2800  }
0x1ac: {  	[sflag:s20] =	ssyncset.done $0x0  }
0x1ad: {  	[sflag:s20] =	ssyncadd.s32 $0xFFFFD800  }
0x1ae: {  	_ =	swait.ge [sflag:s21], $0x2800  }
0x1af: {  	s31 =	sadd.s32 $0xEE70, s26;
	[sflag:s21] =	ssyncset.done $0x0  }
0x1b0: {  	s26 =	simm.s32 $0x0;
	v17 =	vmov s31;
	[sflag:s21] =	ssyncadd.s32 $0xFFFFD800  }
.LBB2_7:
0x1b1: {  	s28 =	sshll.u32 s26, $0xB  }
0x1b2: {  	v18 =	vld [tilespmem:s28+$0x9E20]  }
0x1b3: {  	v19 =	vld [tilespmem:s28+$0xC620]  }
0x1b4: {  	v20 =	vld [tilespmem:s28+$0x9E30]  }
0x1b5: {  	v21 =	vld [tilespmem:s28+$0xC630]  }
0x1b6: {  	v22 =	vld [tilespmem:s28+$0x9E40]  }
0x1b7: {  	v23 =	vld [tilespmem:s28+$0xC640]  }
0x1b8: {  	v24 =	vld [tilespmem:s28+$0x9E50]  }
0x1b9: {  	v25 =	vld [tilespmem:s28+$0xC650]  }
0x1ba: {  	v58 =	vld [tilespmem:s28+$0x9E60];
	v18 =	vsub.f32 v18, v19;
	v19 =	vsub.f32 v20, v21  }
0x1bb: {  	v59 =	vld [tilespmem:s28+$0xC660]  }
0x1bc: {  	v60 =	vld [tilespmem:s28+$0x9E70];
	v22 =	vsub.f32 v22, v23;
	v18 =	vmul.f32 v18, v18;
	v19 =	vmul.f32 v19, v19  }
0x1bd: {  	v26 =	vld [tilespmem:s28+$0xC670]  }
0x1be: {  	v62 =	vld [tilespmem:s28+$0x9E80];
	v61 =	vsub.f32 v24, v25;
	v18 =	vadd.f32 v19, v18;
	v19 =	vmul.f32 v22, v22  }
0x1bf: {  	v63 =	vld [tilespmem:s28+$0xC680]  }
0x1c0: {  	v28 =	vld [tilespmem:s28+$0x9E90];
	v20 =	vsub.f32 v58, v59;
	v18 =	vadd.f32 v19, v18;
	v19 =	vmul.f32 v61, v61  }
0x1c1: {  	v29 =	vld [tilespmem:s28+$0xC690]  }
0x1c2: {  	v30 =	vsub.f32 v60, v26;
	v18 =	vadd.f32 v19, v18;
	v19 =	vmul.f32 v20, v20;
	_ =	sdelay $0x1  }
0x1c3: {  	v31 =	vsub.f32 v62, v63;
	v18 =	vadd.f32 v19, v18;
	v19 =	vmul.f32 v30, v30;
	_ =	sdelay $0x1  }
0x1c4: {  	v32 =	vsub.f32 v28, v29;
	v18 =	vadd.f32 v19, v18;
	v19 =	vmul.f32 v31, v31;
	_ =	sdelay $0x1  }
0x1c5: {  	v18 =	vadd.f32 v19, v18;
	v19 =	vmul.f32 v32, v32;
	_ =	sdelay $0x1  }
0x1c6: {  	v18 =	vadd.f32 v19, v18;
	_ =	sdelay $0x1  }
0x1c7: {  	[tilespmem:v0+s19+$0x0] =	vst.idx.msk $0xffff, v18  }
0x1c8: {  	v18 =	vld [tilespmem:s28+$0x9EA0]  }
0x1c9: {  	v19 =	vld [tilespmem:s28+$0xC6A0]  }
0x1ca: {  	v33 =	vld [tilespmem:s28+$0x9EB0]  }
0x1cb: {  	v34 =	vld [tilespmem:s28+$0xC6B0]  }
0x1cc: {  	v35 =	vld [tilespmem:s28+$0x9EC0]  }
0x1cd: {  	v36 =	vld [tilespmem:s28+$0xC6C0]  }
0x1ce: {  	v37 =	vld [tilespmem:s28+$0x9ED0]  }
0x1cf: {  	v38 =	vld [tilespmem:s28+$0xC6D0]  }
0x1d0: {  	v39 =	vld [tilespmem:s28+$0x9EE0];
	v18 =	vsub.f32 v18, v19;
	v19 =	vsub.f32 v33, v34  }
0x1d1: {  	v40 =	vld [tilespmem:s28+$0xC6E0]  }
0x1d2: {  	v41 =	vld [tilespmem:s28+$0x9EF0];
	v22 =	vsub.f32 v35, v36;
	v18 =	vmul.f32 v18, v18;
	v19 =	vmul.f32 v19, v19  }
0x1d3: {  	v42 =	vld [tilespmem:s28+$0xC6F0]  }
0x1d4: {  	v44 =	vld [tilespmem:s28+$0x9F00];
	v43 =	vsub.f32 v37, v38;
	v18 =	vadd.f32 v19, v18;
	v19 =	vmul.f32 v22, v22  }
0x1d5: {  	v45 =	vld [tilespmem:s28+$0xC700]  }
0x1d6: {  	v46 =	vld [tilespmem:s28+$0x9F10];
	v20 =	vsub.f32 v39, v40;
	v18 =	vadd.f32 v19, v18;
	v19 =	vmul.f32 v43, v43  }
0x1d7: {  	v47 =	vld [tilespmem:s28+$0xC710]  }
0x1d8: {  	v48 =	vsub.f32 v41, v42;
	v18 =	vadd.f32 v19, v18;
	v19 =	vmul.f32 v20, v20;
	_ =	sdelay $0x1  }
0x1d9: {  	v49 =	vsub.f32 v44, v45;
	v18 =	vadd.f32 v19, v18;
	v19 =	vmul.f32 v48, v48;
	_ =	sdelay $0x1  }
0x1da: {  	v50 =	vsub.f32 v46, v47;
	v18 =	vadd.f32 v19, v18;
	v19 =	vmul.f32 v49, v49;
	_ =	sdelay $0x1  }
0x1db: {  	v18 =	vadd.f32 v19, v18;
	v19 =	vmul.f32 v50, v50;
	_ =	sdelay $0x1  }
0x1dc: {  	v18 =	vadd.f32 v19, v18;
	_ =	sdelay $0x1  }
0x1dd: {  	[tilespmem:v2+s19+$0x0] =	vst.idx.msk $0xffff, v18  }
0x1de: {  	v18 =	vld [tilespmem:s28+$0x9F20]  }
0x1df: {  	v19 =	vld [tilespmem:s28+$0xC720]  }
0x1e0: {  	v51 =	vld [tilespmem:s28+$0x9F30]  }
0x1e1: {  	v52 =	vld [tilespmem:s28+$0xC730]  }
0x1e2: {  	v53 =	vld [tilespmem:s28+$0x9F40]  }
0x1e3: {  	v54 =	vld [tilespmem:s28+$0xC740]  }
0x1e4: {  	v55 =	vld [tilespmem:s28+$0x9F50]  }
0x1e5: {  	v56 =	vld [tilespmem:s28+$0xC750]  }
0x1e6: {  	v57 =	vld [tilespmem:s28+$0x9F60];
	v18 =	vsub.f32 v18, v19;
	v19 =	vsub.f32 v51, v52  }
0x1e7: {  	v58 =	vld [tilespmem:s28+$0xC760]  }
0x1e8: {  	v59 =	vld [tilespmem:s28+$0x9F70];
	v22 =	vsub.f32 v53, v54;
	v18 =	vmul.f32 v18, v18;
	v19 =	vmul.f32 v19, v19  }
0x1e9: {  	v60 =	vld [tilespmem:s28+$0xC770]  }
0x1ea: {  	v62 =	vld [tilespmem:s28+$0x9F80];
	v61 =	vsub.f32 v55, v56;
	v18 =	vadd.f32 v19, v18;
	v19 =	vmul.f32 v22, v22  }
0x1eb: {  	v63 =	vld [tilespmem:s28+$0xC780]  }
0x1ec: {  	v28 =	vld [tilespmem:s28+$0x9F90];
	v20 =	vsub.f32 v57, v58;
	v18 =	vadd.f32 v19, v18;
	v19 =	vmul.f32 v61, v61  }
0x1ed: {  	v29 =	vld [tilespmem:s28+$0xC790]  }
0x1ee: {  	v30 =	vsub.f32 v59, v60;
	v18 =	vadd.f32 v19, v18;
	v19 =	vmul.f32 v20, v20;
	_ =	sdelay $0x1  }
0x1ef: {  	v31 =	vsub.f32 v62, v63;
	v18 =	vadd.f32 v19, v18;
	v19 =	vmul.f32 v30, v30;
	_ =	sdelay $0x1  }
0x1f0: {  	v32 =	vsub.f32 v28, v29;
	v18 =	vadd.f32 v19, v18;
	v19 =	vmul.f32 v31, v31;
	_ =	sdelay $0x1  }
0x1f1: {  	v18 =	vadd.f32 v19, v18;
	v19 =	vmul.f32 v32, v32;
	_ =	sdelay $0x1  }
0x1f2: {  	v18 =	vadd.f32 v19, v18;
	_ =	sdelay $0x1  }
0x1f3: {  	[tilespmem:v3+s19+$0x0] =	vst.idx.msk $0xffff, v18  }
0x1f4: {  	v18 =	vld [tilespmem:s28+$0x9FA0]  }
0x1f5: {  	v19 =	vld [tilespmem:s28+$0xC7A0]  }
0x1f6: {  	v33 =	vld [tilespmem:s28+$0x9FB0]  }
0x1f7: {  	v34 =	vld [tilespmem:s28+$0xC7B0]  }
0x1f8: {  	v35 =	vld [tilespmem:s28+$0x9FC0]  }
0x1f9: {  	v36 =	vld [tilespmem:s28+$0xC7C0]  }
0x1fa: {  	v37 =	vld [tilespmem:s28+$0x9FD0]  }
0x1fb: {  	v38 =	vld [tilespmem:s28+$0xC7D0]  }
0x1fc: {  	v39 =	vld [tilespmem:s28+$0x9FE0];
	v18 =	vsub.f32 v18, v19;
	v19 =	vsub.f32 v33, v34  }
0x1fd: {  	v40 =	vld [tilespmem:s28+$0xC7E0]  }
0x1fe: {  	v41 =	vld [tilespmem:s28+$0x9FF0];
	v22 =	vsub.f32 v35, v36;
	v18 =	vmul.f32 v18, v18;
	v19 =	vmul.f32 v19, v19  }
0x1ff: {  	v42 =	vld [tilespmem:s28+$0xC7F0]  }
0x200: {  	v44 =	vld [tilespmem:s28+$0xA000];
	v43 =	vsub.f32 v37, v38;
	v18 =	vadd.f32 v19, v18;
	v19 =	vmul.f32 v22, v22  }
0x201: {  	v45 =	vld [tilespmem:s28+$0xC800]  }
0x202: {  	v46 =	vld [tilespmem:s28+$0xA010];
	v20 =	vsub.f32 v39, v40;
	v18 =	vadd.f32 v19, v18;
	v19 =	vmul.f32 v43, v43  }
0x203: {  	v47 =	vld [tilespmem:s28+$0xC810]  }
0x204: {  	v48 =	vsub.f32 v41, v42;
	v18 =	vadd.f32 v19, v18;
	v19 =	vmul.f32 v20, v20;
	_ =	sdelay $0x1  }
0x205: {  	v49 =	vsub.f32 v44, v45;
	v18 =	vadd.f32 v19, v18;
	v19 =	vmul.f32 v48, v48;
	_ =	sdelay $0x1  }
0x206: {  	v50 =	vsub.f32 v46, v47;
	v18 =	vadd.f32 v19, v18;
	v19 =	vmul.f32 v49, v49;
	_ =	sdelay $0x1  }
0x207: {  	v18 =	vadd.f32 v19, v18;
	v19 =	vmul.f32 v50, v50;
	_ =	sdelay $0x1  }
0x208: {  	v18 =	vadd.f32 v19, v18;
	_ =	sdelay $0x1  }
0x209: {  	[tilespmem:v4+s19+$0x0] =	vst.idx.msk $0xffff, v18  }
0x20a: {  	v18 =	vld [tilespmem:s28+$0xA020]  }
0x20b: {  	v19 =	vld [tilespmem:s28+$0xC820]  }
0x20c: {  	v51 =	vld [tilespmem:s28+$0xA030]  }
0x20d: {  	v52 =	vld [tilespmem:s28+$0xC830]  }
0x20e: {  	v53 =	vld [tilespmem:s28+$0xA040]  }
0x20f: {  	v54 =	vld [tilespmem:s28+$0xC840]  }
0x210: {  	v55 =	vld [tilespmem:s28+$0xA050]  }
0x211: {  	v56 =	vld [tilespmem:s28+$0xC850]  }
0x212: {  	v57 =	vld [tilespmem:s28+$0xA060];
	v18 =	vsub.f32 v18, v19;
	v19 =	vsub.f32 v51, v52  }
0x213: {  	v58 =	vld [tilespmem:s28+$0xC860]  }
0x214: {  	v59 =	vld [tilespmem:s28+$0xA070];
	v22 =	vsub.f32 v53, v54;
	v18 =	vmul.f32 v18, v18;
	v19 =	vmul.f32 v19, v19  }
0x215: {  	v60 =	vld [tilespmem:s28+$0xC870]  }
0x216: {  	v62 =	vld [tilespmem:s28+$0xA080];
	v61 =	vsub.f32 v55, v56;
	v18 =	vadd.f32 v19, v18;
	v19 =	vmul.f32 v22, v22  }
0x217: {  	v63 =	vld [tilespmem:s28+$0xC880]  }
0x218: {  	v28 =	vld [tilespmem:s28+$0xA090];
	v20 =	vsub.f32 v57, v58;
	v18 =	vadd.f32 v19, v18;
	v19 =	vmul.f32 v61, v61  }
0x219: {  	v29 =	vld [tilespmem:s28+$0xC890]  }
0x21a: {  	v30 =	vsub.f32 v59, v60;
	v18 =	vadd.f32 v19, v18;
	v19 =	vmul.f32 v20, v20;
	_ =	sdelay $0x1  }
0x21b: {  	v31 =	vsub.f32 v62, v63;
	v18 =	vadd.f32 v19, v18;
	v19 =	vmul.f32 v30, v30;
	_ =	sdelay $0x1  }
0x21c: {  	v32 =	vsub.f32 v28, v29;
	v18 =	vadd.f32 v19, v18;
	v19 =	vmul.f32 v31, v31;
	_ =	sdelay $0x1  }
0x21d: {  	v18 =	vadd.f32 v19, v18;
	v19 =	vmul.f32 v32, v32;
	_ =	sdelay $0x1  }
0x21e: {  	v18 =	vadd.f32 v19, v18;
	_ =	sdelay $0x1  }
0x21f: {  	[tilespmem:v5+s19+$0x0] =	vst.idx.msk $0xffff, v18  }
0x220: {  	v18 =	vld [tilespmem:s28+$0xA0A0]  }
0x221: {  	v19 =	vld [tilespmem:s28+$0xC8A0]  }
0x222: {  	v33 =	vld [tilespmem:s28+$0xA0B0]  }
0x223: {  	v34 =	vld [tilespmem:s28+$0xC8B0]  }
0x224: {  	v35 =	vld [tilespmem:s28+$0xA0C0]  }
0x225: {  	v36 =	vld [tilespmem:s28+$0xC8C0]  }
0x226: {  	v37 =	vld [tilespmem:s28+$0xA0D0]  }
0x227: {  	v38 =	vld [tilespmem:s28+$0xC8D0]  }
0x228: {  	v39 =	vld [tilespmem:s28+$0xA0E0];
	v18 =	vsub.f32 v18, v19;
	v19 =	vsub.f32 v33, v34  }
0x229: {  	v40 =	vld [tilespmem:s28+$0xC8E0]  }
0x22a: {  	v41 =	vld [tilespmem:s28+$0xA0F0];
	v22 =	vsub.f32 v35, v36;
	v18 =	vmul.f32 v18, v18;
	v19 =	vmul.f32 v19, v19  }
0x22b: {  	v42 =	vld [tilespmem:s28+$0xC8F0]  }
0x22c: {  	v44 =	vld [tilespmem:s28+$0xA100];
	v43 =	vsub.f32 v37, v38;
	v18 =	vadd.f32 v19, v18;
	v19 =	vmul.f32 v22, v22  }
0x22d: {  	v45 =	vld [tilespmem:s28+$0xC900]  }
0x22e: {  	v46 =	vld [tilespmem:s28+$0xA110];
	v20 =	vsub.f32 v39, v40;
	v18 =	vadd.f32 v19, v18;
	v19 =	vmul.f32 v43, v43  }
0x22f: {  	v47 =	vld [tilespmem:s28+$0xC910]  }
0x230: {  	v48 =	vsub.f32 v41, v42;
	v18 =	vadd.f32 v19, v18;
	v19 =	vmul.f32 v20, v20;
	_ =	sdelay $0x1  }
0x231: {  	v49 =	vsub.f32 v44, v45;
	v18 =	vadd.f32 v19, v18;
	v19 =	vmul.f32 v48, v48;
	_ =	sdelay $0x1  }
0x232: {  	v50 =	vsub.f32 v46, v47;
	v18 =	vadd.f32 v19, v18;
	v19 =	vmul.f32 v49, v49;
	_ =	sdelay $0x1  }
0x233: {  	v18 =	vadd.f32 v19, v18;
	v19 =	vmul.f32 v50, v50;
	_ =	sdelay $0x1  }
0x234: {  	v18 =	vadd.f32 v19, v18;
	_ =	sdelay $0x1  }
0x235: {  	[tilespmem:v6+s19+$0x0] =	vst.idx.msk $0xffff, v18  }
0x236: {  	v18 =	vld [tilespmem:s28+$0xA120]  }
0x237: {  	v19 =	vld [tilespmem:s28+$0xC920]  }
0x238: {  	v51 =	vld [tilespmem:s28+$0xA130]  }
0x239: {  	v52 =	vld [tilespmem:s28+$0xC930]  }
0x23a: {  	v53 =	vld [tilespmem:s28+$0xA140]  }
0x23b: {  	v54 =	vld [tilespmem:s28+$0xC940]  }
0x23c: {  	v55 =	vld [tilespmem:s28+$0xA150]  }
0x23d: {  	v56 =	vld [tilespmem:s28+$0xC950]  }
0x23e: {  	v57 =	vld [tilespmem:s28+$0xA160];
	v18 =	vsub.f32 v18, v19;
	v19 =	vsub.f32 v51, v52  }
0x23f: {  	v58 =	vld [tilespmem:s28+$0xC960]  }
0x240: {  	v59 =	vld [tilespmem:s28+$0xA170];
	v22 =	vsub.f32 v53, v54;
	v18 =	vmul.f32 v18, v18;
	v19 =	vmul.f32 v19, v19  }
0x241: {  	v60 =	vld [tilespmem:s28+$0xC970]  }
0x242: {  	v62 =	vld [tilespmem:s28+$0xA180];
	v61 =	vsub.f32 v55, v56;
	v18 =	vadd.f32 v19, v18;
	v19 =	vmul.f32 v22, v22  }
0x243: {  	v63 =	vld [tilespmem:s28+$0xC980]  }
0x244: {  	v28 =	vld [tilespmem:s28+$0xA190];
	v20 =	vsub.f32 v57, v58;
	v18 =	vadd.f32 v19, v18;
	v19 =	vmul.f32 v61, v61  }
0x245: {  	v29 =	vld [tilespmem:s28+$0xC990]  }
0x246: {  	v30 =	vsub.f32 v59, v60;
	v18 =	vadd.f32 v19, v18;
	v19 =	vmul.f32 v20, v20;
	_ =	sdelay $0x1  }
0x247: {  	v31 =	vsub.f32 v62, v63;
	v18 =	vadd.f32 v19, v18;
	v19 =	vmul.f32 v30, v30;
	_ =	sdelay $0x1  }
0x248: {  	v32 =	vsub.f32 v28, v29;
	v18 =	vadd.f32 v19, v18;
	v19 =	vmul.f32 v31, v31;
	_ =	sdelay $0x1  }
0x249: {  	v18 =	vadd.f32 v19, v18;
	v19 =	vmul.f32 v32, v32;
	_ =	sdelay $0x1  }
0x24a: {  	v18 =	vadd.f32 v19, v18;
	_ =	sdelay $0x1  }
0x24b: {  	[tilespmem:v7+s19+$0x0] =	vst.idx.msk $0xffff, v18  }
0x24c: {  	v18 =	vld [tilespmem:s28+$0xA1A0]  }
0x24d: {  	v19 =	vld [tilespmem:s28+$0xC9A0]  }
0x24e: {  	v33 =	vld [tilespmem:s28+$0xA1B0]  }
0x24f: {  	v34 =	vld [tilespmem:s28+$0xC9B0]  }
0x250: {  	v35 =	vld [tilespmem:s28+$0xA1C0]  }
0x251: {  	v36 =	vld [tilespmem:s28+$0xC9C0]  }
0x252: {  	v37 =	vld [tilespmem:s28+$0xA1D0]  }
0x253: {  	v38 =	vld [tilespmem:s28+$0xC9D0]  }
0x254: {  	v39 =	vld [tilespmem:s28+$0xA1E0];
	v18 =	vsub.f32 v18, v19;
	v19 =	vsub.f32 v33, v34  }
0x255: {  	v40 =	vld [tilespmem:s28+$0xC9E0]  }
0x256: {  	v41 =	vld [tilespmem:s28+$0xA1F0];
	v22 =	vsub.f32 v35, v36;
	v18 =	vmul.f32 v18, v18;
	v19 =	vmul.f32 v19, v19  }
0x257: {  	v42 =	vld [tilespmem:s28+$0xC9F0]  }
0x258: {  	v44 =	vld [tilespmem:s28+$0xA200];
	v43 =	vsub.f32 v37, v38;
	v18 =	vadd.f32 v19, v18;
	v19 =	vmul.f32 v22, v22  }
0x259: {  	v45 =	vld [tilespmem:s28+$0xCA00]  }
0x25a: {  	v46 =	vld [tilespmem:s28+$0xA210];
	v20 =	vsub.f32 v39, v40;
	v18 =	vadd.f32 v19, v18;
	v19 =	vmul.f32 v43, v43  }
0x25b: {  	v47 =	vld [tilespmem:s28+$0xCA10]  }
0x25c: {  	v48 =	vsub.f32 v41, v42;
	v18 =	vadd.f32 v19, v18;
	v19 =	vmul.f32 v20, v20;
	_ =	sdelay $0x1  }
0x25d: {  	v49 =	vsub.f32 v44, v45;
	v18 =	vadd.f32 v19, v18;
	v19 =	vmul.f32 v48, v48;
	_ =	sdelay $0x1  }
0x25e: {  	v50 =	vsub.f32 v46, v47;
	v18 =	vadd.f32 v19, v18;
	v19 =	vmul.f32 v49, v49;
	_ =	sdelay $0x1  }
0x25f: {  	v18 =	vadd.f32 v19, v18;
	v19 =	vmul.f32 v50, v50;
	_ =	sdelay $0x1  }
0x260: {  	v18 =	vadd.f32 v19, v18;
	_ =	sdelay $0x1  }
0x261: {  	[tilespmem:v8+s19+$0x0] =	vst.idx.msk $0xffff, v18  }
0x262: {  	v18 =	vld [tilespmem:s28+$0xA220]  }
0x263: {  	v19 =	vld [tilespmem:s28+$0xCA20]  }
0x264: {  	v51 =	vld [tilespmem:s28+$0xA230]  }
0x265: {  	v52 =	vld [tilespmem:s28+$0xCA30]  }
0x266: {  	v53 =	vld [tilespmem:s28+$0xA240]  }
0x267: {  	v54 =	vld [tilespmem:s28+$0xCA40]  }
0x268: {  	v55 =	vld [tilespmem:s28+$0xA250]  }
0x269: {  	v56 =	vld [tilespmem:s28+$0xCA50]  }
0x26a: {  	v57 =	vld [tilespmem:s28+$0xA260];
	v18 =	vsub.f32 v18, v19;
	v19 =	vsub.f32 v51, v52  }
0x26b: {  	v58 =	vld [tilespmem:s28+$0xCA60]  }
0x26c: {  	v59 =	vld [tilespmem:s28+$0xA270];
	v22 =	vsub.f32 v53, v54;
	v18 =	vmul.f32 v18, v18;
	v19 =	vmul.f32 v19, v19  }
0x26d: {  	v60 =	vld [tilespmem:s28+$0xCA70]  }
0x26e: {  	v62 =	vld [tilespmem:s28+$0xA280];
	v61 =	vsub.f32 v55, v56;
	v18 =	vadd.f32 v19, v18;
	v19 =	vmul.f32 v22, v22  }
0x26f: {  	v63 =	vld [tilespmem:s28+$0xCA80]  }
0x270: {  	v28 =	vld [tilespmem:s28+$0xA290];
	v20 =	vsub.f32 v57, v58;
	v18 =	vadd.f32 v19, v18;
	v19 =	vmul.f32 v61, v61  }
0x271: {  	v29 =	vld [tilespmem:s28+$0xCA90]  }
0x272: {  	v30 =	vsub.f32 v59, v60;
	v18 =	vadd.f32 v19, v18;
	v19 =	vmul.f32 v20, v20;
	_ =	sdelay $0x1  }
0x273: {  	v31 =	vsub.f32 v62, v63;
	v18 =	vadd.f32 v19, v18;
	v19 =	vmul.f32 v30, v30;
	_ =	sdelay $0x1  }
0x274: {  	v32 =	vsub.f32 v28, v29;
	v18 =	vadd.f32 v19, v18;
	v19 =	vmul.f32 v31, v31;
	_ =	sdelay $0x1  }
0x275: {  	v18 =	vadd.f32 v19, v18;
	v19 =	vmul.f32 v32, v32;
	_ =	sdelay $0x1  }
0x276: {  	v18 =	vadd.f32 v19, v18;
	_ =	sdelay $0x1  }
0x277: {  	[tilespmem:v9+s19+$0x0] =	vst.idx.msk $0xffff, v18  }
0x278: {  	v18 =	vld [tilespmem:s28+$0xA2A0]  }
0x279: {  	v19 =	vld [tilespmem:s28+$0xCAA0]  }
0x27a: {  	v33 =	vld [tilespmem:s28+$0xA2B0]  }
0x27b: {  	v34 =	vld [tilespmem:s28+$0xCAB0]  }
0x27c: {  	v35 =	vld [tilespmem:s28+$0xA2C0]  }
0x27d: {  	v36 =	vld [tilespmem:s28+$0xCAC0]  }
0x27e: {  	v37 =	vld [tilespmem:s28+$0xA2D0]  }
0x27f: {  	v38 =	vld [tilespmem:s28+$0xCAD0]  }
0x280: {  	v39 =	vld [tilespmem:s28+$0xA2E0];
	v18 =	vsub.f32 v18, v19;
	v19 =	vsub.f32 v33, v34  }
0x281: {  	v40 =	vld [tilespmem:s28+$0xCAE0]  }
0x282: {  	v41 =	vld [tilespmem:s28+$0xA2F0];
	v22 =	vsub.f32 v35, v36;
	v18 =	vmul.f32 v18, v18;
	v19 =	vmul.f32 v19, v19  }
0x283: {  	v42 =	vld [tilespmem:s28+$0xCAF0]  }
0x284: {  	v44 =	vld [tilespmem:s28+$0xA300];
	v43 =	vsub.f32 v37, v38;
	v18 =	vadd.f32 v19, v18;
	v19 =	vmul.f32 v22, v22  }
0x285: {  	v45 =	vld [tilespmem:s28+$0xCB00]  }
0x286: {  	v46 =	vld [tilespmem:s28+$0xA310];
	v20 =	vsub.f32 v39, v40;
	v18 =	vadd.f32 v19, v18;
	v19 =	vmul.f32 v43, v43  }
0x287: {  	v47 =	vld [tilespmem:s28+$0xCB10]  }
0x288: {  	v48 =	vsub.f32 v41, v42;
	v18 =	vadd.f32 v19, v18;
	v19 =	vmul.f32 v20, v20;
	_ =	sdelay $0x1  }
0x289: {  	v49 =	vsub.f32 v44, v45;
	v18 =	vadd.f32 v19, v18;
	v19 =	vmul.f32 v48, v48;
	_ =	sdelay $0x1  }
0x28a: {  	v50 =	vsub.f32 v46, v47;
	v18 =	vadd.f32 v19, v18;
	v19 =	vmul.f32 v49, v49;
	_ =	sdelay $0x1  }
0x28b: {  	v18 =	vadd.f32 v19, v18;
	v19 =	vmul.f32 v50, v50;
	_ =	sdelay $0x1  }
0x28c: {  	v18 =	vadd.f32 v19, v18;
	_ =	sdelay $0x1  }
0x28d: {  	[tilespmem:v10+s19+$0x0] =	vst.idx.msk $0xffff, v18  }
0x28e: {  	v18 =	vld [tilespmem:s28+$0xA320]  }
0x28f: {  	v19 =	vld [tilespmem:s28+$0xCB20]  }
0x290: {  	v51 =	vld [tilespmem:s28+$0xA330]  }
0x291: {  	v52 =	vld [tilespmem:s28+$0xCB30]  }
0x292: {  	v53 =	vld [tilespmem:s28+$0xA340]  }
0x293: {  	v54 =	vld [tilespmem:s28+$0xCB40]  }
0x294: {  	v55 =	vld [tilespmem:s28+$0xA350]  }
0x295: {  	v56 =	vld [tilespmem:s28+$0xCB50]  }
0x296: {  	v57 =	vld [tilespmem:s28+$0xA360];
	v18 =	vsub.f32 v18, v19;
	v19 =	vsub.f32 v51, v52  }
0x297: {  	v58 =	vld [tilespmem:s28+$0xCB60]  }
0x298: {  	v59 =	vld [tilespmem:s28+$0xA370];
	v22 =	vsub.f32 v53, v54;
	v18 =	vmul.f32 v18, v18;
	v19 =	vmul.f32 v19, v19  }
0x299: {  	v60 =	vld [tilespmem:s28+$0xCB70]  }
0x29a: {  	v62 =	vld [tilespmem:s28+$0xA380];
	v61 =	vsub.f32 v55, v56;
	v18 =	vadd.f32 v19, v18;
	v19 =	vmul.f32 v22, v22  }
0x29b: {  	v63 =	vld [tilespmem:s28+$0xCB80]  }
0x29c: {  	v28 =	vld [tilespmem:s28+$0xA390];
	v20 =	vsub.f32 v57, v58;
	v18 =	vadd.f32 v19, v18;
	v19 =	vmul.f32 v61, v61  }
0x29d: {  	v29 =	vld [tilespmem:s28+$0xCB90]  }
0x29e: {  	v30 =	vsub.f32 v59, v60;
	v18 =	vadd.f32 v19, v18;
	v19 =	vmul.f32 v20, v20;
	_ =	sdelay $0x1  }
0x29f: {  	v31 =	vsub.f32 v62, v63;
	v18 =	vadd.f32 v19, v18;
	v19 =	vmul.f32 v30, v30;
	_ =	sdelay $0x1  }
0x2a0: {  	v32 =	vsub.f32 v28, v29;
	v18 =	vadd.f32 v19, v18;
	v19 =	vmul.f32 v31, v31;
	_ =	sdelay $0x1  }
0x2a1: {  	v18 =	vadd.f32 v19, v18;
	v19 =	vmul.f32 v32, v32;
	_ =	sdelay $0x1  }
0x2a2: {  	v18 =	vadd.f32 v19, v18;
	_ =	sdelay $0x1  }
0x2a3: {  	[tilespmem:v11+s19+$0x0] =	vst.idx.msk $0xffff, v18  }
0x2a4: {  	v18 =	vld [tilespmem:s28+$0xA3A0]  }
0x2a5: {  	v19 =	vld [tilespmem:s28+$0xCBA0]  }
0x2a6: {  	v33 =	vld [tilespmem:s28+$0xA3B0]  }
0x2a7: {  	v34 =	vld [tilespmem:s28+$0xCBB0]  }
0x2a8: {  	v35 =	vld [tilespmem:s28+$0xA3C0]  }
0x2a9: {  	v36 =	vld [tilespmem:s28+$0xCBC0]  }
0x2aa: {  	v37 =	vld [tilespmem:s28+$0xA3D0]  }
0x2ab: {  	v38 =	vld [tilespmem:s28+$0xCBD0]  }
0x2ac: {  	v39 =	vld [tilespmem:s28+$0xA3E0];
	v18 =	vsub.f32 v18, v19;
	v19 =	vsub.f32 v33, v34  }
0x2ad: {  	v40 =	vld [tilespmem:s28+$0xCBE0]  }
0x2ae: {  	v41 =	vld [tilespmem:s28+$0xA3F0];
	v22 =	vsub.f32 v35, v36;
	v18 =	vmul.f32 v18, v18;
	v19 =	vmul.f32 v19, v19  }
0x2af: {  	v42 =	vld [tilespmem:s28+$0xCBF0]  }
0x2b0: {  	v44 =	vld [tilespmem:s28+$0xA400];
	v43 =	vsub.f32 v37, v38;
	v18 =	vadd.f32 v19, v18;
	v19 =	vmul.f32 v22, v22  }
0x2b1: {  	v45 =	vld [tilespmem:s28+$0xCC00]  }
0x2b2: {  	v46 =	vld [tilespmem:s28+$0xA410];
	v20 =	vsub.f32 v39, v40;
	v18 =	vadd.f32 v19, v18;
	v19 =	vmul.f32 v43, v43  }
0x2b3: {  	v47 =	vld [tilespmem:s28+$0xCC10]  }
0x2b4: {  	v48 =	vsub.f32 v41, v42;
	v18 =	vadd.f32 v19, v18;
	v19 =	vmul.f32 v20, v20;
	_ =	sdelay $0x1  }
0x2b5: {  	v49 =	vsub.f32 v44, v45;
	v18 =	vadd.f32 v19, v18;
	v19 =	vmul.f32 v48, v48;
	_ =	sdelay $0x1  }
0x2b6: {  	v50 =	vsub.f32 v46, v47;
	v18 =	vadd.f32 v19, v18;
	v19 =	vmul.f32 v49, v49;
	_ =	sdelay $0x1  }
0x2b7: {  	v18 =	vadd.f32 v19, v18;
	v19 =	vmul.f32 v50, v50;
	_ =	sdelay $0x1  }
0x2b8: {  	v18 =	vadd.f32 v19, v18;
	_ =	sdelay $0x1  }
0x2b9: {  	[tilespmem:v12+s19+$0x0] =	vst.idx.msk $0xffff, v18  }
0x2ba: {  	v18 =	vld [tilespmem:s28+$0xA420]  }
0x2bb: {  	v19 =	vld [tilespmem:s28+$0xCC20]  }
0x2bc: {  	v51 =	vld [tilespmem:s28+$0xA430]  }
0x2bd: {  	v52 =	vld [tilespmem:s28+$0xCC30]  }
0x2be: {  	v53 =	vld [tilespmem:s28+$0xA440]  }
0x2bf: {  	v54 =	vld [tilespmem:s28+$0xCC40]  }
0x2c0: {  	v55 =	vld [tilespmem:s28+$0xA450]  }
0x2c1: {  	v56 =	vld [tilespmem:s28+$0xCC50]  }
0x2c2: {  	v57 =	vld [tilespmem:s28+$0xA460];
	v18 =	vsub.f32 v18, v19;
	v19 =	vsub.f32 v51, v52  }
0x2c3: {  	v58 =	vld [tilespmem:s28+$0xCC60]  }
0x2c4: {  	v59 =	vld [tilespmem:s28+$0xA470];
	v22 =	vsub.f32 v53, v54;
	v18 =	vmul.f32 v18, v18;
	v19 =	vmul.f32 v19, v19  }
0x2c5: {  	v60 =	vld [tilespmem:s28+$0xCC70]  }
0x2c6: {  	v62 =	vld [tilespmem:s28+$0xA480];
	v61 =	vsub.f32 v55, v56;
	v18 =	vadd.f32 v19, v18;
	v19 =	vmul.f32 v22, v22  }
0x2c7: {  	v63 =	vld [tilespmem:s28+$0xCC80]  }
0x2c8: {  	v27 =	vld [tilespmem:s28+$0xA490];
	v20 =	vsub.f32 v57, v58;
	v18 =	vadd.f32 v19, v18;
	v19 =	vmul.f32 v61, v61  }
0x2c9: {  	v28 =	vld [tilespmem:s28+$0xCC90]  }
0x2ca: {  	v29 =	vsub.f32 v59, v60;
	v18 =	vadd.f32 v19, v18;
	v19 =	vmul.f32 v20, v20;
	_ =	sdelay $0x1  }
0x2cb: {  	v30 =	vsub.f32 v62, v63;
	v18 =	vadd.f32 v19, v18;
	v19 =	vmul.f32 v29, v29;
	_ =	sdelay $0x1  }
0x2cc: {  	v31 =	vsub.f32 v27, v28;
	v18 =	vadd.f32 v19, v18;
	v19 =	vmul.f32 v30, v30;
	_ =	sdelay $0x1  }
0x2cd: {  	v18 =	vadd.f32 v19, v18;
	v19 =	vmul.f32 v31, v31;
	_ =	sdelay $0x1  }
0x2ce: {  	v18 =	vadd.f32 v19, v18;
	_ =	sdelay $0x1  }
0x2cf: {  	[tilespmem:v13+s19+$0x0] =	vst.idx.msk $0xffff, v18  }
0x2d0: {  	v18 =	vld [tilespmem:s28+$0xA4A0]  }
0x2d1: {  	v19 =	vld [tilespmem:s28+$0xCCA0]  }
0x2d2: {  	v32 =	vld [tilespmem:s28+$0xA4B0]  }
0x2d3: {  	v33 =	vld [tilespmem:s28+$0xCCB0]  }
0x2d4: {  	v34 =	vld [tilespmem:s28+$0xA4C0]  }
0x2d5: {  	v35 =	vld [tilespmem:s28+$0xCCC0]  }
0x2d6: {  	v36 =	vld [tilespmem:s28+$0xA4D0]  }
0x2d7: {  	v37 =	vld [tilespmem:s28+$0xCCD0]  }
0x2d8: {  	v38 =	vld [tilespmem:s28+$0xA4E0];
	v18 =	vsub.f32 v18, v19;
	v19 =	vsub.f32 v32, v33  }
0x2d9: {  	v39 =	vld [tilespmem:s28+$0xCCE0]  }
0x2da: {  	v40 =	vld [tilespmem:s28+$0xA4F0];
	v22 =	vsub.f32 v34, v35;
	v18 =	vmul.f32 v18, v18;
	v19 =	vmul.f32 v19, v19  }
0x2db: {  	v41 =	vld [tilespmem:s28+$0xCCF0]  }
0x2dc: {  	v43 =	vld [tilespmem:s28+$0xA500];
	v42 =	vsub.f32 v36, v37;
	v18 =	vadd.f32 v19, v18;
	v19 =	vmul.f32 v22, v22  }
0x2dd: {  	v44 =	vld [tilespmem:s28+$0xCD00]  }
0x2de: {  	v45 =	vld [tilespmem:s28+$0xA510];
	v20 =	vsub.f32 v38, v39;
	v18 =	vadd.f32 v19, v18;
	v19 =	vmul.f32 v42, v42  }
0x2df: {  	v46 =	vld [tilespmem:s28+$0xCD10]  }
0x2e0: {  	v47 =	vsub.f32 v40, v41;
	v18 =	vadd.f32 v19, v18;
	v19 =	vmul.f32 v20, v20;
	_ =	sdelay $0x1  }
0x2e1: {  	v48 =	vsub.f32 v43, v44;
	v18 =	vadd.f32 v19, v18;
	v19 =	vmul.f32 v47, v47;
	_ =	sdelay $0x1  }
0x2e2: {  	v49 =	vsub.f32 v45, v46;
	v18 =	vadd.f32 v19, v18;
	v19 =	vmul.f32 v48, v48;
	_ =	sdelay $0x1  }
0x2e3: {  	v18 =	vadd.f32 v19, v18;
	v19 =	vmul.f32 v49, v49;
	_ =	sdelay $0x1  }
0x2e4: {  	v18 =	vadd.f32 v19, v18;
	_ =	sdelay $0x1  }
0x2e5: {  	[tilespmem:v14+s19+$0x0] =	vst.idx.msk $0xffff, v18  }
0x2e6: {  	v18 =	vld [tilespmem:s28+$0xA520]  }
0x2e7: {  	v19 =	vld [tilespmem:s28+$0xCD20]  }
0x2e8: {  	v50 =	vld [tilespmem:s28+$0xA530]  }
0x2e9: {  	v51 =	vld [tilespmem:s28+$0xCD30]  }
0x2ea: {  	v52 =	vld [tilespmem:s28+$0xA540]  }
0x2eb: {  	v53 =	vld [tilespmem:s28+$0xCD40]  }
0x2ec: {  	v54 =	vld [tilespmem:s28+$0xA550]  }
0x2ed: {  	v55 =	vld [tilespmem:s28+$0xCD50]  }
0x2ee: {  	v56 =	vld [tilespmem:s28+$0xA560];
	v18 =	vsub.f32 v18, v19;
	v19 =	vsub.f32 v50, v51  }
0x2ef: {  	v57 =	vld [tilespmem:s28+$0xCD60]  }
0x2f0: {  	v58 =	vld [tilespmem:s28+$0xA570];
	v22 =	vsub.f32 v52, v53;
	v18 =	vmul.f32 v18, v18;
	v19 =	vmul.f32 v19, v19  }
0x2f1: {  	v59 =	vld [tilespmem:s28+$0xCD70]  }
0x2f2: {  	v61 =	vld [tilespmem:s28+$0xA580];
	v60 =	vsub.f32 v54, v55;
	v18 =	vadd.f32 v19, v18;
	v19 =	vmul.f32 v22, v22  }
0x2f3: {  	v62 =	vld [tilespmem:s28+$0xCD80]  }
0x2f4: {  	v63 =	vld [tilespmem:s28+$0xA590];
	v20 =	vsub.f32 v56, v57;
	v18 =	vadd.f32 v19, v18;
	v19 =	vmul.f32 v60, v60  }
0x2f5: {  	v27 =	vld [tilespmem:s28+$0xCD90]  }
0x2f6: {  	v28 =	vsub.f32 v58, v59;
	v18 =	vadd.f32 v19, v18;
	v19 =	vmul.f32 v20, v20;
	_ =	sdelay $0x1  }
0x2f7: {  	v29 =	vsub.f32 v61, v62;
	v18 =	vadd.f32 v19, v18;
	v19 =	vmul.f32 v28, v28;
	_ =	sdelay $0x1  }
0x2f8: {  	v30 =	vsub.f32 v63, v27;
	v18 =	vadd.f32 v19, v18;
	v19 =	vmul.f32 v29, v29;
	_ =	sdelay $0x1  }
0x2f9: {  	v18 =	vadd.f32 v19, v18;
	v19 =	vmul.f32 v30, v30;
	_ =	sdelay $0x1  }
0x2fa: {  	v18 =	vadd.f32 v19, v18;
	_ =	sdelay $0x1  }
0x2fb: {  	[tilespmem:v15+s19+$0x0] =	vst.idx.msk $0xffff, v18  }
0x2fc: {  	v18 =	vld [tilespmem:s28+$0xA5A0]  }
0x2fd: {  	v19 =	vld [tilespmem:s28+$0xCDA0]  }
0x2fe: {  	v31 =	vld [tilespmem:s28+$0xA5B0]  }
0x2ff: {  	v32 =	vld [tilespmem:s28+$0xCDB0]  }
0x300: {  	v33 =	vld [tilespmem:s28+$0xA5C0]  }
0x301: {  	v34 =	vld [tilespmem:s28+$0xCDC0]  }
0x302: {  	v35 =	vld [tilespmem:s28+$0xA5D0]  }
0x303: {  	v36 =	vld [tilespmem:s28+$0xCDD0]  }
0x304: {  	v37 =	vld [tilespmem:s28+$0xA5E0];
	v18 =	vsub.f32 v18, v19;
	v19 =	vsub.f32 v31, v32  }
0x305: {  	v38 =	vld [tilespmem:s28+$0xCDE0]  }
0x306: {  	v39 =	vld [tilespmem:s28+$0xA5F0];
	v22 =	vsub.f32 v33, v34;
	v18 =	vmul.f32 v18, v18;
	v19 =	vmul.f32 v19, v19  }
0x307: {  	v40 =	vld [tilespmem:s28+$0xCDF0]  }
0x308: {  	v42 =	vld [tilespmem:s28+$0xA600];
	v41 =	vsub.f32 v35, v36;
	v18 =	vadd.f32 v19, v18;
	v19 =	vmul.f32 v22, v22  }
0x309: {  	v43 =	vld [tilespmem:s28+$0xCE00]  }
0x30a: {  	v44 =	vld [tilespmem:s28+$0xA610];
	v20 =	vsub.f32 v37, v38;
	v18 =	vadd.f32 v19, v18;
	v19 =	vmul.f32 v41, v41  }
0x30b: {  	v45 =	vld [tilespmem:s28+$0xCE10]  }
0x30c: {  	v46 =	vsub.f32 v39, v40;
	v18 =	vadd.f32 v19, v18;
	v19 =	vmul.f32 v20, v20;
	_ =	sdelay $0x1  }
0x30d: {  	v47 =	vsub.f32 v42, v43;
	v18 =	vadd.f32 v19, v18;
	v19 =	vmul.f32 v46, v46;
	_ =	sdelay $0x1  }
0x30e: {  	v48 =	vsub.f32 v44, v45;
	v18 =	vadd.f32 v19, v18;
	v19 =	vmul.f32 v47, v47;
	_ =	sdelay $0x1  }
0x30f: {  	v18 =	vadd.f32 v19, v18;
	v19 =	vmul.f32 v48, v48;
	_ =	sdelay $0x1  }
0x310: {  	v18 =	vadd.f32 v19, v18;
	_ =	sdelay $0x1  }
0x311: {  	[tilespmem:v16+s19+$0x0] =	vst.idx.msk $0xffff, v18  }
0x312: {  	v18 =	vld [tilespmem:$0x13D30]  }
0x313: {  	v19 =	vld [tilespmem:$0x13D41]  }
0x314: {  	v49 =	vld [tilespmem:$0x13D52]  }
0x315: {  	v50 =	vld [tilespmem:$0x13D63]  }
0x316: {  	v51 =	vld [tilespmem:$0x13D74]  }
0x317: {  	v52 =	vld [tilespmem:$0x13D85]  }
0x318: {  	v53 =	vld [tilespmem:$0x13D96]  }
0x319: {  	v54 =	vld [tilespmem:$0x13DA7]  }
0x31a: {  	v55 =	vld [tilespmem:$0x13DB8]  }
0x31b: {  	v27 =	vld [tilespmem:$0x13DC9]  }
0x31c: {  	v28 =	vld [tilespmem:$0x13DDA]  }
0x31d: {  	v29 =	vld [tilespmem:$0x13DEB]  }
0x31e: {  	v30 =	vld [tilespmem:$0x13DFC]  }
0x31f: {  	v31 =	vld [tilespmem:$0x13E0D]  }
0x320: {  	v32 =	vld [tilespmem:$0x13E1E]  }
0x321: {  	v33 =	vld [tilespmem:$0x13E2F];
	_ =	sdelay $0x1  }
0x322: {  	v18 =	vadd.f32 v19, v18;
	v19 =	vadd.f32 v50, v49  }
0x323: {  	v56 =	vadd.f32 v52, v51;
	v57 =	vadd.f32 v54, v53  }
0x324: {  	v58 =	vadd.f32 v27, v55;
	v59 =	vadd.f32 v29, v28  }
0x325: {  	v60 =	vadd.f32 v31, v30;
	v61 =	vadd.f32 v33, v32  }
0x326: {  	v18 =	vadd.f32 v19, v18;
	v19 =	vadd.f32 v57, v56  }
0x327: {  	v62 =	vadd.f32 v59, v58;
	v63 =	vadd.f32 v61, v60  }
0x328: {  	p0 =	sne.s32 s26, $0x4  }
.Ltmp2:
0x329: {  	v18 =	vadd.f32 v19, v18;
	v19 =	vadd.f32 v63, v62;
	(pc) =	sbr.rel @p0 .LBB2_7-.Ltmp2, $4  }
0x32a: {  	_ = 	snop  }
0x32b: {  	s31 =	sshll.u32 s26, $0x4;
	v18 =	vadd.f32 v19, v18  }
0x32c: {  	s28 =	sand.u32 $0x3FFFFFF0, s31  }
0x32d: {  	s26 =	sadd.s32 $0x1, s26;
	[tilespmem:v17+s28+$0x0 ss:$0x1] =	vst.idx.msk $0xffff, v18  }
0x32e: {  	s26 =	sshll.u32 s25, $0x1  }
0x32f: {  	s25 =	sadd.s32 $0x1, s25;
	s26 =	smin.u32 s26, $0x79  }
0x330: {  	p0 =	sne.s32 s25, $0x3E;
	s26 =	smul.u32 $0x50, s26  }
.Ltmp3:
0x331: {  	_ = 	snop;
	(pc) =	sbr.rel @p0 .LBB2_4-.Ltmp3, $4  }
0x332: {  	s28 =	sadd.s32 $0xF0, s26  }
0x333: {  	[tilespmem:s14], [sflag:$0x3] =	stream.indirect.gather [hbm4b:s1+s11], $0x80, s28, s11, $0xb8;
	[tilespmem:$0x13E40] =	vst v63  }
0x334: {  	s26 =	sadd.s32 $0x2800, s26  }
0x335: {  	[tilespmem:s16], [sflag:$0x4] =	stream.indirect.gather [hbm4b:s1+s11], $0x80, s26, s11, $0xb8;
	[tilespmem:$0x13E40] =	vst v63  }
0x336: {  	_ =	swait.ge [sflag:s17], $0x2800  }
0x337: {  	[sflag:s17] =	ssyncset.done $0x0  }
0x338: {  	[sflag:s17] =	ssyncadd.s32 $0xFFFFD800  }
0x339: {  	_ =	swait.ge [sflag:s18], $0x2800  }
0x33a: {  	[sflag:s18] =	ssyncset.done $0x0  }
0x33b: {  	s25 =	simm.s32 $0x0;
	[sflag:s18] =	ssyncadd.s32 $0xFFFFD800  }
.LBB2_10:
0x33c: {  	s26 =	sshll.u32 s25, $0xB  }
0x33d: {  	v17 =	vld [tilespmem:s26+$0x4E20]  }
0x33e: {  	v18 =	vld [tilespmem:s26+$0x7620]  }
0x33f: {  	v19 =	vld [tilespmem:s26+$0x4E30]  }
0x340: {  	v20 =	vld [tilespmem:s26+$0x7630]  }
0x341: {  	v21 =	vld [tilespmem:s26+$0x4E40]  }
0x342: {  	v22 =	vld [tilespmem:s26+$0x7640]  }
0x343: {  	v23 =	vld [tilespmem:s26+$0x4E50]  }
0x344: {  	v24 =	vld [tilespmem:s26+$0x7650]  }
0x345: {  	v30 =	vld [tilespmem:s26+$0x7660];
	v17 =	vsub.f32 v17, v18;
	v18 =	vsub.f32 v19, v20  }
0x346: {  	v19 =	vld [tilespmem:s26+$0x4E60]  }
0x347: {  	v31 =	vld [tilespmem:s26+$0x4E70];
	v21 =	vsub.f32 v21, v22;
	v17 =	vmul.f32 v17, v17;
	v18 =	vmul.f32 v18, v18  }
0x348: {  	v25 =	vld [tilespmem:s26+$0x7670]  }
0x349: {  	v33 =	vld [tilespmem:s26+$0x4E80];
	v32 =	vsub.f32 v23, v24;
	v17 =	vadd.f32 v18, v17;
	v18 =	vmul.f32 v21, v21  }
0x34a: {  	v34 =	vld [tilespmem:s26+$0x7680]  }
0x34b: {  	v35 =	vld [tilespmem:s26+$0x4E90];
	v19 =	vsub.f32 v19, v30;
	v17 =	vadd.f32 v18, v17;
	v18 =	vmul.f32 v32, v32  }
0x34c: {  	v36 =	vld [tilespmem:s26+$0x7690]  }
0x34d: {  	v17 =	vadd.f32 v18, v17;
	v18 =	vmul.f32 v19, v19;
	v19 =	vsub.f32 v31, v25;
	_ =	sdelay $0x1  }
0x34e: {  	v17 =	vadd.f32 v18, v17;
	v18 =	vmul.f32 v19, v19;
	v19 =	vsub.f32 v33, v34;
	_ =	sdelay $0x1  }
0x34f: {  	v17 =	vadd.f32 v18, v17;
	v18 =	vmul.f32 v19, v19;
	v19 =	vsub.f32 v35, v36;
	_ =	sdelay $0x1  }
0x350: {  	v17 =	vadd.f32 v18, v17;
	v18 =	vmul.f32 v19, v19;
	_ =	sdelay $0x1  }
0x351: {  	v17 =	vadd.f32 v18, v17;
	_ =	sdelay $0x1  }
0x352: {  	[tilespmem:v0+s19+$0x0] =	vst.idx.msk $0xffff, v17  }
0x353: {  	v17 =	vld [tilespmem:s26+$0x4EA0]  }
0x354: {  	v18 =	vld [tilespmem:s26+$0x76A0]  }
0x355: {  	v19 =	vld [tilespmem:s26+$0x4EB0]  }
0x356: {  	v37 =	vld [tilespmem:s26+$0x76B0]  }
0x357: {  	v38 =	vld [tilespmem:s26+$0x4EC0]  }
0x358: {  	v39 =	vld [tilespmem:s26+$0x76C0]  }
0x359: {  	v40 =	vld [tilespmem:s26+$0x4ED0]  }
0x35a: {  	v41 =	vld [tilespmem:s26+$0x76D0]  }
0x35b: {  	v42 =	vld [tilespmem:s26+$0x76E0];
	v17 =	vsub.f32 v17, v18;
	v18 =	vsub.f32 v19, v37  }
0x35c: {  	v19 =	vld [tilespmem:s26+$0x4EE0]  }
0x35d: {  	v43 =	vld [tilespmem:s26+$0x4EF0];
	v21 =	vsub.f32 v38, v39;
	v17 =	vmul.f32 v17, v17;
	v18 =	vmul.f32 v18, v18  }
0x35e: {  	v44 =	vld [tilespmem:s26+$0x76F0]  }
0x35f: {  	v46 =	vld [tilespmem:s26+$0x4F00];
	v45 =	vsub.f32 v40, v41;
	v17 =	vadd.f32 v18, v17;
	v18 =	vmul.f32 v21, v21  }
0x360: {  	v47 =	vld [tilespmem:s26+$0x7700]  }
0x361: {  	v48 =	vld [tilespmem:s26+$0x4F10];
	v19 =	vsub.f32 v19, v42;
	v17 =	vadd.f32 v18, v17;
	v18 =	vmul.f32 v45, v45  }
0x362: {  	v49 =	vld [tilespmem:s26+$0x7710]  }
0x363: {  	v17 =	vadd.f32 v18, v17;
	v18 =	vmul.f32 v19, v19;
	v19 =	vsub.f32 v43, v44;
	_ =	sdelay $0x1  }
0x364: {  	v17 =	vadd.f32 v18, v17;
	v18 =	vmul.f32 v19, v19;
	v19 =	vsub.f32 v46, v47;
	_ =	sdelay $0x1  }
0x365: {  	v17 =	vadd.f32 v18, v17;
	v18 =	vmul.f32 v19, v19;
	v19 =	vsub.f32 v48, v49;
	_ =	sdelay $0x1  }
0x366: {  	v17 =	vadd.f32 v18, v17;
	v18 =	vmul.f32 v19, v19;
	_ =	sdelay $0x1  }
0x367: {  	v17 =	vadd.f32 v18, v17;
	_ =	sdelay $0x1  }
0x368: {  	[tilespmem:v2+s19+$0x0] =	vst.idx.msk $0xffff, v17  }
0x369: {  	v17 =	vld [tilespmem:s26+$0x4F20]  }
0x36a: {  	v18 =	vld [tilespmem:s26+$0x7720]  }
0x36b: {  	v19 =	vld [tilespmem:s26+$0x4F30]  }
0x36c: {  	v50 =	vld [tilespmem:s26+$0x7730]  }
0x36d: {  	v51 =	vld [tilespmem:s26+$0x4F40]  }
0x36e: {  	v52 =	vld [tilespmem:s26+$0x7740]  }
0x36f: {  	v53 =	vld [tilespmem:s26+$0x4F50]  }
0x370: {  	v54 =	vld [tilespmem:s26+$0x7750]  }
0x371: {  	v55 =	vld [tilespmem:s26+$0x7760];
	v17 =	vsub.f32 v17, v18;
	v18 =	vsub.f32 v19, v50  }
0x372: {  	v19 =	vld [tilespmem:s26+$0x4F60]  }
0x373: {  	v56 =	vld [tilespmem:s26+$0x4F70];
	v21 =	vsub.f32 v51, v52;
	v17 =	vmul.f32 v17, v17;
	v18 =	vmul.f32 v18, v18  }
0x374: {  	v57 =	vld [tilespmem:s26+$0x7770]  }
0x375: {  	v59 =	vld [tilespmem:s26+$0x4F80];
	v58 =	vsub.f32 v53, v54;
	v17 =	vadd.f32 v18, v17;
	v18 =	vmul.f32 v21, v21  }
0x376: {  	v60 =	vld [tilespmem:s26+$0x7780]  }
0x377: {  	v61 =	vld [tilespmem:s26+$0x4F90];
	v19 =	vsub.f32 v19, v55;
	v17 =	vadd.f32 v18, v17;
	v18 =	vmul.f32 v58, v58  }
0x378: {  	v62 =	vld [tilespmem:s26+$0x7790]  }
0x379: {  	v17 =	vadd.f32 v18, v17;
	v18 =	vmul.f32 v19, v19;
	v19 =	vsub.f32 v56, v57;
	_ =	sdelay $0x1  }
0x37a: {  	v17 =	vadd.f32 v18, v17;
	v18 =	vmul.f32 v19, v19;
	v19 =	vsub.f32 v59, v60;
	_ =	sdelay $0x1  }
0x37b: {  	v17 =	vadd.f32 v18, v17;
	v18 =	vmul.f32 v19, v19;
	v19 =	vsub.f32 v61, v62;
	_ =	sdelay $0x1  }
0x37c: {  	v17 =	vadd.f32 v18, v17;
	v18 =	vmul.f32 v19, v19;
	_ =	sdelay $0x1  }
0x37d: {  	v17 =	vadd.f32 v18, v17;
	_ =	sdelay $0x1  }
0x37e: {  	[tilespmem:v3+s19+$0x0] =	vst.idx.msk $0xffff, v17  }
0x37f: {  	v17 =	vld [tilespmem:s26+$0x4FA0]  }
0x380: {  	v18 =	vld [tilespmem:s26+$0x77A0]  }
0x381: {  	v19 =	vld [tilespmem:s26+$0x4FB0]  }
0x382: {  	v63 =	vld [tilespmem:s26+$0x77B0]  }
0x383: {  	v28 =	vld [tilespmem:s26+$0x4FC0]  }
0x384: {  	v29 =	vld [tilespmem:s26+$0x77C0]  }
0x385: {  	v30 =	vld [tilespmem:s26+$0x4FD0]  }
0x386: {  	v31 =	vld [tilespmem:s26+$0x77D0]  }
0x387: {  	v32 =	vld [tilespmem:s26+$0x77E0];
	v17 =	vsub.f32 v17, v18;
	v18 =	vsub.f32 v19, v63  }
0x388: {  	v19 =	vld [tilespmem:s26+$0x4FE0]  }
0x389: {  	v33 =	vld [tilespmem:s26+$0x4FF0];
	v21 =	vsub.f32 v28, v29;
	v17 =	vmul.f32 v17, v17;
	v18 =	vmul.f32 v18, v18  }
0x38a: {  	v34 =	vld [tilespmem:s26+$0x77F0]  }
0x38b: {  	v36 =	vld [tilespmem:s26+$0x5000];
	v35 =	vsub.f32 v30, v31;
	v17 =	vadd.f32 v18, v17;
	v18 =	vmul.f32 v21, v21  }
0x38c: {  	v37 =	vld [tilespmem:s26+$0x7800]  }
0x38d: {  	v38 =	vld [tilespmem:s26+$0x5010];
	v19 =	vsub.f32 v19, v32;
	v17 =	vadd.f32 v18, v17;
	v18 =	vmul.f32 v35, v35  }
0x38e: {  	v39 =	vld [tilespmem:s26+$0x7810]  }
0x38f: {  	v17 =	vadd.f32 v18, v17;
	v18 =	vmul.f32 v19, v19;
	v19 =	vsub.f32 v33, v34;
	_ =	sdelay $0x1  }
0x390: {  	v17 =	vadd.f32 v18, v17;
	v18 =	vmul.f32 v19, v19;
	v19 =	vsub.f32 v36, v37;
	_ =	sdelay $0x1  }
0x391: {  	v17 =	vadd.f32 v18, v17;
	v18 =	vmul.f32 v19, v19;
	v19 =	vsub.f32 v38, v39;
	_ =	sdelay $0x1  }
0x392: {  	v17 =	vadd.f32 v18, v17;
	v18 =	vmul.f32 v19, v19;
	_ =	sdelay $0x1  }
0x393: {  	v17 =	vadd.f32 v18, v17;
	_ =	sdelay $0x1  }
0x394: {  	[tilespmem:v4+s19+$0x0] =	vst.idx.msk $0xffff, v17  }
0x395: {  	v17 =	vld [tilespmem:s26+$0x5020]  }
0x396: {  	v18 =	vld [tilespmem:s26+$0x7820]  }
0x397: {  	v19 =	vld [tilespmem:s26+$0x5030]  }
0x398: {  	v40 =	vld [tilespmem:s26+$0x7830]  }
0x399: {  	v41 =	vld [tilespmem:s26+$0x5040]  }
0x39a: {  	v42 =	vld [tilespmem:s26+$0x7840]  }
0x39b: {  	v43 =	vld [tilespmem:s26+$0x5050]  }
0x39c: {  	v44 =	vld [tilespmem:s26+$0x7850]  }
0x39d: {  	v45 =	vld [tilespmem:s26+$0x7860];
	v17 =	vsub.f32 v17, v18;
	v18 =	vsub.f32 v19, v40  }
0x39e: {  	v19 =	vld [tilespmem:s26+$0x5060]  }
0x39f: {  	v46 =	vld [tilespmem:s26+$0x5070];
	v21 =	vsub.f32 v41, v42;
	v17 =	vmul.f32 v17, v17;
	v18 =	vmul.f32 v18, v18  }
0x3a0: {  	v47 =	vld [tilespmem:s26+$0x7870]  }
0x3a1: {  	v49 =	vld [tilespmem:s26+$0x5080];
	v48 =	vsub.f32 v43, v44;
	v17 =	vadd.f32 v18, v17;
	v18 =	vmul.f32 v21, v21  }
0x3a2: {  	v50 =	vld [tilespmem:s26+$0x7880]  }
0x3a3: {  	v51 =	vld [tilespmem:s26+$0x5090];
	v19 =	vsub.f32 v19, v45;
	v17 =	vadd.f32 v18, v17;
	v18 =	vmul.f32 v48, v48  }
0x3a4: {  	v52 =	vld [tilespmem:s26+$0x7890]  }
0x3a5: {  	v17 =	vadd.f32 v18, v17;
	v18 =	vmul.f32 v19, v19;
	v19 =	vsub.f32 v46, v47;
	_ =	sdelay $0x1  }
0x3a6: {  	v17 =	vadd.f32 v18, v17;
	v18 =	vmul.f32 v19, v19;
	v19 =	vsub.f32 v49, v50;
	_ =	sdelay $0x1  }
0x3a7: {  	v17 =	vadd.f32 v18, v17;
	v18 =	vmul.f32 v19, v19;
	v19 =	vsub.f32 v51, v52;
	_ =	sdelay $0x1  }
0x3a8: {  	v17 =	vadd.f32 v18, v17;
	v18 =	vmul.f32 v19, v19;
	_ =	sdelay $0x1  }
0x3a9: {  	v17 =	vadd.f32 v18, v17;
	_ =	sdelay $0x1  }
0x3aa: {  	[tilespmem:v5+s19+$0x0] =	vst.idx.msk $0xffff, v17  }
0x3ab: {  	v17 =	vld [tilespmem:s26+$0x50A0]  }
0x3ac: {  	v18 =	vld [tilespmem:s26+$0x78A0]  }
0x3ad: {  	v19 =	vld [tilespmem:s26+$0x50B0]  }
0x3ae: {  	v53 =	vld [tilespmem:s26+$0x78B0]  }
0x3af: {  	v54 =	vld [tilespmem:s26+$0x50C0]  }
0x3b0: {  	v55 =	vld [tilespmem:s26+$0x78C0]  }
0x3b1: {  	v56 =	vld [tilespmem:s26+$0x50D0]  }
0x3b2: {  	v57 =	vld [tilespmem:s26+$0x78D0]  }
0x3b3: {  	v58 =	vld [tilespmem:s26+$0x78E0];
	v17 =	vsub.f32 v17, v18;
	v18 =	vsub.f32 v19, v53  }
0x3b4: {  	v19 =	vld [tilespmem:s26+$0x50E0]  }
0x3b5: {  	v59 =	vld [tilespmem:s26+$0x50F0];
	v21 =	vsub.f32 v54, v55;
	v17 =	vmul.f32 v17, v17;
	v18 =	vmul.f32 v18, v18  }
0x3b6: {  	v60 =	vld [tilespmem:s26+$0x78F0]  }
0x3b7: {  	v62 =	vld [tilespmem:s26+$0x5100];
	v61 =	vsub.f32 v56, v57;
	v17 =	vadd.f32 v18, v17;
	v18 =	vmul.f32 v21, v21  }
0x3b8: {  	v63 =	vld [tilespmem:s26+$0x7900]  }
0x3b9: {  	v28 =	vld [tilespmem:s26+$0x5110];
	v19 =	vsub.f32 v19, v58;
	v17 =	vadd.f32 v18, v17;
	v18 =	vmul.f32 v61, v61  }
0x3ba: {  	v29 =	vld [tilespmem:s26+$0x7910]  }
0x3bb: {  	v17 =	vadd.f32 v18, v17;
	v18 =	vmul.f32 v19, v19;
	v19 =	vsub.f32 v59, v60;
	_ =	sdelay $0x1  }
0x3bc: {  	v17 =	vadd.f32 v18, v17;
	v18 =	vmul.f32 v19, v19;
	v19 =	vsub.f32 v62, v63;
	_ =	sdelay $0x1  }
0x3bd: {  	v17 =	vadd.f32 v18, v17;
	v18 =	vmul.f32 v19, v19;
	v19 =	vsub.f32 v28, v29;
	_ =	sdelay $0x1  }
0x3be: {  	v17 =	vadd.f32 v18, v17;
	v18 =	vmul.f32 v19, v19;
	_ =	sdelay $0x1  }
0x3bf: {  	v17 =	vadd.f32 v18, v17;
	_ =	sdelay $0x1  }
0x3c0: {  	[tilespmem:v6+s19+$0x0] =	vst.idx.msk $0xffff, v17  }
0x3c1: {  	v17 =	vld [tilespmem:s26+$0x5120]  }
0x3c2: {  	v18 =	vld [tilespmem:s26+$0x7920]  }
0x3c3: {  	v19 =	vld [tilespmem:s26+$0x5130]  }
0x3c4: {  	v30 =	vld [tilespmem:s26+$0x7930]  }
0x3c5: {  	v31 =	vld [tilespmem:s26+$0x5140]  }
0x3c6: {  	v32 =	vld [tilespmem:s26+$0x7940]  }
0x3c7: {  	v33 =	vld [tilespmem:s26+$0x5150]  }
0x3c8: {  	v34 =	vld [tilespmem:s26+$0x7950]  }
0x3c9: {  	v35 =	vld [tilespmem:s26+$0x7960];
	v17 =	vsub.f32 v17, v18;
	v18 =	vsub.f32 v19, v30  }
0x3ca: {  	v19 =	vld [tilespmem:s26+$0x5160]  }
0x3cb: {  	v36 =	vld [tilespmem:s26+$0x5170];
	v21 =	vsub.f32 v31, v32;
	v17 =	vmul.f32 v17, v17;
	v18 =	vmul.f32 v18, v18  }
0x3cc: {  	v37 =	vld [tilespmem:s26+$0x7970]  }
0x3cd: {  	v39 =	vld [tilespmem:s26+$0x5180];
	v38 =	vsub.f32 v33, v34;
	v17 =	vadd.f32 v18, v17;
	v18 =	vmul.f32 v21, v21  }
0x3ce: {  	v40 =	vld [tilespmem:s26+$0x7980]  }
0x3cf: {  	v41 =	vld [tilespmem:s26+$0x5190];
	v19 =	vsub.f32 v19, v35;
	v17 =	vadd.f32 v18, v17;
	v18 =	vmul.f32 v38, v38  }
0x3d0: {  	v42 =	vld [tilespmem:s26+$0x7990]  }
0x3d1: {  	v17 =	vadd.f32 v18, v17;
	v18 =	vmul.f32 v19, v19;
	v19 =	vsub.f32 v36, v37;
	_ =	sdelay $0x1  }
0x3d2: {  	v17 =	vadd.f32 v18, v17;
	v18 =	vmul.f32 v19, v19;
	v19 =	vsub.f32 v39, v40;
	_ =	sdelay $0x1  }
0x3d3: {  	v17 =	vadd.f32 v18, v17;
	v18 =	vmul.f32 v19, v19;
	v19 =	vsub.f32 v41, v42;
	_ =	sdelay $0x1  }
0x3d4: {  	v17 =	vadd.f32 v18, v17;
	v18 =	vmul.f32 v19, v19;
	_ =	sdelay $0x1  }
0x3d5: {  	v17 =	vadd.f32 v18, v17;
	_ =	sdelay $0x1  }
0x3d6: {  	[tilespmem:v7+s19+$0x0] =	vst.idx.msk $0xffff, v17  }
0x3d7: {  	v17 =	vld [tilespmem:s26+$0x51A0]  }
0x3d8: {  	v18 =	vld [tilespmem:s26+$0x79A0]  }
0x3d9: {  	v19 =	vld [tilespmem:s26+$0x51B0]  }
0x3da: {  	v43 =	vld [tilespmem:s26+$0x79B0]  }
0x3db: {  	v44 =	vld [tilespmem:s26+$0x51C0]  }
0x3dc: {  	v45 =	vld [tilespmem:s26+$0x79C0]  }
0x3dd: {  	v46 =	vld [tilespmem:s26+$0x51D0]  }
0x3de: {  	v47 =	vld [tilespmem:s26+$0x79D0]  }
0x3df: {  	v48 =	vld [tilespmem:s26+$0x79E0];
	v17 =	vsub.f32 v17, v18;
	v18 =	vsub.f32 v19, v43  }
0x3e0: {  	v19 =	vld [tilespmem:s26+$0x51E0]  }
0x3e1: {  	v49 =	vld [tilespmem:s26+$0x51F0];
	v21 =	vsub.f32 v44, v45;
	v17 =	vmul.f32 v17, v17;
	v18 =	vmul.f32 v18, v18  }
0x3e2: {  	v50 =	vld [tilespmem:s26+$0x79F0]  }
0x3e3: {  	v52 =	vld [tilespmem:s26+$0x5200];
	v51 =	vsub.f32 v46, v47;
	v17 =	vadd.f32 v18, v17;
	v18 =	vmul.f32 v21, v21  }
0x3e4: {  	v53 =	vld [tilespmem:s26+$0x7A00]  }
0x3e5: {  	v54 =	vld [tilespmem:s26+$0x5210];
	v19 =	vsub.f32 v19, v48;
	v17 =	vadd.f32 v18, v17;
	v18 =	vmul.f32 v51, v51  }
0x3e6: {  	v55 =	vld [tilespmem:s26+$0x7A10]  }
0x3e7: {  	v17 =	vadd.f32 v18, v17;
	v18 =	vmul.f32 v19, v19;
	v19 =	vsub.f32 v49, v50;
	_ =	sdelay $0x1  }
0x3e8: {  	v17 =	vadd.f32 v18, v17;
	v18 =	vmul.f32 v19, v19;
	v19 =	vsub.f32 v52, v53;
	_ =	sdelay $0x1  }
0x3e9: {  	v17 =	vadd.f32 v18, v17;
	v18 =	vmul.f32 v19, v19;
	v19 =	vsub.f32 v54, v55;
	_ =	sdelay $0x1  }
0x3ea: {  	v17 =	vadd.f32 v18, v17;
	v18 =	vmul.f32 v19, v19;
	_ =	sdelay $0x1  }
0x3eb: {  	v17 =	vadd.f32 v18, v17;
	_ =	sdelay $0x1  }
0x3ec: {  	[tilespmem:v8+s19+$0x0] =	vst.idx.msk $0xffff, v17  }
0x3ed: {  	v17 =	vld [tilespmem:s26+$0x5220]  }
0x3ee: {  	v18 =	vld [tilespmem:s26+$0x7A20]  }
0x3ef: {  	v19 =	vld [tilespmem:s26+$0x5230]  }
0x3f0: {  	v56 =	vld [tilespmem:s26+$0x7A30]  }
0x3f1: {  	v57 =	vld [tilespmem:s26+$0x5240]  }
0x3f2: {  	v58 =	vld [tilespmem:s26+$0x7A40]  }
0x3f3: {  	v59 =	vld [tilespmem:s26+$0x5250]  }
0x3f4: {  	v60 =	vld [tilespmem:s26+$0x7A50]  }
0x3f5: {  	v61 =	vld [tilespmem:s26+$0x7A60];
	v17 =	vsub.f32 v17, v18;
	v18 =	vsub.f32 v19, v56  }
0x3f6: {  	v19 =	vld [tilespmem:s26+$0x5260]  }
0x3f7: {  	v62 =	vld [tilespmem:s26+$0x5270];
	v21 =	vsub.f32 v57, v58;
	v17 =	vmul.f32 v17, v17;
	v18 =	vmul.f32 v18, v18  }
0x3f8: {  	v63 =	vld [tilespmem:s26+$0x7A70]  }
0x3f9: {  	v29 =	vld [tilespmem:s26+$0x5280];
	v28 =	vsub.f32 v59, v60;
	v17 =	vadd.f32 v18, v17;
	v18 =	vmul.f32 v21, v21  }
0x3fa: {  	v30 =	vld [tilespmem:s26+$0x7A80]  }
0x3fb: {  	v31 =	vld [tilespmem:s26+$0x5290];
	v19 =	vsub.f32 v19, v61;
	v17 =	vadd.f32 v18, v17;
	v18 =	vmul.f32 v28, v28  }
0x3fc: {  	v32 =	vld [tilespmem:s26+$0x7A90]  }
0x3fd: {  	v17 =	vadd.f32 v18, v17;
	v18 =	vmul.f32 v19, v19;
	v19 =	vsub.f32 v62, v63;
	_ =	sdelay $0x1  }
0x3fe: {  	v17 =	vadd.f32 v18, v17;
	v18 =	vmul.f32 v19, v19;
	v19 =	vsub.f32 v29, v30;
	_ =	sdelay $0x1  }
0x3ff: {  	v17 =	vadd.f32 v18, v17;
	v18 =	vmul.f32 v19, v19;
	v19 =	vsub.f32 v31, v32;
	_ =	sdelay $0x1  }
0x400: {  	v17 =	vadd.f32 v18, v17;
	v18 =	vmul.f32 v19, v19;
	_ =	sdelay $0x1  }
0x401: {  	v17 =	vadd.f32 v18, v17;
	_ =	sdelay $0x1  }
0x402: {  	[tilespmem:v9+s19+$0x0] =	vst.idx.msk $0xffff, v17  }
0x403: {  	v17 =	vld [tilespmem:s26+$0x52A0]  }
0x404: {  	v18 =	vld [tilespmem:s26+$0x7AA0]  }
0x405: {  	v19 =	vld [tilespmem:s26+$0x52B0]  }
0x406: {  	v33 =	vld [tilespmem:s26+$0x7AB0]  }
0x407: {  	v34 =	vld [tilespmem:s26+$0x52C0]  }
0x408: {  	v35 =	vld [tilespmem:s26+$0x7AC0]  }
0x409: {  	v36 =	vld [tilespmem:s26+$0x52D0]  }
0x40a: {  	v37 =	vld [tilespmem:s26+$0x7AD0]  }
0x40b: {  	v38 =	vld [tilespmem:s26+$0x7AE0];
	v17 =	vsub.f32 v17, v18;
	v18 =	vsub.f32 v19, v33  }
0x40c: {  	v19 =	vld [tilespmem:s26+$0x52E0]  }
0x40d: {  	v39 =	vld [tilespmem:s26+$0x52F0];
	v21 =	vsub.f32 v34, v35;
	v17 =	vmul.f32 v17, v17;
	v18 =	vmul.f32 v18, v18  }
0x40e: {  	v40 =	vld [tilespmem:s26+$0x7AF0]  }
0x40f: {  	v42 =	vld [tilespmem:s26+$0x5300];
	v41 =	vsub.f32 v36, v37;
	v17 =	vadd.f32 v18, v17;
	v18 =	vmul.f32 v21, v21  }
0x410: {  	v43 =	vld [tilespmem:s26+$0x7B00]  }
0x411: {  	v44 =	vld [tilespmem:s26+$0x5310];
	v19 =	vsub.f32 v19, v38;
	v17 =	vadd.f32 v18, v17;
	v18 =	vmul.f32 v41, v41  }
0x412: {  	v45 =	vld [tilespmem:s26+$0x7B10]  }
0x413: {  	v17 =	vadd.f32 v18, v17;
	v18 =	vmul.f32 v19, v19;
	v19 =	vsub.f32 v39, v40;
	_ =	sdelay $0x1  }
0x414: {  	v17 =	vadd.f32 v18, v17;
	v18 =	vmul.f32 v19, v19;
	v19 =	vsub.f32 v42, v43;
	_ =	sdelay $0x1  }
0x415: {  	v17 =	vadd.f32 v18, v17;
	v18 =	vmul.f32 v19, v19;
	v19 =	vsub.f32 v44, v45;
	_ =	sdelay $0x1  }
0x416: {  	v17 =	vadd.f32 v18, v17;
	v18 =	vmul.f32 v19, v19;
	_ =	sdelay $0x1  }
0x417: {  	v17 =	vadd.f32 v18, v17;
	_ =	sdelay $0x1  }
0x418: {  	[tilespmem:v10+s19+$0x0] =	vst.idx.msk $0xffff, v17  }
0x419: {  	v17 =	vld [tilespmem:s26+$0x5320]  }
0x41a: {  	v18 =	vld [tilespmem:s26+$0x7B20]  }
0x41b: {  	v19 =	vld [tilespmem:s26+$0x5330]  }
0x41c: {  	v46 =	vld [tilespmem:s26+$0x7B30]  }
0x41d: {  	v47 =	vld [tilespmem:s26+$0x5340]  }
0x41e: {  	v48 =	vld [tilespmem:s26+$0x7B40]  }
0x41f: {  	v49 =	vld [tilespmem:s26+$0x5350]  }
0x420: {  	v50 =	vld [tilespmem:s26+$0x7B50]  }
0x421: {  	v51 =	vld [tilespmem:s26+$0x7B60];
	v17 =	vsub.f32 v17, v18;
	v18 =	vsub.f32 v19, v46  }
0x422: {  	v19 =	vld [tilespmem:s26+$0x5360]  }
0x423: {  	v52 =	vld [tilespmem:s26+$0x5370];
	v21 =	vsub.f32 v47, v48;
	v17 =	vmul.f32 v17, v17;
	v18 =	vmul.f32 v18, v18  }
0x424: {  	v53 =	vld [tilespmem:s26+$0x7B70]  }
0x425: {  	v55 =	vld [tilespmem:s26+$0x5380];
	v54 =	vsub.f32 v49, v50;
	v17 =	vadd.f32 v18, v17;
	v18 =	vmul.f32 v21, v21  }
0x426: {  	v56 =	vld [tilespmem:s26+$0x7B80]  }
0x427: {  	v57 =	vld [tilespmem:s26+$0x5390];
	v19 =	vsub.f32 v19, v51;
	v17 =	vadd.f32 v18, v17;
	v18 =	vmul.f32 v54, v54  }
0x428: {  	v58 =	vld [tilespmem:s26+$0x7B90]  }
0x429: {  	v17 =	vadd.f32 v18, v17;
	v18 =	vmul.f32 v19, v19;
	v19 =	vsub.f32 v52, v53;
	_ =	sdelay $0x1  }
0x42a: {  	v17 =	vadd.f32 v18, v17;
	v18 =	vmul.f32 v19, v19;
	v19 =	vsub.f32 v55, v56;
	_ =	sdelay $0x1  }
0x42b: {  	v17 =	vadd.f32 v18, v17;
	v18 =	vmul.f32 v19, v19;
	v19 =	vsub.f32 v57, v58;
	_ =	sdelay $0x1  }
0x42c: {  	v17 =	vadd.f32 v18, v17;
	v18 =	vmul.f32 v19, v19;
	_ =	sdelay $0x1  }
0x42d: {  	v17 =	vadd.f32 v18, v17;
	_ =	sdelay $0x1  }
0x42e: {  	[tilespmem:v11+s19+$0x0] =	vst.idx.msk $0xffff, v17  }
0x42f: {  	v17 =	vld [tilespmem:s26+$0x53A0]  }
0x430: {  	v18 =	vld [tilespmem:s26+$0x7BA0]  }
0x431: {  	v19 =	vld [tilespmem:s26+$0x53B0]  }
0x432: {  	v59 =	vld [tilespmem:s26+$0x7BB0]  }
0x433: {  	v60 =	vld [tilespmem:s26+$0x53C0]  }
0x434: {  	v61 =	vld [tilespmem:s26+$0x7BC0]  }
0x435: {  	v62 =	vld [tilespmem:s26+$0x53D0]  }
0x436: {  	v63 =	vld [tilespmem:s26+$0x7BD0]  }
0x437: {  	v28 =	vld [tilespmem:s26+$0x7BE0];
	v17 =	vsub.f32 v17, v18;
	v18 =	vsub.f32 v19, v59  }
0x438: {  	v19 =	vld [tilespmem:s26+$0x53E0]  }
0x439: {  	v29 =	vld [tilespmem:s26+$0x53F0];
	v21 =	vsub.f32 v60, v61;
	v17 =	vmul.f32 v17, v17;
	v18 =	vmul.f32 v18, v18  }
0x43a: {  	v30 =	vld [tilespmem:s26+$0x7BF0]  }
0x43b: {  	v32 =	vld [tilespmem:s26+$0x5400];
	v31 =	vsub.f32 v62, v63;
	v17 =	vadd.f32 v18, v17;
	v18 =	vmul.f32 v21, v21  }
0x43c: {  	v33 =	vld [tilespmem:s26+$0x7C00]  }
0x43d: {  	v34 =	vld [tilespmem:s26+$0x5410];
	v19 =	vsub.f32 v19, v28;
	v17 =	vadd.f32 v18, v17;
	v18 =	vmul.f32 v31, v31  }
0x43e: {  	v35 =	vld [tilespmem:s26+$0x7C10]  }
0x43f: {  	v17 =	vadd.f32 v18, v17;
	v18 =	vmul.f32 v19, v19;
	v19 =	vsub.f32 v29, v30;
	_ =	sdelay $0x1  }
0x440: {  	v17 =	vadd.f32 v18, v17;
	v18 =	vmul.f32 v19, v19;
	v19 =	vsub.f32 v32, v33;
	_ =	sdelay $0x1  }
0x441: {  	v17 =	vadd.f32 v18, v17;
	v18 =	vmul.f32 v19, v19;
	v19 =	vsub.f32 v34, v35;
	_ =	sdelay $0x1  }
0x442: {  	v17 =	vadd.f32 v18, v17;
	v18 =	vmul.f32 v19, v19;
	_ =	sdelay $0x1  }
0x443: {  	v17 =	vadd.f32 v18, v17;
	_ =	sdelay $0x1  }
0x444: {  	[tilespmem:v12+s19+$0x0] =	vst.idx.msk $0xffff, v17  }
0x445: {  	v17 =	vld [tilespmem:s26+$0x5420]  }
0x446: {  	v18 =	vld [tilespmem:s26+$0x7C20]  }
0x447: {  	v19 =	vld [tilespmem:s26+$0x5430]  }
0x448: {  	v36 =	vld [tilespmem:s26+$0x7C30]  }
0x449: {  	v37 =	vld [tilespmem:s26+$0x5440]  }
0x44a: {  	v38 =	vld [tilespmem:s26+$0x7C40]  }
0x44b: {  	v39 =	vld [tilespmem:s26+$0x5450]  }
0x44c: {  	v40 =	vld [tilespmem:s26+$0x7C50]  }
0x44d: {  	v41 =	vld [tilespmem:s26+$0x7C60];
	v17 =	vsub.f32 v17, v18;
	v18 =	vsub.f32 v19, v36  }
0x44e: {  	v19 =	vld [tilespmem:s26+$0x5460]  }
0x44f: {  	v42 =	vld [tilespmem:s26+$0x5470];
	v21 =	vsub.f32 v37, v38;
	v17 =	vmul.f32 v17, v17;
	v18 =	vmul.f32 v18, v18  }
0x450: {  	v43 =	vld [tilespmem:s26+$0x7C70]  }
0x451: {  	v45 =	vld [tilespmem:s26+$0x5480];
	v44 =	vsub.f32 v39, v40;
	v17 =	vadd.f32 v18, v17;
	v18 =	vmul.f32 v21, v21  }
0x452: {  	v46 =	vld [tilespmem:s26+$0x7C80]  }
0x453: {  	v47 =	vld [tilespmem:s26+$0x5490];
	v19 =	vsub.f32 v19, v41;
	v17 =	vadd.f32 v18, v17;
	v18 =	vmul.f32 v44, v44  }
0x454: {  	v48 =	vld [tilespmem:s26+$0x7C90]  }
0x455: {  	v17 =	vadd.f32 v18, v17;
	v18 =	vmul.f32 v19, v19;
	v19 =	vsub.f32 v42, v43;
	_ =	sdelay $0x1  }
0x456: {  	v17 =	vadd.f32 v18, v17;
	v18 =	vmul.f32 v19, v19;
	v19 =	vsub.f32 v45, v46;
	_ =	sdelay $0x1  }
0x457: {  	v17 =	vadd.f32 v18, v17;
	v18 =	vmul.f32 v19, v19;
	v19 =	vsub.f32 v47, v48;
	_ =	sdelay $0x1  }
0x458: {  	v17 =	vadd.f32 v18, v17;
	v18 =	vmul.f32 v19, v19;
	_ =	sdelay $0x1  }
0x459: {  	v17 =	vadd.f32 v18, v17;
	_ =	sdelay $0x1  }
0x45a: {  	[tilespmem:v13+s19+$0x0] =	vst.idx.msk $0xffff, v17  }
0x45b: {  	v17 =	vld [tilespmem:s26+$0x54A0]  }
0x45c: {  	v18 =	vld [tilespmem:s26+$0x7CA0]  }
0x45d: {  	v19 =	vld [tilespmem:s26+$0x54B0]  }
0x45e: {  	v49 =	vld [tilespmem:s26+$0x7CB0]  }
0x45f: {  	v50 =	vld [tilespmem:s26+$0x54C0]  }
0x460: {  	v51 =	vld [tilespmem:s26+$0x7CC0]  }
0x461: {  	v52 =	vld [tilespmem:s26+$0x54D0]  }
0x462: {  	v53 =	vld [tilespmem:s26+$0x7CD0]  }
0x463: {  	v54 =	vld [tilespmem:s26+$0x7CE0];
	v17 =	vsub.f32 v17, v18;
	v18 =	vsub.f32 v19, v49  }
0x464: {  	v19 =	vld [tilespmem:s26+$0x54E0]  }
0x465: {  	v55 =	vld [tilespmem:s26+$0x54F0];
	v21 =	vsub.f32 v50, v51;
	v17 =	vmul.f32 v17, v17;
	v18 =	vmul.f32 v18, v18  }
0x466: {  	v56 =	vld [tilespmem:s26+$0x7CF0]  }
0x467: {  	v58 =	vld [tilespmem:s26+$0x5500];
	v57 =	vsub.f32 v52, v53;
	v17 =	vadd.f32 v18, v17;
	v18 =	vmul.f32 v21, v21  }
0x468: {  	v59 =	vld [tilespmem:s26+$0x7D00]  }
0x469: {  	v60 =	vld [tilespmem:s26+$0x5510];
	v19 =	vsub.f32 v19, v54;
	v17 =	vadd.f32 v18, v17;
	v18 =	vmul.f32 v57, v57  }
0x46a: {  	v61 =	vld [tilespmem:s26+$0x7D10]  }
0x46b: {  	v17 =	vadd.f32 v18, v17;
	v18 =	vmul.f32 v19, v19;
	v19 =	vsub.f32 v55, v56;
	_ =	sdelay $0x1  }
0x46c: {  	v17 =	vadd.f32 v18, v17;
	v18 =	vmul.f32 v19, v19;
	v19 =	vsub.f32 v58, v59;
	_ =	sdelay $0x1  }
0x46d: {  	v17 =	vadd.f32 v18, v17;
	v18 =	vmul.f32 v19, v19;
	v19 =	vsub.f32 v60, v61;
	_ =	sdelay $0x1  }
0x46e: {  	v17 =	vadd.f32 v18, v17;
	v18 =	vmul.f32 v19, v19;
	_ =	sdelay $0x1  }
0x46f: {  	v17 =	vadd.f32 v18, v17;
	_ =	sdelay $0x1  }
0x470: {  	[tilespmem:v14+s19+$0x0] =	vst.idx.msk $0xffff, v17  }
0x471: {  	v17 =	vld [tilespmem:s26+$0x5520]  }
0x472: {  	v18 =	vld [tilespmem:s26+$0x7D20]  }
0x473: {  	v19 =	vld [tilespmem:s26+$0x5530]  }
0x474: {  	v62 =	vld [tilespmem:s26+$0x7D30]  }
0x475: {  	v63 =	vld [tilespmem:s26+$0x5540]  }
0x476: {  	v28 =	vld [tilespmem:s26+$0x7D40]  }
0x477: {  	v29 =	vld [tilespmem:s26+$0x5550]  }
0x478: {  	v30 =	vld [tilespmem:s26+$0x7D50]  }
0x479: {  	v31 =	vld [tilespmem:s26+$0x7D60];
	v17 =	vsub.f32 v17, v18;
	v18 =	vsub.f32 v19, v62  }
0x47a: {  	v19 =	vld [tilespmem:s26+$0x5560]  }
0x47b: {  	v32 =	vld [tilespmem:s26+$0x5570];
	v21 =	vsub.f32 v63, v28;
	v17 =	vmul.f32 v17, v17;
	v18 =	vmul.f32 v18, v18  }
0x47c: {  	v33 =	vld [tilespmem:s26+$0x7D70]  }
0x47d: {  	v35 =	vld [tilespmem:s26+$0x5580];
	v34 =	vsub.f32 v29, v30;
	v17 =	vadd.f32 v18, v17;
	v18 =	vmul.f32 v21, v21  }
0x47e: {  	v36 =	vld [tilespmem:s26+$0x7D80]  }
0x47f: {  	v37 =	vld [tilespmem:s26+$0x5590];
	v19 =	vsub.f32 v19, v31;
	v17 =	vadd.f32 v18, v17;
	v18 =	vmul.f32 v34, v34  }
0x480: {  	v38 =	vld [tilespmem:s26+$0x7D90]  }
0x481: {  	v17 =	vadd.f32 v18, v17;
	v18 =	vmul.f32 v19, v19;
	v19 =	vsub.f32 v32, v33;
	_ =	sdelay $0x1  }
0x482: {  	v17 =	vadd.f32 v18, v17;
	v18 =	vmul.f32 v19, v19;
	v19 =	vsub.f32 v35, v36;
	_ =	sdelay $0x1  }
0x483: {  	v17 =	vadd.f32 v18, v17;
	v18 =	vmul.f32 v19, v19;
	v19 =	vsub.f32 v37, v38;
	_ =	sdelay $0x1  }
0x484: {  	v17 =	vadd.f32 v18, v17;
	v18 =	vmul.f32 v19, v19;
	_ =	sdelay $0x1  }
0x485: {  	v17 =	vadd.f32 v18, v17;
	_ =	sdelay $0x1  }
0x486: {  	[tilespmem:v15+s19+$0x0] =	vst.idx.msk $0xffff, v17  }
0x487: {  	v17 =	vld [tilespmem:s26+$0x55A0]  }
0x488: {  	v18 =	vld [tilespmem:s26+$0x7DA0]  }
0x489: {  	v19 =	vld [tilespmem:s26+$0x55B0]  }
0x48a: {  	v39 =	vld [tilespmem:s26+$0x7DB0]  }
0x48b: {  	v40 =	vld [tilespmem:s26+$0x55C0]  }
0x48c: {  	v41 =	vld [tilespmem:s26+$0x7DC0]  }
0x48d: {  	v42 =	vld [tilespmem:s26+$0x55D0]  }
0x48e: {  	v43 =	vld [tilespmem:s26+$0x7DD0]  }
0x48f: {  	v44 =	vld [tilespmem:s26+$0x7DE0];
	v17 =	vsub.f32 v17, v18;
	v18 =	vsub.f32 v19, v39  }
0x490: {  	v19 =	vld [tilespmem:s26+$0x55E0]  }
0x491: {  	v45 =	vld [tilespmem:s26+$0x55F0];
	v21 =	vsub.f32 v40, v41;
	v17 =	vmul.f32 v17, v17;
	v18 =	vmul.f32 v18, v18  }
0x492: {  	v46 =	vld [tilespmem:s26+$0x7DF0]  }
0x493: {  	v48 =	vld [tilespmem:s26+$0x5600];
	v47 =	vsub.f32 v42, v43;
	v17 =	vadd.f32 v18, v17;
	v18 =	vmul.f32 v21, v21  }
0x494: {  	v49 =	vld [tilespmem:s26+$0x7E00]  }
0x495: {  	v50 =	vld [tilespmem:s26+$0x5610];
	v19 =	vsub.f32 v19, v44;
	v17 =	vadd.f32 v18, v17;
	v18 =	vmul.f32 v47, v47  }
0x496: {  	v51 =	vld [tilespmem:s26+$0x7E10]  }
0x497: {  	v17 =	vadd.f32 v18, v17;
	v18 =	vmul.f32 v19, v19;
	v19 =	vsub.f32 v45, v46;
	_ =	sdelay $0x1  }
0x498: {  	v17 =	vadd.f32 v18, v17;
	v18 =	vmul.f32 v19, v19;
	v19 =	vsub.f32 v48, v49;
	_ =	sdelay $0x1  }
0x499: {  	v17 =	vadd.f32 v18, v17;
	v18 =	vmul.f32 v19, v19;
	v19 =	vsub.f32 v50, v51;
	_ =	sdelay $0x1  }
0x49a: {  	v17 =	vadd.f32 v18, v17;
	v18 =	vmul.f32 v19, v19;
	_ =	sdelay $0x1  }
0x49b: {  	v17 =	vadd.f32 v18, v17;
	_ =	sdelay $0x1  }
0x49c: {  	[tilespmem:v16+s19+$0x0] =	vst.idx.msk $0xffff, v17  }
0x49d: {  	v17 =	vld [tilespmem:$0x13D30]  }
0x49e: {  	v18 =	vld [tilespmem:$0x13D41]  }
0x49f: {  	v19 =	vld [tilespmem:$0x13D52]  }
0x4a0: {  	v52 =	vld [tilespmem:$0x13D63]  }
0x4a1: {  	v53 =	vld [tilespmem:$0x13D74]  }
0x4a2: {  	v54 =	vld [tilespmem:$0x13D85]  }
0x4a3: {  	v55 =	vld [tilespmem:$0x13D96]  }
0x4a4: {  	v56 =	vld [tilespmem:$0x13DA7]  }
0x4a5: {  	v57 =	vld [tilespmem:$0x13DB8]  }
0x4a6: {  	v26 =	vld [tilespmem:$0x13DC9]  }
0x4a7: {  	v27 =	vld [tilespmem:$0x13DDA]  }
0x4a8: {  	v28 =	vld [tilespmem:$0x13DEB]  }
0x4a9: {  	v29 =	vld [tilespmem:$0x13DFC]  }
0x4aa: {  	v30 =	vld [tilespmem:$0x13E0D]  }
0x4ab: {  	v31 =	vld [tilespmem:$0x13E1E]  }
0x4ac: {  	v32 =	vld [tilespmem:$0x13E2F];
	_ =	sdelay $0x1  }
0x4ad: {  	v17 =	vadd.f32 v18, v17;
	v18 =	vadd.f32 v52, v19  }
0x4ae: {  	v19 =	vadd.f32 v54, v53;
	v58 =	vadd.f32 v56, v55  }
0x4af: {  	v59 =	vadd.f32 v26, v57;
	v60 =	vadd.f32 v28, v27  }
0x4b0: {  	v61 =	vadd.f32 v30, v29;
	v62 =	vadd.f32 v32, v31  }
0x4b1: {  	v17 =	vadd.f32 v18, v17;
	v18 =	vadd.f32 v58, v19  }
0x4b2: {  	v19 =	vadd.f32 v60, v59;
	v63 =	vadd.f32 v62, v61  }
0x4b3: {  	p0 =	sne.s32 s25, $0x4  }
.Ltmp4:
0x4b4: {  	v17 =	vadd.f32 v18, v17;
	v18 =	vadd.f32 v63, v19;
	(pc) =	sbr.rel @p0 .LBB2_10-.Ltmp4, $4  }
0x4b5: {  	_ = 	snop  }
0x4b6: {  	s31 =	sshll.u32 s25, $0x4;
	v17 =	vadd.f32 v18, v17  }
0x4b7: {  	s26 =	sand.u32 $0x3FFFFFF0, s31  }
0x4b8: {  	s25 =	sadd.s32 $0x1, s25;
	[tilespmem:s26+$0x114E0] =	vst v17  }
0x4b9: {  	_ =	swait.ge [sflag:s20], $0x2800  }
0x4ba: {  	[sflag:s20] =	ssyncset.done $0x0  }
0x4bb: {  	[sflag:s20] =	ssyncadd.s32 $0xFFFFD800  }
0x4bc: {  	_ =	swait.ge [sflag:s21], $0x2800  }
0x4bd: {  	[sflag:s21] =	ssyncset.done $0x0  }
0x4be: {  	s25 =	simm.s32 $0x0;
	[sflag:s21] =	ssyncadd.s32 $0xFFFFD800  }
0x4bf: {  	s26 =	simm.s32 $0x40;
	v17 =	vld [tilespmem:s25+$0xEE20]  }
.LBB2_12:
0x4c0: {  	p0 =	sne.s32 s26, $0x9C00;
	_ =	sdelay $0x3  }
0x4c1: {  	v17 =	vadd.f32 $1.000000010e-07, v17;
	_ =	sdelay $0x1  }
0x4c2: {  	v18 =	vshra.s32 v17, $0x1;
	v19 =	vmul.f32 $-5.000000000e-01, v17  }
0x4c3: {  	v18 =	vsub.s32 $0x5F3759DF, v18  }
0x4c4: {  	v20 =	vmul.f32 v18, v19;
	_ =	sdelay $0x1  }
0x4c5: {  	v20 =	vmul.f32 v18, v20;
	_ =	sdelay $0x1  }
0x4c6: {  	v20 =	vadd.f32 $1.500000000e+00, v20;
	_ =	sdelay $0x1  }
0x4c7: {  	v18 =	vmul.f32 v18, v20;
	_ =	sdelay $0x1  }
0x4c8: {  	v20 =	vmul.f32 v18, v19;
	_ =	sdelay $0x1  }
0x4c9: {  	v20 =	vmul.f32 v20, v18;
	_ =	sdelay $0x1  }
0x4ca: {  	v20 =	vadd.f32 $1.500000000e+00, v20;
	_ =	sdelay $0x1  }
0x4cb: {  	v18 =	vmul.f32 v20, v18;
	_ =	sdelay $0x1  }
0x4cc: {  	v20 =	vmul.f32 v18, v19;
	_ =	sdelay $0x1  }
0x4cd: {  	v20 =	vmul.f32 v20, v18;
	_ =	sdelay $0x1  }
0x4ce: {  	v20 =	vadd.f32 $1.500000000e+00, v20;
	_ =	sdelay $0x1  }
0x4cf: {  	v18 =	vmul.f32 v20, v18;
	_ =	sdelay $0x1  }
0x4d0: {  	v19 =	vmul.f32 v18, v19;
	_ =	sdelay $0x1  }
0x4d1: {  	v19 =	vmul.f32 v19, v18;
	_ =	sdelay $0x1  }
0x4d2: {  	v19 =	vadd.f32 $1.500000000e+00, v19  }
0x4d3: {  	v20 =	vld [tilespmem:s25+$0x2710]  }
0x4d4: {  	v18 =	vmul.f32 v19, v18;
	_ =	sdelay $0x1  }
0x4d5: {  	v18 =	vmin.f32 v18, $1.000000000e+01  }
0x4d6: {  	v18 =	vadd.f32 $9.999999710e-10, v18  }
.Ltmp5:
0x4d7: {  	vm0 =	vgt.f32 v17, $4.000000000e+02;
	(pc) =	sbr.rel @p0 .LBB2_12-.Ltmp5, $4  }
0x4d8: {  	v17 =	vsel vm0, $0x3089705F, v18  }
0x4d9: {  	[tilespmem:s25+$0xEE20] =	vst v17  }
0x4da: {  	s25 =	sshra.s32 s26, $0x2;
	[tilespmem:v20+s22+$0x0] =	vst.idx.add.f32.msk $0xffff, v17  }
0x4db: {  	s26 =	sadd.s32 $0x40, s26;
	v17 =	vld [tilespmem:s25+$0xEE20]  }
0x4dc: {  	_ =	sdelay $0x3  }
0x4dd: {  	v17 =	vadd.f32 $1.000000010e-07, v17;
	_ =	sdelay $0x1  }
0x4de: {  	v18 =	vshra.s32 v17, $0x1;
	v19 =	vmul.f32 $-5.000000000e-01, v17  }
0x4df: {  	v18 =	vsub.s32 $0x5F3759DF, v18  }
0x4e0: {  	v20 =	vmul.f32 v18, v19;
	_ =	sdelay $0x1  }
0x4e1: {  	v20 =	vmul.f32 v18, v20;
	_ =	sdelay $0x1  }
0x4e2: {  	v20 =	vadd.f32 $1.500000000e+00, v20;
	_ =	sdelay $0x1  }
0x4e3: {  	v18 =	vmul.f32 v18, v20;
	_ =	sdelay $0x1  }
0x4e4: {  	v20 =	vmul.f32 v18, v19;
	_ =	sdelay $0x1  }
0x4e5: {  	v20 =	vmul.f32 v20, v18;
	_ =	sdelay $0x1  }
0x4e6: {  	v20 =	vadd.f32 $1.500000000e+00, v20;
	_ =	sdelay $0x1  }
0x4e7: {  	v18 =	vmul.f32 v20, v18;
	_ =	sdelay $0x1  }
0x4e8: {  	v20 =	vmul.f32 v18, v19;
	_ =	sdelay $0x1  }
0x4e9: {  	v20 =	vmul.f32 v20, v18;
	_ =	sdelay $0x1  }
0x4ea: {  	v20 =	vadd.f32 $1.500000000e+00, v20;
	_ =	sdelay $0x1  }
0x4eb: {  	v18 =	vmul.f32 v20, v18;
	_ =	sdelay $0x1  }
0x4ec: {  	v19 =	vmul.f32 v18, v19;
	_ =	sdelay $0x1  }
0x4ed: {  	v19 =	vmul.f32 v19, v18;
	_ =	sdelay $0x1  }
0x4ee: {  	v19 =	vadd.f32 $1.500000000e+00, v19  }
0x4ef: {  	v63 =	vld [tilespmem:s25+$0x2710]  }
0x4f0: {  	v18 =	vmul.f32 v19, v18;
	_ =	sdelay $0x1  }
0x4f1: {  	v18 =	vmin.f32 v18, $1.000000000e+01  }
0x4f2: {  	v18 =	vadd.f32 $9.999999710e-10, v18  }
0x4f3: {  	vm0 =	vgt.f32 v17, $4.000000000e+02  }
0x4f4: {  	v17 =	vsel vm0, $0x3089705F, v18  }
0x4f5: {  	[tilespmem:s25+$0xEE20] =	vst v17  }
0x4f6: {  	[tilespmem:v63+s22+$0x0] =	vst.idx.add.f32.msk $0xffff, v17  }
0x4f7: {  	[hbm4b:s6+s3] =	stream.linear.scatter [tilespmem:s23], [sflag:$0x5], $0x2710, $0x38;
	[tilespmem:$0x13E40] =	vst v63  }
0x4f8: {  	s24 =	sadd.s32 $0x1, s24;
	_ =	swait.ge [sflag:s9], $0x2710  }
0x4f9: {  	p0 =	sne.s32 s24, s8;
	[sflag:s9] =	ssyncset.done $0x0  }
.Ltmp6:
0x4fa: {  	[sflag:s9] =	ssyncadd.s32 $0xFFFFD8F0;
	(pc) =	sbr.rel @p0 .LBB2_1-.Ltmp6, $4  }
0x4fb: {  	[hbm4b:s7+s3] =	stream.linear.scatter [tilespmem:s22], [sflag:$0x5], $0x2800, $0x38;
	[tilespmem:$0x13E40] =	vst v63  }
0x4fc: {  	_ =	swait.ge [sflag:s9], $0x2800  }
0x4fd: {  	[sflag:s9] =	ssyncset.done $0x0  }
0x4fe: {  	[sflag:s9] =	ssyncadd.s32 $0xFFFFD800  }
0x4ff: {  	_ =	sfence.sel $0x180000  }
0x500: {  	[bflag:$0x0] =	sbarrier.arrive $0xFFFF  }
0x501: {  	p0 =	sne.s32 s0, $0x0;
	_ =	strace $0x90000047  }
0x502: {  	s0 =	sadd.s32 @!p0 $0x100000, s2;
	[bflag:$0x2] =	sbarrier.arrive $0xFFFF  }
0x503: {  	[sflag:s0] =	ssyncadd.tile.s32 @!p0 $0x1;
	_ =	shalt  }
.Lfunc_end2:
_tile_overlayer_lowered:
.L_overlay_start_2:
0x504: {  	(tag) =	ssettag $0x2  }
0x505: {  	s0 =	rddreg [dreg:$0x0];
	s2 =	stileid.u32  }
0x506: {  	s1 =	rddreg [dreg:$0x1];
	p0 =	sne.s32 s2, $0x0  }
0x507: {  	s3 =	rddreg [dreg:$0x2];
	[bflag:$0x3] =	sbarrier.arrive $0xFFFF;
	s2 =	simm.s32 @!p0 $0x1C05  }
0x508: {  	[timem:s3], [sflag:s2] =	dma.local @!p0 [hbm:s0], s1  }
0x509: {  	s0 =	simm.s32 @!p0 $0x5  }
0x50a: {  	_ =	swait.ge @!p0 [sflag:s0], s1  }
0x50b: {  	s1 =	ssub.s32 @!p0 $0x0, s1;
	[sflag:s0] =	ssyncset.done @!p0 $0x0  }
0x50c: {  	[sflag:s0] =	ssyncadd.s32 @!p0 s1  }
0x50d: {  	[bflag:$0x3] =	sbarrier.arrive $0xFFFF  }
0x50e: {  	_ =	shalt  }

</sc_bundles>
